<compile_context>
chip_gen: v7x
topology: tpu7x:2x2x1
jax: 0.10.2.dev20260603
libtpu: 0.0.44.dev20260713+nightly
codegen_flags: <defaults>
</compile_context>

<pallas_src>
import functools
import math

import jax
import jax.numpy as jnp
from jax import lax
from jax.experimental import pallas as pl
from jax.experimental.pallas import tpu as pltpu
from jax.experimental.pallas import tpu_sc as plsc

N = 10000
E = 320000
D = 128
NB = 10
RH = 128
NCONV = 3
MAXR = 2.5
AVGDEG = 32.0
ZMAX = 118
OUT = 3

NC = 2
NS = 16
NW = NC * NS
EW = E // NW
CH = 80
NCHUNK = EW // CH
IBR = 5
NIB = NCHUNK // IBR
STRIPE = 624
LAST_BASE = STRIPE * (NS - 1)
LAST_STRIPE = N - LAST_BASE
NODE_W = 25
NPW = N // NODE_W

CS = math.sin(math.pi / 8)
CX = math.cos(math.pi / 8)
STEP = MAXR / (NB - 1)

_SC_MESH = plsc.VectorSubcoreMesh(
    core_axis_name="c", subcore_axis_name="s", num_cores=NC, num_subcores=NS)


def _k0_body(px_hbm, py_hbm, pz_hbm, src4_hbm, dst4_hbm, z_hbm, wemb_hbm,
             r2_hbm, x0_hbm,
             sidx, didx, px, py, pz, r2buf, zidx, xrows):
    c = lax.axis_index("c")
    s = lax.axis_index("s")
    w = c * NS + s

    pltpu.sync_copy(px_hbm, px)
    pltpu.sync_copy(py_hbm, py)
    pltpu.sync_copy(pz_hbm, pz)

    def slab(k, carry):
        pltpu.sync_copy(src4_hbm.at[w, k], sidx)
        pltpu.sync_copy(dst4_hbm.at[w, k], didx)
        for j in range(IBR):
            for g in range(CH // 16):
                sl = pl.ds(g * 16, 16)
                siv = sidx[j, sl]
                div = didx[j, sl]
                dx = plsc.load_gather(px, [siv]) - plsc.load_gather(px, [div])
                dy = plsc.load_gather(py, [siv]) - plsc.load_gather(py, [div])
                dz = plsc.load_gather(pz, [siv]) - plsc.load_gather(pz, [div])
                r2buf[pl.ds(j * CH + g * 16, 16)] = dx * dx + dy * dy + dz * dz
        pltpu.sync_copy(r2buf, r2_hbm.at[pl.ds(w * EW + k * IBR * CH, IBR * CH)])
        return carry

    lax.fori_loop(0, NIB, slab, 0)

    @pl.when(w < NODE_W)
    def _():
        pltpu.sync_copy(z_hbm.at[pl.ds(w * NPW, NPW)], zidx)
        pltpu.sync_copy(wemb_hbm.at[zidx], xrows)
        pltpu.sync_copy(xrows, x0_hbm.at[pl.ds(w * NPW, NPW)])


_k0 = pl.kernel(
    _k0_body,
    out_type=(jax.ShapeDtypeStruct((E,), jnp.float32),
              jax.ShapeDtypeStruct((N, D), jnp.float32)),
    mesh=_SC_MESH,
    compiler_params=pltpu.CompilerParams(needs_layout_passes=False),
    scratch_types=[
        pltpu.VMEM((IBR, CH), jnp.int32),
        pltpu.VMEM((IBR, CH), jnp.int32),
        pltpu.VMEM((N,), jnp.float32),
        pltpu.VMEM((N,), jnp.float32),
        pltpu.VMEM((N,), jnp.float32),
        pltpu.VMEM((IBR * CH,), jnp.float32),
        pltpu.VMEM((NPW,), jnp.int32),
        pltpu.VMEM((NPW, D), jnp.float32),
    ],
)


def _k2_body(x1_hbm, c_hbm, src4_hbm, dst4_hbm, zeros_hbm,
             part_hbm,
             sidx, didx, rows, cbuf, acc):
    c = lax.axis_index("c")
    s = lax.axis_index("s")
    w = c * NS + s

    @pl.when(s < NS - 1)
    def _():
        pltpu.sync_copy(zeros_hbm.at[pl.ds(s * STRIPE, STRIPE)],
                        acc.at[pl.ds(s * STRIPE, STRIPE)])

    @pl.when(s == NS - 1)
    def _():
        pltpu.sync_copy(zeros_hbm.at[pl.ds(LAST_BASE, LAST_STRIPE)],
                        acc.at[pl.ds(LAST_BASE, LAST_STRIPE)])

    plsc.subcore_barrier()

    def slab(k, carry):
        pltpu.sync_copy(src4_hbm.at[w, k], sidx)
        pltpu.sync_copy(dst4_hbm.at[w, k], didx)
        for j in range(IBR):
            pltpu.sync_copy(x1_hbm.at[sidx.at[j]], rows)
            pltpu.sync_copy(
                c_hbm.at[pl.ds(w * EW + (k * IBR + j) * CH, CH)], cbuf)

            def mul(e, carry2):
                for f in range(D // 16):
                    sl = pl.ds(f * 16, 16)
                    rows[e, sl] = rows[e, sl] * cbuf[e, sl]
                return carry2

            lax.fori_loop(0, CH, mul, 0)
            pltpu.sync_copy(rows, acc.at[didx.at[j]], add=True)
        return carry

    lax.fori_loop(0, NIB, slab, 0)
    plsc.subcore_barrier()

    @pl.when(s < NS - 1)
    def _():
        pltpu.sync_copy(acc.at[pl.ds(s * STRIPE, STRIPE)],
                        part_hbm.at[c, pl.ds(s * STRIPE, STRIPE)])

    @pl.when(s == NS - 1)
    def _():
        pltpu.sync_copy(acc.at[pl.ds(LAST_BASE, LAST_STRIPE)],
                        part_hbm.at[c, pl.ds(LAST_BASE, LAST_STRIPE)])


_k2 = pl.kernel(
    _k2_body,
    out_type=jax.ShapeDtypeStruct((NC, N, D), jnp.float32),
    mesh=_SC_MESH,
    compiler_params=pltpu.CompilerParams(needs_layout_passes=False),
    scratch_types=[
        pltpu.VMEM((IBR, CH), jnp.int32),
        pltpu.VMEM((IBR, CH), jnp.int32),
        pltpu.VMEM((CH, D), jnp.float32),
        pltpu.VMEM((CH, D), jnp.float32),
        pltpu.VMEM_SHARED((N, D), jnp.float32),
    ],
)


_NBLK = 400


def _a1_body(x_ref, b_ref, wsc_ref, wl1_ref, s_ref, x1_ref):
    xb = x_ref[...] + b_ref[...]
    s_ref[...] = jnp.dot(xb, wsc_ref[...],
                         preferred_element_type=jnp.float32) * (CS / math.sqrt(D))
    x1_ref[...] = jnp.dot(xb, wl1_ref[...],
                          preferred_element_type=jnp.float32) * (1.0 / math.sqrt(D))


def _a1(x, b, wsc, wl1):
    return pl.pallas_call(
        _a1_body,
        grid=(N // _NBLK,),
        in_specs=[
            pl.BlockSpec((_NBLK, D), lambda i: (i, 0)),
            pl.BlockSpec((1, D), lambda i: (0, 0)),
            pl.BlockSpec((D, D), lambda i: (0, 0)),
            pl.BlockSpec((D, D), lambda i: (0, 0)),
        ],
        out_specs=[
            pl.BlockSpec((_NBLK, D), lambda i: (i, 0)),
            pl.BlockSpec((_NBLK, D), lambda i: (i, 0)),
        ],
        out_shape=[jax.ShapeDtypeStruct((N, D), jnp.float32),
                   jax.ShapeDtypeStruct((N, D), jnp.float32)],
    )(x, b, wsc, wl1)


_EBLK = 1280


def _a2_body(r2_ref, wfc1_ref, wfc2_ref, c_ref):
    r2 = r2_ref[...]
    elen = jnp.sqrt(r2 + 1e-9)
    lane_i = lax.broadcasted_iota(jnp.int32, (_EBLK, 16), 1)
    lane = lane_i.astype(jnp.float32)
    diff = (elen - lane * STEP) * (1.0 / STEP)
    emb = jnp.where(lane_i < NB, jnp.exp(-(diff * diff)) * (1.0 / 1.12), 0.0)
    h = jnp.dot(emb, wfc1_ref[...], preferred_element_type=jnp.float32)
    a = h * jax.nn.sigmoid(h)
    u = 2.0 * (elen * (1.0 / MAXR) - 1.0)
    y = (1.0 - jnp.cos(math.pi * u)) * 0.5
    y = jnp.where(u > 0, 0.0, y)
    y = jnp.where(u < -1, 1.0, y)
    a = a * y
    c_ref[...] = jnp.dot(a, wfc2_ref[...],
                         preferred_element_type=jnp.float32) * (1.0 / math.sqrt(RH))


def _a2(r2c, wfc1p, wfc2):
    return pl.pallas_call(
        _a2_body,
        grid=(E // _EBLK,),
        in_specs=[
            pl.BlockSpec((_EBLK, 1), lambda i: (i, 0)),
            pl.BlockSpec((16, RH), lambda i: (0, 0)),
            pl.BlockSpec((RH, D), lambda i: (0, 0)),
        ],
        out_specs=pl.BlockSpec((_EBLK, D), lambda i: (i, 0)),
        out_shape=jax.ShapeDtypeStruct((E, D), jnp.float32),
    )(r2c, wfc1p, wfc2)


def _k3_body(p_ref, s_ref, w2_ref, wo_ref, o_ref, *, last):
    t = p_ref[0] + p_ref[1]
    t = jnp.dot(t, w2_ref[...], preferred_element_type=jnp.float32) * (
        CX / (math.sqrt(D) * math.sqrt(AVGDEG)))
    xn = s_ref[...] + t
    if last:
        o_ref[...] = jnp.dot(xn, wo_ref[...], preferred_element_type=jnp.float32)
    else:
        o_ref[...] = xn * jax.nn.sigmoid(xn)


def _k3(part, s, wl2, woutp, last):
    return pl.pallas_call(
        functools.partial(_k3_body, last=last),
        grid=(N // _NBLK,),
        in_specs=[
            pl.BlockSpec((NC, _NBLK, D), lambda i: (0, i, 0)),
            pl.BlockSpec((_NBLK, D), lambda i: (i, 0)),
            pl.BlockSpec((D, D), lambda i: (0, 0)),
            pl.BlockSpec((D, D), lambda i: (0, 0)),
        ],
        out_specs=pl.BlockSpec((_NBLK, D), lambda i: (i, 0)),
        out_shape=jax.ShapeDtypeStruct((N, D), jnp.float32),
    )(part, s, wl2, woutp)


def kernel(pos, z, edge_index, W_embed, b_embed, Wsc, Wl1, Wfc1, Wfc2, Wl2, W_out):
    posx, posy, posz = pos[:, 0], pos[:, 1], pos[:, 2]
    src4 = edge_index[0].astype(jnp.int32).reshape(NW, NIB, IBR, CH)
    dst4 = edge_index[1].astype(jnp.int32).reshape(NW, NIB, IBR, CH)
    z32 = z.astype(jnp.int32)
    wfc1p = jnp.pad(Wfc1, ((0, 0), (0, 16 - NB), (0, 0)))
    woutp = jnp.pad(W_out, ((0, 0), (0, D - OUT)))
    zeros = jnp.zeros((N, D), jnp.float32)
    bias0 = b_embed.reshape(1, D)
    bias_z = jnp.zeros((1, D), jnp.float32)

    r2, x0 = _k0(posx, posy, posz, src4, dst4, z32, W_embed)
    r2c = r2.reshape(E, 1)

    x = x0
    for l in range(NCONV):
        s, x1 = _a1(x, bias0 if l == 0 else bias_z, Wsc[l], Wl1[l])
        cvec = _a2(r2c, wfc1p[l], Wfc2[l])
        part = _k2(x1, cvec, src4, dst4, zeros)
        x = _k3(part, s, Wl2[l], woutp, last=(l == NCONV - 1))
    return x[:, :OUT]

# --- scband reference (transcript-rebuilt; emitter-appended) ---
"""Pipeline reference for scband-network-22917945491530 (READ-ONLY COPY).

The authoritative reference and input builder live on the scoring server;
editing this copy changes nothing except your own understanding.
"""

import math
import jax, jax.numpy as jnp
import numpy as np

N = 10000
E = 320000
D = 128
NB = 10
RH = 128
NCONV = 3
MAXR = 2.5
AVGDEG = 32.0
ZMAX = 118
OUT = 3


def setup_inputs(seed: int = 0):
    key = jax.random.key(seed)
    ks = jax.random.split(key, 12)
    pos = jax.random.normal(ks[0], (N, 3), dtype=jnp.float32)
    z = jax.random.randint(ks[1], (N,), 0, ZMAX)
    edge_index = jax.random.randint(ks[2], (2, E), 0, N)
    W_embed = jax.random.normal(ks[3], (ZMAX, D), dtype=jnp.float32)
    b_embed = jnp.zeros((D,), dtype=jnp.float32)
    Wsc = jax.random.normal(ks[4], (NCONV, D, D), dtype=jnp.float32)
    Wl1 = jax.random.normal(ks[5], (NCONV, D, D), dtype=jnp.float32)
    Wfc1 = jax.random.normal(ks[6], (NCONV, NB, RH), dtype=jnp.float32)
    Wfc2 = jax.random.normal(ks[7], (NCONV, RH, D), dtype=jnp.float32)
    Wl2 = jax.random.normal(ks[8], (NCONV, D, D), dtype=jnp.float32)
    W_out = jax.random.normal(ks[9], (D, OUT), dtype=jnp.float32)
    return {"pos": pos, "z": z, "edge_index": edge_index, "W_embed": W_embed,
            "b_embed": b_embed, "Wsc": Wsc, "Wl1": Wl1, "Wfc1": Wfc1,
            "Wfc2": Wfc2, "Wl2": Wl2, "W_out": W_out}


def _smooth_cutoff(x):
    # faithful to the torch helper: u = 2*(x-1); y = (1-cos(pi*u))/2; y[u>0]=0; y[u<-1]=1
    u = 2.0 * (x - 1.0)
    y = (1.0 - jnp.cos(math.pi * u)) / 2.0
    y = jnp.where(u > 0, 0.0, y)
    y = jnp.where(u < -1, 1.0, y)
    return y


def _forward(pos, z, edge_index, W_embed, b_embed, Wsc, Wl1, Wfc1, Wfc2, Wl2, W_out):
    src = edge_index[0]
    dst = edge_index[1]
    edge_vec = pos[src] - pos[dst]
    edge_len = jnp.sqrt(jnp.sum(edge_vec * edge_vec, axis=1) + 1e-9)
    # soft_one_hot_linspace, gaussian basis, cutoff=False, scaled by sqrt(number_of_basis)
    values = jnp.linspace(0.0, MAXR, NB)
    step = values[1] - values[0]
    diff = (edge_len[:, None] - values[None, :]) / step
    emb = jnp.exp(-(diff ** 2)) / 1.12 * (NB ** 0.5)
    # irreps_edge_attr = 1x0e -> spherical harmonic Y_0 == 1 (component norm); times smooth cutoff
    edge_attr = _smooth_cutoff(edge_len / MAXR)[:, None]
    # one-hot atomic-number embedding (Linear(118, count(0e)))
    x = jax.nn.one_hot(z, ZMAX, dtype=jnp.float32) @ W_embed + b_embed
    node_attr = jnp.ones((pos.shape[0], 1), dtype=jnp.float32)  # irreps_node_attr = 1x0e
    cs = math.sin(math.pi / 8)
    cx = math.cos(math.pi / 8)
    for l in range(NCONV):
        # radial FC net (silu, no biases, e3nn fan-in normalization)
        w = jax.nn.silu(emb @ Wfc1[l] / (NB ** 0.5)) @ Wfc2[l] / (RH ** 0.5)
        # sc / lin1: FullyConnectedTensorProduct with scalar node_attr -> normalized linear
        s = (x * node_attr) @ Wsc[l] / (D ** 0.5)
        x1 = (x * node_attr) @ Wl1[l] / (D ** 0.5)
        # 'uvu' tensor product with 1x0e edge_attr -> per-channel product with radial weights
        ef = x1[src] * edge_attr * w
        x2 = jnp.zeros((pos.shape[0], D), dtype=jnp.float32).at[dst].add(ef) / (AVGDEG ** 0.5)
        x2 = (x2 * node_attr) @ Wl2[l] / (D ** 0.5)
        # sc output_mask is all ones for fully scalar irreps
        x = cs * s + cx * x2
        if l < NCONV - 1:
            # Gate with only scalar irreps (parity +1) reduces to silu
            x = jax.nn.silu(x)
    return x @ W_out


def reference(pos, z, edge_index, W_embed, b_embed, Wsc, Wl1, Wfc1, Wfc2, Wl2, W_out):
    return _forward(pos, z, edge_index, W_embed, b_embed, Wsc, Wl1, Wfc1, Wfc2, Wl2, W_out)

if __name__ == "__main__":
    import jax
    _d = setup_inputs()
    print(jax.jit(kernel)(*tuple(_d.values())))

</pallas_src>

<mosaic_0001>
#map = affine_map<(d0, d1) -> (0)>
#map1 = affine_map<(d0, d1) -> (0, 0, 0, 0)>
#map2 = affine_map<(d0, d1) -> (0, 0)>
module attributes {stable_mosaic.version = 14 : i64} {
  func.func @_k0_body(%arg0: i32, %arg1: i32, %arg2: memref<10000xf32, #tpu.memory_space<hbm>>, %arg3: memref<10000xf32, #tpu.memory_space<hbm>>, %arg4: memref<10000xf32, #tpu.memory_space<hbm>>, %arg5: memref<32x25x5x80xi32, #tpu.memory_space<hbm>>, %arg6: memref<32x25x5x80xi32, #tpu.memory_space<hbm>>, %arg7: memref<10000xi32, #tpu.memory_space<hbm>>, %arg8: memref<118x128xf32, #tpu.memory_space<hbm>>, %arg9: memref<320000xf32, #tpu.memory_space<hbm>>, %arg10: memref<10000x128xf32, #tpu.memory_space<hbm>>, %arg11: memref<5x80xi32, #tpu.memory_space<vmem>>, %arg12: memref<5x80xi32, #tpu.memory_space<vmem>>, %arg13: memref<10000xf32, #tpu.memory_space<vmem>>, %arg14: memref<10000xf32, #tpu.memory_space<vmem>>, %arg15: memref<10000xf32, #tpu.memory_space<vmem>>, %arg16: memref<400xf32, #tpu.memory_space<vmem>>, %arg17: memref<400xi32, #tpu.memory_space<vmem>>, %arg18: memref<400x128xf32, #tpu.memory_space<vmem>>) attributes {dimension_semantics = [#tpu.dimension_semantics<core_parallel>, #tpu.dimension_semantics<subcore_parallel>], iteration_bounds = array<i64: 2, 16>, scalar_prefetch = 0 : i64, scratch_operands = 8 : i64, tpu.core_type = #tpu.core_type<sc_vector_subcore>, window_params = [{transform_indices = #map}, {transform_indices = #map}, {transform_indices = #map}, {transform_indices = #map1}, {transform_indices = #map1}, {transform_indices = #map}, {transform_indices = #map2}, {transform_indices = #map}, {transform_indices = #map2}]} {
    %mul3A = arith.constant 16 : i32
    %mul3A_0 = arith.muli %arg0, %mul3A : i32
    %add3A = arith.addi %mul3A_0, %arg1 : i32
    "tpu.region"() ({
      %run_scoped3A = tpu.sem_alloc : memref<!tpu.dma_semaphore, #tpu.memory_space<semaphore_mem>>
      tpu.enqueue_dma source(%arg2 : memref<10000xf32, #tpu.memory_space<hbm>>) target(%arg13 : memref<10000xf32, #tpu.memory_space<vmem>>) target_semaphore(%run_scoped3A : memref<!tpu.dma_semaphore, #tpu.memory_space<semaphore_mem>>)
      tpu.wait_dma2 semaphore(%run_scoped3A : memref<!tpu.dma_semaphore, #tpu.memory_space<semaphore_mem>>) src(%arg2 : memref<10000xf32, #tpu.memory_space<hbm>>) dst(%arg13 : memref<10000xf32, #tpu.memory_space<vmem>>)
      tpu.yield
    }) : () -> ()
    "tpu.region"() ({
      %run_scoped3A = tpu.sem_alloc : memref<!tpu.dma_semaphore, #tpu.memory_space<semaphore_mem>>
      tpu.enqueue_dma source(%arg3 : memref<10000xf32, #tpu.memory_space<hbm>>) target(%arg14 : memref<10000xf32, #tpu.memory_space<vmem>>) target_semaphore(%run_scoped3A : memref<!tpu.dma_semaphore, #tpu.memory_space<semaphore_mem>>)
      tpu.wait_dma2 semaphore(%run_scoped3A : memref<!tpu.dma_semaphore, #tpu.memory_space<semaphore_mem>>) src(%arg3 : memref<10000xf32, #tpu.memory_space<hbm>>) dst(%arg14 : memref<10000xf32, #tpu.memory_space<vmem>>)
      tpu.yield
    }) : () -> ()
    "tpu.region"() ({
      %run_scoped3A = tpu.sem_alloc : memref<!tpu.dma_semaphore, #tpu.memory_space<semaphore_mem>>
      tpu.enqueue_dma source(%arg4 : memref<10000xf32, #tpu.memory_space<hbm>>) target(%arg15 : memref<10000xf32, #tpu.memory_space<vmem>>) target_semaphore(%run_scoped3A : memref<!tpu.dma_semaphore, #tpu.memory_space<semaphore_mem>>)
      tpu.wait_dma2 semaphore(%run_scoped3A : memref<!tpu.dma_semaphore, #tpu.memory_space<semaphore_mem>>) src(%arg4 : memref<10000xf32, #tpu.memory_space<hbm>>) dst(%arg15 : memref<10000xf32, #tpu.memory_space<vmem>>)
      tpu.yield
    }) : () -> ()
    %scan3A = arith.constant 0 : i32
    %scan3A_1 = arith.constant 0 : i32
    %scan3A_2 = arith.constant 25 : i32
    %scan3A_3 = arith.addi %scan3A_1, %scan3A_2 : i32
    %scan3A_4 = arith.constant 1 : i32
    scf.for %scan3A_8 = %scan3A_1 to %scan3A_3 step %scan3A_4  : i32 {
      "tpu.region"() ({
        %run_scoped3A = tpu.sem_alloc : memref<!tpu.dma_semaphore, #tpu.memory_space<semaphore_mem>>
        %dma_start3A = arith.constant 0 : i32
        %dma_start3A_612 = arith.constant 0 : i32
        %dma_start3A_613 = tpu.memref_slice %arg5[%add3A, %scan3A_8, %dma_start3A, %dma_start3A_612] : memref<32x25x5x80xi32, #tpu.memory_space<hbm>> -> memref<1x1x5x80xi32, #tpu.memory_space<hbm>>
        %dma_start3A_614 = tpu.memref_squeeze %dma_start3A_613 : memref<1x1x5x80xi32, #tpu.memory_space<hbm>> -> memref<5x80xi32, #tpu.memory_space<hbm>>
        %dma_start3A_615 = arith.constant 0 : i32
        %dma_start3A_616 = arith.constant 0 : i32
        %dma_start3A_617 = tpu.memref_slice %arg5[%add3A, %scan3A_8, %dma_start3A_615, %dma_start3A_616] : memref<32x25x5x80xi32, #tpu.memory_space<hbm>> -> memref<1x1x5x80xi32, #tpu.memory_space<hbm>>
        %dma_start3A_618 = tpu.memref_squeeze %dma_start3A_617 : memref<1x1x5x80xi32, #tpu.memory_space<hbm>> -> memref<5x80xi32, #tpu.memory_space<hbm>>
        tpu.enqueue_dma source(%dma_start3A_618 : memref<5x80xi32, #tpu.memory_space<hbm>>) target(%arg11 : memref<5x80xi32, #tpu.memory_space<vmem>>) target_semaphore(%run_scoped3A : memref<!tpu.dma_semaphore, #tpu.memory_space<semaphore_mem>>)
        %dma_wait3A = arith.constant 0 : i32
        %dma_wait3A_619 = arith.constant 0 : i32
        %dma_wait3A_620 = tpu.memref_slice %arg5[%add3A, %scan3A_8, %dma_wait3A, %dma_wait3A_619] : memref<32x25x5x80xi32, #tpu.memory_space<hbm>> -> memref<1x1x5x80xi32, #tpu.memory_space<hbm>>
        %dma_wait3A_621 = tpu.memref_squeeze %dma_wait3A_620 : memref<1x1x5x80xi32, #tpu.memory_space<hbm>> -> memref<5x80xi32, #tpu.memory_space<hbm>>
        %dma_wait3A_622 = arith.constant 0 : i32
        %dma_wait3A_623 = arith.constant 0 : i32
        %dma_wait3A_624 = tpu.memref_slice %arg5[%add3A, %scan3A_8, %dma_wait3A_622, %dma_wait3A_623] : memref<32x25x5x80xi32, #tpu.memory_space<hbm>> -> memref<1x1x5x80xi32, #tpu.memory_space<hbm>>
        %dma_wait3A_625 = tpu.memref_squeeze %dma_wait3A_624 : memref<1x1x5x80xi32, #tpu.memory_space<hbm>> -> memref<5x80xi32, #tpu.memory_space<hbm>>
        tpu.wait_dma2 semaphore(%run_scoped3A : memref<!tpu.dma_semaphore, #tpu.memory_space<semaphore_mem>>) src(%dma_wait3A_625 : memref<5x80xi32, #tpu.memory_space<hbm>>) dst(%arg11 : memref<5x80xi32, #tpu.memory_space<vmem>>)
        tpu.yield
      }) : () -> ()
      "tpu.region"() ({
        %run_scoped3A = tpu.sem_alloc : memref<!tpu.dma_semaphore, #tpu.memory_space<semaphore_mem>>
        %dma_start3A = arith.constant 0 : i32
        %dma_start3A_612 = arith.constant 0 : i32
        %dma_start3A_613 = tpu.memref_slice %arg6[%add3A, %scan3A_8, %dma_start3A, %dma_start3A_612] : memref<32x25x5x80xi32, #tpu.memory_space<hbm>> -> memref<1x1x5x80xi32, #tpu.memory_space<hbm>>
        %dma_start3A_614 = tpu.memref_squeeze %dma_start3A_613 : memref<1x1x5x80xi32, #tpu.memory_space<hbm>> -> memref<5x80xi32, #tpu.memory_space<hbm>>
        %dma_start3A_615 = arith.constant 0 : i32
        %dma_start3A_616 = arith.constant 0 : i32
        %dma_start3A_617 = tpu.memref_slice %arg6[%add3A, %scan3A_8, %dma_start3A_615, %dma_start3A_616] : memref<32x25x5x80xi32, #tpu.memory_space<hbm>> -> memref<1x1x5x80xi32, #tpu.memory_space<hbm>>
        %dma_start3A_618 = tpu.memref_squeeze %dma_start3A_617 : memref<1x1x5x80xi32, #tpu.memory_space<hbm>> -> memref<5x80xi32, #tpu.memory_space<hbm>>
        tpu.enqueue_dma source(%dma_start3A_618 : memref<5x80xi32, #tpu.memory_space<hbm>>) target(%arg12 : memref<5x80xi32, #tpu.memory_space<vmem>>) target_semaphore(%run_scoped3A : memref<!tpu.dma_semaphore, #tpu.memory_space<semaphore_mem>>)
        %dma_wait3A = arith.constant 0 : i32
        %dma_wait3A_619 = arith.constant 0 : i32
        %dma_wait3A_620 = tpu.memref_slice %arg6[%add3A, %scan3A_8, %dma_wait3A, %dma_wait3A_619] : memref<32x25x5x80xi32, #tpu.memory_space<hbm>> -> memref<1x1x5x80xi32, #tpu.memory_space<hbm>>
        %dma_wait3A_621 = tpu.memref_squeeze %dma_wait3A_620 : memref<1x1x5x80xi32, #tpu.memory_space<hbm>> -> memref<5x80xi32, #tpu.memory_space<hbm>>
        %dma_wait3A_622 = arith.constant 0 : i32
        %dma_wait3A_623 = arith.constant 0 : i32
        %dma_wait3A_624 = tpu.memref_slice %arg6[%add3A, %scan3A_8, %dma_wait3A_622, %dma_wait3A_623] : memref<32x25x5x80xi32, #tpu.memory_space<hbm>> -> memref<1x1x5x80xi32, #tpu.memory_space<hbm>>
        %dma_wait3A_625 = tpu.memref_squeeze %dma_wait3A_624 : memref<1x1x5x80xi32, #tpu.memory_space<hbm>> -> memref<5x80xi32, #tpu.memory_space<hbm>>
        tpu.wait_dma2 semaphore(%run_scoped3A : memref<!tpu.dma_semaphore, #tpu.memory_space<semaphore_mem>>) src(%dma_wait3A_625 : memref<5x80xi32, #tpu.memory_space<hbm>>) dst(%arg12 : memref<5x80xi32, #tpu.memory_space<vmem>>)
        tpu.yield
      }) : () -> ()
      %get3A = arith.constant 0 : i32
      %get3A_9 = arith.index_cast %get3A : i32 to index
      %get3A_10 = arith.constant 0 : index
      %get3A_11 = tpu.vector_load %arg11[%get3A_9, %get3A_10] {strides = array<i32>} : memref<5x80xi32, #tpu.memory_space<vmem>>, vector<16xi32>,
      %get3A_12 = arith.constant 0 : i32
      %get3A_13 = arith.index_cast %get3A_12 : i32 to index
      %get3A_14 = arith.constant 0 : index
      %get3A_15 = tpu.vector_load %arg12[%get3A_13, %get3A_14] {strides = array<i32>} : memref<5x80xi32, #tpu.memory_space<vmem>>, vector<16xi32>,
      %gather3A = tpu.vector_load_idx %arg13[%get3A_11] : memref<10000xf32, #tpu.memory_space<vmem>>[vector<16xi32>], vector<16xf32>,
      %gather3A_16 = tpu.vector_load_idx %arg13[%get3A_15] : memref<10000xf32, #tpu.memory_space<vmem>>[vector<16xi32>], vector<16xf32>,
      %sub3A = arith.subf %gather3A, %gather3A_16 : vector<16xf32>
      %gather3A_17 = tpu.vector_load_idx %arg14[%get3A_11] : memref<10000xf32, #tpu.memory_space<vmem>>[vector<16xi32>], vector<16xf32>,
      %gather3A_18 = tpu.vector_load_idx %arg14[%get3A_15] : memref<10000xf32, #tpu.memory_space<vmem>>[vector<16xi32>], vector<16xf32>,
      %sub3A_19 = arith.subf %gather3A_17, %gather3A_18 : vector<16xf32>
      %gather3A_20 = tpu.vector_load_idx %arg15[%get3A_11] : memref<10000xf32, #tpu.memory_space<vmem>>[vector<16xi32>], vector<16xf32>,
      %gather3A_21 = tpu.vector_load_idx %arg15[%get3A_15] : memref<10000xf32, #tpu.memory_space<vmem>>[vector<16xi32>], vector<16xf32>,
      %sub3A_22 = arith.subf %gather3A_20, %gather3A_21 : vector<16xf32>
      %mul3A_23 = arith.mulf %sub3A, %sub3A : vector<16xf32>
      %mul3A_24 = arith.mulf %sub3A_19, %sub3A_19 : vector<16xf32>
      %add3A_25 = arith.addf %mul3A_23, %mul3A_24 : vector<16xf32>
      %mul3A_26 = arith.mulf %sub3A_22, %sub3A_22 : vector<16xf32>
      %add3A_27 = arith.addf %add3A_25, %mul3A_26 : vector<16xf32>
      %swap3A = arith.constant 0 : index
      %swap3A_28 = tpu.vector_load %arg16[%swap3A] {strides = array<i32>} : memref<400xf32, #tpu.memory_space<vmem>>, vector<16xf32>,
      tpu.vector_store %arg16[%swap3A], %add3A_27 {strides = array<i32>} : memref<400xf32, #tpu.memory_space<vmem>>, vector<16xf32>,
      %get3A_29 = arith.constant 0 : i32
      %get3A_30 = arith.index_cast %get3A_29 : i32 to index
      %get3A_31 = arith.constant 16 : index
      %get3A_32 = tpu.vector_load %arg11[%get3A_30, %get3A_31] {strides = array<i32>} : memref<5x80xi32, #tpu.memory_space<vmem>>, vector<16xi32>,
      %get3A_33 = arith.constant 0 : i32
      %get3A_34 = arith.index_cast %get3A_33 : i32 to index
      %get3A_35 = arith.constant 16 : index
      %get3A_36 = tpu.vector_load %arg12[%get3A_34, %get3A_35] {strides = array<i32>} : memref<5x80xi32, #tpu.memory_space<vmem>>, vector<16xi32>,
      %gather3A_37 = tpu.vector_load_idx %arg13[%get3A_32] : memref<10000xf32, #tpu.memory_space<vmem>>[vector<16xi32>], vector<16xf32>,
      %gather3A_38 = tpu.vector_load_idx %arg13[%get3A_36] : memref<10000xf32, #tpu.memory_space<vmem>>[vector<16xi32>], vector<16xf32>,
      %sub3A_39 = arith.subf %gather3A_37, %gather3A_38 : vector<16xf32>
      %gather3A_40 = tpu.vector_load_idx %arg14[%get3A_32] : memref<10000xf32, #tpu.memory_space<vmem>>[vector<16xi32>], vector<16xf32>,
      %gather3A_41 = tpu.vector_load_idx %arg14[%get3A_36] : memref<10000xf32, #tpu.memory_space<vmem>>[vector<16xi32>], vector<16xf32>,
      %sub3A_42 = arith.subf %gather3A_40, %gather3A_41 : vector<16xf32>
      %gather3A_43 = tpu.vector_load_idx %arg15[%get3A_32] : memref<10000xf32, #tpu.memory_space<vmem>>[vector<16xi32>], vector<16xf32>,
      %gather3A_44 = tpu.vector_load_idx %arg15[%get3A_36] : memref<10000xf32, #tpu.memory_space<vmem>>[vector<16xi32>], vector<16xf32>,
      %sub3A_45 = arith.subf %gather3A_43, %gather3A_44 : vector<16xf32>
      %mul3A_46 = arith.mulf %sub3A_39, %sub3A_39 : vector<16xf32>
      %mul3A_47 = arith.mulf %sub3A_42, %sub3A_42 : vector<16xf32>
      %add3A_48 = arith.addf %mul3A_46, %mul3A_47 : vector<16xf32>
      %mul3A_49 = arith.mulf %sub3A_45, %sub3A_45 : vector<16xf32>
      %add3A_50 = arith.addf %add3A_48, %mul3A_49 : vector<16xf32>
      %swap3A_51 = arith.constant 16 : index
      %swap3A_52 = tpu.vector_load %arg16[%swap3A_51] {strides = array<i32>} : memref<400xf32, #tpu.memory_space<vmem>>, vector<16xf32>,
      tpu.vector_store %arg16[%swap3A_51], %add3A_50 {strides = array<i32>} : memref<400xf32, #tpu.memory_space<vmem>>, vector<16xf32>,
      %get3A_53 = arith.constant 0 : i32
      %get3A_54 = arith.index_cast %get3A_53 : i32 to index
      %get3A_55 = arith.constant 32 : index
      %get3A_56 = tpu.vector_load %arg11[%get3A_54, %get3A_55] {strides = array<i32>} : memref<5x80xi32, #tpu.memory_space<vmem>>, vector<16xi32>,
      %get3A_57 = arith.constant 0 : i32
      %get3A_58 = arith.index_cast %get3A_57 : i32 to index
      %get3A_59 = arith.constant 32 : index
      %get3A_60 = tpu.vector_load %arg12[%get3A_58, %get3A_59] {strides = array<i32>} : memref<5x80xi32, #tpu.memory_space<vmem>>, vector<16xi32>,
      %gather3A_61 = tpu.vector_load_idx %arg13[%get3A_56] : memref<10000xf32, #tpu.memory_space<vmem>>[vector<16xi32>], vector<16xf32>,
      %gather3A_62 = tpu.vector_load_idx %arg13[%get3A_60] : memref<10000xf32, #tpu.memory_space<vmem>>[vector<16xi32>], vector<16xf32>,
      %sub3A_63 = arith.subf %gather3A_61, %gather3A_62 : vector<16xf32>
      %gather3A_64 = tpu.vector_load_idx %arg14[%get3A_56] : memref<10000xf32, #tpu.memory_space<vmem>>[vector<16xi32>], vector<16xf32>,
      %gather3A_65 = tpu.vector_load_idx %arg14[%get3A_60] : memref<10000xf32, #tpu.memory_space<vmem>>[vector<16xi32>], vector<16xf32>,
      %sub3A_66 = arith.subf %gather3A_64, %gather3A_65 : vector<16xf32>
      %gather3A_67 = tpu.vector_load_idx %arg15[%get3A_56] : memref<10000xf32, #tpu.memory_space<vmem>>[vector<16xi32>], vector<16xf32>,
      %gather3A_68 = tpu.vector_load_idx %arg15[%get3A_60] : memref<10000xf32, #tpu.memory_space<vmem>>[vector<16xi32>], vector<16xf32>,
      %sub3A_69 = arith.subf %gather3A_67, %gather3A_68 : vector<16xf32>
      %mul3A_70 = arith.mulf %sub3A_63, %sub3A_63 : vector<16xf32>
      %mul3A_71 = arith.mulf %sub3A_66, %sub3A_66 : vector<16xf32>
      %add3A_72 = arith.addf %mul3A_70, %mul3A_71 : vector<16xf32>
      %mul3A_73 = arith.mulf %sub3A_69, %sub3A_69 : vector<16xf32>
      %add3A_74 = arith.addf %add3A_72, %mul3A_73 : vector<16xf32>
      %swap3A_75 = arith.constant 32 : index
      %swap3A_76 = tpu.vector_load %arg16[%swap3A_75] {strides = array<i32>} : memref<400xf32, #tpu.memory_space<vmem>>, vector<16xf32>,
      tpu.vector_store %arg16[%swap3A_75], %add3A_74 {strides = array<i32>} : memref<400xf32, #tpu.memory_space<vmem>>, vector<16xf32>,
      %get3A_77 = arith.constant 0 : i32
      %get3A_78 = arith.index_cast %get3A_77 : i32 to index
      %get3A_79 = arith.constant 48 : index
      %get3A_80 = tpu.vector_load %arg11[%get3A_78, %get3A_79] {strides = array<i32>} : memref<5x80xi32, #tpu.memory_space<vmem>>, vector<16xi32>,
      %get3A_81 = arith.constant 0 : i32
      %get3A_82 = arith.index_cast %get3A_81 : i32 to index
      %get3A_83 = arith.constant 48 : index
      %get3A_84 = tpu.vector_load %arg12[%get3A_82, %get3A_83] {strides = array<i32>} : memref<5x80xi32, #tpu.memory_space<vmem>>, vector<16xi32>,
      %gather3A_85 = tpu.vector_load_idx %arg13[%get3A_80] : memref<10000xf32, #tpu.memory_space<vmem>>[vector<16xi32>], vector<16xf32>,
      %gather3A_86 = tpu.vector_load_idx %arg13[%get3A_84] : memref<10000xf32, #tpu.memory_space<vmem>>[vector<16xi32>], vector<16xf32>,
      %sub3A_87 = arith.subf %gather3A_85, %gather3A_86 : vector<16xf32>
      %gather3A_88 = tpu.vector_load_idx %arg14[%get3A_80] : memref<10000xf32, #tpu.memory_space<vmem>>[vector<16xi32>], vector<16xf32>,
      %gather3A_89 = tpu.vector_load_idx %arg14[%get3A_84] : memref<10000xf32, #tpu.memory_space<vmem>>[vector<16xi32>], vector<16xf32>,
      %sub3A_90 = arith.subf %gather3A_88, %gather3A_89 : vector<16xf32>
      %gather3A_91 = tpu.vector_load_idx %arg15[%get3A_80] : memref<10000xf32, #tpu.memory_space<vmem>>[vector<16xi32>], vector<16xf32>,
      %gather3A_92 = tpu.vector_load_idx %arg15[%get3A_84] : memref<10000xf32, #tpu.memory_space<vmem>>[vector<16xi32>], vector<16xf32>,
      %sub3A_93 = arith.subf %gather3A_91, %gather3A_92 : vector<16xf32>
      %mul3A_94 = arith.mulf %sub3A_87, %sub3A_87 : vector<16xf32>
      %mul3A_95 = arith.mulf %sub3A_90, %sub3A_90 : vector<16xf32>
      %add3A_96 = arith.addf %mul3A_94, %mul3A_95 : vector<16xf32>
      %mul3A_97 = arith.mulf %sub3A_93, %sub3A_93 : vector<16xf32>
      %add3A_98 = arith.addf %add3A_96, %mul3A_97 : vector<16xf32>
      %swap3A_99 = arith.constant 48 : index
      %swap3A_100 = tpu.vector_load %arg16[%swap3A_99] {strides = array<i32>} : memref<400xf32, #tpu.memory_space<vmem>>, vector<16xf32>,
      tpu.vector_store %arg16[%swap3A_99], %add3A_98 {strides = array<i32>} : memref<400xf32, #tpu.memory_space<vmem>>, vector<16xf32>,
      %get3A_101 = arith.constant 0 : i32
      %get3A_102 = arith.index_cast %get3A_101 : i32 to index
      %get3A_103 = arith.constant 64 : index
      %get3A_104 = tpu.vector_load %arg11[%get3A_102, %get3A_103] {strides = array<i32>} : memref<5x80xi32, #tpu.memory_space<vmem>>, vector<16xi32>,
      %get3A_105 = arith.constant 0 : i32
      %get3A_106 = arith.index_cast %get3A_105 : i32 to index
      %get3A_107 = arith.constant 64 : index
      %get3A_108 = tpu.vector_load %arg12[%get3A_106, %get3A_107] {strides = array<i32>} : memref<5x80xi32, #tpu.memory_space<vmem>>, vector<16xi32>,
      %gather3A_109 = tpu.vector_load_idx %arg13[%get3A_104] : memref<10000xf32, #tpu.memory_space<vmem>>[vector<16xi32>], vector<16xf32>,
      %gather3A_110 = tpu.vector_load_idx %arg13[%get3A_108] : memref<10000xf32, #tpu.memory_space<vmem>>[vector<16xi32>], vector<16xf32>,
      %sub3A_111 = arith.subf %gather3A_109, %gather3A_110 : vector<16xf32>
      %gather3A_112 = tpu.vector_load_idx %arg14[%get3A_104] : memref<10000xf32, #tpu.memory_space<vmem>>[vector<16xi32>], vector<16xf32>,
      %gather3A_113 = tpu.vector_load_idx %arg14[%get3A_108] : memref<10000xf32, #tpu.memory_space<vmem>>[vector<16xi32>], vector<16xf32>,
      %sub3A_114 = arith.subf %gather3A_112, %gather3A_113 : vector<16xf32>
      %gather3A_115 = tpu.vector_load_idx %arg15[%get3A_104] : memref<10000xf32, #tpu.memory_space<vmem>>[vector<16xi32>], vector<16xf32>,
      %gather3A_116 = tpu.vector_load_idx %arg15[%get3A_108] : memref<10000xf32, #tpu.memory_space<vmem>>[vector<16xi32>], vector<16xf32>,
      %sub3A_117 = arith.subf %gather3A_115, %gather3A_116 : vector<16xf32>
      %mul3A_118 = arith.mulf %sub3A_111, %sub3A_111 : vector<16xf32>
      %mul3A_119 = arith.mulf %sub3A_114, %sub3A_114 : vector<16xf32>
      %add3A_120 = arith.addf %mul3A_118, %mul3A_119 : vector<16xf32>
      %mul3A_121 = arith.mulf %sub3A_117, %sub3A_117 : vector<16xf32>
      %add3A_122 = arith.addf %add3A_120, %mul3A_121 : vector<16xf32>
      %swap3A_123 = arith.constant 64 : index
      %swap3A_124 = tpu.vector_load %arg16[%swap3A_123] {strides = array<i32>} : memref<400xf32, #tpu.memory_space<vmem>>, vector<16xf32>,
      tpu.vector_store %arg16[%swap3A_123], %add3A_122 {strides = array<i32>} : memref<400xf32, #tpu.memory_space<vmem>>, vector<16xf32>,
      %get3A_125 = arith.constant 1 : i32
      %get3A_126 = arith.index_cast %get3A_125 : i32 to index
      %get3A_127 = arith.constant 0 : index
      %get3A_128 = tpu.vector_load %arg11[%get3A_126, %get3A_127] {strides = array<i32>} : memref<5x80xi32, #tpu.memory_space<vmem>>, vector<16xi32>,
      %get3A_129 = arith.constant 1 : i32
      %get3A_130 = arith.index_cast %get3A_129 : i32 to index
      %get3A_131 = arith.constant 0 : index
      %get3A_132 = tpu.vector_load %arg12[%get3A_130, %get3A_131] {strides = array<i32>} : memref<5x80xi32, #tpu.memory_space<vmem>>, vector<16xi32>,
      %gather3A_133 = tpu.vector_load_idx %arg13[%get3A_128] : memref<10000xf32, #tpu.memory_space<vmem>>[vector<16xi32>], vector<16xf32>,
      %gather3A_134 = tpu.vector_load_idx %arg13[%get3A_132] : memref<10000xf32, #tpu.memory_space<vmem>>[vector<16xi32>], vector<16xf32>,
      %sub3A_135 = arith.subf %gather3A_133, %gather3A_134 : vector<16xf32>
      %gather3A_136 = tpu.vector_load_idx %arg14[%get3A_128] : memref<10000xf32, #tpu.memory_space<vmem>>[vector<16xi32>], vector<16xf32>,
      %gather3A_137 = tpu.vector_load_idx %arg14[%get3A_132] : memref<10000xf32, #tpu.memory_space<vmem>>[vector<16xi32>], vector<16xf32>,
      %sub3A_138 = arith.subf %gather3A_136, %gather3A_137 : vector<16xf32>
      %gather3A_139 = tpu.vector_load_idx %arg15[%get3A_128] : memref<10000xf32, #tpu.memory_space<vmem>>[vector<16xi32>], vector<16xf32>,
      %gather3A_140 = tpu.vector_load_idx %arg15[%get3A_132] : memref<10000xf32, #tpu.memory_space<vmem>>[vector<16xi32>], vector<16xf32>,
      %sub3A_141 = arith.subf %gather3A_139, %gather3A_140 : vector<16xf32>
      %mul3A_142 = arith.mulf %sub3A_135, %sub3A_135 : vector<16xf32>
      %mul3A_143 = arith.mulf %sub3A_138, %sub3A_138 : vector<16xf32>
      %add3A_144 = arith.addf %mul3A_142, %mul3A_143 : vector<16xf32>
      %mul3A_145 = arith.mulf %sub3A_141, %sub3A_141 : vector<16xf32>
      %add3A_146 = arith.addf %add3A_144, %mul3A_145 : vector<16xf32>
      %swap3A_147 = arith.constant 80 : index
      %swap3A_148 = tpu.vector_load %arg16[%swap3A_147] {strides = array<i32>} : memref<400xf32, #tpu.memory_space<vmem>>, vector<16xf32>,
      tpu.vector_store %arg16[%swap3A_147], %add3A_146 {strides = array<i32>} : memref<400xf32, #tpu.memory_space<vmem>>, vector<16xf32>,
      %get3A_149 = arith.constant 1 : i32
      %get3A_150 = arith.index_cast %get3A_149 : i32 to index
      %get3A_151 = arith.constant 16 : index
      %get3A_152 = tpu.vector_load %arg11[%get3A_150, %get3A_151] {strides = array<i32>} : memref<5x80xi32, #tpu.memory_space<vmem>>, vector<16xi32>,
      %get3A_153 = arith.constant 1 : i32
      %get3A_154 = arith.index_cast %get3A_153 : i32 to index
      %get3A_155 = arith.constant 16 : index
      %get3A_156 = tpu.vector_load %arg12[%get3A_154, %get3A_155] {strides = array<i32>} : memref<5x80xi32, #tpu.memory_space<vmem>>, vector<16xi32>,
      %gather3A_157 = tpu.vector_load_idx %arg13[%get3A_152] : memref<10000xf32, #tpu.memory_space<vmem>>[vector<16xi32>], vector<16xf32>,
      %gather3A_158 = tpu.vector_load_idx %arg13[%get3A_156] : memref<10000xf32, #tpu.memory_space<vmem>>[vector<16xi32>], vector<16xf32>,
      %sub3A_159 = arith.subf %gather3A_157, %gather3A_158 : vector<16xf32>
      %gather3A_160 = tpu.vector_load_idx %arg14[%get3A_152] : memref<10000xf32, #tpu.memory_space<vmem>>[vector<16xi32>], vector<16xf32>,
      %gather3A_161 = tpu.vector_load_idx %arg14[%get3A_156] : memref<10000xf32, #tpu.memory_space<vmem>>[vector<16xi32>], vector<16xf32>,
      %sub3A_162 = arith.subf %gather3A_160, %gather3A_161 : vector<16xf32>
      %gather3A_163 = tpu.vector_load_idx %arg15[%get3A_152] : memref<10000xf32, #tpu.memory_space<vmem>>[vector<16xi32>], vector<16xf32>,
      %gather3A_164 = tpu.vector_load_idx %arg15[%get3A_156] : memref<10000xf32, #tpu.memory_space<vmem>>[vector<16xi32>], vector<16xf32>,
      %sub3A_165 = arith.subf %gather3A_163, %gather3A_164 : vector<16xf32>
      %mul3A_166 = arith.mulf %sub3A_159, %sub3A_159 : vector<16xf32>
      %mul3A_167 = arith.mulf %sub3A_162, %sub3A_162 : vector<16xf32>
      %add3A_168 = arith.addf %mul3A_166, %mul3A_167 : vector<16xf32>
      %mul3A_169 = arith.mulf %sub3A_165, %sub3A_165 : vector<16xf32>
      %add3A_170 = arith.addf %add3A_168, %mul3A_169 : vector<16xf32>
      %swap3A_171 = arith.constant 96 : index
      %swap3A_172 = tpu.vector_load %arg16[%swap3A_171] {strides = array<i32>} : memref<400xf32, #tpu.memory_space<vmem>>, vector<16xf32>,
      tpu.vector_store %arg16[%swap3A_171], %add3A_170 {strides = array<i32>} : memref<400xf32, #tpu.memory_space<vmem>>, vector<16xf32>,
      %get3A_173 = arith.constant 1 : i32
      %get3A_174 = arith.index_cast %get3A_173 : i32 to index
      %get3A_175 = arith.constant 32 : index
      %get3A_176 = tpu.vector_load %arg11[%get3A_174, %get3A_175] {strides = array<i32>} : memref<5x80xi32, #tpu.memory_space<vmem>>, vector<16xi32>,
      %get3A_177 = arith.constant 1 : i32
      %get3A_178 = arith.index_cast %get3A_177 : i32 to index
      %get3A_179 = arith.constant 32 : index
      %get3A_180 = tpu.vector_load %arg12[%get3A_178, %get3A_179] {strides = array<i32>} : memref<5x80xi32, #tpu.memory_space<vmem>>, vector<16xi32>,
      %gather3A_181 = tpu.vector_load_idx %arg13[%get3A_176] : memref<10000xf32, #tpu.memory_space<vmem>>[vector<16xi32>], vector<16xf32>,
      %gather3A_182 = tpu.vector_load_idx %arg13[%get3A_180] : memref<10000xf32, #tpu.memory_space<vmem>>[vector<16xi32>], vector<16xf32>,
      %sub3A_183 = arith.subf %gather3A_181, %gather3A_182 : vector<16xf32>
      %gather3A_184 = tpu.vector_load_idx %arg14[%get3A_176] : memref<10000xf32, #tpu.memory_space<vmem>>[vector<16xi32>], vector<16xf32>,
      %gather3A_185 = tpu.vector_load_idx %arg14[%get3A_180] : memref<10000xf32, #tpu.memory_space<vmem>>[vector<16xi32>], vector<16xf32>,
      %sub3A_186 = arith.subf %gather3A_184, %gather3A_185 : vector<16xf32>
      %gather3A_187 = tpu.vector_load_idx %arg15[%get3A_176] : memref<10000xf32, #tpu.memory_space<vmem>>[vector<16xi32>], vector<16xf32>,
      %gather3A_188 = tpu.vector_load_idx %arg15[%get3A_180] : memref<10000xf32, #tpu.memory_space<vmem>>[vector<16xi32>], vector<16xf32>,
      %sub3A_189 = arith.subf %gather3A_187, %gather3A_188 : vector<16xf32>
      %mul3A_190 = arith.mulf %sub3A_183, %sub3A_183 : vector<16xf32>
      %mul3A_191 = arith.mulf %sub3A_186, %sub3A_186 : vector<16xf32>
      %add3A_192 = arith.addf %mul3A_190, %mul3A_191 : vector<16xf32>
      %mul3A_193 = arith.mulf %sub3A_189, %sub3A_189 : vector<16xf32>
      %add3A_194 = arith.addf %add3A_192, %mul3A_193 : vector<16xf32>
      %swap3A_195 = arith.constant 112 : index
      %swap3A_196 = tpu.vector_load %arg16[%swap3A_195] {strides = array<i32>} : memref<400xf32, #tpu.memory_space<vmem>>, vector<16xf32>,
      tpu.vector_store %arg16[%swap3A_195], %add3A_194 {strides = array<i32>} : memref<400xf32, #tpu.memory_space<vmem>>, vector<16xf32>,
      %get3A_197 = arith.constant 1 : i32
      %get3A_198 = arith.index_cast %get3A_197 : i32 to index
      %get3A_199 = arith.constant 48 : index
      %get3A_200 = tpu.vector_load %arg11[%get3A_198, %get3A_199] {strides = array<i32>} : memref<5x80xi32, #tpu.memory_space<vmem>>, vector<16xi32>,
      %get3A_201 = arith.constant 1 : i32
      %get3A_202 = arith.index_cast %get3A_201 : i32 to index
      %get3A_203 = arith.constant 48 : index
      %get3A_204 = tpu.vector_load %arg12[%get3A_202, %get3A_203] {strides = array<i32>} : memref<5x80xi32, #tpu.memory_space<vmem>>, vector<16xi32>,
      %gather3A_205 = tpu.vector_load_idx %arg13[%get3A_200] : memref<10000xf32, #tpu.memory_space<vmem>>[vector<16xi32>], vector<16xf32>,
      %gather3A_206 = tpu.vector_load_idx %arg13[%get3A_204] : memref<10000xf32, #tpu.memory_space<vmem>>[vector<16xi32>], vector<16xf32>,
      %sub3A_207 = arith.subf %gather3A_205, %gather3A_206 : vector<16xf32>
      %gather3A_208 = tpu.vector_load_idx %arg14[%get3A_200] : memref<10000xf32, #tpu.memory_space<vmem>>[vector<16xi32>], vector<16xf32>,
      %gather3A_209 = tpu.vector_load_idx %arg14[%get3A_204] : memref<10000xf32, #tpu.memory_space<vmem>>[vector<16xi32>], vector<16xf32>,
      %sub3A_210 = arith.subf %gather3A_208, %gather3A_209 : vector<16xf32>
      %gather3A_211 = tpu.vector_load_idx %arg15[%get3A_200] : memref<10000xf32, #tpu.memory_space<vmem>>[vector<16xi32>], vector<16xf32>,
      %gather3A_212 = tpu.vector_load_idx %arg15[%get3A_204] : memref<10000xf32, #tpu.memory_space<vmem>>[vector<16xi32>], vector<16xf32>,
      %sub3A_213 = arith.subf %gather3A_211, %gather3A_212 : vector<16xf32>
      %mul3A_214 = arith.mulf %sub3A_207, %sub3A_207 : vector<16xf32>
      %mul3A_215 = arith.mulf %sub3A_210, %sub3A_210 : vector<16xf32>
      %add3A_216 = arith.addf %mul3A_214, %mul3A_215 : vector<16xf32>
      %mul3A_217 = arith.mulf %sub3A_213, %sub3A_213 : vector<16xf32>
      %add3A_218 = arith.addf %add3A_216, %mul3A_217 : vector<16xf32>
      %swap3A_219 = arith.constant 128 : index
      %swap3A_220 = tpu.vector_load %arg16[%swap3A_219] {strides = array<i32>} : memref<400xf32, #tpu.memory_space<vmem>>, vector<16xf32>,
      tpu.vector_store %arg16[%swap3A_219], %add3A_218 {strides = array<i32>} : memref<400xf32, #tpu.memory_space<vmem>>, vector<16xf32>,
      %get3A_221 = arith.constant 1 : i32
      %get3A_222 = arith.index_cast %get3A_221 : i32 to index
      %get3A_223 = arith.constant 64 : index
      %get3A_224 = tpu.vector_load %arg11[%get3A_222, %get3A_223] {strides = array<i32>} : memref<5x80xi32, #tpu.memory_space<vmem>>, vector<16xi32>,
      %get3A_225 = arith.constant 1 : i32
      %get3A_226 = arith.index_cast %get3A_225 : i32 to index
      %get3A_227 = arith.constant 64 : index
      %get3A_228 = tpu.vector_load %arg12[%get3A_226, %get3A_227] {strides = array<i32>} : memref<5x80xi32, #tpu.memory_space<vmem>>, vector<16xi32>,
      %gather3A_229 = tpu.vector_load_idx %arg13[%get3A_224] : memref<10000xf32, #tpu.memory_space<vmem>>[vector<16xi32>], vector<16xf32>,
      %gather3A_230 = tpu.vector_load_idx %arg13[%get3A_228] : memref<10000xf32, #tpu.memory_space<vmem>>[vector<16xi32>], vector<16xf32>,
      %sub3A_231 = arith.subf %gather3A_229, %gather3A_230 : vector<16xf32>
      %gather3A_232 = tpu.vector_load_idx %arg14[%get3A_224] : memref<10000xf32, #tpu.memory_space<vmem>>[vector<16xi32>], vector<16xf32>,
      %gather3A_233 = tpu.vector_load_idx %arg14[%get3A_228] : memref<10000xf32, #tpu.memory_space<vmem>>[vector<16xi32>], vector<16xf32>,
      %sub3A_234 = arith.subf %gather3A_232, %gather3A_233 : vector<16xf32>
      %gather3A_235 = tpu.vector_load_idx %arg15[%get3A_224] : memref<10000xf32, #tpu.memory_space<vmem>>[vector<16xi32>], vector<16xf32>,
      %gather3A_236 = tpu.vector_load_idx %arg15[%get3A_228] : memref<10000xf32, #tpu.memory_space<vmem>>[vector<16xi32>], vector<16xf32>,
      %sub3A_237 = arith.subf %gather3A_235, %gather3A_236 : vector<16xf32>
      %mul3A_238 = arith.mulf %sub3A_231, %sub3A_231 : vector<16xf32>
      %mul3A_239 = arith.mulf %sub3A_234, %sub3A_234 : vector<16xf32>
      %add3A_240 = arith.addf %mul3A_238, %mul3A_239 : vector<16xf32>
      %mul3A_241 = arith.mulf %sub3A_237, %sub3A_237 : vector<16xf32>
      %add3A_242 = arith.addf %add3A_240, %mul3A_241 : vector<16xf32>
      %swap3A_243 = arith.constant 144 : index
      %swap3A_244 = tpu.vector_load %arg16[%swap3A_243] {strides = array<i32>} : memref<400xf32, #tpu.memory_space<vmem>>, vector<16xf32>,
      tpu.vector_store %arg16[%swap3A_243], %add3A_242 {strides = array<i32>} : memref<400xf32, #tpu.memory_space<vmem>>, vector<16xf32>,
      %get3A_245 = arith.constant 2 : i32
      %get3A_246 = arith.index_cast %get3A_245 : i32 to index
      %get3A_247 = arith.constant 0 : index
      %get3A_248 = tpu.vector_load %arg11[%get3A_246, %get3A_247] {strides = array<i32>} : memref<5x80xi32, #tpu.memory_space<vmem>>, vector<16xi32>,
      %get3A_249 = arith.constant 2 : i32
      %get3A_250 = arith.index_cast %get3A_249 : i32 to index
      %get3A_251 = arith.constant 0 : index
      %get3A_252 = tpu.vector_load %arg12[%get3A_250, %get3A_251] {strides = array<i32>} : memref<5x80xi32, #tpu.memory_space<vmem>>, vector<16xi32>,
      %gather3A_253 = tpu.vector_load_idx %arg13[%get3A_248] : memref<10000xf32, #tpu.memory_space<vmem>>[vector<16xi32>], vector<16xf32>,
      %gather3A_254 = tpu.vector_load_idx %arg13[%get3A_252] : memref<10000xf32, #tpu.memory_space<vmem>>[vector<16xi32>], vector<16xf32>,
      %sub3A_255 = arith.subf %gather3A_253, %gather3A_254 : vector<16xf32>
      %gather3A_256 = tpu.vector_load_idx %arg14[%get3A_248] : memref<10000xf32, #tpu.memory_space<vmem>>[vector<16xi32>], vector<16xf32>,
      %gather3A_257 = tpu.vector_load_idx %arg14[%get3A_252] : memref<10000xf32, #tpu.memory_space<vmem>>[vector<16xi32>], vector<16xf32>,
      %sub3A_258 = arith.subf %gather3A_256, %gather3A_257 : vector<16xf32>
      %gather3A_259 = tpu.vector_load_idx %arg15[%get3A_248] : memref<10000xf32, #tpu.memory_space<vmem>>[vector<16xi32>], vector<16xf32>,
      %gather3A_260 = tpu.vector_load_idx %arg15[%get3A_252] : memref<10000xf32, #tpu.memory_space<vmem>>[vector<16xi32>], vector<16xf32>,
      %sub3A_261 = arith.subf %gather3A_259, %gather3A_260 : vector<16xf32>
      %mul3A_262 = arith.mulf %sub3A_255, %sub3A_255 : vector<16xf32>
      %mul3A_263 = arith.mulf %sub3A_258, %sub3A_258 : vector<16xf32>
      %add3A_264 = arith.addf %mul3A_262, %mul3A_263 : vector<16xf32>
      %mul3A_265 = arith.mulf %sub3A_261, %sub3A_261 : vector<16xf32>
      %add3A_266 = arith.addf %add3A_264, %mul3A_265 : vector<16xf32>
      %swap3A_267 = arith.constant 160 : index
      %swap3A_268 = tpu.vector_load %arg16[%swap3A_267] {strides = array<i32>} : memref<400xf32, #tpu.memory_space<vmem>>, vector<16xf32>,
      tpu.vector_store %arg16[%swap3A_267], %add3A_266 {strides = array<i32>} : memref<400xf32, #tpu.memory_space<vmem>>, vector<16xf32>,
      %get3A_269 = arith.constant 2 : i32
      %get3A_270 = arith.index_cast %get3A_269 : i32 to index
      %get3A_271 = arith.constant 16 : index
      %get3A_272 = tpu.vector_load %arg11[%get3A_270, %get3A_271] {strides = array<i32>} : memref<5x80xi32, #tpu.memory_space<vmem>>, vector<16xi32>,
      %get3A_273 = arith.constant 2 : i32
      %get3A_274 = arith.index_cast %get3A_273 : i32 to index
      %get3A_275 = arith.constant 16 : index
      %get3A_276 = tpu.vector_load %arg12[%get3A_274, %get3A_275] {strides = array<i32>} : memref<5x80xi32, #tpu.memory_space<vmem>>, vector<16xi32>,
      %gather3A_277 = tpu.vector_load_idx %arg13[%get3A_272] : memref<10000xf32, #tpu.memory_space<vmem>>[vector<16xi32>], vector<16xf32>,
      %gather3A_278 = tpu.vector_load_idx %arg13[%get3A_276] : memref<10000xf32, #tpu.memory_space<vmem>>[vector<16xi32>], vector<16xf32>,
      %sub3A_279 = arith.subf %gather3A_277, %gather3A_278 : vector<16xf32>
      %gather3A_280 = tpu.vector_load_idx %arg14[%get3A_272] : memref<10000xf32, #tpu.memory_space<vmem>>[vector<16xi32>], vector<16xf32>,
      %gather3A_281 = tpu.vector_load_idx %arg14[%get3A_276] : memref<10000xf32, #tpu.memory_space<vmem>>[vector<16xi32>], vector<16xf32>,
      %sub3A_282 = arith.subf %gather3A_280, %gather3A_281 : vector<16xf32>
      %gather3A_283 = tpu.vector_load_idx %arg15[%get3A_272] : memref<10000xf32, #tpu.memory_space<vmem>>[vector<16xi32>], vector<16xf32>,
      %gather3A_284 = tpu.vector_load_idx %arg15[%get3A_276] : memref<10000xf32, #tpu.memory_space<vmem>>[vector<16xi32>], vector<16xf32>,
      %sub3A_285 = arith.subf %gather3A_283, %gather3A_284 : vector<16xf32>
      %mul3A_286 = arith.mulf %sub3A_279, %sub3A_279 : vector<16xf32>
      %mul3A_287 = arith.mulf %sub3A_282, %sub3A_282 : vector<16xf32>
      %add3A_288 = arith.addf %mul3A_286, %mul3A_287 : vector<16xf32>
      %mul3A_289 = arith.mulf %sub3A_285, %sub3A_285 : vector<16xf32>
      %add3A_290 = arith.addf %add3A_288, %mul3A_289 : vector<16xf32>
      %swap3A_291 = arith.constant 176 : index
      %swap3A_292 = tpu.vector_load %arg16[%swap3A_291] {strides = array<i32>} : memref<400xf32, #tpu.memory_space<vmem>>, vector<16xf32>,
      tpu.vector_store %arg16[%swap3A_291], %add3A_290 {strides = array<i32>} : memref<400xf32, #tpu.memory_space<vmem>>, vector<16xf32>,
      %get3A_293 = arith.constant 2 : i32
      %get3A_294 = arith.index_cast %get3A_293 : i32 to index
      %get3A_295 = arith.constant 32 : index
      %get3A_296 = tpu.vector_load %arg11[%get3A_294, %get3A_295] {strides = array<i32>} : memref<5x80xi32, #tpu.memory_space<vmem>>, vector<16xi32>,
      %get3A_297 = arith.constant 2 : i32
      %get3A_298 = arith.index_cast %get3A_297 : i32 to index
      %get3A_299 = arith.constant 32 : index
      %get3A_300 = tpu.vector_load %arg12[%get3A_298, %get3A_299] {strides = array<i32>} : memref<5x80xi32, #tpu.memory_space<vmem>>, vector<16xi32>,
      %gather3A_301 = tpu.vector_load_idx %arg13[%get3A_296] : memref<10000xf32, #tpu.memory_space<vmem>>[vector<16xi32>], vector<16xf32>,
      %gather3A_302 = tpu.vector_load_idx %arg13[%get3A_300] : memref<10000xf32, #tpu.memory_space<vmem>>[vector<16xi32>], vector<16xf32>,
      %sub3A_303 = arith.subf %gather3A_301, %gather3A_302 : vector<16xf32>
      %gather3A_304 = tpu.vector_load_idx %arg14[%get3A_296] : memref<10000xf32, #tpu.memory_space<vmem>>[vector<16xi32>], vector<16xf32>,
      %gather3A_305 = tpu.vector_load_idx %arg14[%get3A_300] : memref<10000xf32, #tpu.memory_space<vmem>>[vector<16xi32>], vector<16xf32>,
      %sub3A_306 = arith.subf %gather3A_304, %gather3A_305 : vector<16xf32>
      %gather3A_307 = tpu.vector_load_idx %arg15[%get3A_296] : memref<10000xf32, #tpu.memory_space<vmem>>[vector<16xi32>], vector<16xf32>,
      %gather3A_308 = tpu.vector_load_idx %arg15[%get3A_300] : memref<10000xf32, #tpu.memory_space<vmem>>[vector<16xi32>], vector<16xf32>,
      %sub3A_309 = arith.subf %gather3A_307, %gather3A_308 : vector<16xf32>
      %mul3A_310 = arith.mulf %sub3A_303, %sub3A_303 : vector<16xf32>
      %mul3A_311 = arith.mulf %sub3A_306, %sub3A_306 : vector<16xf32>
      %add3A_312 = arith.addf %mul3A_310, %mul3A_311 : vector<16xf32>
      %mul3A_313 = arith.mulf %sub3A_309, %sub3A_309 : vector<16xf32>
      %add3A_314 = arith.addf %add3A_312, %mul3A_313 : vector<16xf32>
      %swap3A_315 = arith.constant 192 : index
      %swap3A_316 = tpu.vector_load %arg16[%swap3A_315] {strides = array<i32>} : memref<400xf32, #tpu.memory_space<vmem>>, vector<16xf32>,
      tpu.vector_store %arg16[%swap3A_315], %add3A_314 {strides = array<i32>} : memref<400xf32, #tpu.memory_space<vmem>>, vector<16xf32>,
      %get3A_317 = arith.constant 2 : i32
      %get3A_318 = arith.index_cast %get3A_317 : i32 to index
      %get3A_319 = arith.constant 48 : index
      %get3A_320 = tpu.vector_load %arg11[%get3A_318, %get3A_319] {strides = array<i32>} : memref<5x80xi32, #tpu.memory_space<vmem>>, vector<16xi32>,
      %get3A_321 = arith.constant 2 : i32
      %get3A_322 = arith.index_cast %get3A_321 : i32 to index
      %get3A_323 = arith.constant 48 : index
      %get3A_324 = tpu.vector_load %arg12[%get3A_322, %get3A_323] {strides = array<i32>} : memref<5x80xi32, #tpu.memory_space<vmem>>, vector<16xi32>,
      %gather3A_325 = tpu.vector_load_idx %arg13[%get3A_320] : memref<10000xf32, #tpu.memory_space<vmem>>[vector<16xi32>], vector<16xf32>,
      %gather3A_326 = tpu.vector_load_idx %arg13[%get3A_324] : memref<10000xf32, #tpu.memory_space<vmem>>[vector<16xi32>], vector<16xf32>,
      %sub3A_327 = arith.subf %gather3A_325, %gather3A_326 : vector<16xf32>
      %gather3A_328 = tpu.vector_load_idx %arg14[%get3A_320] : memref<10000xf32, #tpu.memory_space<vmem>>[vector<16xi32>], vector<16xf32>,
      %gather3A_329 = tpu.vector_load_idx %arg14[%get3A_324] : memref<10000xf32, #tpu.memory_space<vmem>>[vector<16xi32>], vector<16xf32>,
      %sub3A_330 = arith.subf %gather3A_328, %gather3A_329 : vector<16xf32>
      %gather3A_331 = tpu.vector_load_idx %arg15[%get3A_320] : memref<10000xf32, #tpu.memory_space<vmem>>[vector<16xi32>], vector<16xf32>,
      %gather3A_332 = tpu.vector_load_idx %arg15[%get3A_324] : memref<10000xf32, #tpu.memory_space<vmem>>[vector<16xi32>], vector<16xf32>,
      %sub3A_333 = arith.subf %gather3A_331, %gather3A_332 : vector<16xf32>
      %mul3A_334 = arith.mulf %sub3A_327, %sub3A_327 : vector<16xf32>
      %mul3A_335 = arith.mulf %sub3A_330, %sub3A_330 : vector<16xf32>
      %add3A_336 = arith.addf %mul3A_334, %mul3A_335 : vector<16xf32>
      %mul3A_337 = arith.mulf %sub3A_333, %sub3A_333 : vector<16xf32>
      %add3A_338 = arith.addf %add3A_336, %mul3A_337 : vector<16xf32>
      %swap3A_339 = arith.constant 208 : index
      %swap3A_340 = tpu.vector_load %arg16[%swap3A_339] {strides = array<i32>} : memref<400xf32, #tpu.memory_space<vmem>>, vector<16xf32>,
      tpu.vector_store %arg16[%swap3A_339], %add3A_338 {strides = array<i32>} : memref<400xf32, #tpu.memory_space<vmem>>, vector<16xf32>,
      %get3A_341 = arith.constant 2 : i32
      %get3A_342 = arith.index_cast %get3A_341 : i32 to index
      %get3A_343 = arith.constant 64 : index
      %get3A_344 = tpu.vector_load %arg11[%get3A_342, %get3A_343] {strides = array<i32>} : memref<5x80xi32, #tpu.memory_space<vmem>>, vector<16xi32>,
      %get3A_345 = arith.constant 2 : i32
      %get3A_346 = arith.index_cast %get3A_345 : i32 to index
      %get3A_347 = arith.constant 64 : index
      %get3A_348 = tpu.vector_load %arg12[%get3A_346, %get3A_347] {strides = array<i32>} : memref<5x80xi32, #tpu.memory_space<vmem>>, vector<16xi32>,
      %gather3A_349 = tpu.vector_load_idx %arg13[%get3A_344] : memref<10000xf32, #tpu.memory_space<vmem>>[vector<16xi32>], vector<16xf32>,
      %gather3A_350 = tpu.vector_load_idx %arg13[%get3A_348] : memref<10000xf32, #tpu.memory_space<vmem>>[vector<16xi32>], vector<16xf32>,
      %sub3A_351 = arith.subf %gather3A_349, %gather3A_350 : vector<16xf32>
      %gather3A_352 = tpu.vector_load_idx %arg14[%get3A_344] : memref<10000xf32, #tpu.memory_space<vmem>>[vector<16xi32>], vector<16xf32>,
      %gather3A_353 = tpu.vector_load_idx %arg14[%get3A_348] : memref<10000xf32, #tpu.memory_space<vmem>>[vector<16xi32>], vector<16xf32>,
      %sub3A_354 = arith.subf %gather3A_352, %gather3A_353 : vector<16xf32>
      %gather3A_355 = tpu.vector_load_idx %arg15[%get3A_344] : memref<10000xf32, #tpu.memory_space<vmem>>[vector<16xi32>], vector<16xf32>,
      %gather3A_356 = tpu.vector_load_idx %arg15[%get3A_348] : memref<10000xf32, #tpu.memory_space<vmem>>[vector<16xi32>], vector<16xf32>,
      %sub3A_357 = arith.subf %gather3A_355, %gather3A_356 : vector<16xf32>
      %mul3A_358 = arith.mulf %sub3A_351, %sub3A_351 : vector<16xf32>
      %mul3A_359 = arith.mulf %sub3A_354, %sub3A_354 : vector<16xf32>
      %add3A_360 = arith.addf %mul3A_358, %mul3A_359 : vector<16xf32>
      %mul3A_361 = arith.mulf %sub3A_357, %sub3A_357 : vector<16xf32>
      %add3A_362 = arith.addf %add3A_360, %mul3A_361 : vector<16xf32>
      %swap3A_363 = arith.constant 224 : index
      %swap3A_364 = tpu.vector_load %arg16[%swap3A_363] {strides = array<i32>} : memref<400xf32, #tpu.memory_space<vmem>>, vector<16xf32>,
      tpu.vector_store %arg16[%swap3A_363], %add3A_362 {strides = array<i32>} : memref<400xf32, #tpu.memory_space<vmem>>, vector<16xf32>,
      %get3A_365 = arith.constant 3 : i32
      %get3A_366 = arith.index_cast %get3A_365 : i32 to index
      %get3A_367 = arith.constant 0 : index
      %get3A_368 = tpu.vector_load %arg11[%get3A_366, %get3A_367] {strides = array<i32>} : memref<5x80xi32, #tpu.memory_space<vmem>>, vector<16xi32>,
      %get3A_369 = arith.constant 3 : i32
      %get3A_370 = arith.index_cast %get3A_369 : i32 to index
      %get3A_371 = arith.constant 0 : index
      %get3A_372 = tpu.vector_load %arg12[%get3A_370, %get3A_371] {strides = array<i32>} : memref<5x80xi32, #tpu.memory_space<vmem>>, vector<16xi32>,
      %gather3A_373 = tpu.vector_load_idx %arg13[%get3A_368] : memref<10000xf32, #tpu.memory_space<vmem>>[vector<16xi32>], vector<16xf32>,
      %gather3A_374 = tpu.vector_load_idx %arg13[%get3A_372] : memref<10000xf32, #tpu.memory_space<vmem>>[vector<16xi32>], vector<16xf32>,
      %sub3A_375 = arith.subf %gather3A_373, %gather3A_374 : vector<16xf32>
      %gather3A_376 = tpu.vector_load_idx %arg14[%get3A_368] : memref<10000xf32, #tpu.memory_space<vmem>>[vector<16xi32>], vector<16xf32>,
      %gather3A_377 = tpu.vector_load_idx %arg14[%get3A_372] : memref<10000xf32, #tpu.memory_space<vmem>>[vector<16xi32>], vector<16xf32>,
      %sub3A_378 = arith.subf %gather3A_376, %gather3A_377 : vector<16xf32>
      %gather3A_379 = tpu.vector_load_idx %arg15[%get3A_368] : memref<10000xf32, #tpu.memory_space<vmem>>[vector<16xi32>], vector<16xf32>,
      %gather3A_380 = tpu.vector_load_idx %arg15[%get3A_372] : memref<10000xf32, #tpu.memory_space<vmem>>[vector<16xi32>], vector<16xf32>,
      %sub3A_381 = arith.subf %gather3A_379, %gather3A_380 : vector<16xf32>
      %mul3A_382 = arith.mulf %sub3A_375, %sub3A_375 : vector<16xf32>
      %mul3A_383 = arith.mulf %sub3A_378, %sub3A_378 : vector<16xf32>
      %add3A_384 = arith.addf %mul3A_382, %mul3A_383 : vector<16xf32>
      %mul3A_385 = arith.mulf %sub3A_381, %sub3A_381 : vector<16xf32>
      %add3A_386 = arith.addf %add3A_384, %mul3A_385 : vector<16xf32>
      %swap3A_387 = arith.constant 240 : index
      %swap3A_388 = tpu.vector_load %arg16[%swap3A_387] {strides = array<i32>} : memref<400xf32, #tpu.memory_space<vmem>>, vector<16xf32>,
      tpu.vector_store %arg16[%swap3A_387], %add3A_386 {strides = array<i32>} : memref<400xf32, #tpu.memory_space<vmem>>, vector<16xf32>,
      %get3A_389 = arith.constant 3 : i32
      %get3A_390 = arith.index_cast %get3A_389 : i32 to index
      %get3A_391 = arith.constant 16 : index
      %get3A_392 = tpu.vector_load %arg11[%get3A_390, %get3A_391] {strides = array<i32>} : memref<5x80xi32, #tpu.memory_space<vmem>>, vector<16xi32>,
      %get3A_393 = arith.constant 3 : i32
      %get3A_394 = arith.index_cast %get3A_393 : i32 to index
      %get3A_395 = arith.constant 16 : index
      %get3A_396 = tpu.vector_load %arg12[%get3A_394, %get3A_395] {strides = array<i32>} : memref<5x80xi32, #tpu.memory_space<vmem>>, vector<16xi32>,
      %gather3A_397 = tpu.vector_load_idx %arg13[%get3A_392] : memref<10000xf32, #tpu.memory_space<vmem>>[vector<16xi32>], vector<16xf32>,
      %gather3A_398 = tpu.vector_load_idx %arg13[%get3A_396] : memref<10000xf32, #tpu.memory_space<vmem>>[vector<16xi32>], vector<16xf32>,
      %sub3A_399 = arith.subf %gather3A_397, %gather3A_398 : vector<16xf32>
      %gather3A_400 = tpu.vector_load_idx %arg14[%get3A_392] : memref<10000xf32, #tpu.memory_space<vmem>>[vector<16xi32>], vector<16xf32>,
      %gather3A_401 = tpu.vector_load_idx %arg14[%get3A_396] : memref<10000xf32, #tpu.memory_space<vmem>>[vector<16xi32>], vector<16xf32>,
      %sub3A_402 = arith.subf %gather3A_400, %gather3A_401 : vector<16xf32>
      %gather3A_403 = tpu.vector_load_idx %arg15[%get3A_392] : memref<10000xf32, #tpu.memory_space<vmem>>[vector<16xi32>], vector<16xf32>,
      %gather3A_404 = tpu.vector_load_idx %arg15[%get3A_396] : memref<10000xf32, #tpu.memory_space<vmem>>[vector<16xi32>], vector<16xf32>,
      %sub3A_405 = arith.subf %gather3A_403, %gather3A_404 : vector<16xf32>
      %mul3A_406 = arith.mulf %sub3A_399, %sub3A_399 : vector<16xf32>
      %mul3A_407 = arith.mulf %sub3A_402, %sub3A_402 : vector<16xf32>
      %add3A_408 = arith.addf %mul3A_406, %mul3A_407 : vector<16xf32>
      %mul3A_409 = arith.mulf %sub3A_405, %sub3A_405 : vector<16xf32>
      %add3A_410 = arith.addf %add3A_408, %mul3A_409 : vector<16xf32>
      %swap3A_411 = arith.constant 256 : index
      %swap3A_412 = tpu.vector_load %arg16[%swap3A_411] {strides = array<i32>} : memref<400xf32, #tpu.memory_space<vmem>>, vector<16xf32>,
      tpu.vector_store %arg16[%swap3A_411], %add3A_410 {strides = array<i32>} : memref<400xf32, #tpu.memory_space<vmem>>, vector<16xf32>,
      %get3A_413 = arith.constant 3 : i32
      %get3A_414 = arith.index_cast %get3A_413 : i32 to index
      %get3A_415 = arith.constant 32 : index
      %get3A_416 = tpu.vector_load %arg11[%get3A_414, %get3A_415] {strides = array<i32>} : memref<5x80xi32, #tpu.memory_space<vmem>>, vector<16xi32>,
      %get3A_417 = arith.constant 3 : i32
      %get3A_418 = arith.index_cast %get3A_417 : i32 to index
      %get3A_419 = arith.constant 32 : index
      %get3A_420 = tpu.vector_load %arg12[%get3A_418, %get3A_419] {strides = array<i32>} : memref<5x80xi32, #tpu.memory_space<vmem>>, vector<16xi32>,
      %gather3A_421 = tpu.vector_load_idx %arg13[%get3A_416] : memref<10000xf32, #tpu.memory_space<vmem>>[vector<16xi32>], vector<16xf32>,
      %gather3A_422 = tpu.vector_load_idx %arg13[%get3A_420] : memref<10000xf32, #tpu.memory_space<vmem>>[vector<16xi32>], vector<16xf32>,
      %sub3A_423 = arith.subf %gather3A_421, %gather3A_422 : vector<16xf32>
      %gather3A_424 = tpu.vector_load_idx %arg14[%get3A_416] : memref<10000xf32, #tpu.memory_space<vmem>>[vector<16xi32>], vector<16xf32>,
      %gather3A_425 = tpu.vector_load_idx %arg14[%get3A_420] : memref<10000xf32, #tpu.memory_space<vmem>>[vector<16xi32>], vector<16xf32>,
      %sub3A_426 = arith.subf %gather3A_424, %gather3A_425 : vector<16xf32>
      %gather3A_427 = tpu.vector_load_idx %arg15[%get3A_416] : memref<10000xf32, #tpu.memory_space<vmem>>[vector<16xi32>], vector<16xf32>,
      %gather3A_428 = tpu.vector_load_idx %arg15[%get3A_420] : memref<10000xf32, #tpu.memory_space<vmem>>[vector<16xi32>], vector<16xf32>,
      %sub3A_429 = arith.subf %gather3A_427, %gather3A_428 : vector<16xf32>
      %mul3A_430 = arith.mulf %sub3A_423, %sub3A_423 : vector<16xf32>
      %mul3A_431 = arith.mulf %sub3A_426, %sub3A_426 : vector<16xf32>
      %add3A_432 = arith.addf %mul3A_430, %mul3A_431 : vector<16xf32>
      %mul3A_433 = arith.mulf %sub3A_429, %sub3A_429 : vector<16xf32>
      %add3A_434 = arith.addf %add3A_432, %mul3A_433 : vector<16xf32>
      %swap3A_435 = arith.constant 272 : index
      %swap3A_436 = tpu.vector_load %arg16[%swap3A_435] {strides = array<i32>} : memref<400xf32, #tpu.memory_space<vmem>>, vector<16xf32>,
      tpu.vector_store %arg16[%swap3A_435], %add3A_434 {strides = array<i32>} : memref<400xf32, #tpu.memory_space<vmem>>, vector<16xf32>,
      %get3A_437 = arith.constant 3 : i32
      %get3A_438 = arith.index_cast %get3A_437 : i32 to index
      %get3A_439 = arith.constant 48 : index
      %get3A_440 = tpu.vector_load %arg11[%get3A_438, %get3A_439] {strides = array<i32>} : memref<5x80xi32, #tpu.memory_space<vmem>>, vector<16xi32>,
      %get3A_441 = arith.constant 3 : i32
      %get3A_442 = arith.index_cast %get3A_441 : i32 to index
      %get3A_443 = arith.constant 48 : index
      %get3A_444 = tpu.vector_load %arg12[%get3A_442, %get3A_443] {strides = array<i32>} : memref<5x80xi32, #tpu.memory_space<vmem>>, vector<16xi32>,
      %gather3A_445 = tpu.vector_load_idx %arg13[%get3A_440] : memref<10000xf32, #tpu.memory_space<vmem>>[vector<16xi32>], vector<16xf32>,
      %gather3A_446 = tpu.vector_load_idx %arg13[%get3A_444] : memref<10000xf32, #tpu.memory_space<vmem>>[vector<16xi32>], vector<16xf32>,
      %sub3A_447 = arith.subf %gather3A_445, %gather3A_446 : vector<16xf32>
      %gather3A_448 = tpu.vector_load_idx %arg14[%get3A_440] : memref<10000xf32, #tpu.memory_space<vmem>>[vector<16xi32>], vector<16xf32>,
      %gather3A_449 = tpu.vector_load_idx %arg14[%get3A_444] : memref<10000xf32, #tpu.memory_space<vmem>>[vector<16xi32>], vector<16xf32>,
      %sub3A_450 = arith.subf %gather3A_448, %gather3A_449 : vector<16xf32>
      %gather3A_451 = tpu.vector_load_idx %arg15[%get3A_440] : memref<10000xf32, #tpu.memory_space<vmem>>[vector<16xi32>], vector<16xf32>,
      %gather3A_452 = tpu.vector_load_idx %arg15[%get3A_444] : memref<10000xf32, #tpu.memory_space<vmem>>[vector<16xi32>], vector<16xf32>,
      %sub3A_453 = arith.subf %gather3A_451, %gather3A_452 : vector<16xf32>
      %mul3A_454 = arith.mulf %sub3A_447, %sub3A_447 : vector<16xf32>
      %mul3A_455 = arith.mulf %sub3A_450, %sub3A_450 : vector<16xf32>
      %add3A_456 = arith.addf %mul3A_454, %mul3A_455 : vector<16xf32>
      %mul3A_457 = arith.mulf %sub3A_453, %sub3A_453 : vector<16xf32>
      %add3A_458 = arith.addf %add3A_456, %mul3A_457 : vector<16xf32>
      %swap3A_459 = arith.constant 288 : index
      %swap3A_460 = tpu.vector_load %arg16[%swap3A_459] {strides = array<i32>} : memref<400xf32, #tpu.memory_space<vmem>>, vector<16xf32>,
      tpu.vector_store %arg16[%swap3A_459], %add3A_458 {strides = array<i32>} : memref<400xf32, #tpu.memory_space<vmem>>, vector<16xf32>,
      %get3A_461 = arith.constant 3 : i32
      %get3A_462 = arith.index_cast %get3A_461 : i32 to index
      %get3A_463 = arith.constant 64 : index
      %get3A_464 = tpu.vector_load %arg11[%get3A_462, %get3A_463] {strides = array<i32>} : memref<5x80xi32, #tpu.memory_space<vmem>>, vector<16xi32>,
      %get3A_465 = arith.constant 3 : i32
      %get3A_466 = arith.index_cast %get3A_465 : i32 to index
      %get3A_467 = arith.constant 64 : index
      %get3A_468 = tpu.vector_load %arg12[%get3A_466, %get3A_467] {strides = array<i32>} : memref<5x80xi32, #tpu.memory_space<vmem>>, vector<16xi32>,
      %gather3A_469 = tpu.vector_load_idx %arg13[%get3A_464] : memref<10000xf32, #tpu.memory_space<vmem>>[vector<16xi32>], vector<16xf32>,
      %gather3A_470 = tpu.vector_load_idx %arg13[%get3A_468] : memref<10000xf32, #tpu.memory_space<vmem>>[vector<16xi32>], vector<16xf32>,
      %sub3A_471 = arith.subf %gather3A_469, %gather3A_470 : vector<16xf32>
      %gather3A_472 = tpu.vector_load_idx %arg14[%get3A_464] : memref<10000xf32, #tpu.memory_space<vmem>>[vector<16xi32>], vector<16xf32>,
      %gather3A_473 = tpu.vector_load_idx %arg14[%get3A_468] : memref<10000xf32, #tpu.memory_space<vmem>>[vector<16xi32>], vector<16xf32>,
      %sub3A_474 = arith.subf %gather3A_472, %gather3A_473 : vector<16xf32>
      %gather3A_475 = tpu.vector_load_idx %arg15[%get3A_464] : memref<10000xf32, #tpu.memory_space<vmem>>[vector<16xi32>], vector<16xf32>,
      %gather3A_476 = tpu.vector_load_idx %arg15[%get3A_468] : memref<10000xf32, #tpu.memory_space<vmem>>[vector<16xi32>], vector<16xf32>,
      %sub3A_477 = arith.subf %gather3A_475, %gather3A_476 : vector<16xf32>
      %mul3A_478 = arith.mulf %sub3A_471, %sub3A_471 : vector<16xf32>
      %mul3A_479 = arith.mulf %sub3A_474, %sub3A_474 : vector<16xf32>
      %add3A_480 = arith.addf %mul3A_478, %mul3A_479 : vector<16xf32>
      %mul3A_481 = arith.mulf %sub3A_477, %sub3A_477 : vector<16xf32>
      %add3A_482 = arith.addf %add3A_480, %mul3A_481 : vector<16xf32>
      %swap3A_483 = arith.constant 304 : index
      %swap3A_484 = tpu.vector_load %arg16[%swap3A_483] {strides = array<i32>} : memref<400xf32, #tpu.memory_space<vmem>>, vector<16xf32>,
      tpu.vector_store %arg16[%swap3A_483], %add3A_482 {strides = array<i32>} : memref<400xf32, #tpu.memory_space<vmem>>, vector<16xf32>,
      %get3A_485 = arith.constant 4 : i32
      %get3A_486 = arith.index_cast %get3A_485 : i32 to index
      %get3A_487 = arith.constant 0 : index
      %get3A_488 = tpu.vector_load %arg11[%get3A_486, %get3A_487] {strides = array<i32>} : memref<5x80xi32, #tpu.memory_space<vmem>>, vector<16xi32>,
      %get3A_489 = arith.constant 4 : i32
      %get3A_490 = arith.index_cast %get3A_489 : i32 to index
      %get3A_491 = arith.constant 0 : index
      %get3A_492 = tpu.vector_load %arg12[%get3A_490, %get3A_491] {strides = array<i32>} : memref<5x80xi32, #tpu.memory_space<vmem>>, vector<16xi32>,
      %gather3A_493 = tpu.vector_load_idx %arg13[%get3A_488] : memref<10000xf32, #tpu.memory_space<vmem>>[vector<16xi32>], vector<16xf32>,
      %gather3A_494 = tpu.vector_load_idx %arg13[%get3A_492] : memref<10000xf32, #tpu.memory_space<vmem>>[vector<16xi32>], vector<16xf32>,
      %sub3A_495 = arith.subf %gather3A_493, %gather3A_494 : vector<16xf32>
      %gather3A_496 = tpu.vector_load_idx %arg14[%get3A_488] : memref<10000xf32, #tpu.memory_space<vmem>>[vector<16xi32>], vector<16xf32>,
      %gather3A_497 = tpu.vector_load_idx %arg14[%get3A_492] : memref<10000xf32, #tpu.memory_space<vmem>>[vector<16xi32>], vector<16xf32>,
      %sub3A_498 = arith.subf %gather3A_496, %gather3A_497 : vector<16xf32>
      %gather3A_499 = tpu.vector_load_idx %arg15[%get3A_488] : memref<10000xf32, #tpu.memory_space<vmem>>[vector<16xi32>], vector<16xf32>,
      %gather3A_500 = tpu.vector_load_idx %arg15[%get3A_492] : memref<10000xf32, #tpu.memory_space<vmem>>[vector<16xi32>], vector<16xf32>,
      %sub3A_501 = arith.subf %gather3A_499, %gather3A_500 : vector<16xf32>
      %mul3A_502 = arith.mulf %sub3A_495, %sub3A_495 : vector<16xf32>
      %mul3A_503 = arith.mulf %sub3A_498, %sub3A_498 : vector<16xf32>
      %add3A_504 = arith.addf %mul3A_502, %mul3A_503 : vector<16xf32>
      %mul3A_505 = arith.mulf %sub3A_501, %sub3A_501 : vector<16xf32>
      %add3A_506 = arith.addf %add3A_504, %mul3A_505 : vector<16xf32>
      %swap3A_507 = arith.constant 320 : index
      %swap3A_508 = tpu.vector_load %arg16[%swap3A_507] {strides = array<i32>} : memref<400xf32, #tpu.memory_space<vmem>>, vector<16xf32>,
      tpu.vector_store %arg16[%swap3A_507], %add3A_506 {strides = array<i32>} : memref<400xf32, #tpu.memory_space<vmem>>, vector<16xf32>,
      %get3A_509 = arith.constant 4 : i32
      %get3A_510 = arith.index_cast %get3A_509 : i32 to index
      %get3A_511 = arith.constant 16 : index
      %get3A_512 = tpu.vector_load %arg11[%get3A_510, %get3A_511] {strides = array<i32>} : memref<5x80xi32, #tpu.memory_space<vmem>>, vector<16xi32>,
      %get3A_513 = arith.constant 4 : i32
      %get3A_514 = arith.index_cast %get3A_513 : i32 to index
      %get3A_515 = arith.constant 16 : index
      %get3A_516 = tpu.vector_load %arg12[%get3A_514, %get3A_515] {strides = array<i32>} : memref<5x80xi32, #tpu.memory_space<vmem>>, vector<16xi32>,
      %gather3A_517 = tpu.vector_load_idx %arg13[%get3A_512] : memref<10000xf32, #tpu.memory_space<vmem>>[vector<16xi32>], vector<16xf32>,
      %gather3A_518 = tpu.vector_load_idx %arg13[%get3A_516] : memref<10000xf32, #tpu.memory_space<vmem>>[vector<16xi32>], vector<16xf32>,
      %sub3A_519 = arith.subf %gather3A_517, %gather3A_518 : vector<16xf32>
      %gather3A_520 = tpu.vector_load_idx %arg14[%get3A_512] : memref<10000xf32, #tpu.memory_space<vmem>>[vector<16xi32>], vector<16xf32>,
      %gather3A_521 = tpu.vector_load_idx %arg14[%get3A_516] : memref<10000xf32, #tpu.memory_space<vmem>>[vector<16xi32>], vector<16xf32>,
      %sub3A_522 = arith.subf %gather3A_520, %gather3A_521 : vector<16xf32>
      %gather3A_523 = tpu.vector_load_idx %arg15[%get3A_512] : memref<10000xf32, #tpu.memory_space<vmem>>[vector<16xi32>], vector<16xf32>,
      %gather3A_524 = tpu.vector_load_idx %arg15[%get3A_516] : memref<10000xf32, #tpu.memory_space<vmem>>[vector<16xi32>], vector<16xf32>,
      %sub3A_525 = arith.subf %gather3A_523, %gather3A_524 : vector<16xf32>
      %mul3A_526 = arith.mulf %sub3A_519, %sub3A_519 : vector<16xf32>
      %mul3A_527 = arith.mulf %sub3A_522, %sub3A_522 : vector<16xf32>
      %add3A_528 = arith.addf %mul3A_526, %mul3A_527 : vector<16xf32>
      %mul3A_529 = arith.mulf %sub3A_525, %sub3A_525 : vector<16xf32>
      %add3A_530 = arith.addf %add3A_528, %mul3A_529 : vector<16xf32>
      %swap3A_531 = arith.constant 336 : index
      %swap3A_532 = tpu.vector_load %arg16[%swap3A_531] {strides = array<i32>} : memref<400xf32, #tpu.memory_space<vmem>>, vector<16xf32>,
      tpu.vector_store %arg16[%swap3A_531], %add3A_530 {strides = array<i32>} : memref<400xf32, #tpu.memory_space<vmem>>, vector<16xf32>,
      %get3A_533 = arith.constant 4 : i32
      %get3A_534 = arith.index_cast %get3A_533 : i32 to index
      %get3A_535 = arith.constant 32 : index
      %get3A_536 = tpu.vector_load %arg11[%get3A_534, %get3A_535] {strides = array<i32>} : memref<5x80xi32, #tpu.memory_space<vmem>>, vector<16xi32>,
      %get3A_537 = arith.constant 4 : i32
      %get3A_538 = arith.index_cast %get3A_537 : i32 to index
      %get3A_539 = arith.constant 32 : index
      %get3A_540 = tpu.vector_load %arg12[%get3A_538, %get3A_539] {strides = array<i32>} : memref<5x80xi32, #tpu.memory_space<vmem>>, vector<16xi32>,
      %gather3A_541 = tpu.vector_load_idx %arg13[%get3A_536] : memref<10000xf32, #tpu.memory_space<vmem>>[vector<16xi32>], vector<16xf32>,
      %gather3A_542 = tpu.vector_load_idx %arg13[%get3A_540] : memref<10000xf32, #tpu.memory_space<vmem>>[vector<16xi32>], vector<16xf32>,
      %sub3A_543 = arith.subf %gather3A_541, %gather3A_542 : vector<16xf32>
      %gather3A_544 = tpu.vector_load_idx %arg14[%get3A_536] : memref<10000xf32, #tpu.memory_space<vmem>>[vector<16xi32>], vector<16xf32>,
      %gather3A_545 = tpu.vector_load_idx %arg14[%get3A_540] : memref<10000xf32, #tpu.memory_space<vmem>>[vector<16xi32>], vector<16xf32>,
      %sub3A_546 = arith.subf %gather3A_544, %gather3A_545 : vector<16xf32>
      %gather3A_547 = tpu.vector_load_idx %arg15[%get3A_536] : memref<10000xf32, #tpu.memory_space<vmem>>[vector<16xi32>], vector<16xf32>,
      %gather3A_548 = tpu.vector_load_idx %arg15[%get3A_540] : memref<10000xf32, #tpu.memory_space<vmem>>[vector<16xi32>], vector<16xf32>,
      %sub3A_549 = arith.subf %gather3A_547, %gather3A_548 : vector<16xf32>
      %mul3A_550 = arith.mulf %sub3A_543, %sub3A_543 : vector<16xf32>
      %mul3A_551 = arith.mulf %sub3A_546, %sub3A_546 : vector<16xf32>
      %add3A_552 = arith.addf %mul3A_550, %mul3A_551 : vector<16xf32>
      %mul3A_553 = arith.mulf %sub3A_549, %sub3A_549 : vector<16xf32>
      %add3A_554 = arith.addf %add3A_552, %mul3A_553 : vector<16xf32>
      %swap3A_555 = arith.constant 352 : index
      %swap3A_556 = tpu.vector_load %arg16[%swap3A_555] {strides = array<i32>} : memref<400xf32, #tpu.memory_space<vmem>>, vector<16xf32>,
      tpu.vector_store %arg16[%swap3A_555], %add3A_554 {strides = array<i32>} : memref<400xf32, #tpu.memory_space<vmem>>, vector<16xf32>,
      %get3A_557 = arith.constant 4 : i32
      %get3A_558 = arith.index_cast %get3A_557 : i32 to index
      %get3A_559 = arith.constant 48 : index
      %get3A_560 = tpu.vector_load %arg11[%get3A_558, %get3A_559] {strides = array<i32>} : memref<5x80xi32, #tpu.memory_space<vmem>>, vector<16xi32>,
      %get3A_561 = arith.constant 4 : i32
      %get3A_562 = arith.index_cast %get3A_561 : i32 to index
      %get3A_563 = arith.constant 48 : index
      %get3A_564 = tpu.vector_load %arg12[%get3A_562, %get3A_563] {strides = array<i32>} : memref<5x80xi32, #tpu.memory_space<vmem>>, vector<16xi32>,
      %gather3A_565 = tpu.vector_load_idx %arg13[%get3A_560] : memref<10000xf32, #tpu.memory_space<vmem>>[vector<16xi32>], vector<16xf32>,
      %gather3A_566 = tpu.vector_load_idx %arg13[%get3A_564] : memref<10000xf32, #tpu.memory_space<vmem>>[vector<16xi32>], vector<16xf32>,
      %sub3A_567 = arith.subf %gather3A_565, %gather3A_566 : vector<16xf32>
      %gather3A_568 = tpu.vector_load_idx %arg14[%get3A_560] : memref<10000xf32, #tpu.memory_space<vmem>>[vector<16xi32>], vector<16xf32>,
      %gather3A_569 = tpu.vector_load_idx %arg14[%get3A_564] : memref<10000xf32, #tpu.memory_space<vmem>>[vector<16xi32>], vector<16xf32>,
      %sub3A_570 = arith.subf %gather3A_568, %gather3A_569 : vector<16xf32>
      %gather3A_571 = tpu.vector_load_idx %arg15[%get3A_560] : memref<10000xf32, #tpu.memory_space<vmem>>[vector<16xi32>], vector<16xf32>,
      %gather3A_572 = tpu.vector_load_idx %arg15[%get3A_564] : memref<10000xf32, #tpu.memory_space<vmem>>[vector<16xi32>], vector<16xf32>,
      %sub3A_573 = arith.subf %gather3A_571, %gather3A_572 : vector<16xf32>
      %mul3A_574 = arith.mulf %sub3A_567, %sub3A_567 : vector<16xf32>
      %mul3A_575 = arith.mulf %sub3A_570, %sub3A_570 : vector<16xf32>
      %add3A_576 = arith.addf %mul3A_574, %mul3A_575 : vector<16xf32>
      %mul3A_577 = arith.mulf %sub3A_573, %sub3A_573 : vector<16xf32>
      %add3A_578 = arith.addf %add3A_576, %mul3A_577 : vector<16xf32>
      %swap3A_579 = arith.constant 368 : index
      %swap3A_580 = tpu.vector_load %arg16[%swap3A_579] {strides = array<i32>} : memref<400xf32, #tpu.memory_space<vmem>>, vector<16xf32>,
      tpu.vector_store %arg16[%swap3A_579], %add3A_578 {strides = array<i32>} : memref<400xf32, #tpu.memory_space<vmem>>, vector<16xf32>,
      %get3A_581 = arith.constant 4 : i32
      %get3A_582 = arith.index_cast %get3A_581 : i32 to index
      %get3A_583 = arith.constant 64 : index
      %get3A_584 = tpu.vector_load %arg11[%get3A_582, %get3A_583] {strides = array<i32>} : memref<5x80xi32, #tpu.memory_space<vmem>>, vector<16xi32>,
      %get3A_585 = arith.constant 4 : i32
      %get3A_586 = arith.index_cast %get3A_585 : i32 to index
      %get3A_587 = arith.constant 64 : index
      %get3A_588 = tpu.vector_load %arg12[%get3A_586, %get3A_587] {strides = array<i32>} : memref<5x80xi32, #tpu.memory_space<vmem>>, vector<16xi32>,
      %gather3A_589 = tpu.vector_load_idx %arg13[%get3A_584] : memref<10000xf32, #tpu.memory_space<vmem>>[vector<16xi32>], vector<16xf32>,
      %gather3A_590 = tpu.vector_load_idx %arg13[%get3A_588] : memref<10000xf32, #tpu.memory_space<vmem>>[vector<16xi32>], vector<16xf32>,
      %sub3A_591 = arith.subf %gather3A_589, %gather3A_590 : vector<16xf32>
      %gather3A_592 = tpu.vector_load_idx %arg14[%get3A_584] : memref<10000xf32, #tpu.memory_space<vmem>>[vector<16xi32>], vector<16xf32>,
      %gather3A_593 = tpu.vector_load_idx %arg14[%get3A_588] : memref<10000xf32, #tpu.memory_space<vmem>>[vector<16xi32>], vector<16xf32>,
      %sub3A_594 = arith.subf %gather3A_592, %gather3A_593 : vector<16xf32>
      %gather3A_595 = tpu.vector_load_idx %arg15[%get3A_584] : memref<10000xf32, #tpu.memory_space<vmem>>[vector<16xi32>], vector<16xf32>,
      %gather3A_596 = tpu.vector_load_idx %arg15[%get3A_588] : memref<10000xf32, #tpu.memory_space<vmem>>[vector<16xi32>], vector<16xf32>,
      %sub3A_597 = arith.subf %gather3A_595, %gather3A_596 : vector<16xf32>
      %mul3A_598 = arith.mulf %sub3A_591, %sub3A_591 : vector<16xf32>
      %mul3A_599 = arith.mulf %sub3A_594, %sub3A_594 : vector<16xf32>
      %add3A_600 = arith.addf %mul3A_598, %mul3A_599 : vector<16xf32>
      %mul3A_601 = arith.mulf %sub3A_597, %sub3A_597 : vector<16xf32>
      %add3A_602 = arith.addf %add3A_600, %mul3A_601 : vector<16xf32>
      %swap3A_603 = arith.constant 384 : index
      %swap3A_604 = tpu.vector_load %arg16[%swap3A_603] {strides = array<i32>} : memref<400xf32, #tpu.memory_space<vmem>>, vector<16xf32>,
      tpu.vector_store %arg16[%swap3A_603], %add3A_602 {strides = array<i32>} : memref<400xf32, #tpu.memory_space<vmem>>, vector<16xf32>,
      %mul3A_605 = arith.constant 10000 : i32
      %mul3A_606 = arith.muli %add3A, %mul3A_605 : i32
      %mul3A_607 = arith.constant 5 : i32
      %mul3A_608 = arith.muli %scan3A_8, %mul3A_607 : i32
      %mul3A_609 = arith.constant 80 : i32
      %mul3A_610 = arith.muli %mul3A_608, %mul3A_609 : i32
      %add3A_611 = arith.addi %mul3A_606, %mul3A_610 : i32
      "tpu.region"() ({
        %run_scoped3A = tpu.sem_alloc : memref<!tpu.dma_semaphore, #tpu.memory_space<semaphore_mem>>
        %dma_start3A = tpu.memref_slice %arg9[%add3A_611] : memref<320000xf32, #tpu.memory_space<hbm>> -> memref<400xf32, #tpu.memory_space<hbm>>
        %dma_start3A_612 = tpu.memref_slice %arg9[%add3A_611] : memref<320000xf32, #tpu.memory_space<hbm>> -> memref<400xf32, #tpu.memory_space<hbm>>
        tpu.enqueue_dma source(%arg16 : memref<400xf32, #tpu.memory_space<vmem>>) target(%dma_start3A_612 : memref<400xf32, #tpu.memory_space<hbm>>) target_semaphore(%run_scoped3A : memref<!tpu.dma_semaphore, #tpu.memory_space<semaphore_mem>>)
        %dma_wait3A = tpu.memref_slice %arg9[%add3A_611] : memref<320000xf32, #tpu.memory_space<hbm>> -> memref<400xf32, #tpu.memory_space<hbm>>
        %dma_wait3A_613 = tpu.memref_slice %arg9[%add3A_611] : memref<320000xf32, #tpu.memory_space<hbm>> -> memref<400xf32, #tpu.memory_space<hbm>>
        tpu.wait_dma2 semaphore(%run_scoped3A : memref<!tpu.dma_semaphore, #tpu.memory_space<semaphore_mem>>) src(%arg16 : memref<400xf32, #tpu.memory_space<vmem>>) dst(%dma_wait3A_613 : memref<400xf32, #tpu.memory_space<hbm>>)
        tpu.yield
      }) : () -> ()
    }
    %scan3A_5 = arith.constant 25 : i32
    %lt3A = arith.constant 25 : i32
    %lt3A_6 = arith.cmpi slt, %add3A, %lt3A : i32
    %convert_element_type3A = arith.extui %lt3A_6 : i1 to i32
    %cond3A = arith.constant 0 : i32
    %cond3A_7 = arith.cmpi ne, %convert_element_type3A, %cond3A : i32
    scf.if %cond3A_7 {
      %mul3A_8 = arith.constant 400 : i32
      %mul3A_9 = arith.muli %add3A, %mul3A_8 : i32
      "tpu.region"() ({
        %run_scoped3A = tpu.sem_alloc : memref<!tpu.dma_semaphore, #tpu.memory_space<semaphore_mem>>
        %dma_start3A = tpu.memref_slice %arg7[%mul3A_9] : memref<10000xi32, #tpu.memory_space<hbm>> -> memref<400xi32, #tpu.memory_space<hbm>>
        %dma_start3A_12 = tpu.memref_slice %arg7[%mul3A_9] : memref<10000xi32, #tpu.memory_space<hbm>> -> memref<400xi32, #tpu.memory_space<hbm>>
        tpu.enqueue_dma source(%dma_start3A_12 : memref<400xi32, #tpu.memory_space<hbm>>) target(%arg17 : memref<400xi32, #tpu.memory_space<vmem>>) target_semaphore(%run_scoped3A : memref<!tpu.dma_semaphore, #tpu.memory_space<semaphore_mem>>)
        %dma_wait3A = tpu.memref_slice %arg7[%mul3A_9] : memref<10000xi32, #tpu.memory_space<hbm>> -> memref<400xi32, #tpu.memory_space<hbm>>
        %dma_wait3A_13 = tpu.memref_slice %arg7[%mul3A_9] : memref<10000xi32, #tpu.memory_space<hbm>> -> memref<400xi32, #tpu.memory_space<hbm>>
        tpu.wait_dma2 semaphore(%run_scoped3A : memref<!tpu.dma_semaphore, #tpu.memory_space<semaphore_mem>>) src(%dma_wait3A_13 : memref<400xi32, #tpu.memory_space<hbm>>) dst(%arg17 : memref<400xi32, #tpu.memory_space<vmem>>)
        tpu.yield
      }) : () -> ()
      "tpu.region"() ({
        %run_scoped3A = tpu.sem_alloc : memref<!tpu.dma_semaphore, #tpu.memory_space<semaphore_mem>>
        %dma_start3A = arith.constant 0 : i32
        %dma_start3A_12 = arith.constant 0 : i32
        %dma_start3A_13 = tpu.memref_slice %arg8[%dma_start3A, %dma_start3A_12] : memref<118x128xf32, #tpu.memory_space<hbm>> -> memref<118x128xf32, #tpu.memory_space<hbm>>
        tpu.enqueue_indirect_dma source(%dma_start3A_13 : memref<118x128xf32, #tpu.memory_space<hbm>>) target(%arg18 : memref<400x128xf32, #tpu.memory_space<vmem>>) offsets(%arg17 : memref<400xi32, #tpu.memory_space<vmem>>) semaphore(%run_scoped3A : memref<!tpu.dma_semaphore, #tpu.memory_space<semaphore_mem>>)
        %dma_wait3A = arith.constant 0 : i32
        %dma_wait3A_14 = arith.constant 0 : i32
        %dma_wait3A_15 = tpu.memref_slice %arg8[%dma_wait3A, %dma_wait3A_14] : memref<118x128xf32, #tpu.memory_space<hbm>> -> memref<118x128xf32, #tpu.memory_space<hbm>>
        tpu.wait_indirect_dma semaphore(%run_scoped3A : memref<!tpu.dma_semaphore, #tpu.memory_space<semaphore_mem>>) src(%dma_wait3A_15 : memref<118x128xf32, #tpu.memory_space<hbm>>) dst(%arg18 : memref<400x128xf32, #tpu.memory_space<vmem>>)
        tpu.yield
      }) : () -> ()
      %mul3A_10 = arith.constant 400 : i32
      %mul3A_11 = arith.muli %add3A, %mul3A_10 : i32
      "tpu.region"() ({
        %run_scoped3A = tpu.sem_alloc : memref<!tpu.dma_semaphore, #tpu.memory_space<semaphore_mem>>
        %dma_start3A = arith.constant 0 : i32
        %dma_start3A_12 = tpu.memref_slice %arg10[%mul3A_11, %dma_start3A] : memref<10000x128xf32, #tpu.memory_space<hbm>> -> memref<400x128xf32, #tpu.memory_space<hbm>>
        %dma_start3A_13 = arith.constant 0 : i32
        %dma_start3A_14 = tpu.memref_slice %arg10[%mul3A_11, %dma_start3A_13] : memref<10000x128xf32, #tpu.memory_space<hbm>> -> memref<400x128xf32, #tpu.memory_space<hbm>>
        tpu.enqueue_dma source(%arg18 : memref<400x128xf32, #tpu.memory_space<vmem>>) target(%dma_start3A_14 : memref<400x128xf32, #tpu.memory_space<hbm>>) target_semaphore(%run_scoped3A : memref<!tpu.dma_semaphore, #tpu.memory_space<semaphore_mem>>)
        %dma_wait3A = arith.constant 0 : i32
        %dma_wait3A_15 = tpu.memref_slice %arg10[%mul3A_11, %dma_wait3A] : memref<10000x128xf32, #tpu.memory_space<hbm>> -> memref<400x128xf32, #tpu.memory_space<hbm>>
        %dma_wait3A_16 = arith.constant 0 : i32
        %dma_wait3A_17 = tpu.memref_slice %arg10[%mul3A_11, %dma_wait3A_16] : memref<10000x128xf32, #tpu.memory_space<hbm>> -> memref<400x128xf32, #tpu.memory_space<hbm>>
        tpu.wait_dma2 semaphore(%run_scoped3A : memref<!tpu.dma_semaphore, #tpu.memory_space<semaphore_mem>>) src(%arg18 : memref<400x128xf32, #tpu.memory_space<vmem>>) dst(%dma_wait3A_17 : memref<400x128xf32, #tpu.memory_space<hbm>>)
        tpu.yield
      }) : () -> ()
    } else {
    }
    return
  }
}

#map = affine_map<(d0, d1) -> (0, 0)>
#map1 = affine_map<(d0, d1) -> (0, 0, 0, 0)>
#map2 = affine_map<(d0, d1) -> (0, 0, 0)>
module attributes {stable_mosaic.version = 14 : i64} {
  func.func @_k2_body(%arg0: i32, %arg1: i32, %arg2: memref<10000x128xf32, #tpu.memory_space<hbm>>, %arg3: memref<320000x128xf32, #tpu.memory_space<hbm>>, %arg4: memref<32x25x5x80xi32, #tpu.memory_space<hbm>>, %arg5: memref<32x25x5x80xi32, #tpu.memory_space<hbm>>, %arg6: memref<10000x128xf32, #tpu.memory_space<hbm>>, %arg7: memref<2x10000x128xf32, #tpu.memory_space<hbm>>, %arg8: memref<5x80xi32, #tpu.memory_space<vmem>>, %arg9: memref<5x80xi32, #tpu.memory_space<vmem>>, %arg10: memref<80x128xf32, #tpu.memory_space<vmem>>, %arg11: memref<80x128xf32, #tpu.memory_space<vmem>>, %arg12: memref<10000x128xf32, #tpu.memory_space<vmem_shared>>) attributes {dimension_semantics = [#tpu.dimension_semantics<core_parallel>, #tpu.dimension_semantics<subcore_parallel>], iteration_bounds = array<i64: 2, 16>, scalar_prefetch = 0 : i64, scratch_operands = 5 : i64, tpu.core_type = #tpu.core_type<sc_vector_subcore>, window_params = [{transform_indices = #map}, {transform_indices = #map}, {transform_indices = #map1}, {transform_indices = #map1}, {transform_indices = #map}, {transform_indices = #map2}]} {
    %mul3A = arith.constant 16 : i32
    %mul3A_0 = arith.muli %arg0, %mul3A : i32
    %add3A = arith.addi %mul3A_0, %arg1 : i32
    %lt3A = arith.constant 15 : i32
    %lt3A_1 = arith.cmpi slt, %arg1, %lt3A : i32
    %convert_element_type3A = arith.extui %lt3A_1 : i1 to i32
    %cond3A = arith.constant 0 : i32
    %cond3A_2 = arith.cmpi ne, %convert_element_type3A, %cond3A : i32
    scf.if %cond3A_2 {
      %mul3A_23 = arith.constant 624 : i32
      %mul3A_24 = arith.muli %arg1, %mul3A_23 : i32
      %mul3A_25 = arith.constant 624 : i32
      %mul3A_26 = arith.muli %arg1, %mul3A_25 : i32
      "tpu.region"() ({
        %run_scoped3A = tpu.sem_alloc : memref<!tpu.dma_semaphore, #tpu.memory_space<semaphore_mem>>
        %dma_start3A = arith.constant 0 : i32
        %dma_start3A_27 = tpu.memref_slice %arg12[%mul3A_26, %dma_start3A] : memref<10000x128xf32, #tpu.memory_space<vmem_shared>> -> memref<624x128xf32, #tpu.memory_space<vmem_shared>>
        %dma_start3A_28 = arith.constant 0 : i32
        %dma_start3A_29 = tpu.memref_slice %arg6[%mul3A_24, %dma_start3A_28] : memref<10000x128xf32, #tpu.memory_space<hbm>> -> memref<624x128xf32, #tpu.memory_space<hbm>>
        tpu.enqueue_dma source(%dma_start3A_29 : memref<624x128xf32, #tpu.memory_space<hbm>>) target(%dma_start3A_27 : memref<624x128xf32, #tpu.memory_space<vmem_shared>>) target_semaphore(%run_scoped3A : memref<!tpu.dma_semaphore, #tpu.memory_space<semaphore_mem>>)
        %dma_wait3A = arith.constant 0 : i32
        %dma_wait3A_30 = tpu.memref_slice %arg12[%mul3A_26, %dma_wait3A] : memref<10000x128xf32, #tpu.memory_space<vmem_shared>> -> memref<624x128xf32, #tpu.memory_space<vmem_shared>>
        %dma_wait3A_31 = arith.constant 0 : i32
        %dma_wait3A_32 = tpu.memref_slice %arg6[%mul3A_24, %dma_wait3A_31] : memref<10000x128xf32, #tpu.memory_space<hbm>> -> memref<624x128xf32, #tpu.memory_space<hbm>>
        tpu.wait_dma2 semaphore(%run_scoped3A : memref<!tpu.dma_semaphore, #tpu.memory_space<semaphore_mem>>) src(%dma_wait3A_32 : memref<624x128xf32, #tpu.memory_space<hbm>>) dst(%dma_wait3A_30 : memref<624x128xf32, #tpu.memory_space<vmem_shared>>)
        tpu.yield
      }) : () -> ()
    } else {
    }
    %eq3A = arith.constant 15 : i32
    %eq3A_3 = arith.cmpi eq, %arg1, %eq3A : i32
    %convert_element_type3A_4 = arith.extui %eq3A_3 : i1 to i32
    %cond3A_5 = arith.constant 0 : i32
    %cond3A_6 = arith.cmpi ne, %convert_element_type3A_4, %cond3A_5 : i32
    scf.if %cond3A_6 {
      "tpu.region"() ({
        %run_scoped3A = tpu.sem_alloc : memref<!tpu.dma_semaphore, #tpu.memory_space<semaphore_mem>>
        %dma_start3A = arith.constant 9360 : i32
        %dma_start3A_23 = arith.constant 0 : i32
        %dma_start3A_24 = tpu.memref_slice %arg12[%dma_start3A, %dma_start3A_23] : memref<10000x128xf32, #tpu.memory_space<vmem_shared>> -> memref<640x128xf32, #tpu.memory_space<vmem_shared>>
        %dma_start3A_25 = arith.constant 9360 : i32
        %dma_start3A_26 = arith.constant 0 : i32
        %dma_start3A_27 = tpu.memref_slice %arg6[%dma_start3A_25, %dma_start3A_26] : memref<10000x128xf32, #tpu.memory_space<hbm>> -> memref<640x128xf32, #tpu.memory_space<hbm>>
        tpu.enqueue_dma source(%dma_start3A_27 : memref<640x128xf32, #tpu.memory_space<hbm>>) target(%dma_start3A_24 : memref<640x128xf32, #tpu.memory_space<vmem_shared>>) target_semaphore(%run_scoped3A : memref<!tpu.dma_semaphore, #tpu.memory_space<semaphore_mem>>)
        %dma_wait3A = arith.constant 9360 : i32
        %dma_wait3A_28 = arith.constant 0 : i32
        %dma_wait3A_29 = tpu.memref_slice %arg12[%dma_wait3A, %dma_wait3A_28] : memref<10000x128xf32, #tpu.memory_space<vmem_shared>> -> memref<640x128xf32, #tpu.memory_space<vmem_shared>>
        %dma_wait3A_30 = arith.constant 9360 : i32
        %dma_wait3A_31 = arith.constant 0 : i32
        %dma_wait3A_32 = tpu.memref_slice %arg6[%dma_wait3A_30, %dma_wait3A_31] : memref<10000x128xf32, #tpu.memory_space<hbm>> -> memref<640x128xf32, #tpu.memory_space<hbm>>
        tpu.wait_dma2 semaphore(%run_scoped3A : memref<!tpu.dma_semaphore, #tpu.memory_space<semaphore_mem>>) src(%dma_wait3A_32 : memref<640x128xf32, #tpu.memory_space<hbm>>) dst(%dma_wait3A_29 : memref<640x128xf32, #tpu.memory_space<vmem_shared>>)
        tpu.yield
      }) : () -> ()
    } else {
    }
    %barrier3A = arith.constant 0 : index
    tpu.barrier barrier_id(%barrier3A)
    %scan3A = arith.constant 0 : i32
    %scan3A_7 = arith.constant 0 : i32
    %scan3A_8 = arith.constant 25 : i32
    %scan3A_9 = arith.addi %scan3A_7, %scan3A_8 : i32
    %scan3A_10 = arith.constant 1 : i32
    scf.for %scan3A_23 = %scan3A_7 to %scan3A_9 step %scan3A_10  : i32 {
      "tpu.region"() ({
        %run_scoped3A_108 = tpu.sem_alloc : memref<!tpu.dma_semaphore, #tpu.memory_space<semaphore_mem>>
        %dma_start3A = arith.constant 0 : i32
        %dma_start3A_109 = arith.constant 0 : i32
        %dma_start3A_110 = tpu.memref_slice %arg4[%add3A, %scan3A_23, %dma_start3A, %dma_start3A_109] : memref<32x25x5x80xi32, #tpu.memory_space<hbm>> -> memref<1x1x5x80xi32, #tpu.memory_space<hbm>>
        %dma_start3A_111 = tpu.memref_squeeze %dma_start3A_110 : memref<1x1x5x80xi32, #tpu.memory_space<hbm>> -> memref<5x80xi32, #tpu.memory_space<hbm>>
        %dma_start3A_112 = arith.constant 0 : i32
        %dma_start3A_113 = arith.constant 0 : i32
        %dma_start3A_114 = tpu.memref_slice %arg4[%add3A, %scan3A_23, %dma_start3A_112, %dma_start3A_113] : memref<32x25x5x80xi32, #tpu.memory_space<hbm>> -> memref<1x1x5x80xi32, #tpu.memory_space<hbm>>
        %dma_start3A_115 = tpu.memref_squeeze %dma_start3A_114 : memref<1x1x5x80xi32, #tpu.memory_space<hbm>> -> memref<5x80xi32, #tpu.memory_space<hbm>>
        tpu.enqueue_dma source(%dma_start3A_115 : memref<5x80xi32, #tpu.memory_space<hbm>>) target(%arg8 : memref<5x80xi32, #tpu.memory_space<vmem>>) target_semaphore(%run_scoped3A_108 : memref<!tpu.dma_semaphore, #tpu.memory_space<semaphore_mem>>)
        %dma_wait3A = arith.constant 0 : i32
        %dma_wait3A_116 = arith.constant 0 : i32
        %dma_wait3A_117 = tpu.memref_slice %arg4[%add3A, %scan3A_23, %dma_wait3A, %dma_wait3A_116] : memref<32x25x5x80xi32, #tpu.memory_space<hbm>> -> memref<1x1x5x80xi32, #tpu.memory_space<hbm>>
        %dma_wait3A_118 = tpu.memref_squeeze %dma_wait3A_117 : memref<1x1x5x80xi32, #tpu.memory_space<hbm>> -> memref<5x80xi32, #tpu.memory_space<hbm>>
        %dma_wait3A_119 = arith.constant 0 : i32
        %dma_wait3A_120 = arith.constant 0 : i32
        %dma_wait3A_121 = tpu.memref_slice %arg4[%add3A, %scan3A_23, %dma_wait3A_119, %dma_wait3A_120] : memref<32x25x5x80xi32, #tpu.memory_space<hbm>> -> memref<1x1x5x80xi32, #tpu.memory_space<hbm>>
        %dma_wait3A_122 = tpu.memref_squeeze %dma_wait3A_121 : memref<1x1x5x80xi32, #tpu.memory_space<hbm>> -> memref<5x80xi32, #tpu.memory_space<hbm>>
        tpu.wait_dma2 semaphore(%run_scoped3A_108 : memref<!tpu.dma_semaphore, #tpu.memory_space<semaphore_mem>>) src(%dma_wait3A_122 : memref<5x80xi32, #tpu.memory_space<hbm>>) dst(%arg8 : memref<5x80xi32, #tpu.memory_space<vmem>>)
        tpu.yield
      }) : () -> ()
      "tpu.region"() ({
        %run_scoped3A_108 = tpu.sem_alloc : memref<!tpu.dma_semaphore, #tpu.memory_space<semaphore_mem>>
        %dma_start3A = arith.constant 0 : i32
        %dma_start3A_109 = arith.constant 0 : i32
        %dma_start3A_110 = tpu.memref_slice %arg5[%add3A, %scan3A_23, %dma_start3A, %dma_start3A_109] : memref<32x25x5x80xi32, #tpu.memory_space<hbm>> -> memref<1x1x5x80xi32, #tpu.memory_space<hbm>>
        %dma_start3A_111 = tpu.memref_squeeze %dma_start3A_110 : memref<1x1x5x80xi32, #tpu.memory_space<hbm>> -> memref<5x80xi32, #tpu.memory_space<hbm>>
        %dma_start3A_112 = arith.constant 0 : i32
        %dma_start3A_113 = arith.constant 0 : i32
        %dma_start3A_114 = tpu.memref_slice %arg5[%add3A, %scan3A_23, %dma_start3A_112, %dma_start3A_113] : memref<32x25x5x80xi32, #tpu.memory_space<hbm>> -> memref<1x1x5x80xi32, #tpu.memory_space<hbm>>
        %dma_start3A_115 = tpu.memref_squeeze %dma_start3A_114 : memref<1x1x5x80xi32, #tpu.memory_space<hbm>> -> memref<5x80xi32, #tpu.memory_space<hbm>>
        tpu.enqueue_dma source(%dma_start3A_115 : memref<5x80xi32, #tpu.memory_space<hbm>>) target(%arg9 : memref<5x80xi32, #tpu.memory_space<vmem>>) target_semaphore(%run_scoped3A_108 : memref<!tpu.dma_semaphore, #tpu.memory_space<semaphore_mem>>)
        %dma_wait3A = arith.constant 0 : i32
        %dma_wait3A_116 = arith.constant 0 : i32
        %dma_wait3A_117 = tpu.memref_slice %arg5[%add3A, %scan3A_23, %dma_wait3A, %dma_wait3A_116] : memref<32x25x5x80xi32, #tpu.memory_space<hbm>> -> memref<1x1x5x80xi32, #tpu.memory_space<hbm>>
        %dma_wait3A_118 = tpu.memref_squeeze %dma_wait3A_117 : memref<1x1x5x80xi32, #tpu.memory_space<hbm>> -> memref<5x80xi32, #tpu.memory_space<hbm>>
        %dma_wait3A_119 = arith.constant 0 : i32
        %dma_wait3A_120 = arith.constant 0 : i32
        %dma_wait3A_121 = tpu.memref_slice %arg5[%add3A, %scan3A_23, %dma_wait3A_119, %dma_wait3A_120] : memref<32x25x5x80xi32, #tpu.memory_space<hbm>> -> memref<1x1x5x80xi32, #tpu.memory_space<hbm>>
        %dma_wait3A_122 = tpu.memref_squeeze %dma_wait3A_121 : memref<1x1x5x80xi32, #tpu.memory_space<hbm>> -> memref<5x80xi32, #tpu.memory_space<hbm>>
        tpu.wait_dma2 semaphore(%run_scoped3A_108 : memref<!tpu.dma_semaphore, #tpu.memory_space<semaphore_mem>>) src(%dma_wait3A_122 : memref<5x80xi32, #tpu.memory_space<hbm>>) dst(%arg9 : memref<5x80xi32, #tpu.memory_space<vmem>>)
        tpu.yield
      }) : () -> ()
      %run_scoped3A = arith.constant 0 : i32
      "tpu.region"() ({
        %run_scoped3A_108 = tpu.sem_alloc : memref<!tpu.dma_semaphore, #tpu.memory_space<semaphore_mem>>
        %dma_start3A = arith.constant 0 : i32
        %dma_start3A_109 = tpu.memref_slice %arg8[%run_scoped3A, %dma_start3A] : memref<5x80xi32, #tpu.memory_space<vmem>> -> memref<1x80xi32, #tpu.memory_space<vmem>>
        %dma_start3A_110 = tpu.memref_squeeze %dma_start3A_109 : memref<1x80xi32, #tpu.memory_space<vmem>> -> memref<80xi32, #tpu.memory_space<vmem>>
        %dma_start3A_111 = arith.constant 0 : i32
        %dma_start3A_112 = arith.constant 0 : i32
        %dma_start3A_113 = tpu.memref_slice %arg2[%dma_start3A_111, %dma_start3A_112] : memref<10000x128xf32, #tpu.memory_space<hbm>> -> memref<10000x128xf32, #tpu.memory_space<hbm>>
        tpu.enqueue_indirect_dma source(%dma_start3A_113 : memref<10000x128xf32, #tpu.memory_space<hbm>>) target(%arg10 : memref<80x128xf32, #tpu.memory_space<vmem>>) offsets(%dma_start3A_110 : memref<80xi32, #tpu.memory_space<vmem>>) semaphore(%run_scoped3A_108 : memref<!tpu.dma_semaphore, #tpu.memory_space<semaphore_mem>>)
        %dma_wait3A = arith.constant 0 : i32
        %dma_wait3A_114 = tpu.memref_slice %arg8[%run_scoped3A, %dma_wait3A] : memref<5x80xi32, #tpu.memory_space<vmem>> -> memref<1x80xi32, #tpu.memory_space<vmem>>
        %dma_wait3A_115 = tpu.memref_squeeze %dma_wait3A_114 : memref<1x80xi32, #tpu.memory_space<vmem>> -> memref<80xi32, #tpu.memory_space<vmem>>
        %dma_wait3A_116 = arith.constant 0 : i32
        %dma_wait3A_117 = arith.constant 0 : i32
        %dma_wait3A_118 = tpu.memref_slice %arg2[%dma_wait3A_116, %dma_wait3A_117] : memref<10000x128xf32, #tpu.memory_space<hbm>> -> memref<10000x128xf32, #tpu.memory_space<hbm>>
        tpu.wait_indirect_dma semaphore(%run_scoped3A_108 : memref<!tpu.dma_semaphore, #tpu.memory_space<semaphore_mem>>) src(%dma_wait3A_118 : memref<10000x128xf32, #tpu.memory_space<hbm>>) dst(%arg10 : memref<80x128xf32, #tpu.memory_space<vmem>>)
        tpu.yield
      }) : () -> ()
      %mul3A_24 = arith.constant 10000 : i32
      %mul3A_25 = arith.muli %add3A, %mul3A_24 : i32
      %mul3A_26 = arith.constant 5 : i32
      %mul3A_27 = arith.muli %scan3A_23, %mul3A_26 : i32
      %add3A_28 = arith.constant 0 : i32
      %add3A_29 = arith.addi %mul3A_27, %add3A_28 : i32
      %mul3A_30 = arith.constant 80 : i32
      %mul3A_31 = arith.muli %add3A_29, %mul3A_30 : i32
      %add3A_32 = arith.addi %mul3A_25, %mul3A_31 : i32
      "tpu.region"() ({
        %run_scoped3A_108 = tpu.sem_alloc : memref<!tpu.dma_semaphore, #tpu.memory_space<semaphore_mem>>
        %dma_start3A = arith.constant 0 : i32
        %dma_start3A_109 = tpu.memref_slice %arg3[%add3A_32, %dma_start3A] : memref<320000x128xf32, #tpu.memory_space<hbm>> -> memref<80x128xf32, #tpu.memory_space<hbm>>
        %dma_start3A_110 = arith.constant 0 : i32
        %dma_start3A_111 = tpu.memref_slice %arg3[%add3A_32, %dma_start3A_110] : memref<320000x128xf32, #tpu.memory_space<hbm>> -> memref<80x128xf32, #tpu.memory_space<hbm>>
        tpu.enqueue_dma source(%dma_start3A_111 : memref<80x128xf32, #tpu.memory_space<hbm>>) target(%arg11 : memref<80x128xf32, #tpu.memory_space<vmem>>) target_semaphore(%run_scoped3A_108 : memref<!tpu.dma_semaphore, #tpu.memory_space<semaphore_mem>>)
        %dma_wait3A = arith.constant 0 : i32
        %dma_wait3A_112 = tpu.memref_slice %arg3[%add3A_32, %dma_wait3A] : memref<320000x128xf32, #tpu.memory_space<hbm>> -> memref<80x128xf32, #tpu.memory_space<hbm>>
        %dma_wait3A_113 = arith.constant 0 : i32
        %dma_wait3A_114 = tpu.memref_slice %arg3[%add3A_32, %dma_wait3A_113] : memref<320000x128xf32, #tpu.memory_space<hbm>> -> memref<80x128xf32, #tpu.memory_space<hbm>>
        tpu.wait_dma2 semaphore(%run_scoped3A_108 : memref<!tpu.dma_semaphore, #tpu.memory_space<semaphore_mem>>) src(%dma_wait3A_114 : memref<80x128xf32, #tpu.memory_space<hbm>>) dst(%arg11 : memref<80x128xf32, #tpu.memory_space<vmem>>)
        tpu.yield
      }) : () -> ()
      %scan3A_33 = arith.constant 0 : i32
      %scan3A_34 = arith.constant 0 : i32
      %scan3A_35 = arith.constant 80 : i32
      %scan3A_36 = arith.addi %scan3A_34, %scan3A_35 : i32
      %scan3A_37 = arith.constant 1 : i32
      scf.for %scan3A_108 = %scan3A_34 to %scan3A_36 step %scan3A_37  : i32 {
        %get3A = arith.index_cast %scan3A_108 : i32 to index
        %get3A_109 = arith.constant 0 : index
        %get3A_110 = tpu.vector_load %arg10[%get3A, %get3A_109] {strides = array<i32>} : memref<80x128xf32, #tpu.memory_space<vmem>>, vector<16xf32>,
        %get3A_111 = arith.index_cast %scan3A_108 : i32 to index
        %get3A_112 = arith.constant 0 : index
        %get3A_113 = tpu.vector_load %arg11[%get3A_111, %get3A_112] {strides = array<i32>} : memref<80x128xf32, #tpu.memory_space<vmem>>, vector<16xf32>,
        %mul3A_114 = arith.mulf %get3A_110, %get3A_113 : vector<16xf32>
        %swap3A = arith.index_cast %scan3A_108 : i32 to index
        %swap3A_115 = arith.constant 0 : index
        %swap3A_116 = tpu.vector_load %arg10[%swap3A, %swap3A_115] {strides = array<i32>} : memref<80x128xf32, #tpu.memory_space<vmem>>, vector<16xf32>,
        tpu.vector_store %arg10[%swap3A, %swap3A_115], %mul3A_114 {strides = array<i32>} : memref<80x128xf32, #tpu.memory_space<vmem>>, vector<16xf32>,
        %get3A_117 = arith.index_cast %scan3A_108 : i32 to index
        %get3A_118 = arith.constant 16 : index
        %get3A_119 = tpu.vector_load %arg10[%get3A_117, %get3A_118] {strides = array<i32>} : memref<80x128xf32, #tpu.memory_space<vmem>>, vector<16xf32>,
        %get3A_120 = arith.index_cast %scan3A_108 : i32 to index
        %get3A_121 = arith.constant 16 : index
        %get3A_122 = tpu.vector_load %arg11[%get3A_120, %get3A_121] {strides = array<i32>} : memref<80x128xf32, #tpu.memory_space<vmem>>, vector<16xf32>,
        %mul3A_123 = arith.mulf %get3A_119, %get3A_122 : vector<16xf32>
        %swap3A_124 = arith.index_cast %scan3A_108 : i32 to index
        %swap3A_125 = arith.constant 16 : index
        %swap3A_126 = tpu.vector_load %arg10[%swap3A_124, %swap3A_125] {strides = array<i32>} : memref<80x128xf32, #tpu.memory_space<vmem>>, vector<16xf32>,
        tpu.vector_store %arg10[%swap3A_124, %swap3A_125], %mul3A_123 {strides = array<i32>} : memref<80x128xf32, #tpu.memory_space<vmem>>, vector<16xf32>,
        %get3A_127 = arith.index_cast %scan3A_108 : i32 to index
        %get3A_128 = arith.constant 32 : index
        %get3A_129 = tpu.vector_load %arg10[%get3A_127, %get3A_128] {strides = array<i32>} : memref<80x128xf32, #tpu.memory_space<vmem>>, vector<16xf32>,
        %get3A_130 = arith.index_cast %scan3A_108 : i32 to index
        %get3A_131 = arith.constant 32 : index
        %get3A_132 = tpu.vector_load %arg11[%get3A_130, %get3A_131] {strides = array<i32>} : memref<80x128xf32, #tpu.memory_space<vmem>>, vector<16xf32>,
        %mul3A_133 = arith.mulf %get3A_129, %get3A_132 : vector<16xf32>
        %swap3A_134 = arith.index_cast %scan3A_108 : i32 to index
        %swap3A_135 = arith.constant 32 : index
        %swap3A_136 = tpu.vector_load %arg10[%swap3A_134, %swap3A_135] {strides = array<i32>} : memref<80x128xf32, #tpu.memory_space<vmem>>, vector<16xf32>,
        tpu.vector_store %arg10[%swap3A_134, %swap3A_135], %mul3A_133 {strides = array<i32>} : memref<80x128xf32, #tpu.memory_space<vmem>>, vector<16xf32>,
        %get3A_137 = arith.index_cast %scan3A_108 : i32 to index
        %get3A_138 = arith.constant 48 : index
        %get3A_139 = tpu.vector_load %arg10[%get3A_137, %get3A_138] {strides = array<i32>} : memref<80x128xf32, #tpu.memory_space<vmem>>, vector<16xf32>,
        %get3A_140 = arith.index_cast %scan3A_108 : i32 to index
        %get3A_141 = arith.constant 48 : index
        %get3A_142 = tpu.vector_load %arg11[%get3A_140, %get3A_141] {strides = array<i32>} : memref<80x128xf32, #tpu.memory_space<vmem>>, vector<16xf32>,
        %mul3A_143 = arith.mulf %get3A_139, %get3A_142 : vector<16xf32>
        %swap3A_144 = arith.index_cast %scan3A_108 : i32 to index
        %swap3A_145 = arith.constant 48 : index
        %swap3A_146 = tpu.vector_load %arg10[%swap3A_144, %swap3A_145] {strides = array<i32>} : memref<80x128xf32, #tpu.memory_space<vmem>>, vector<16xf32>,
        tpu.vector_store %arg10[%swap3A_144, %swap3A_145], %mul3A_143 {strides = array<i32>} : memref<80x128xf32, #tpu.memory_space<vmem>>, vector<16xf32>,
        %get3A_147 = arith.index_cast %scan3A_108 : i32 to index
        %get3A_148 = arith.constant 64 : index
        %get3A_149 = tpu.vector_load %arg10[%get3A_147, %get3A_148] {strides = array<i32>} : memref<80x128xf32, #tpu.memory_space<vmem>>, vector<16xf32>,
        %get3A_150 = arith.index_cast %scan3A_108 : i32 to index
        %get3A_151 = arith.constant 64 : index
        %get3A_152 = tpu.vector_load %arg11[%get3A_150, %get3A_151] {strides = array<i32>} : memref<80x128xf32, #tpu.memory_space<vmem>>, vector<16xf32>,
        %mul3A_153 = arith.mulf %get3A_149, %get3A_152 : vector<16xf32>
        %swap3A_154 = arith.index_cast %scan3A_108 : i32 to index
        %swap3A_155 = arith.constant 64 : index
        %swap3A_156 = tpu.vector_load %arg10[%swap3A_154, %swap3A_155] {strides = array<i32>} : memref<80x128xf32, #tpu.memory_space<vmem>>, vector<16xf32>,
        tpu.vector_store %arg10[%swap3A_154, %swap3A_155], %mul3A_153 {strides = array<i32>} : memref<80x128xf32, #tpu.memory_space<vmem>>, vector<16xf32>,
        %get3A_157 = arith.index_cast %scan3A_108 : i32 to index
        %get3A_158 = arith.constant 80 : index
        %get3A_159 = tpu.vector_load %arg10[%get3A_157, %get3A_158] {strides = array<i32>} : memref<80x128xf32, #tpu.memory_space<vmem>>, vector<16xf32>,
        %get3A_160 = arith.index_cast %scan3A_108 : i32 to index
        %get3A_161 = arith.constant 80 : index
        %get3A_162 = tpu.vector_load %arg11[%get3A_160, %get3A_161] {strides = array<i32>} : memref<80x128xf32, #tpu.memory_space<vmem>>, vector<16xf32>,
        %mul3A_163 = arith.mulf %get3A_159, %get3A_162 : vector<16xf32>
        %swap3A_164 = arith.index_cast %scan3A_108 : i32 to index
        %swap3A_165 = arith.constant 80 : index
        %swap3A_166 = tpu.vector_load %arg10[%swap3A_164, %swap3A_165] {strides = array<i32>} : memref<80x128xf32, #tpu.memory_space<vmem>>, vector<16xf32>,
        tpu.vector_store %arg10[%swap3A_164, %swap3A_165], %mul3A_163 {strides = array<i32>} : memref<80x128xf32, #tpu.memory_space<vmem>>, vector<16xf32>,
        %get3A_167 = arith.index_cast %scan3A_108 : i32 to index
        %get3A_168 = arith.constant 96 : index
        %get3A_169 = tpu.vector_load %arg10[%get3A_167, %get3A_168] {strides = array<i32>} : memref<80x128xf32, #tpu.memory_space<vmem>>, vector<16xf32>,
        %get3A_170 = arith.index_cast %scan3A_108 : i32 to index
        %get3A_171 = arith.constant 96 : index
        %get3A_172 = tpu.vector_load %arg11[%get3A_170, %get3A_171] {strides = array<i32>} : memref<80x128xf32, #tpu.memory_space<vmem>>, vector<16xf32>,
        %mul3A_173 = arith.mulf %get3A_169, %get3A_172 : vector<16xf32>
        %swap3A_174 = arith.index_cast %scan3A_108 : i32 to index
        %swap3A_175 = arith.constant 96 : index
        %swap3A_176 = tpu.vector_load %arg10[%swap3A_174, %swap3A_175] {strides = array<i32>} : memref<80x128xf32, #tpu.memory_space<vmem>>, vector<16xf32>,
        tpu.vector_store %arg10[%swap3A_174, %swap3A_175], %mul3A_173 {strides = array<i32>} : memref<80x128xf32, #tpu.memory_space<vmem>>, vector<16xf32>,
        %get3A_177 = arith.index_cast %scan3A_108 : i32 to index
        %get3A_178 = arith.constant 112 : index
        %get3A_179 = tpu.vector_load %arg10[%get3A_177, %get3A_178] {strides = array<i32>} : memref<80x128xf32, #tpu.memory_space<vmem>>, vector<16xf32>,
        %get3A_180 = arith.index_cast %scan3A_108 : i32 to index
        %get3A_181 = arith.constant 112 : index
        %get3A_182 = tpu.vector_load %arg11[%get3A_180, %get3A_181] {strides = array<i32>} : memref<80x128xf32, #tpu.memory_space<vmem>>, vector<16xf32>,
        %mul3A_183 = arith.mulf %get3A_179, %get3A_182 : vector<16xf32>
        %swap3A_184 = arith.index_cast %scan3A_108 : i32 to index
        %swap3A_185 = arith.constant 112 : index
        %swap3A_186 = tpu.vector_load %arg10[%swap3A_184, %swap3A_185] {strides = array<i32>} : memref<80x128xf32, #tpu.memory_space<vmem>>, vector<16xf32>,
        tpu.vector_store %arg10[%swap3A_184, %swap3A_185], %mul3A_183 {strides = array<i32>} : memref<80x128xf32, #tpu.memory_space<vmem>>, vector<16xf32>,
      }
      %scan3A_38 = arith.constant 80 : i32
      %run_scoped3A_39 = arith.constant 0 : i32
      "tpu.region"() ({
        %run_scoped3A_108 = tpu.sem_alloc : memref<!tpu.dma_semaphore, #tpu.memory_space<semaphore_mem>>
        %dma_start3A = arith.constant 0 : i32
        %dma_start3A_109 = tpu.memref_slice %arg9[%run_scoped3A_39, %dma_start3A] : memref<5x80xi32, #tpu.memory_space<vmem>> -> memref<1x80xi32, #tpu.memory_space<vmem>>
        %dma_start3A_110 = tpu.memref_squeeze %dma_start3A_109 : memref<1x80xi32, #tpu.memory_space<vmem>> -> memref<80xi32, #tpu.memory_space<vmem>>
        %dma_start3A_111 = arith.constant 0 : i32
        %dma_start3A_112 = arith.constant 0 : i32
        %dma_start3A_113 = tpu.memref_slice %arg12[%dma_start3A_111, %dma_start3A_112] : memref<10000x128xf32, #tpu.memory_space<vmem_shared>> -> memref<10000x128xf32, #tpu.memory_space<vmem_shared>>
        tpu.enqueue_indirect_dma source(%arg10 : memref<80x128xf32, #tpu.memory_space<vmem>>) target(%dma_start3A_113 : memref<10000x128xf32, #tpu.memory_space<vmem_shared>>) offsets(%dma_start3A_110 : memref<80xi32, #tpu.memory_space<vmem>>) semaphore(%run_scoped3A_108 : memref<!tpu.dma_semaphore, #tpu.memory_space<semaphore_mem>>) {add = true}
        %dma_wait3A = arith.constant 0 : i32
        %dma_wait3A_114 = tpu.memref_slice %arg9[%run_scoped3A_39, %dma_wait3A] : memref<5x80xi32, #tpu.memory_space<vmem>> -> memref<1x80xi32, #tpu.memory_space<vmem>>
        %dma_wait3A_115 = tpu.memref_squeeze %dma_wait3A_114 : memref<1x80xi32, #tpu.memory_space<vmem>> -> memref<80xi32, #tpu.memory_space<vmem>>
        %dma_wait3A_116 = arith.constant 0 : i32
        %dma_wait3A_117 = arith.constant 0 : i32
        %dma_wait3A_118 = tpu.memref_slice %arg12[%dma_wait3A_116, %dma_wait3A_117] : memref<10000x128xf32, #tpu.memory_space<vmem_shared>> -> memref<10000x128xf32, #tpu.memory_space<vmem_shared>>
        tpu.wait_indirect_dma semaphore(%run_scoped3A_108 : memref<!tpu.dma_semaphore, #tpu.memory_space<semaphore_mem>>) src(%arg10 : memref<80x128xf32, #tpu.memory_space<vmem>>) dst(%dma_wait3A_118 : memref<10000x128xf32, #tpu.memory_space<vmem_shared>>)
        tpu.yield
      }) : () -> ()
      %run_scoped3A_40 = arith.constant 1 : i32
      "tpu.region"() ({
        %run_scoped3A_108 = tpu.sem_alloc : memref<!tpu.dma_semaphore, #tpu.memory_space<semaphore_mem>>
        %dma_start3A = arith.constant 0 : i32
        %dma_start3A_109 = tpu.memref_slice %arg8[%run_scoped3A_40, %dma_start3A] : memref<5x80xi32, #tpu.memory_space<vmem>> -> memref<1x80xi32, #tpu.memory_space<vmem>>
        %dma_start3A_110 = tpu.memref_squeeze %dma_start3A_109 : memref<1x80xi32, #tpu.memory_space<vmem>> -> memref<80xi32, #tpu.memory_space<vmem>>
        %dma_start3A_111 = arith.constant 0 : i32
        %dma_start3A_112 = arith.constant 0 : i32
        %dma_start3A_113 = tpu.memref_slice %arg2[%dma_start3A_111, %dma_start3A_112] : memref<10000x128xf32, #tpu.memory_space<hbm>> -> memref<10000x128xf32, #tpu.memory_space<hbm>>
        tpu.enqueue_indirect_dma source(%dma_start3A_113 : memref<10000x128xf32, #tpu.memory_space<hbm>>) target(%arg10 : memref<80x128xf32, #tpu.memory_space<vmem>>) offsets(%dma_start3A_110 : memref<80xi32, #tpu.memory_space<vmem>>) semaphore(%run_scoped3A_108 : memref<!tpu.dma_semaphore, #tpu.memory_space<semaphore_mem>>)
        %dma_wait3A = arith.constant 0 : i32
        %dma_wait3A_114 = tpu.memref_slice %arg8[%run_scoped3A_40, %dma_wait3A] : memref<5x80xi32, #tpu.memory_space<vmem>> -> memref<1x80xi32, #tpu.memory_space<vmem>>
        %dma_wait3A_115 = tpu.memref_squeeze %dma_wait3A_114 : memref<1x80xi32, #tpu.memory_space<vmem>> -> memref<80xi32, #tpu.memory_space<vmem>>
        %dma_wait3A_116 = arith.constant 0 : i32
        %dma_wait3A_117 = arith.constant 0 : i32
        %dma_wait3A_118 = tpu.memref_slice %arg2[%dma_wait3A_116, %dma_wait3A_117] : memref<10000x128xf32, #tpu.memory_space<hbm>> -> memref<10000x128xf32, #tpu.memory_space<hbm>>
        tpu.wait_indirect_dma semaphore(%run_scoped3A_108 : memref<!tpu.dma_semaphore, #tpu.memory_space<semaphore_mem>>) src(%dma_wait3A_118 : memref<10000x128xf32, #tpu.memory_space<hbm>>) dst(%arg10 : memref<80x128xf32, #tpu.memory_space<vmem>>)
        tpu.yield
      }) : () -> ()
      %mul3A_41 = arith.constant 10000 : i32
      %mul3A_42 = arith.muli %add3A, %mul3A_41 : i32
      %mul3A_43 = arith.constant 5 : i32
      %mul3A_44 = arith.muli %scan3A_23, %mul3A_43 : i32
      %add3A_45 = arith.constant 1 : i32
      %add3A_46 = arith.addi %mul3A_44, %add3A_45 : i32
      %mul3A_47 = arith.constant 80 : i32
      %mul3A_48 = arith.muli %add3A_46, %mul3A_47 : i32
      %add3A_49 = arith.addi %mul3A_42, %mul3A_48 : i32
      "tpu.region"() ({
        %run_scoped3A_108 = tpu.sem_alloc : memref<!tpu.dma_semaphore, #tpu.memory_space<semaphore_mem>>
        %dma_start3A = arith.constant 0 : i32
        %dma_start3A_109 = tpu.memref_slice %arg3[%add3A_49, %dma_start3A] : memref<320000x128xf32, #tpu.memory_space<hbm>> -> memref<80x128xf32, #tpu.memory_space<hbm>>
        %dma_start3A_110 = arith.constant 0 : i32
        %dma_start3A_111 = tpu.memref_slice %arg3[%add3A_49, %dma_start3A_110] : memref<320000x128xf32, #tpu.memory_space<hbm>> -> memref<80x128xf32, #tpu.memory_space<hbm>>
        tpu.enqueue_dma source(%dma_start3A_111 : memref<80x128xf32, #tpu.memory_space<hbm>>) target(%arg11 : memref<80x128xf32, #tpu.memory_space<vmem>>) target_semaphore(%run_scoped3A_108 : memref<!tpu.dma_semaphore, #tpu.memory_space<semaphore_mem>>)
        %dma_wait3A = arith.constant 0 : i32
        %dma_wait3A_112 = tpu.memref_slice %arg3[%add3A_49, %dma_wait3A] : memref<320000x128xf32, #tpu.memory_space<hbm>> -> memref<80x128xf32, #tpu.memory_space<hbm>>
        %dma_wait3A_113 = arith.constant 0 : i32
        %dma_wait3A_114 = tpu.memref_slice %arg3[%add3A_49, %dma_wait3A_113] : memref<320000x128xf32, #tpu.memory_space<hbm>> -> memref<80x128xf32, #tpu.memory_space<hbm>>
        tpu.wait_dma2 semaphore(%run_scoped3A_108 : memref<!tpu.dma_semaphore, #tpu.memory_space<semaphore_mem>>) src(%dma_wait3A_114 : memref<80x128xf32, #tpu.memory_space<hbm>>) dst(%arg11 : memref<80x128xf32, #tpu.memory_space<vmem>>)
        tpu.yield
      }) : () -> ()
      %scan3A_50 = arith.constant 0 : i32
      %scan3A_51 = arith.constant 0 : i32
      %scan3A_52 = arith.constant 80 : i32
      %scan3A_53 = arith.addi %scan3A_51, %scan3A_52 : i32
      %scan3A_54 = arith.constant 1 : i32
      scf.for %scan3A_108 = %scan3A_51 to %scan3A_53 step %scan3A_54  : i32 {
        %get3A = arith.index_cast %scan3A_108 : i32 to index
        %get3A_109 = arith.constant 0 : index
        %get3A_110 = tpu.vector_load %arg10[%get3A, %get3A_109] {strides = array<i32>} : memref<80x128xf32, #tpu.memory_space<vmem>>, vector<16xf32>,
        %get3A_111 = arith.index_cast %scan3A_108 : i32 to index
        %get3A_112 = arith.constant 0 : index
        %get3A_113 = tpu.vector_load %arg11[%get3A_111, %get3A_112] {strides = array<i32>} : memref<80x128xf32, #tpu.memory_space<vmem>>, vector<16xf32>,
        %mul3A_114 = arith.mulf %get3A_110, %get3A_113 : vector<16xf32>
        %swap3A = arith.index_cast %scan3A_108 : i32 to index
        %swap3A_115 = arith.constant 0 : index
        %swap3A_116 = tpu.vector_load %arg10[%swap3A, %swap3A_115] {strides = array<i32>} : memref<80x128xf32, #tpu.memory_space<vmem>>, vector<16xf32>,
        tpu.vector_store %arg10[%swap3A, %swap3A_115], %mul3A_114 {strides = array<i32>} : memref<80x128xf32, #tpu.memory_space<vmem>>, vector<16xf32>,
        %get3A_117 = arith.index_cast %scan3A_108 : i32 to index
        %get3A_118 = arith.constant 16 : index
        %get3A_119 = tpu.vector_load %arg10[%get3A_117, %get3A_118] {strides = array<i32>} : memref<80x128xf32, #tpu.memory_space<vmem>>, vector<16xf32>,
        %get3A_120 = arith.index_cast %scan3A_108 : i32 to index
        %get3A_121 = arith.constant 16 : index
        %get3A_122 = tpu.vector_load %arg11[%get3A_120, %get3A_121] {strides = array<i32>} : memref<80x128xf32, #tpu.memory_space<vmem>>, vector<16xf32>,
        %mul3A_123 = arith.mulf %get3A_119, %get3A_122 : vector<16xf32>
        %swap3A_124 = arith.index_cast %scan3A_108 : i32 to index
        %swap3A_125 = arith.constant 16 : index
        %swap3A_126 = tpu.vector_load %arg10[%swap3A_124, %swap3A_125] {strides = array<i32>} : memref<80x128xf32, #tpu.memory_space<vmem>>, vector<16xf32>,
        tpu.vector_store %arg10[%swap3A_124, %swap3A_125], %mul3A_123 {strides = array<i32>} : memref<80x128xf32, #tpu.memory_space<vmem>>, vector<16xf32>,
        %get3A_127 = arith.index_cast %scan3A_108 : i32 to index
        %get3A_128 = arith.constant 32 : index
        %get3A_129 = tpu.vector_load %arg10[%get3A_127, %get3A_128] {strides = array<i32>} : memref<80x128xf32, #tpu.memory_space<vmem>>, vector<16xf32>,
        %get3A_130 = arith.index_cast %scan3A_108 : i32 to index
        %get3A_131 = arith.constant 32 : index
        %get3A_132 = tpu.vector_load %arg11[%get3A_130, %get3A_131] {strides = array<i32>} : memref<80x128xf32, #tpu.memory_space<vmem>>, vector<16xf32>,
        %mul3A_133 = arith.mulf %get3A_129, %get3A_132 : vector<16xf32>
        %swap3A_134 = arith.index_cast %scan3A_108 : i32 to index
        %swap3A_135 = arith.constant 32 : index
        %swap3A_136 = tpu.vector_load %arg10[%swap3A_134, %swap3A_135] {strides = array<i32>} : memref<80x128xf32, #tpu.memory_space<vmem>>, vector<16xf32>,
        tpu.vector_store %arg10[%swap3A_134, %swap3A_135], %mul3A_133 {strides = array<i32>} : memref<80x128xf32, #tpu.memory_space<vmem>>, vector<16xf32>,
        %get3A_137 = arith.index_cast %scan3A_108 : i32 to index
        %get3A_138 = arith.constant 48 : index
        %get3A_139 = tpu.vector_load %arg10[%get3A_137, %get3A_138] {strides = array<i32>} : memref<80x128xf32, #tpu.memory_space<vmem>>, vector<16xf32>,
        %get3A_140 = arith.index_cast %scan3A_108 : i32 to index
        %get3A_141 = arith.constant 48 : index
        %get3A_142 = tpu.vector_load %arg11[%get3A_140, %get3A_141] {strides = array<i32>} : memref<80x128xf32, #tpu.memory_space<vmem>>, vector<16xf32>,
        %mul3A_143 = arith.mulf %get3A_139, %get3A_142 : vector<16xf32>
        %swap3A_144 = arith.index_cast %scan3A_108 : i32 to index
        %swap3A_145 = arith.constant 48 : index
        %swap3A_146 = tpu.vector_load %arg10[%swap3A_144, %swap3A_145] {strides = array<i32>} : memref<80x128xf32, #tpu.memory_space<vmem>>, vector<16xf32>,
        tpu.vector_store %arg10[%swap3A_144, %swap3A_145], %mul3A_143 {strides = array<i32>} : memref<80x128xf32, #tpu.memory_space<vmem>>, vector<16xf32>,
        %get3A_147 = arith.index_cast %scan3A_108 : i32 to index
        %get3A_148 = arith.constant 64 : index
        %get3A_149 = tpu.vector_load %arg10[%get3A_147, %get3A_148] {strides = array<i32>} : memref<80x128xf32, #tpu.memory_space<vmem>>, vector<16xf32>,
        %get3A_150 = arith.index_cast %scan3A_108 : i32 to index
        %get3A_151 = arith.constant 64 : index
        %get3A_152 = tpu.vector_load %arg11[%get3A_150, %get3A_151] {strides = array<i32>} : memref<80x128xf32, #tpu.memory_space<vmem>>, vector<16xf32>,
        %mul3A_153 = arith.mulf %get3A_149, %get3A_152 : vector<16xf32>
        %swap3A_154 = arith.index_cast %scan3A_108 : i32 to index
        %swap3A_155 = arith.constant 64 : index
        %swap3A_156 = tpu.vector_load %arg10[%swap3A_154, %swap3A_155] {strides = array<i32>} : memref<80x128xf32, #tpu.memory_space<vmem>>, vector<16xf32>,
        tpu.vector_store %arg10[%swap3A_154, %swap3A_155], %mul3A_153 {strides = array<i32>} : memref<80x128xf32, #tpu.memory_space<vmem>>, vector<16xf32>,
        %get3A_157 = arith.index_cast %scan3A_108 : i32 to index
        %get3A_158 = arith.constant 80 : index
        %get3A_159 = tpu.vector_load %arg10[%get3A_157, %get3A_158] {strides = array<i32>} : memref<80x128xf32, #tpu.memory_space<vmem>>, vector<16xf32>,
        %get3A_160 = arith.index_cast %scan3A_108 : i32 to index
        %get3A_161 = arith.constant 80 : index
        %get3A_162 = tpu.vector_load %arg11[%get3A_160, %get3A_161] {strides = array<i32>} : memref<80x128xf32, #tpu.memory_space<vmem>>, vector<16xf32>,
        %mul3A_163 = arith.mulf %get3A_159, %get3A_162 : vector<16xf32>
        %swap3A_164 = arith.index_cast %scan3A_108 : i32 to index
        %swap3A_165 = arith.constant 80 : index
        %swap3A_166 = tpu.vector_load %arg10[%swap3A_164, %swap3A_165] {strides = array<i32>} : memref<80x128xf32, #tpu.memory_space<vmem>>, vector<16xf32>,
        tpu.vector_store %arg10[%swap3A_164, %swap3A_165], %mul3A_163 {strides = array<i32>} : memref<80x128xf32, #tpu.memory_space<vmem>>, vector<16xf32>,
        %get3A_167 = arith.index_cast %scan3A_108 : i32 to index
        %get3A_168 = arith.constant 96 : index
        %get3A_169 = tpu.vector_load %arg10[%get3A_167, %get3A_168] {strides = array<i32>} : memref<80x128xf32, #tpu.memory_space<vmem>>, vector<16xf32>,
        %get3A_170 = arith.index_cast %scan3A_108 : i32 to index
        %get3A_171 = arith.constant 96 : index
        %get3A_172 = tpu.vector_load %arg11[%get3A_170, %get3A_171] {strides = array<i32>} : memref<80x128xf32, #tpu.memory_space<vmem>>, vector<16xf32>,
        %mul3A_173 = arith.mulf %get3A_169, %get3A_172 : vector<16xf32>
        %swap3A_174 = arith.index_cast %scan3A_108 : i32 to index
        %swap3A_175 = arith.constant 96 : index
        %swap3A_176 = tpu.vector_load %arg10[%swap3A_174, %swap3A_175] {strides = array<i32>} : memref<80x128xf32, #tpu.memory_space<vmem>>, vector<16xf32>,
        tpu.vector_store %arg10[%swap3A_174, %swap3A_175], %mul3A_173 {strides = array<i32>} : memref<80x128xf32, #tpu.memory_space<vmem>>, vector<16xf32>,
        %get3A_177 = arith.index_cast %scan3A_108 : i32 to index
        %get3A_178 = arith.constant 112 : index
        %get3A_179 = tpu.vector_load %arg10[%get3A_177, %get3A_178] {strides = array<i32>} : memref<80x128xf32, #tpu.memory_space<vmem>>, vector<16xf32>,
        %get3A_180 = arith.index_cast %scan3A_108 : i32 to index
        %get3A_181 = arith.constant 112 : index
        %get3A_182 = tpu.vector_load %arg11[%get3A_180, %get3A_181] {strides = array<i32>} : memref<80x128xf32, #tpu.memory_space<vmem>>, vector<16xf32>,
        %mul3A_183 = arith.mulf %get3A_179, %get3A_182 : vector<16xf32>
        %swap3A_184 = arith.index_cast %scan3A_108 : i32 to index
        %swap3A_185 = arith.constant 112 : index
        %swap3A_186 = tpu.vector_load %arg10[%swap3A_184, %swap3A_185] {strides = array<i32>} : memref<80x128xf32, #tpu.memory_space<vmem>>, vector<16xf32>,
        tpu.vector_store %arg10[%swap3A_184, %swap3A_185], %mul3A_183 {strides = array<i32>} : memref<80x128xf32, #tpu.memory_space<vmem>>, vector<16xf32>,
      }
      %scan3A_55 = arith.constant 80 : i32
      %run_scoped3A_56 = arith.constant 1 : i32
      "tpu.region"() ({
        %run_scoped3A_108 = tpu.sem_alloc : memref<!tpu.dma_semaphore, #tpu.memory_space<semaphore_mem>>
        %dma_start3A = arith.constant 0 : i32
        %dma_start3A_109 = tpu.memref_slice %arg9[%run_scoped3A_56, %dma_start3A] : memref<5x80xi32, #tpu.memory_space<vmem>> -> memref<1x80xi32, #tpu.memory_space<vmem>>
        %dma_start3A_110 = tpu.memref_squeeze %dma_start3A_109 : memref<1x80xi32, #tpu.memory_space<vmem>> -> memref<80xi32, #tpu.memory_space<vmem>>
        %dma_start3A_111 = arith.constant 0 : i32
        %dma_start3A_112 = arith.constant 0 : i32
        %dma_start3A_113 = tpu.memref_slice %arg12[%dma_start3A_111, %dma_start3A_112] : memref<10000x128xf32, #tpu.memory_space<vmem_shared>> -> memref<10000x128xf32, #tpu.memory_space<vmem_shared>>
        tpu.enqueue_indirect_dma source(%arg10 : memref<80x128xf32, #tpu.memory_space<vmem>>) target(%dma_start3A_113 : memref<10000x128xf32, #tpu.memory_space<vmem_shared>>) offsets(%dma_start3A_110 : memref<80xi32, #tpu.memory_space<vmem>>) semaphore(%run_scoped3A_108 : memref<!tpu.dma_semaphore, #tpu.memory_space<semaphore_mem>>) {add = true}
        %dma_wait3A = arith.constant 0 : i32
        %dma_wait3A_114 = tpu.memref_slice %arg9[%run_scoped3A_56, %dma_wait3A] : memref<5x80xi32, #tpu.memory_space<vmem>> -> memref<1x80xi32, #tpu.memory_space<vmem>>
        %dma_wait3A_115 = tpu.memref_squeeze %dma_wait3A_114 : memref<1x80xi32, #tpu.memory_space<vmem>> -> memref<80xi32, #tpu.memory_space<vmem>>
        %dma_wait3A_116 = arith.constant 0 : i32
        %dma_wait3A_117 = arith.constant 0 : i32
        %dma_wait3A_118 = tpu.memref_slice %arg12[%dma_wait3A_116, %dma_wait3A_117] : memref<10000x128xf32, #tpu.memory_space<vmem_shared>> -> memref<10000x128xf32, #tpu.memory_space<vmem_shared>>
        tpu.wait_indirect_dma semaphore(%run_scoped3A_108 : memref<!tpu.dma_semaphore, #tpu.memory_space<semaphore_mem>>) src(%arg10 : memref<80x128xf32, #tpu.memory_space<vmem>>) dst(%dma_wait3A_118 : memref<10000x128xf32, #tpu.memory_space<vmem_shared>>)
        tpu.yield
      }) : () -> ()
      %run_scoped3A_57 = arith.constant 2 : i32
      "tpu.region"() ({
        %run_scoped3A_108 = tpu.sem_alloc : memref<!tpu.dma_semaphore, #tpu.memory_space<semaphore_mem>>
        %dma_start3A = arith.constant 0 : i32
        %dma_start3A_109 = tpu.memref_slice %arg8[%run_scoped3A_57, %dma_start3A] : memref<5x80xi32, #tpu.memory_space<vmem>> -> memref<1x80xi32, #tpu.memory_space<vmem>>
        %dma_start3A_110 = tpu.memref_squeeze %dma_start3A_109 : memref<1x80xi32, #tpu.memory_space<vmem>> -> memref<80xi32, #tpu.memory_space<vmem>>
        %dma_start3A_111 = arith.constant 0 : i32
        %dma_start3A_112 = arith.constant 0 : i32
        %dma_start3A_113 = tpu.memref_slice %arg2[%dma_start3A_111, %dma_start3A_112] : memref<10000x128xf32, #tpu.memory_space<hbm>> -> memref<10000x128xf32, #tpu.memory_space<hbm>>
        tpu.enqueue_indirect_dma source(%dma_start3A_113 : memref<10000x128xf32, #tpu.memory_space<hbm>>) target(%arg10 : memref<80x128xf32, #tpu.memory_space<vmem>>) offsets(%dma_start3A_110 : memref<80xi32, #tpu.memory_space<vmem>>) semaphore(%run_scoped3A_108 : memref<!tpu.dma_semaphore, #tpu.memory_space<semaphore_mem>>)
        %dma_wait3A = arith.constant 0 : i32
        %dma_wait3A_114 = tpu.memref_slice %arg8[%run_scoped3A_57, %dma_wait3A] : memref<5x80xi32, #tpu.memory_space<vmem>> -> memref<1x80xi32, #tpu.memory_space<vmem>>
        %dma_wait3A_115 = tpu.memref_squeeze %dma_wait3A_114 : memref<1x80xi32, #tpu.memory_space<vmem>> -> memref<80xi32, #tpu.memory_space<vmem>>
        %dma_wait3A_116 = arith.constant 0 : i32
        %dma_wait3A_117 = arith.constant 0 : i32
        %dma_wait3A_118 = tpu.memref_slice %arg2[%dma_wait3A_116, %dma_wait3A_117] : memref<10000x128xf32, #tpu.memory_space<hbm>> -> memref<10000x128xf32, #tpu.memory_space<hbm>>
        tpu.wait_indirect_dma semaphore(%run_scoped3A_108 : memref<!tpu.dma_semaphore, #tpu.memory_space<semaphore_mem>>) src(%dma_wait3A_118 : memref<10000x128xf32, #tpu.memory_space<hbm>>) dst(%arg10 : memref<80x128xf32, #tpu.memory_space<vmem>>)
        tpu.yield
      }) : () -> ()
      %mul3A_58 = arith.constant 10000 : i32
      %mul3A_59 = arith.muli %add3A, %mul3A_58 : i32
      %mul3A_60 = arith.constant 5 : i32
      %mul3A_61 = arith.muli %scan3A_23, %mul3A_60 : i32
      %add3A_62 = arith.constant 2 : i32
      %add3A_63 = arith.addi %mul3A_61, %add3A_62 : i32
      %mul3A_64 = arith.constant 80 : i32
      %mul3A_65 = arith.muli %add3A_63, %mul3A_64 : i32
      %add3A_66 = arith.addi %mul3A_59, %mul3A_65 : i32
      "tpu.region"() ({
        %run_scoped3A_108 = tpu.sem_alloc : memref<!tpu.dma_semaphore, #tpu.memory_space<semaphore_mem>>
        %dma_start3A = arith.constant 0 : i32
        %dma_start3A_109 = tpu.memref_slice %arg3[%add3A_66, %dma_start3A] : memref<320000x128xf32, #tpu.memory_space<hbm>> -> memref<80x128xf32, #tpu.memory_space<hbm>>
        %dma_start3A_110 = arith.constant 0 : i32
        %dma_start3A_111 = tpu.memref_slice %arg3[%add3A_66, %dma_start3A_110] : memref<320000x128xf32, #tpu.memory_space<hbm>> -> memref<80x128xf32, #tpu.memory_space<hbm>>
        tpu.enqueue_dma source(%dma_start3A_111 : memref<80x128xf32, #tpu.memory_space<hbm>>) target(%arg11 : memref<80x128xf32, #tpu.memory_space<vmem>>) target_semaphore(%run_scoped3A_108 : memref<!tpu.dma_semaphore, #tpu.memory_space<semaphore_mem>>)
        %dma_wait3A = arith.constant 0 : i32
        %dma_wait3A_112 = tpu.memref_slice %arg3[%add3A_66, %dma_wait3A] : memref<320000x128xf32, #tpu.memory_space<hbm>> -> memref<80x128xf32, #tpu.memory_space<hbm>>
        %dma_wait3A_113 = arith.constant 0 : i32
        %dma_wait3A_114 = tpu.memref_slice %arg3[%add3A_66, %dma_wait3A_113] : memref<320000x128xf32, #tpu.memory_space<hbm>> -> memref<80x128xf32, #tpu.memory_space<hbm>>
        tpu.wait_dma2 semaphore(%run_scoped3A_108 : memref<!tpu.dma_semaphore, #tpu.memory_space<semaphore_mem>>) src(%dma_wait3A_114 : memref<80x128xf32, #tpu.memory_space<hbm>>) dst(%arg11 : memref<80x128xf32, #tpu.memory_space<vmem>>)
        tpu.yield
      }) : () -> ()
      %scan3A_67 = arith.constant 0 : i32
      %scan3A_68 = arith.constant 0 : i32
      %scan3A_69 = arith.constant 80 : i32
      %scan3A_70 = arith.addi %scan3A_68, %scan3A_69 : i32
      %scan3A_71 = arith.constant 1 : i32
      scf.for %scan3A_108 = %scan3A_68 to %scan3A_70 step %scan3A_71  : i32 {
        %get3A = arith.index_cast %scan3A_108 : i32 to index
        %get3A_109 = arith.constant 0 : index
        %get3A_110 = tpu.vector_load %arg10[%get3A, %get3A_109] {strides = array<i32>} : memref<80x128xf32, #tpu.memory_space<vmem>>, vector<16xf32>,
        %get3A_111 = arith.index_cast %scan3A_108 : i32 to index
        %get3A_112 = arith.constant 0 : index
        %get3A_113 = tpu.vector_load %arg11[%get3A_111, %get3A_112] {strides = array<i32>} : memref<80x128xf32, #tpu.memory_space<vmem>>, vector<16xf32>,
        %mul3A_114 = arith.mulf %get3A_110, %get3A_113 : vector<16xf32>
        %swap3A = arith.index_cast %scan3A_108 : i32 to index
        %swap3A_115 = arith.constant 0 : index
        %swap3A_116 = tpu.vector_load %arg10[%swap3A, %swap3A_115] {strides = array<i32>} : memref<80x128xf32, #tpu.memory_space<vmem>>, vector<16xf32>,
        tpu.vector_store %arg10[%swap3A, %swap3A_115], %mul3A_114 {strides = array<i32>} : memref<80x128xf32, #tpu.memory_space<vmem>>, vector<16xf32>,
        %get3A_117 = arith.index_cast %scan3A_108 : i32 to index
        %get3A_118 = arith.constant 16 : index
        %get3A_119 = tpu.vector_load %arg10[%get3A_117, %get3A_118] {strides = array<i32>} : memref<80x128xf32, #tpu.memory_space<vmem>>, vector<16xf32>,
        %get3A_120 = arith.index_cast %scan3A_108 : i32 to index
        %get3A_121 = arith.constant 16 : index
        %get3A_122 = tpu.vector_load %arg11[%get3A_120, %get3A_121] {strides = array<i32>} : memref<80x128xf32, #tpu.memory_space<vmem>>, vector<16xf32>,
        %mul3A_123 = arith.mulf %get3A_119, %get3A_122 : vector<16xf32>
        %swap3A_124 = arith.index_cast %scan3A_108 : i32 to index
        %swap3A_125 = arith.constant 16 : index
        %swap3A_126 = tpu.vector_load %arg10[%swap3A_124, %swap3A_125] {strides = array<i32>} : memref<80x128xf32, #tpu.memory_space<vmem>>, vector<16xf32>,
        tpu.vector_store %arg10[%swap3A_124, %swap3A_125], %mul3A_123 {strides = array<i32>} : memref<80x128xf32, #tpu.memory_space<vmem>>, vector<16xf32>,
        %get3A_127 = arith.index_cast %scan3A_108 : i32 to index
        %get3A_128 = arith.constant 32 : index
        %get3A_129 = tpu.vector_load %arg10[%get3A_127, %get3A_128] {strides = array<i32>} : memref<80x128xf32, #tpu.memory_space<vmem>>, vector<16xf32>,
        %get3A_130 = arith.index_cast %scan3A_108 : i32 to index
        %get3A_131 = arith.constant 32 : index
        %get3A_132 = tpu.vector_load %arg11[%get3A_130, %get3A_131] {strides = array<i32>} : memref<80x128xf32, #tpu.memory_space<vmem>>, vector<16xf32>,
        %mul3A_133 = arith.mulf %get3A_129, %get3A_132 : vector<16xf32>
        %swap3A_134 = arith.index_cast %scan3A_108 : i32 to index
        %swap3A_135 = arith.constant 32 : index
        %swap3A_136 = tpu.vector_load %arg10[%swap3A_134, %swap3A_135] {strides = array<i32>} : memref<80x128xf32, #tpu.memory_space<vmem>>, vector<16xf32>,
        tpu.vector_store %arg10[%swap3A_134, %swap3A_135], %mul3A_133 {strides = array<i32>} : memref<80x128xf32, #tpu.memory_space<vmem>>, vector<16xf32>,
        %get3A_137 = arith.index_cast %scan3A_108 : i32 to index
        %get3A_138 = arith.constant 48 : index
        %get3A_139 = tpu.vector_load %arg10[%get3A_137, %get3A_138] {strides = array<i32>} : memref<80x128xf32, #tpu.memory_space<vmem>>, vector<16xf32>,
        %get3A_140 = arith.index_cast %scan3A_108 : i32 to index
        %get3A_141 = arith.constant 48 : index
        %get3A_142 = tpu.vector_load %arg11[%get3A_140, %get3A_141] {strides = array<i32>} : memref<80x128xf32, #tpu.memory_space<vmem>>, vector<16xf32>,
        %mul3A_143 = arith.mulf %get3A_139, %get3A_142 : vector<16xf32>
        %swap3A_144 = arith.index_cast %scan3A_108 : i32 to index
        %swap3A_145 = arith.constant 48 : index
        %swap3A_146 = tpu.vector_load %arg10[%swap3A_144, %swap3A_145] {strides = array<i32>} : memref<80x128xf32, #tpu.memory_space<vmem>>, vector<16xf32>,
        tpu.vector_store %arg10[%swap3A_144, %swap3A_145], %mul3A_143 {strides = array<i32>} : memref<80x128xf32, #tpu.memory_space<vmem>>, vector<16xf32>,
        %get3A_147 = arith.index_cast %scan3A_108 : i32 to index
        %get3A_148 = arith.constant 64 : index
        %get3A_149 = tpu.vector_load %arg10[%get3A_147, %get3A_148] {strides = array<i32>} : memref<80x128xf32, #tpu.memory_space<vmem>>, vector<16xf32>,
        %get3A_150 = arith.index_cast %scan3A_108 : i32 to index
        %get3A_151 = arith.constant 64 : index
        %get3A_152 = tpu.vector_load %arg11[%get3A_150, %get3A_151] {strides = array<i32>} : memref<80x128xf32, #tpu.memory_space<vmem>>, vector<16xf32>,
        %mul3A_153 = arith.mulf %get3A_149, %get3A_152 : vector<16xf32>
        %swap3A_154 = arith.index_cast %scan3A_108 : i32 to index
        %swap3A_155 = arith.constant 64 : index
        %swap3A_156 = tpu.vector_load %arg10[%swap3A_154, %swap3A_155] {strides = array<i32>} : memref<80x128xf32, #tpu.memory_space<vmem>>, vector<16xf32>,
        tpu.vector_store %arg10[%swap3A_154, %swap3A_155], %mul3A_153 {strides = array<i32>} : memref<80x128xf32, #tpu.memory_space<vmem>>, vector<16xf32>,
        %get3A_157 = arith.index_cast %scan3A_108 : i32 to index
        %get3A_158 = arith.constant 80 : index
        %get3A_159 = tpu.vector_load %arg10[%get3A_157, %get3A_158] {strides = array<i32>} : memref<80x128xf32, #tpu.memory_space<vmem>>, vector<16xf32>,
        %get3A_160 = arith.index_cast %scan3A_108 : i32 to index
        %get3A_161 = arith.constant 80 : index
        %get3A_162 = tpu.vector_load %arg11[%get3A_160, %get3A_161] {strides = array<i32>} : memref<80x128xf32, #tpu.memory_space<vmem>>, vector<16xf32>,
        %mul3A_163 = arith.mulf %get3A_159, %get3A_162 : vector<16xf32>
        %swap3A_164 = arith.index_cast %scan3A_108 : i32 to index
        %swap3A_165 = arith.constant 80 : index
        %swap3A_166 = tpu.vector_load %arg10[%swap3A_164, %swap3A_165] {strides = array<i32>} : memref<80x128xf32, #tpu.memory_space<vmem>>, vector<16xf32>,
        tpu.vector_store %arg10[%swap3A_164, %swap3A_165], %mul3A_163 {strides = array<i32>} : memref<80x128xf32, #tpu.memory_space<vmem>>, vector<16xf32>,
        %get3A_167 = arith.index_cast %scan3A_108 : i32 to index
        %get3A_168 = arith.constant 96 : index
        %get3A_169 = tpu.vector_load %arg10[%get3A_167, %get3A_168] {strides = array<i32>} : memref<80x128xf32, #tpu.memory_space<vmem>>, vector<16xf32>,
        %get3A_170 = arith.index_cast %scan3A_108 : i32 to index
        %get3A_171 = arith.constant 96 : index
        %get3A_172 = tpu.vector_load %arg11[%get3A_170, %get3A_171] {strides = array<i32>} : memref<80x128xf32, #tpu.memory_space<vmem>>, vector<16xf32>,
        %mul3A_173 = arith.mulf %get3A_169, %get3A_172 : vector<16xf32>
        %swap3A_174 = arith.index_cast %scan3A_108 : i32 to index
        %swap3A_175 = arith.constant 96 : index
        %swap3A_176 = tpu.vector_load %arg10[%swap3A_174, %swap3A_175] {strides = array<i32>} : memref<80x128xf32, #tpu.memory_space<vmem>>, vector<16xf32>,
        tpu.vector_store %arg10[%swap3A_174, %swap3A_175], %mul3A_173 {strides = array<i32>} : memref<80x128xf32, #tpu.memory_space<vmem>>, vector<16xf32>,
        %get3A_177 = arith.index_cast %scan3A_108 : i32 to index
        %get3A_178 = arith.constant 112 : index
        %get3A_179 = tpu.vector_load %arg10[%get3A_177, %get3A_178] {strides = array<i32>} : memref<80x128xf32, #tpu.memory_space<vmem>>, vector<16xf32>,
        %get3A_180 = arith.index_cast %scan3A_108 : i32 to index
        %get3A_181 = arith.constant 112 : index
        %get3A_182 = tpu.vector_load %arg11[%get3A_180, %get3A_181] {strides = array<i32>} : memref<80x128xf32, #tpu.memory_space<vmem>>, vector<16xf32>,
        %mul3A_183 = arith.mulf %get3A_179, %get3A_182 : vector<16xf32>
        %swap3A_184 = arith.index_cast %scan3A_108 : i32 to index
        %swap3A_185 = arith.constant 112 : index
        %swap3A_186 = tpu.vector_load %arg10[%swap3A_184, %swap3A_185] {strides = array<i32>} : memref<80x128xf32, #tpu.memory_space<vmem>>, vector<16xf32>,
        tpu.vector_store %arg10[%swap3A_184, %swap3A_185], %mul3A_183 {strides = array<i32>} : memref<80x128xf32, #tpu.memory_space<vmem>>, vector<16xf32>,
      }
      %scan3A_72 = arith.constant 80 : i32
      %run_scoped3A_73 = arith.constant 2 : i32
      "tpu.region"() ({
        %run_scoped3A_108 = tpu.sem_alloc : memref<!tpu.dma_semaphore, #tpu.memory_space<semaphore_mem>>
        %dma_start3A = arith.constant 0 : i32
        %dma_start3A_109 = tpu.memref_slice %arg9[%run_scoped3A_73, %dma_start3A] : memref<5x80xi32, #tpu.memory_space<vmem>> -> memref<1x80xi32, #tpu.memory_space<vmem>>
        %dma_start3A_110 = tpu.memref_squeeze %dma_start3A_109 : memref<1x80xi32, #tpu.memory_space<vmem>> -> memref<80xi32, #tpu.memory_space<vmem>>
        %dma_start3A_111 = arith.constant 0 : i32
        %dma_start3A_112 = arith.constant 0 : i32
        %dma_start3A_113 = tpu.memref_slice %arg12[%dma_start3A_111, %dma_start3A_112] : memref<10000x128xf32, #tpu.memory_space<vmem_shared>> -> memref<10000x128xf32, #tpu.memory_space<vmem_shared>>
        tpu.enqueue_indirect_dma source(%arg10 : memref<80x128xf32, #tpu.memory_space<vmem>>) target(%dma_start3A_113 : memref<10000x128xf32, #tpu.memory_space<vmem_shared>>) offsets(%dma_start3A_110 : memref<80xi32, #tpu.memory_space<vmem>>) semaphore(%run_scoped3A_108 : memref<!tpu.dma_semaphore, #tpu.memory_space<semaphore_mem>>) {add = true}
        %dma_wait3A = arith.constant 0 : i32
        %dma_wait3A_114 = tpu.memref_slice %arg9[%run_scoped3A_73, %dma_wait3A] : memref<5x80xi32, #tpu.memory_space<vmem>> -> memref<1x80xi32, #tpu.memory_space<vmem>>
        %dma_wait3A_115 = tpu.memref_squeeze %dma_wait3A_114 : memref<1x80xi32, #tpu.memory_space<vmem>> -> memref<80xi32, #tpu.memory_space<vmem>>
        %dma_wait3A_116 = arith.constant 0 : i32
        %dma_wait3A_117 = arith.constant 0 : i32
        %dma_wait3A_118 = tpu.memref_slice %arg12[%dma_wait3A_116, %dma_wait3A_117] : memref<10000x128xf32, #tpu.memory_space<vmem_shared>> -> memref<10000x128xf32, #tpu.memory_space<vmem_shared>>
        tpu.wait_indirect_dma semaphore(%run_scoped3A_108 : memref<!tpu.dma_semaphore, #tpu.memory_space<semaphore_mem>>) src(%arg10 : memref<80x128xf32, #tpu.memory_space<vmem>>) dst(%dma_wait3A_118 : memref<10000x128xf32, #tpu.memory_space<vmem_shared>>)
        tpu.yield
      }) : () -> ()
      %run_scoped3A_74 = arith.constant 3 : i32
      "tpu.region"() ({
        %run_scoped3A_108 = tpu.sem_alloc : memref<!tpu.dma_semaphore, #tpu.memory_space<semaphore_mem>>
        %dma_start3A = arith.constant 0 : i32
        %dma_start3A_109 = tpu.memref_slice %arg8[%run_scoped3A_74, %dma_start3A] : memref<5x80xi32, #tpu.memory_space<vmem>> -> memref<1x80xi32, #tpu.memory_space<vmem>>
        %dma_start3A_110 = tpu.memref_squeeze %dma_start3A_109 : memref<1x80xi32, #tpu.memory_space<vmem>> -> memref<80xi32, #tpu.memory_space<vmem>>
        %dma_start3A_111 = arith.constant 0 : i32
        %dma_start3A_112 = arith.constant 0 : i32
        %dma_start3A_113 = tpu.memref_slice %arg2[%dma_start3A_111, %dma_start3A_112] : memref<10000x128xf32, #tpu.memory_space<hbm>> -> memref<10000x128xf32, #tpu.memory_space<hbm>>
        tpu.enqueue_indirect_dma source(%dma_start3A_113 : memref<10000x128xf32, #tpu.memory_space<hbm>>) target(%arg10 : memref<80x128xf32, #tpu.memory_space<vmem>>) offsets(%dma_start3A_110 : memref<80xi32, #tpu.memory_space<vmem>>) semaphore(%run_scoped3A_108 : memref<!tpu.dma_semaphore, #tpu.memory_space<semaphore_mem>>)
        %dma_wait3A = arith.constant 0 : i32
        %dma_wait3A_114 = tpu.memref_slice %arg8[%run_scoped3A_74, %dma_wait3A] : memref<5x80xi32, #tpu.memory_space<vmem>> -> memref<1x80xi32, #tpu.memory_space<vmem>>
        %dma_wait3A_115 = tpu.memref_squeeze %dma_wait3A_114 : memref<1x80xi32, #tpu.memory_space<vmem>> -> memref<80xi32, #tpu.memory_space<vmem>>
        %dma_wait3A_116 = arith.constant 0 : i32
        %dma_wait3A_117 = arith.constant 0 : i32
        %dma_wait3A_118 = tpu.memref_slice %arg2[%dma_wait3A_116, %dma_wait3A_117] : memref<10000x128xf32, #tpu.memory_space<hbm>> -> memref<10000x128xf32, #tpu.memory_space<hbm>>
        tpu.wait_indirect_dma semaphore(%run_scoped3A_108 : memref<!tpu.dma_semaphore, #tpu.memory_space<semaphore_mem>>) src(%dma_wait3A_118 : memref<10000x128xf32, #tpu.memory_space<hbm>>) dst(%arg10 : memref<80x128xf32, #tpu.memory_space<vmem>>)
        tpu.yield
      }) : () -> ()
      %mul3A_75 = arith.constant 10000 : i32
      %mul3A_76 = arith.muli %add3A, %mul3A_75 : i32
      %mul3A_77 = arith.constant 5 : i32
      %mul3A_78 = arith.muli %scan3A_23, %mul3A_77 : i32
      %add3A_79 = arith.constant 3 : i32
      %add3A_80 = arith.addi %mul3A_78, %add3A_79 : i32
      %mul3A_81 = arith.constant 80 : i32
      %mul3A_82 = arith.muli %add3A_80, %mul3A_81 : i32
      %add3A_83 = arith.addi %mul3A_76, %mul3A_82 : i32
      "tpu.region"() ({
        %run_scoped3A_108 = tpu.sem_alloc : memref<!tpu.dma_semaphore, #tpu.memory_space<semaphore_mem>>
        %dma_start3A = arith.constant 0 : i32
        %dma_start3A_109 = tpu.memref_slice %arg3[%add3A_83, %dma_start3A] : memref<320000x128xf32, #tpu.memory_space<hbm>> -> memref<80x128xf32, #tpu.memory_space<hbm>>
        %dma_start3A_110 = arith.constant 0 : i32
        %dma_start3A_111 = tpu.memref_slice %arg3[%add3A_83, %dma_start3A_110] : memref<320000x128xf32, #tpu.memory_space<hbm>> -> memref<80x128xf32, #tpu.memory_space<hbm>>
        tpu.enqueue_dma source(%dma_start3A_111 : memref<80x128xf32, #tpu.memory_space<hbm>>) target(%arg11 : memref<80x128xf32, #tpu.memory_space<vmem>>) target_semaphore(%run_scoped3A_108 : memref<!tpu.dma_semaphore, #tpu.memory_space<semaphore_mem>>)
        %dma_wait3A = arith.constant 0 : i32
        %dma_wait3A_112 = tpu.memref_slice %arg3[%add3A_83, %dma_wait3A] : memref<320000x128xf32, #tpu.memory_space<hbm>> -> memref<80x128xf32, #tpu.memory_space<hbm>>
        %dma_wait3A_113 = arith.constant 0 : i32
        %dma_wait3A_114 = tpu.memref_slice %arg3[%add3A_83, %dma_wait3A_113] : memref<320000x128xf32, #tpu.memory_space<hbm>> -> memref<80x128xf32, #tpu.memory_space<hbm>>
        tpu.wait_dma2 semaphore(%run_scoped3A_108 : memref<!tpu.dma_semaphore, #tpu.memory_space<semaphore_mem>>) src(%dma_wait3A_114 : memref<80x128xf32, #tpu.memory_space<hbm>>) dst(%arg11 : memref<80x128xf32, #tpu.memory_space<vmem>>)
        tpu.yield
      }) : () -> ()
      %scan3A_84 = arith.constant 0 : i32
      %scan3A_85 = arith.constant 0 : i32
      %scan3A_86 = arith.constant 80 : i32
      %scan3A_87 = arith.addi %scan3A_85, %scan3A_86 : i32
      %scan3A_88 = arith.constant 1 : i32
      scf.for %scan3A_108 = %scan3A_85 to %scan3A_87 step %scan3A_88  : i32 {
        %get3A = arith.index_cast %scan3A_108 : i32 to index
        %get3A_109 = arith.constant 0 : index
        %get3A_110 = tpu.vector_load %arg10[%get3A, %get3A_109] {strides = array<i32>} : memref<80x128xf32, #tpu.memory_space<vmem>>, vector<16xf32>,
        %get3A_111 = arith.index_cast %scan3A_108 : i32 to index
        %get3A_112 = arith.constant 0 : index
        %get3A_113 = tpu.vector_load %arg11[%get3A_111, %get3A_112] {strides = array<i32>} : memref<80x128xf32, #tpu.memory_space<vmem>>, vector<16xf32>,
        %mul3A_114 = arith.mulf %get3A_110, %get3A_113 : vector<16xf32>
        %swap3A = arith.index_cast %scan3A_108 : i32 to index
        %swap3A_115 = arith.constant 0 : index
        %swap3A_116 = tpu.vector_load %arg10[%swap3A, %swap3A_115] {strides = array<i32>} : memref<80x128xf32, #tpu.memory_space<vmem>>, vector<16xf32>,
        tpu.vector_store %arg10[%swap3A, %swap3A_115], %mul3A_114 {strides = array<i32>} : memref<80x128xf32, #tpu.memory_space<vmem>>, vector<16xf32>,
        %get3A_117 = arith.index_cast %scan3A_108 : i32 to index
        %get3A_118 = arith.constant 16 : index
        %get3A_119 = tpu.vector_load %arg10[%get3A_117, %get3A_118] {strides = array<i32>} : memref<80x128xf32, #tpu.memory_space<vmem>>, vector<16xf32>,
        %get3A_120 = arith.index_cast %scan3A_108 : i32 to index
        %get3A_121 = arith.constant 16 : index
        %get3A_122 = tpu.vector_load %arg11[%get3A_120, %get3A_121] {strides = array<i32>} : memref<80x128xf32, #tpu.memory_space<vmem>>, vector<16xf32>,
        %mul3A_123 = arith.mulf %get3A_119, %get3A_122 : vector<16xf32>
        %swap3A_124 = arith.index_cast %scan3A_108 : i32 to index
        %swap3A_125 = arith.constant 16 : index
        %swap3A_126 = tpu.vector_load %arg10[%swap3A_124, %swap3A_125] {strides = array<i32>} : memref<80x128xf32, #tpu.memory_space<vmem>>, vector<16xf32>,
        tpu.vector_store %arg10[%swap3A_124, %swap3A_125], %mul3A_123 {strides = array<i32>} : memref<80x128xf32, #tpu.memory_space<vmem>>, vector<16xf32>,
        %get3A_127 = arith.index_cast %scan3A_108 : i32 to index
        %get3A_128 = arith.constant 32 : index
        %get3A_129 = tpu.vector_load %arg10[%get3A_127, %get3A_128] {strides = array<i32>} : memref<80x128xf32, #tpu.memory_space<vmem>>, vector<16xf32>,
        %get3A_130 = arith.index_cast %scan3A_108 : i32 to index
        %get3A_131 = arith.constant 32 : index
        %get3A_132 = tpu.vector_load %arg11[%get3A_130, %get3A_131] {strides = array<i32>} : memref<80x128xf32, #tpu.memory_space<vmem>>, vector<16xf32>,
        %mul3A_133 = arith.mulf %get3A_129, %get3A_132 : vector<16xf32>
        %swap3A_134 = arith.index_cast %scan3A_108 : i32 to index
        %swap3A_135 = arith.constant 32 : index
        %swap3A_136 = tpu.vector_load %arg10[%swap3A_134, %swap3A_135] {strides = array<i32>} : memref<80x128xf32, #tpu.memory_space<vmem>>, vector<16xf32>,
        tpu.vector_store %arg10[%swap3A_134, %swap3A_135], %mul3A_133 {strides = array<i32>} : memref<80x128xf32, #tpu.memory_space<vmem>>, vector<16xf32>,
        %get3A_137 = arith.index_cast %scan3A_108 : i32 to index
        %get3A_138 = arith.constant 48 : index
        %get3A_139 = tpu.vector_load %arg10[%get3A_137, %get3A_138] {strides = array<i32>} : memref<80x128xf32, #tpu.memory_space<vmem>>, vector<16xf32>,
        %get3A_140 = arith.index_cast %scan3A_108 : i32 to index
        %get3A_141 = arith.constant 48 : index
        %get3A_142 = tpu.vector_load %arg11[%get3A_140, %get3A_141] {strides = array<i32>} : memref<80x128xf32, #tpu.memory_space<vmem>>, vector<16xf32>,
        %mul3A_143 = arith.mulf %get3A_139, %get3A_142 : vector<16xf32>
        %swap3A_144 = arith.index_cast %scan3A_108 : i32 to index
        %swap3A_145 = arith.constant 48 : index
        %swap3A_146 = tpu.vector_load %arg10[%swap3A_144, %swap3A_145] {strides = array<i32>} : memref<80x128xf32, #tpu.memory_space<vmem>>, vector<16xf32>,
        tpu.vector_store %arg10[%swap3A_144, %swap3A_145], %mul3A_143 {strides = array<i32>} : memref<80x128xf32, #tpu.memory_space<vmem>>, vector<16xf32>,
        %get3A_147 = arith.index_cast %scan3A_108 : i32 to index
        %get3A_148 = arith.constant 64 : index
        %get3A_149 = tpu.vector_load %arg10[%get3A_147, %get3A_148] {strides = array<i32>} : memref<80x128xf32, #tpu.memory_space<vmem>>, vector<16xf32>,
        %get3A_150 = arith.index_cast %scan3A_108 : i32 to index
        %get3A_151 = arith.constant 64 : index
        %get3A_152 = tpu.vector_load %arg11[%get3A_150, %get3A_151] {strides = array<i32>} : memref<80x128xf32, #tpu.memory_space<vmem>>, vector<16xf32>,
        %mul3A_153 = arith.mulf %get3A_149, %get3A_152 : vector<16xf32>
        %swap3A_154 = arith.index_cast %scan3A_108 : i32 to index
        %swap3A_155 = arith.constant 64 : index
        %swap3A_156 = tpu.vector_load %arg10[%swap3A_154, %swap3A_155] {strides = array<i32>} : memref<80x128xf32, #tpu.memory_space<vmem>>, vector<16xf32>,
        tpu.vector_store %arg10[%swap3A_154, %swap3A_155], %mul3A_153 {strides = array<i32>} : memref<80x128xf32, #tpu.memory_space<vmem>>, vector<16xf32>,
        %get3A_157 = arith.index_cast %scan3A_108 : i32 to index
        %get3A_158 = arith.constant 80 : index
        %get3A_159 = tpu.vector_load %arg10[%get3A_157, %get3A_158] {strides = array<i32>} : memref<80x128xf32, #tpu.memory_space<vmem>>, vector<16xf32>,
        %get3A_160 = arith.index_cast %scan3A_108 : i32 to index
        %get3A_161 = arith.constant 80 : index
        %get3A_162 = tpu.vector_load %arg11[%get3A_160, %get3A_161] {strides = array<i32>} : memref<80x128xf32, #tpu.memory_space<vmem>>, vector<16xf32>,
        %mul3A_163 = arith.mulf %get3A_159, %get3A_162 : vector<16xf32>
        %swap3A_164 = arith.index_cast %scan3A_108 : i32 to index
        %swap3A_165 = arith.constant 80 : index
        %swap3A_166 = tpu.vector_load %arg10[%swap3A_164, %swap3A_165] {strides = array<i32>} : memref<80x128xf32, #tpu.memory_space<vmem>>, vector<16xf32>,
        tpu.vector_store %arg10[%swap3A_164, %swap3A_165], %mul3A_163 {strides = array<i32>} : memref<80x128xf32, #tpu.memory_space<vmem>>, vector<16xf32>,
        %get3A_167 = arith.index_cast %scan3A_108 : i32 to index
        %get3A_168 = arith.constant 96 : index
        %get3A_169 = tpu.vector_load %arg10[%get3A_167, %get3A_168] {strides = array<i32>} : memref<80x128xf32, #tpu.memory_space<vmem>>, vector<16xf32>,
        %get3A_170 = arith.index_cast %scan3A_108 : i32 to index
        %get3A_171 = arith.constant 96 : index
        %get3A_172 = tpu.vector_load %arg11[%get3A_170, %get3A_171] {strides = array<i32>} : memref<80x128xf32, #tpu.memory_space<vmem>>, vector<16xf32>,
        %mul3A_173 = arith.mulf %get3A_169, %get3A_172 : vector<16xf32>
        %swap3A_174 = arith.index_cast %scan3A_108 : i32 to index
        %swap3A_175 = arith.constant 96 : index
        %swap3A_176 = tpu.vector_load %arg10[%swap3A_174, %swap3A_175] {strides = array<i32>} : memref<80x128xf32, #tpu.memory_space<vmem>>, vector<16xf32>,
        tpu.vector_store %arg10[%swap3A_174, %swap3A_175], %mul3A_173 {strides = array<i32>} : memref<80x128xf32, #tpu.memory_space<vmem>>, vector<16xf32>,
        %get3A_177 = arith.index_cast %scan3A_108 : i32 to index
        %get3A_178 = arith.constant 112 : index
        %get3A_179 = tpu.vector_load %arg10[%get3A_177, %get3A_178] {strides = array<i32>} : memref<80x128xf32, #tpu.memory_space<vmem>>, vector<16xf32>,
        %get3A_180 = arith.index_cast %scan3A_108 : i32 to index
        %get3A_181 = arith.constant 112 : index
        %get3A_182 = tpu.vector_load %arg11[%get3A_180, %get3A_181] {strides = array<i32>} : memref<80x128xf32, #tpu.memory_space<vmem>>, vector<16xf32>,
        %mul3A_183 = arith.mulf %get3A_179, %get3A_182 : vector<16xf32>
        %swap3A_184 = arith.index_cast %scan3A_108 : i32 to index
        %swap3A_185 = arith.constant 112 : index
        %swap3A_186 = tpu.vector_load %arg10[%swap3A_184, %swap3A_185] {strides = array<i32>} : memref<80x128xf32, #tpu.memory_space<vmem>>, vector<16xf32>,
        tpu.vector_store %arg10[%swap3A_184, %swap3A_185], %mul3A_183 {strides = array<i32>} : memref<80x128xf32, #tpu.memory_space<vmem>>, vector<16xf32>,
      }
      %scan3A_89 = arith.constant 80 : i32
      %run_scoped3A_90 = arith.constant 3 : i32
      "tpu.region"() ({
        %run_scoped3A_108 = tpu.sem_alloc : memref<!tpu.dma_semaphore, #tpu.memory_space<semaphore_mem>>
        %dma_start3A = arith.constant 0 : i32
        %dma_start3A_109 = tpu.memref_slice %arg9[%run_scoped3A_90, %dma_start3A] : memref<5x80xi32, #tpu.memory_space<vmem>> -> memref<1x80xi32, #tpu.memory_space<vmem>>
        %dma_start3A_110 = tpu.memref_squeeze %dma_start3A_109 : memref<1x80xi32, #tpu.memory_space<vmem>> -> memref<80xi32, #tpu.memory_space<vmem>>
        %dma_start3A_111 = arith.constant 0 : i32
        %dma_start3A_112 = arith.constant 0 : i32
        %dma_start3A_113 = tpu.memref_slice %arg12[%dma_start3A_111, %dma_start3A_112] : memref<10000x128xf32, #tpu.memory_space<vmem_shared>> -> memref<10000x128xf32, #tpu.memory_space<vmem_shared>>
        tpu.enqueue_indirect_dma source(%arg10 : memref<80x128xf32, #tpu.memory_space<vmem>>) target(%dma_start3A_113 : memref<10000x128xf32, #tpu.memory_space<vmem_shared>>) offsets(%dma_start3A_110 : memref<80xi32, #tpu.memory_space<vmem>>) semaphore(%run_scoped3A_108 : memref<!tpu.dma_semaphore, #tpu.memory_space<semaphore_mem>>) {add = true}
        %dma_wait3A = arith.constant 0 : i32
        %dma_wait3A_114 = tpu.memref_slice %arg9[%run_scoped3A_90, %dma_wait3A] : memref<5x80xi32, #tpu.memory_space<vmem>> -> memref<1x80xi32, #tpu.memory_space<vmem>>
        %dma_wait3A_115 = tpu.memref_squeeze %dma_wait3A_114 : memref<1x80xi32, #tpu.memory_space<vmem>> -> memref<80xi32, #tpu.memory_space<vmem>>
        %dma_wait3A_116 = arith.constant 0 : i32
        %dma_wait3A_117 = arith.constant 0 : i32
        %dma_wait3A_118 = tpu.memref_slice %arg12[%dma_wait3A_116, %dma_wait3A_117] : memref<10000x128xf32, #tpu.memory_space<vmem_shared>> -> memref<10000x128xf32, #tpu.memory_space<vmem_shared>>
        tpu.wait_indirect_dma semaphore(%run_scoped3A_108 : memref<!tpu.dma_semaphore, #tpu.memory_space<semaphore_mem>>) src(%arg10 : memref<80x128xf32, #tpu.memory_space<vmem>>) dst(%dma_wait3A_118 : memref<10000x128xf32, #tpu.memory_space<vmem_shared>>)
        tpu.yield
      }) : () -> ()
      %run_scoped3A_91 = arith.constant 4 : i32
      "tpu.region"() ({
        %run_scoped3A_108 = tpu.sem_alloc : memref<!tpu.dma_semaphore, #tpu.memory_space<semaphore_mem>>
        %dma_start3A = arith.constant 0 : i32
        %dma_start3A_109 = tpu.memref_slice %arg8[%run_scoped3A_91, %dma_start3A] : memref<5x80xi32, #tpu.memory_space<vmem>> -> memref<1x80xi32, #tpu.memory_space<vmem>>
        %dma_start3A_110 = tpu.memref_squeeze %dma_start3A_109 : memref<1x80xi32, #tpu.memory_space<vmem>> -> memref<80xi32, #tpu.memory_space<vmem>>
        %dma_start3A_111 = arith.constant 0 : i32
        %dma_start3A_112 = arith.constant 0 : i32
        %dma_start3A_113 = tpu.memref_slice %arg2[%dma_start3A_111, %dma_start3A_112] : memref<10000x128xf32, #tpu.memory_space<hbm>> -> memref<10000x128xf32, #tpu.memory_space<hbm>>
        tpu.enqueue_indirect_dma source(%dma_start3A_113 : memref<10000x128xf32, #tpu.memory_space<hbm>>) target(%arg10 : memref<80x128xf32, #tpu.memory_space<vmem>>) offsets(%dma_start3A_110 : memref<80xi32, #tpu.memory_space<vmem>>) semaphore(%run_scoped3A_108 : memref<!tpu.dma_semaphore, #tpu.memory_space<semaphore_mem>>)
        %dma_wait3A = arith.constant 0 : i32
        %dma_wait3A_114 = tpu.memref_slice %arg8[%run_scoped3A_91, %dma_wait3A] : memref<5x80xi32, #tpu.memory_space<vmem>> -> memref<1x80xi32, #tpu.memory_space<vmem>>
        %dma_wait3A_115 = tpu.memref_squeeze %dma_wait3A_114 : memref<1x80xi32, #tpu.memory_space<vmem>> -> memref<80xi32, #tpu.memory_space<vmem>>
        %dma_wait3A_116 = arith.constant 0 : i32
        %dma_wait3A_117 = arith.constant 0 : i32
        %dma_wait3A_118 = tpu.memref_slice %arg2[%dma_wait3A_116, %dma_wait3A_117] : memref<10000x128xf32, #tpu.memory_space<hbm>> -> memref<10000x128xf32, #tpu.memory_space<hbm>>
        tpu.wait_indirect_dma semaphore(%run_scoped3A_108 : memref<!tpu.dma_semaphore, #tpu.memory_space<semaphore_mem>>) src(%dma_wait3A_118 : memref<10000x128xf32, #tpu.memory_space<hbm>>) dst(%arg10 : memref<80x128xf32, #tpu.memory_space<vmem>>)
        tpu.yield
      }) : () -> ()
      %mul3A_92 = arith.constant 10000 : i32
      %mul3A_93 = arith.muli %add3A, %mul3A_92 : i32
      %mul3A_94 = arith.constant 5 : i32
      %mul3A_95 = arith.muli %scan3A_23, %mul3A_94 : i32
      %add3A_96 = arith.constant 4 : i32
      %add3A_97 = arith.addi %mul3A_95, %add3A_96 : i32
      %mul3A_98 = arith.constant 80 : i32
      %mul3A_99 = arith.muli %add3A_97, %mul3A_98 : i32
      %add3A_100 = arith.addi %mul3A_93, %mul3A_99 : i32
      "tpu.region"() ({
        %run_scoped3A_108 = tpu.sem_alloc : memref<!tpu.dma_semaphore, #tpu.memory_space<semaphore_mem>>
        %dma_start3A = arith.constant 0 : i32
        %dma_start3A_109 = tpu.memref_slice %arg3[%add3A_100, %dma_start3A] : memref<320000x128xf32, #tpu.memory_space<hbm>> -> memref<80x128xf32, #tpu.memory_space<hbm>>
        %dma_start3A_110 = arith.constant 0 : i32
        %dma_start3A_111 = tpu.memref_slice %arg3[%add3A_100, %dma_start3A_110] : memref<320000x128xf32, #tpu.memory_space<hbm>> -> memref<80x128xf32, #tpu.memory_space<hbm>>
        tpu.enqueue_dma source(%dma_start3A_111 : memref<80x128xf32, #tpu.memory_space<hbm>>) target(%arg11 : memref<80x128xf32, #tpu.memory_space<vmem>>) target_semaphore(%run_scoped3A_108 : memref<!tpu.dma_semaphore, #tpu.memory_space<semaphore_mem>>)
        %dma_wait3A = arith.constant 0 : i32
        %dma_wait3A_112 = tpu.memref_slice %arg3[%add3A_100, %dma_wait3A] : memref<320000x128xf32, #tpu.memory_space<hbm>> -> memref<80x128xf32, #tpu.memory_space<hbm>>
        %dma_wait3A_113 = arith.constant 0 : i32
        %dma_wait3A_114 = tpu.memref_slice %arg3[%add3A_100, %dma_wait3A_113] : memref<320000x128xf32, #tpu.memory_space<hbm>> -> memref<80x128xf32, #tpu.memory_space<hbm>>
        tpu.wait_dma2 semaphore(%run_scoped3A_108 : memref<!tpu.dma_semaphore, #tpu.memory_space<semaphore_mem>>) src(%dma_wait3A_114 : memref<80x128xf32, #tpu.memory_space<hbm>>) dst(%arg11 : memref<80x128xf32, #tpu.memory_space<vmem>>)
        tpu.yield
      }) : () -> ()
      %scan3A_101 = arith.constant 0 : i32
      %scan3A_102 = arith.constant 0 : i32
      %scan3A_103 = arith.constant 80 : i32
      %scan3A_104 = arith.addi %scan3A_102, %scan3A_103 : i32
      %scan3A_105 = arith.constant 1 : i32
      scf.for %scan3A_108 = %scan3A_102 to %scan3A_104 step %scan3A_105  : i32 {
        %get3A = arith.index_cast %scan3A_108 : i32 to index
        %get3A_109 = arith.constant 0 : index
        %get3A_110 = tpu.vector_load %arg10[%get3A, %get3A_109] {strides = array<i32>} : memref<80x128xf32, #tpu.memory_space<vmem>>, vector<16xf32>,
        %get3A_111 = arith.index_cast %scan3A_108 : i32 to index
        %get3A_112 = arith.constant 0 : index
        %get3A_113 = tpu.vector_load %arg11[%get3A_111, %get3A_112] {strides = array<i32>} : memref<80x128xf32, #tpu.memory_space<vmem>>, vector<16xf32>,
        %mul3A_114 = arith.mulf %get3A_110, %get3A_113 : vector<16xf32>
        %swap3A = arith.index_cast %scan3A_108 : i32 to index
        %swap3A_115 = arith.constant 0 : index
        %swap3A_116 = tpu.vector_load %arg10[%swap3A, %swap3A_115] {strides = array<i32>} : memref<80x128xf32, #tpu.memory_space<vmem>>, vector<16xf32>,
        tpu.vector_store %arg10[%swap3A, %swap3A_115], %mul3A_114 {strides = array<i32>} : memref<80x128xf32, #tpu.memory_space<vmem>>, vector<16xf32>,
        %get3A_117 = arith.index_cast %scan3A_108 : i32 to index
        %get3A_118 = arith.constant 16 : index
        %get3A_119 = tpu.vector_load %arg10[%get3A_117, %get3A_118] {strides = array<i32>} : memref<80x128xf32, #tpu.memory_space<vmem>>, vector<16xf32>,
        %get3A_120 = arith.index_cast %scan3A_108 : i32 to index
        %get3A_121 = arith.constant 16 : index
        %get3A_122 = tpu.vector_load %arg11[%get3A_120, %get3A_121] {strides = array<i32>} : memref<80x128xf32, #tpu.memory_space<vmem>>, vector<16xf32>,
        %mul3A_123 = arith.mulf %get3A_119, %get3A_122 : vector<16xf32>
        %swap3A_124 = arith.index_cast %scan3A_108 : i32 to index
        %swap3A_125 = arith.constant 16 : index
        %swap3A_126 = tpu.vector_load %arg10[%swap3A_124, %swap3A_125] {strides = array<i32>} : memref<80x128xf32, #tpu.memory_space<vmem>>, vector<16xf32>,
        tpu.vector_store %arg10[%swap3A_124, %swap3A_125], %mul3A_123 {strides = array<i32>} : memref<80x128xf32, #tpu.memory_space<vmem>>, vector<16xf32>,
        %get3A_127 = arith.index_cast %scan3A_108 : i32 to index
        %get3A_128 = arith.constant 32 : index
        %get3A_129 = tpu.vector_load %arg10[%get3A_127, %get3A_128] {strides = array<i32>} : memref<80x128xf32, #tpu.memory_space<vmem>>, vector<16xf32>,
        %get3A_130 = arith.index_cast %scan3A_108 : i32 to index
        %get3A_131 = arith.constant 32 : index
        %get3A_132 = tpu.vector_load %arg11[%get3A_130, %get3A_131] {strides = array<i32>} : memref<80x128xf32, #tpu.memory_space<vmem>>, vector<16xf32>,
        %mul3A_133 = arith.mulf %get3A_129, %get3A_132 : vector<16xf32>
        %swap3A_134 = arith.index_cast %scan3A_108 : i32 to index
        %swap3A_135 = arith.constant 32 : index
        %swap3A_136 = tpu.vector_load %arg10[%swap3A_134, %swap3A_135] {strides = array<i32>} : memref<80x128xf32, #tpu.memory_space<vmem>>, vector<16xf32>,
        tpu.vector_store %arg10[%swap3A_134, %swap3A_135], %mul3A_133 {strides = array<i32>} : memref<80x128xf32, #tpu.memory_space<vmem>>, vector<16xf32>,
        %get3A_137 = arith.index_cast %scan3A_108 : i32 to index
        %get3A_138 = arith.constant 48 : index
        %get3A_139 = tpu.vector_load %arg10[%get3A_137, %get3A_138] {strides = array<i32>} : memref<80x128xf32, #tpu.memory_space<vmem>>, vector<16xf32>,
        %get3A_140 = arith.index_cast %scan3A_108 : i32 to index
        %get3A_141 = arith.constant 48 : index
        %get3A_142 = tpu.vector_load %arg11[%get3A_140, %get3A_141] {strides = array<i32>} : memref<80x128xf32, #tpu.memory_space<vmem>>, vector<16xf32>,
        %mul3A_143 = arith.mulf %get3A_139, %get3A_142 : vector<16xf32>
        %swap3A_144 = arith.index_cast %scan3A_108 : i32 to index
        %swap3A_145 = arith.constant 48 : index
        %swap3A_146 = tpu.vector_load %arg10[%swap3A_144, %swap3A_145] {strides = array<i32>} : memref<80x128xf32, #tpu.memory_space<vmem>>, vector<16xf32>,
        tpu.vector_store %arg10[%swap3A_144, %swap3A_145], %mul3A_143 {strides = array<i32>} : memref<80x128xf32, #tpu.memory_space<vmem>>, vector<16xf32>,
        %get3A_147 = arith.index_cast %scan3A_108 : i32 to index
        %get3A_148 = arith.constant 64 : index
        %get3A_149 = tpu.vector_load %arg10[%get3A_147, %get3A_148] {strides = array<i32>} : memref<80x128xf32, #tpu.memory_space<vmem>>, vector<16xf32>,
        %get3A_150 = arith.index_cast %scan3A_108 : i32 to index
        %get3A_151 = arith.constant 64 : index
        %get3A_152 = tpu.vector_load %arg11[%get3A_150, %get3A_151] {strides = array<i32>} : memref<80x128xf32, #tpu.memory_space<vmem>>, vector<16xf32>,
        %mul3A_153 = arith.mulf %get3A_149, %get3A_152 : vector<16xf32>
        %swap3A_154 = arith.index_cast %scan3A_108 : i32 to index
        %swap3A_155 = arith.constant 64 : index
        %swap3A_156 = tpu.vector_load %arg10[%swap3A_154, %swap3A_155] {strides = array<i32>} : memref<80x128xf32, #tpu.memory_space<vmem>>, vector<16xf32>,
        tpu.vector_store %arg10[%swap3A_154, %swap3A_155], %mul3A_153 {strides = array<i32>} : memref<80x128xf32, #tpu.memory_space<vmem>>, vector<16xf32>,
        %get3A_157 = arith.index_cast %scan3A_108 : i32 to index
        %get3A_158 = arith.constant 80 : index
        %get3A_159 = tpu.vector_load %arg10[%get3A_157, %get3A_158] {strides = array<i32>} : memref<80x128xf32, #tpu.memory_space<vmem>>, vector<16xf32>,
        %get3A_160 = arith.index_cast %scan3A_108 : i32 to index
        %get3A_161 = arith.constant 80 : index
        %get3A_162 = tpu.vector_load %arg11[%get3A_160, %get3A_161] {strides = array<i32>} : memref<80x128xf32, #tpu.memory_space<vmem>>, vector<16xf32>,
        %mul3A_163 = arith.mulf %get3A_159, %get3A_162 : vector<16xf32>
        %swap3A_164 = arith.index_cast %scan3A_108 : i32 to index
        %swap3A_165 = arith.constant 80 : index
        %swap3A_166 = tpu.vector_load %arg10[%swap3A_164, %swap3A_165] {strides = array<i32>} : memref<80x128xf32, #tpu.memory_space<vmem>>, vector<16xf32>,
        tpu.vector_store %arg10[%swap3A_164, %swap3A_165], %mul3A_163 {strides = array<i32>} : memref<80x128xf32, #tpu.memory_space<vmem>>, vector<16xf32>,
        %get3A_167 = arith.index_cast %scan3A_108 : i32 to index
        %get3A_168 = arith.constant 96 : index
        %get3A_169 = tpu.vector_load %arg10[%get3A_167, %get3A_168] {strides = array<i32>} : memref<80x128xf32, #tpu.memory_space<vmem>>, vector<16xf32>,
        %get3A_170 = arith.index_cast %scan3A_108 : i32 to index
        %get3A_171 = arith.constant 96 : index
        %get3A_172 = tpu.vector_load %arg11[%get3A_170, %get3A_171] {strides = array<i32>} : memref<80x128xf32, #tpu.memory_space<vmem>>, vector<16xf32>,
        %mul3A_173 = arith.mulf %get3A_169, %get3A_172 : vector<16xf32>
        %swap3A_174 = arith.index_cast %scan3A_108 : i32 to index
        %swap3A_175 = arith.constant 96 : index
        %swap3A_176 = tpu.vector_load %arg10[%swap3A_174, %swap3A_175] {strides = array<i32>} : memref<80x128xf32, #tpu.memory_space<vmem>>, vector<16xf32>,
        tpu.vector_store %arg10[%swap3A_174, %swap3A_175], %mul3A_173 {strides = array<i32>} : memref<80x128xf32, #tpu.memory_space<vmem>>, vector<16xf32>,
        %get3A_177 = arith.index_cast %scan3A_108 : i32 to index
        %get3A_178 = arith.constant 112 : index
        %get3A_179 = tpu.vector_load %arg10[%get3A_177, %get3A_178] {strides = array<i32>} : memref<80x128xf32, #tpu.memory_space<vmem>>, vector<16xf32>,
        %get3A_180 = arith.index_cast %scan3A_108 : i32 to index
        %get3A_181 = arith.constant 112 : index
        %get3A_182 = tpu.vector_load %arg11[%get3A_180, %get3A_181] {strides = array<i32>} : memref<80x128xf32, #tpu.memory_space<vmem>>, vector<16xf32>,
        %mul3A_183 = arith.mulf %get3A_179, %get3A_182 : vector<16xf32>
        %swap3A_184 = arith.index_cast %scan3A_108 : i32 to index
        %swap3A_185 = arith.constant 112 : index
        %swap3A_186 = tpu.vector_load %arg10[%swap3A_184, %swap3A_185] {strides = array<i32>} : memref<80x128xf32, #tpu.memory_space<vmem>>, vector<16xf32>,
        tpu.vector_store %arg10[%swap3A_184, %swap3A_185], %mul3A_183 {strides = array<i32>} : memref<80x128xf32, #tpu.memory_space<vmem>>, vector<16xf32>,
      }
      %scan3A_106 = arith.constant 80 : i32
      %run_scoped3A_107 = arith.constant 4 : i32
      "tpu.region"() ({
        %run_scoped3A_108 = tpu.sem_alloc : memref<!tpu.dma_semaphore, #tpu.memory_space<semaphore_mem>>
        %dma_start3A = arith.constant 0 : i32
        %dma_start3A_109 = tpu.memref_slice %arg9[%run_scoped3A_107, %dma_start3A] : memref<5x80xi32, #tpu.memory_space<vmem>> -> memref<1x80xi32, #tpu.memory_space<vmem>>
        %dma_start3A_110 = tpu.memref_squeeze %dma_start3A_109 : memref<1x80xi32, #tpu.memory_space<vmem>> -> memref<80xi32, #tpu.memory_space<vmem>>
        %dma_start3A_111 = arith.constant 0 : i32
        %dma_start3A_112 = arith.constant 0 : i32
        %dma_start3A_113 = tpu.memref_slice %arg12[%dma_start3A_111, %dma_start3A_112] : memref<10000x128xf32, #tpu.memory_space<vmem_shared>> -> memref<10000x128xf32, #tpu.memory_space<vmem_shared>>
        tpu.enqueue_indirect_dma source(%arg10 : memref<80x128xf32, #tpu.memory_space<vmem>>) target(%dma_start3A_113 : memref<10000x128xf32, #tpu.memory_space<vmem_shared>>) offsets(%dma_start3A_110 : memref<80xi32, #tpu.memory_space<vmem>>) semaphore(%run_scoped3A_108 : memref<!tpu.dma_semaphore, #tpu.memory_space<semaphore_mem>>) {add = true}
        %dma_wait3A = arith.constant 0 : i32
        %dma_wait3A_114 = tpu.memref_slice %arg9[%run_scoped3A_107, %dma_wait3A] : memref<5x80xi32, #tpu.memory_space<vmem>> -> memref<1x80xi32, #tpu.memory_space<vmem>>
        %dma_wait3A_115 = tpu.memref_squeeze %dma_wait3A_114 : memref<1x80xi32, #tpu.memory_space<vmem>> -> memref<80xi32, #tpu.memory_space<vmem>>
        %dma_wait3A_116 = arith.constant 0 : i32
        %dma_wait3A_117 = arith.constant 0 : i32
        %dma_wait3A_118 = tpu.memref_slice %arg12[%dma_wait3A_116, %dma_wait3A_117] : memref<10000x128xf32, #tpu.memory_space<vmem_shared>> -> memref<10000x128xf32, #tpu.memory_space<vmem_shared>>
        tpu.wait_indirect_dma semaphore(%run_scoped3A_108 : memref<!tpu.dma_semaphore, #tpu.memory_space<semaphore_mem>>) src(%arg10 : memref<80x128xf32, #tpu.memory_space<vmem>>) dst(%dma_wait3A_118 : memref<10000x128xf32, #tpu.memory_space<vmem_shared>>)
        tpu.yield
      }) : () -> ()
    }
    %scan3A_11 = arith.constant 25 : i32
    %barrier3A_12 = arith.constant 0 : index
    tpu.barrier barrier_id(%barrier3A_12)
    %lt3A_13 = arith.constant 15 : i32
    %lt3A_14 = arith.cmpi slt, %arg1, %lt3A_13 : i32
    %convert_element_type3A_15 = arith.extui %lt3A_14 : i1 to i32
    %cond3A_16 = arith.constant 0 : i32
    %cond3A_17 = arith.cmpi ne, %convert_element_type3A_15, %cond3A_16 : i32
    scf.if %cond3A_17 {
      %mul3A_23 = arith.constant 624 : i32
      %mul3A_24 = arith.muli %arg1, %mul3A_23 : i32
      %mul3A_25 = arith.constant 624 : i32
      %mul3A_26 = arith.muli %arg1, %mul3A_25 : i32
      "tpu.region"() ({
        %run_scoped3A = tpu.sem_alloc : memref<!tpu.dma_semaphore, #tpu.memory_space<semaphore_mem>>
        %dma_start3A = arith.constant 0 : i32
        %dma_start3A_27 = tpu.memref_slice %arg7[%arg0, %mul3A_26, %dma_start3A] : memref<2x10000x128xf32, #tpu.memory_space<hbm>> -> memref<1x624x128xf32, #tpu.memory_space<hbm>>
        %dma_start3A_28 = tpu.memref_squeeze %dma_start3A_27 : memref<1x624x128xf32, #tpu.memory_space<hbm>> -> memref<624x128xf32, #tpu.memory_space<hbm>>
        %dma_start3A_29 = arith.constant 0 : i32
        %dma_start3A_30 = tpu.memref_slice %arg12[%mul3A_24, %dma_start3A_29] : memref<10000x128xf32, #tpu.memory_space<vmem_shared>> -> memref<624x128xf32, #tpu.memory_space<vmem_shared>>
        tpu.enqueue_dma source(%dma_start3A_30 : memref<624x128xf32, #tpu.memory_space<vmem_shared>>) target(%dma_start3A_28 : memref<624x128xf32, #tpu.memory_space<hbm>>) target_semaphore(%run_scoped3A : memref<!tpu.dma_semaphore, #tpu.memory_space<semaphore_mem>>)
        %dma_wait3A = arith.constant 0 : i32
        %dma_wait3A_31 = tpu.memref_slice %arg7[%arg0, %mul3A_26, %dma_wait3A] : memref<2x10000x128xf32, #tpu.memory_space<hbm>> -> memref<1x624x128xf32, #tpu.memory_space<hbm>>
        %dma_wait3A_32 = tpu.memref_squeeze %dma_wait3A_31 : memref<1x624x128xf32, #tpu.memory_space<hbm>> -> memref<624x128xf32, #tpu.memory_space<hbm>>
        %dma_wait3A_33 = arith.constant 0 : i32
        %dma_wait3A_34 = tpu.memref_slice %arg12[%mul3A_24, %dma_wait3A_33] : memref<10000x128xf32, #tpu.memory_space<vmem_shared>> -> memref<624x128xf32, #tpu.memory_space<vmem_shared>>
        tpu.wait_dma2 semaphore(%run_scoped3A : memref<!tpu.dma_semaphore, #tpu.memory_space<semaphore_mem>>) src(%dma_wait3A_34 : memref<624x128xf32, #tpu.memory_space<vmem_shared>>) dst(%dma_wait3A_32 : memref<624x128xf32, #tpu.memory_space<hbm>>)
        tpu.yield
      }) : () -> ()
    } else {
    }
    %eq3A_18 = arith.constant 15 : i32
    %eq3A_19 = arith.cmpi eq, %arg1, %eq3A_18 : i32
    %convert_element_type3A_20 = arith.extui %eq3A_19 : i1 to i32
    %cond3A_21 = arith.constant 0 : i32
    %cond3A_22 = arith.cmpi ne, %convert_element_type3A_20, %cond3A_21 : i32
    scf.if %cond3A_22 {
      "tpu.region"() ({
        %run_scoped3A = tpu.sem_alloc : memref<!tpu.dma_semaphore, #tpu.memory_space<semaphore_mem>>
        %dma_start3A = arith.constant 9360 : i32
        %dma_start3A_23 = arith.constant 0 : i32
        %dma_start3A_24 = tpu.memref_slice %arg7[%arg0, %dma_start3A, %dma_start3A_23] : memref<2x10000x128xf32, #tpu.memory_space<hbm>> -> memref<1x640x128xf32, #tpu.memory_space<hbm>>
        %dma_start3A_25 = tpu.memref_squeeze %dma_start3A_24 : memref<1x640x128xf32, #tpu.memory_space<hbm>> -> memref<640x128xf32, #tpu.memory_space<hbm>>
        %dma_start3A_26 = arith.constant 9360 : i32
        %dma_start3A_27 = arith.constant 0 : i32
        %dma_start3A_28 = tpu.memref_slice %arg12[%dma_start3A_26, %dma_start3A_27] : memref<10000x128xf32, #tpu.memory_space<vmem_shared>> -> memref<640x128xf32, #tpu.memory_space<vmem_shared>>
        tpu.enqueue_dma source(%dma_start3A_28 : memref<640x128xf32, #tpu.memory_space<vmem_shared>>) target(%dma_start3A_25 : memref<640x128xf32, #tpu.memory_space<hbm>>) target_semaphore(%run_scoped3A : memref<!tpu.dma_semaphore, #tpu.memory_space<semaphore_mem>>)
        %dma_wait3A = arith.constant 9360 : i32
        %dma_wait3A_29 = arith.constant 0 : i32
        %dma_wait3A_30 = tpu.memref_slice %arg7[%arg0, %dma_wait3A, %dma_wait3A_29] : memref<2x10000x128xf32, #tpu.memory_space<hbm>> -> memref<1x640x128xf32, #tpu.memory_space<hbm>>
        %dma_wait3A_31 = tpu.memref_squeeze %dma_wait3A_30 : memref<1x640x128xf32, #tpu.memory_space<hbm>> -> memref<640x128xf32, #tpu.memory_space<hbm>>
        %dma_wait3A_32 = arith.constant 9360 : i32
        %dma_wait3A_33 = arith.constant 0 : i32
        %dma_wait3A_34 = tpu.memref_slice %arg12[%dma_wait3A_32, %dma_wait3A_33] : memref<10000x128xf32, #tpu.memory_space<vmem_shared>> -> memref<640x128xf32, #tpu.memory_space<vmem_shared>>
        tpu.wait_dma2 semaphore(%run_scoped3A : memref<!tpu.dma_semaphore, #tpu.memory_space<semaphore_mem>>) src(%dma_wait3A_34 : memref<640x128xf32, #tpu.memory_space<vmem_shared>>) dst(%dma_wait3A_31 : memref<640x128xf32, #tpu.memory_space<hbm>>)
        tpu.yield
      }) : () -> ()
    } else {
    }
    return
  }
}

#map = affine_map<(d0, d1) -> (0, 0)>
#map1 = affine_map<(d0, d1) -> (0, 0, 0, 0)>
#map2 = affine_map<(d0, d1) -> (0, 0, 0)>
module attributes {stable_mosaic.version = 14 : i64} {
  func.func @_k2_body(%arg0: i32, %arg1: i32, %arg2: memref<10000x128xf32, #tpu.memory_space<hbm>>, %arg3: memref<320000x128xf32, #tpu.memory_space<hbm>>, %arg4: memref<32x25x5x80xi32, #tpu.memory_space<hbm>>, %arg5: memref<32x25x5x80xi32, #tpu.memory_space<hbm>>, %arg6: memref<10000x128xf32, #tpu.memory_space<hbm>>, %arg7: memref<2x10000x128xf32, #tpu.memory_space<hbm>>, %arg8: memref<5x80xi32, #tpu.memory_space<vmem>>, %arg9: memref<5x80xi32, #tpu.memory_space<vmem>>, %arg10: memref<80x128xf32, #tpu.memory_space<vmem>>, %arg11: memref<80x128xf32, #tpu.memory_space<vmem>>, %arg12: memref<10000x128xf32, #tpu.memory_space<vmem_shared>>) attributes {dimension_semantics = [#tpu.dimension_semantics<core_parallel>, #tpu.dimension_semantics<subcore_parallel>], iteration_bounds = array<i64: 2, 16>, scalar_prefetch = 0 : i64, scratch_operands = 5 : i64, tpu.core_type = #tpu.core_type<sc_vector_subcore>, window_params = [{transform_indices = #map}, {transform_indices = #map}, {transform_indices = #map1}, {transform_indices = #map1}, {transform_indices = #map}, {transform_indices = #map2}]} {
    %mul3A = arith.constant 16 : i32
    %mul3A_0 = arith.muli %arg0, %mul3A : i32
    %add3A = arith.addi %mul3A_0, %arg1 : i32
    %lt3A = arith.constant 15 : i32
    %lt3A_1 = arith.cmpi slt, %arg1, %lt3A : i32
    %convert_element_type3A = arith.extui %lt3A_1 : i1 to i32
    %cond3A = arith.constant 0 : i32
    %cond3A_2 = arith.cmpi ne, %convert_element_type3A, %cond3A : i32
    scf.if %cond3A_2 {
      %mul3A_23 = arith.constant 624 : i32
      %mul3A_24 = arith.muli %arg1, %mul3A_23 : i32
      %mul3A_25 = arith.constant 624 : i32
      %mul3A_26 = arith.muli %arg1, %mul3A_25 : i32
      "tpu.region"() ({
        %run_scoped3A = tpu.sem_alloc : memref<!tpu.dma_semaphore, #tpu.memory_space<semaphore_mem>>
        %dma_start3A = arith.constant 0 : i32
        %dma_start3A_27 = tpu.memref_slice %arg12[%mul3A_26, %dma_start3A] : memref<10000x128xf32, #tpu.memory_space<vmem_shared>> -> memref<624x128xf32, #tpu.memory_space<vmem_shared>>
        %dma_start3A_28 = arith.constant 0 : i32
        %dma_start3A_29 = tpu.memref_slice %arg6[%mul3A_24, %dma_start3A_28] : memref<10000x128xf32, #tpu.memory_space<hbm>> -> memref<624x128xf32, #tpu.memory_space<hbm>>
        tpu.enqueue_dma source(%dma_start3A_29 : memref<624x128xf32, #tpu.memory_space<hbm>>) target(%dma_start3A_27 : memref<624x128xf32, #tpu.memory_space<vmem_shared>>) target_semaphore(%run_scoped3A : memref<!tpu.dma_semaphore, #tpu.memory_space<semaphore_mem>>)
        %dma_wait3A = arith.constant 0 : i32
        %dma_wait3A_30 = tpu.memref_slice %arg12[%mul3A_26, %dma_wait3A] : memref<10000x128xf32, #tpu.memory_space<vmem_shared>> -> memref<624x128xf32, #tpu.memory_space<vmem_shared>>
        %dma_wait3A_31 = arith.constant 0 : i32
        %dma_wait3A_32 = tpu.memref_slice %arg6[%mul3A_24, %dma_wait3A_31] : memref<10000x128xf32, #tpu.memory_space<hbm>> -> memref<624x128xf32, #tpu.memory_space<hbm>>
        tpu.wait_dma2 semaphore(%run_scoped3A : memref<!tpu.dma_semaphore, #tpu.memory_space<semaphore_mem>>) src(%dma_wait3A_32 : memref<624x128xf32, #tpu.memory_space<hbm>>) dst(%dma_wait3A_30 : memref<624x128xf32, #tpu.memory_space<vmem_shared>>)
        tpu.yield
      }) : () -> ()
    } else {
    }
    %eq3A = arith.constant 15 : i32
    %eq3A_3 = arith.cmpi eq, %arg1, %eq3A : i32
    %convert_element_type3A_4 = arith.extui %eq3A_3 : i1 to i32
    %cond3A_5 = arith.constant 0 : i32
    %cond3A_6 = arith.cmpi ne, %convert_element_type3A_4, %cond3A_5 : i32
    scf.if %cond3A_6 {
      "tpu.region"() ({
        %run_scoped3A = tpu.sem_alloc : memref<!tpu.dma_semaphore, #tpu.memory_space<semaphore_mem>>
        %dma_start3A = arith.constant 9360 : i32
        %dma_start3A_23 = arith.constant 0 : i32
        %dma_start3A_24 = tpu.memref_slice %arg12[%dma_start3A, %dma_start3A_23] : memref<10000x128xf32, #tpu.memory_space<vmem_shared>> -> memref<640x128xf32, #tpu.memory_space<vmem_shared>>
        %dma_start3A_25 = arith.constant 9360 : i32
        %dma_start3A_26 = arith.constant 0 : i32
        %dma_start3A_27 = tpu.memref_slice %arg6[%dma_start3A_25, %dma_start3A_26] : memref<10000x128xf32, #tpu.memory_space<hbm>> -> memref<640x128xf32, #tpu.memory_space<hbm>>
        tpu.enqueue_dma source(%dma_start3A_27 : memref<640x128xf32, #tpu.memory_space<hbm>>) target(%dma_start3A_24 : memref<640x128xf32, #tpu.memory_space<vmem_shared>>) target_semaphore(%run_scoped3A : memref<!tpu.dma_semaphore, #tpu.memory_space<semaphore_mem>>)
        %dma_wait3A = arith.constant 9360 : i32
        %dma_wait3A_28 = arith.constant 0 : i32
        %dma_wait3A_29 = tpu.memref_slice %arg12[%dma_wait3A, %dma_wait3A_28] : memref<10000x128xf32, #tpu.memory_space<vmem_shared>> -> memref<640x128xf32, #tpu.memory_space<vmem_shared>>
        %dma_wait3A_30 = arith.constant 9360 : i32
        %dma_wait3A_31 = arith.constant 0 : i32
        %dma_wait3A_32 = tpu.memref_slice %arg6[%dma_wait3A_30, %dma_wait3A_31] : memref<10000x128xf32, #tpu.memory_space<hbm>> -> memref<640x128xf32, #tpu.memory_space<hbm>>
        tpu.wait_dma2 semaphore(%run_scoped3A : memref<!tpu.dma_semaphore, #tpu.memory_space<semaphore_mem>>) src(%dma_wait3A_32 : memref<640x128xf32, #tpu.memory_space<hbm>>) dst(%dma_wait3A_29 : memref<640x128xf32, #tpu.memory_space<vmem_shared>>)
        tpu.yield
      }) : () -> ()
    } else {
    }
    %barrier3A = arith.constant 0 : index
    tpu.barrier barrier_id(%barrier3A)
    %scan3A = arith.constant 0 : i32
    %scan3A_7 = arith.constant 0 : i32
    %scan3A_8 = arith.constant 25 : i32
    %scan3A_9 = arith.addi %scan3A_7, %scan3A_8 : i32
    %scan3A_10 = arith.constant 1 : i32
    scf.for %scan3A_23 = %scan3A_7 to %scan3A_9 step %scan3A_10  : i32 {
      "tpu.region"() ({
        %run_scoped3A_108 = tpu.sem_alloc : memref<!tpu.dma_semaphore, #tpu.memory_space<semaphore_mem>>
        %dma_start3A = arith.constant 0 : i32
        %dma_start3A_109 = arith.constant 0 : i32
        %dma_start3A_110 = tpu.memref_slice %arg4[%add3A, %scan3A_23, %dma_start3A, %dma_start3A_109] : memref<32x25x5x80xi32, #tpu.memory_space<hbm>> -> memref<1x1x5x80xi32, #tpu.memory_space<hbm>>
        %dma_start3A_111 = tpu.memref_squeeze %dma_start3A_110 : memref<1x1x5x80xi32, #tpu.memory_space<hbm>> -> memref<5x80xi32, #tpu.memory_space<hbm>>
        %dma_start3A_112 = arith.constant 0 : i32
        %dma_start3A_113 = arith.constant 0 : i32
        %dma_start3A_114 = tpu.memref_slice %arg4[%add3A, %scan3A_23, %dma_start3A_112, %dma_start3A_113] : memref<32x25x5x80xi32, #tpu.memory_space<hbm>> -> memref<1x1x5x80xi32, #tpu.memory_space<hbm>>
        %dma_start3A_115 = tpu.memref_squeeze %dma_start3A_114 : memref<1x1x5x80xi32, #tpu.memory_space<hbm>> -> memref<5x80xi32, #tpu.memory_space<hbm>>
        tpu.enqueue_dma source(%dma_start3A_115 : memref<5x80xi32, #tpu.memory_space<hbm>>) target(%arg8 : memref<5x80xi32, #tpu.memory_space<vmem>>) target_semaphore(%run_scoped3A_108 : memref<!tpu.dma_semaphore, #tpu.memory_space<semaphore_mem>>)
        %dma_wait3A = arith.constant 0 : i32
        %dma_wait3A_116 = arith.constant 0 : i32
        %dma_wait3A_117 = tpu.memref_slice %arg4[%add3A, %scan3A_23, %dma_wait3A, %dma_wait3A_116] : memref<32x25x5x80xi32, #tpu.memory_space<hbm>> -> memref<1x1x5x80xi32, #tpu.memory_space<hbm>>
        %dma_wait3A_118 = tpu.memref_squeeze %dma_wait3A_117 : memref<1x1x5x80xi32, #tpu.memory_space<hbm>> -> memref<5x80xi32, #tpu.memory_space<hbm>>
        %dma_wait3A_119 = arith.constant 0 : i32
        %dma_wait3A_120 = arith.constant 0 : i32
        %dma_wait3A_121 = tpu.memref_slice %arg4[%add3A, %scan3A_23, %dma_wait3A_119, %dma_wait3A_120] : memref<32x25x5x80xi32, #tpu.memory_space<hbm>> -> memref<1x1x5x80xi32, #tpu.memory_space<hbm>>
        %dma_wait3A_122 = tpu.memref_squeeze %dma_wait3A_121 : memref<1x1x5x80xi32, #tpu.memory_space<hbm>> -> memref<5x80xi32, #tpu.memory_space<hbm>>
        tpu.wait_dma2 semaphore(%run_scoped3A_108 : memref<!tpu.dma_semaphore, #tpu.memory_space<semaphore_mem>>) src(%dma_wait3A_122 : memref<5x80xi32, #tpu.memory_space<hbm>>) dst(%arg8 : memref<5x80xi32, #tpu.memory_space<vmem>>)
        tpu.yield
      }) : () -> ()
      "tpu.region"() ({
        %run_scoped3A_108 = tpu.sem_alloc : memref<!tpu.dma_semaphore, #tpu.memory_space<semaphore_mem>>
        %dma_start3A = arith.constant 0 : i32
        %dma_start3A_109 = arith.constant 0 : i32
        %dma_start3A_110 = tpu.memref_slice %arg5[%add3A, %scan3A_23, %dma_start3A, %dma_start3A_109] : memref<32x25x5x80xi32, #tpu.memory_space<hbm>> -> memref<1x1x5x80xi32, #tpu.memory_space<hbm>>
        %dma_start3A_111 = tpu.memref_squeeze %dma_start3A_110 : memref<1x1x5x80xi32, #tpu.memory_space<hbm>> -> memref<5x80xi32, #tpu.memory_space<hbm>>
        %dma_start3A_112 = arith.constant 0 : i32
        %dma_start3A_113 = arith.constant 0 : i32
        %dma_start3A_114 = tpu.memref_slice %arg5[%add3A, %scan3A_23, %dma_start3A_112, %dma_start3A_113] : memref<32x25x5x80xi32, #tpu.memory_space<hbm>> -> memref<1x1x5x80xi32, #tpu.memory_space<hbm>>
        %dma_start3A_115 = tpu.memref_squeeze %dma_start3A_114 : memref<1x1x5x80xi32, #tpu.memory_space<hbm>> -> memref<5x80xi32, #tpu.memory_space<hbm>>
        tpu.enqueue_dma source(%dma_start3A_115 : memref<5x80xi32, #tpu.memory_space<hbm>>) target(%arg9 : memref<5x80xi32, #tpu.memory_space<vmem>>) target_semaphore(%run_scoped3A_108 : memref<!tpu.dma_semaphore, #tpu.memory_space<semaphore_mem>>)
        %dma_wait3A = arith.constant 0 : i32
        %dma_wait3A_116 = arith.constant 0 : i32
        %dma_wait3A_117 = tpu.memref_slice %arg5[%add3A, %scan3A_23, %dma_wait3A, %dma_wait3A_116] : memref<32x25x5x80xi32, #tpu.memory_space<hbm>> -> memref<1x1x5x80xi32, #tpu.memory_space<hbm>>
        %dma_wait3A_118 = tpu.memref_squeeze %dma_wait3A_117 : memref<1x1x5x80xi32, #tpu.memory_space<hbm>> -> memref<5x80xi32, #tpu.memory_space<hbm>>
        %dma_wait3A_119 = arith.constant 0 : i32
        %dma_wait3A_120 = arith.constant 0 : i32
        %dma_wait3A_121 = tpu.memref_slice %arg5[%add3A, %scan3A_23, %dma_wait3A_119, %dma_wait3A_120] : memref<32x25x5x80xi32, #tpu.memory_space<hbm>> -> memref<1x1x5x80xi32, #tpu.memory_space<hbm>>
        %dma_wait3A_122 = tpu.memref_squeeze %dma_wait3A_121 : memref<1x1x5x80xi32, #tpu.memory_space<hbm>> -> memref<5x80xi32, #tpu.memory_space<hbm>>
        tpu.wait_dma2 semaphore(%run_scoped3A_108 : memref<!tpu.dma_semaphore, #tpu.memory_space<semaphore_mem>>) src(%dma_wait3A_122 : memref<5x80xi32, #tpu.memory_space<hbm>>) dst(%arg9 : memref<5x80xi32, #tpu.memory_space<vmem>>)
        tpu.yield
      }) : () -> ()
      %run_scoped3A = arith.constant 0 : i32
      "tpu.region"() ({
        %run_scoped3A_108 = tpu.sem_alloc : memref<!tpu.dma_semaphore, #tpu.memory_space<semaphore_mem>>
        %dma_start3A = arith.constant 0 : i32
        %dma_start3A_109 = tpu.memref_slice %arg8[%run_scoped3A, %dma_start3A] : memref<5x80xi32, #tpu.memory_space<vmem>> -> memref<1x80xi32, #tpu.memory_space<vmem>>
        %dma_start3A_110 = tpu.memref_squeeze %dma_start3A_109 : memref<1x80xi32, #tpu.memory_space<vmem>> -> memref<80xi32, #tpu.memory_space<vmem>>
        %dma_start3A_111 = arith.constant 0 : i32
        %dma_start3A_112 = arith.constant 0 : i32
        %dma_start3A_113 = tpu.memref_slice %arg2[%dma_start3A_111, %dma_start3A_112] : memref<10000x128xf32, #tpu.memory_space<hbm>> -> memref<10000x128xf32, #tpu.memory_space<hbm>>
        tpu.enqueue_indirect_dma source(%dma_start3A_113 : memref<10000x128xf32, #tpu.memory_space<hbm>>) target(%arg10 : memref<80x128xf32, #tpu.memory_space<vmem>>) offsets(%dma_start3A_110 : memref<80xi32, #tpu.memory_space<vmem>>) semaphore(%run_scoped3A_108 : memref<!tpu.dma_semaphore, #tpu.memory_space<semaphore_mem>>)
        %dma_wait3A = arith.constant 0 : i32
        %dma_wait3A_114 = tpu.memref_slice %arg8[%run_scoped3A, %dma_wait3A] : memref<5x80xi32, #tpu.memory_space<vmem>> -> memref<1x80xi32, #tpu.memory_space<vmem>>
        %dma_wait3A_115 = tpu.memref_squeeze %dma_wait3A_114 : memref<1x80xi32, #tpu.memory_space<vmem>> -> memref<80xi32, #tpu.memory_space<vmem>>
        %dma_wait3A_116 = arith.constant 0 : i32
        %dma_wait3A_117 = arith.constant 0 : i32
        %dma_wait3A_118 = tpu.memref_slice %arg2[%dma_wait3A_116, %dma_wait3A_117] : memref<10000x128xf32, #tpu.memory_space<hbm>> -> memref<10000x128xf32, #tpu.memory_space<hbm>>
        tpu.wait_indirect_dma semaphore(%run_scoped3A_108 : memref<!tpu.dma_semaphore, #tpu.memory_space<semaphore_mem>>) src(%dma_wait3A_118 : memref<10000x128xf32, #tpu.memory_space<hbm>>) dst(%arg10 : memref<80x128xf32, #tpu.memory_space<vmem>>)
        tpu.yield
      }) : () -> ()
      %mul3A_24 = arith.constant 10000 : i32
      %mul3A_25 = arith.muli %add3A, %mul3A_24 : i32
      %mul3A_26 = arith.constant 5 : i32
      %mul3A_27 = arith.muli %scan3A_23, %mul3A_26 : i32
      %add3A_28 = arith.constant 0 : i32
      %add3A_29 = arith.addi %mul3A_27, %add3A_28 : i32
      %mul3A_30 = arith.constant 80 : i32
      %mul3A_31 = arith.muli %add3A_29, %mul3A_30 : i32
      %add3A_32 = arith.addi %mul3A_25, %mul3A_31 : i32
      "tpu.region"() ({
        %run_scoped3A_108 = tpu.sem_alloc : memref<!tpu.dma_semaphore, #tpu.memory_space<semaphore_mem>>
        %dma_start3A = arith.constant 0 : i32
        %dma_start3A_109 = tpu.memref_slice %arg3[%add3A_32, %dma_start3A] : memref<320000x128xf32, #tpu.memory_space<hbm>> -> memref<80x128xf32, #tpu.memory_space<hbm>>
        %dma_start3A_110 = arith.constant 0 : i32
        %dma_start3A_111 = tpu.memref_slice %arg3[%add3A_32, %dma_start3A_110] : memref<320000x128xf32, #tpu.memory_space<hbm>> -> memref<80x128xf32, #tpu.memory_space<hbm>>
        tpu.enqueue_dma source(%dma_start3A_111 : memref<80x128xf32, #tpu.memory_space<hbm>>) target(%arg11 : memref<80x128xf32, #tpu.memory_space<vmem>>) target_semaphore(%run_scoped3A_108 : memref<!tpu.dma_semaphore, #tpu.memory_space<semaphore_mem>>)
        %dma_wait3A = arith.constant 0 : i32
        %dma_wait3A_112 = tpu.memref_slice %arg3[%add3A_32, %dma_wait3A] : memref<320000x128xf32, #tpu.memory_space<hbm>> -> memref<80x128xf32, #tpu.memory_space<hbm>>
        %dma_wait3A_113 = arith.constant 0 : i32
        %dma_wait3A_114 = tpu.memref_slice %arg3[%add3A_32, %dma_wait3A_113] : memref<320000x128xf32, #tpu.memory_space<hbm>> -> memref<80x128xf32, #tpu.memory_space<hbm>>
        tpu.wait_dma2 semaphore(%run_scoped3A_108 : memref<!tpu.dma_semaphore, #tpu.memory_space<semaphore_mem>>) src(%dma_wait3A_114 : memref<80x128xf32, #tpu.memory_space<hbm>>) dst(%arg11 : memref<80x128xf32, #tpu.memory_space<vmem>>)
        tpu.yield
      }) : () -> ()
      %scan3A_33 = arith.constant 0 : i32
      %scan3A_34 = arith.constant 0 : i32
      %scan3A_35 = arith.constant 80 : i32
      %scan3A_36 = arith.addi %scan3A_34, %scan3A_35 : i32
      %scan3A_37 = arith.constant 1 : i32
      scf.for %scan3A_108 = %scan3A_34 to %scan3A_36 step %scan3A_37  : i32 {
        %get3A = arith.index_cast %scan3A_108 : i32 to index
        %get3A_109 = arith.constant 0 : index
        %get3A_110 = tpu.vector_load %arg10[%get3A, %get3A_109] {strides = array<i32>} : memref<80x128xf32, #tpu.memory_space<vmem>>, vector<16xf32>,
        %get3A_111 = arith.index_cast %scan3A_108 : i32 to index
        %get3A_112 = arith.constant 0 : index
        %get3A_113 = tpu.vector_load %arg11[%get3A_111, %get3A_112] {strides = array<i32>} : memref<80x128xf32, #tpu.memory_space<vmem>>, vector<16xf32>,
        %mul3A_114 = arith.mulf %get3A_110, %get3A_113 : vector<16xf32>
        %swap3A = arith.index_cast %scan3A_108 : i32 to index
        %swap3A_115 = arith.constant 0 : index
        %swap3A_116 = tpu.vector_load %arg10[%swap3A, %swap3A_115] {strides = array<i32>} : memref<80x128xf32, #tpu.memory_space<vmem>>, vector<16xf32>,
        tpu.vector_store %arg10[%swap3A, %swap3A_115], %mul3A_114 {strides = array<i32>} : memref<80x128xf32, #tpu.memory_space<vmem>>, vector<16xf32>,
        %get3A_117 = arith.index_cast %scan3A_108 : i32 to index
        %get3A_118 = arith.constant 16 : index
        %get3A_119 = tpu.vector_load %arg10[%get3A_117, %get3A_118] {strides = array<i32>} : memref<80x128xf32, #tpu.memory_space<vmem>>, vector<16xf32>,
        %get3A_120 = arith.index_cast %scan3A_108 : i32 to index
        %get3A_121 = arith.constant 16 : index
        %get3A_122 = tpu.vector_load %arg11[%get3A_120, %get3A_121] {strides = array<i32>} : memref<80x128xf32, #tpu.memory_space<vmem>>, vector<16xf32>,
        %mul3A_123 = arith.mulf %get3A_119, %get3A_122 : vector<16xf32>
        %swap3A_124 = arith.index_cast %scan3A_108 : i32 to index
        %swap3A_125 = arith.constant 16 : index
        %swap3A_126 = tpu.vector_load %arg10[%swap3A_124, %swap3A_125] {strides = array<i32>} : memref<80x128xf32, #tpu.memory_space<vmem>>, vector<16xf32>,
        tpu.vector_store %arg10[%swap3A_124, %swap3A_125], %mul3A_123 {strides = array<i32>} : memref<80x128xf32, #tpu.memory_space<vmem>>, vector<16xf32>,
        %get3A_127 = arith.index_cast %scan3A_108 : i32 to index
        %get3A_128 = arith.constant 32 : index
        %get3A_129 = tpu.vector_load %arg10[%get3A_127, %get3A_128] {strides = array<i32>} : memref<80x128xf32, #tpu.memory_space<vmem>>, vector<16xf32>,
        %get3A_130 = arith.index_cast %scan3A_108 : i32 to index
        %get3A_131 = arith.constant 32 : index
        %get3A_132 = tpu.vector_load %arg11[%get3A_130, %get3A_131] {strides = array<i32>} : memref<80x128xf32, #tpu.memory_space<vmem>>, vector<16xf32>,
        %mul3A_133 = arith.mulf %get3A_129, %get3A_132 : vector<16xf32>
        %swap3A_134 = arith.index_cast %scan3A_108 : i32 to index
        %swap3A_135 = arith.constant 32 : index
        %swap3A_136 = tpu.vector_load %arg10[%swap3A_134, %swap3A_135] {strides = array<i32>} : memref<80x128xf32, #tpu.memory_space<vmem>>, vector<16xf32>,
        tpu.vector_store %arg10[%swap3A_134, %swap3A_135], %mul3A_133 {strides = array<i32>} : memref<80x128xf32, #tpu.memory_space<vmem>>, vector<16xf32>,
        %get3A_137 = arith.index_cast %scan3A_108 : i32 to index
        %get3A_138 = arith.constant 48 : index
        %get3A_139 = tpu.vector_load %arg10[%get3A_137, %get3A_138] {strides = array<i32>} : memref<80x128xf32, #tpu.memory_space<vmem>>, vector<16xf32>,
        %get3A_140 = arith.index_cast %scan3A_108 : i32 to index
        %get3A_141 = arith.constant 48 : index
        %get3A_142 = tpu.vector_load %arg11[%get3A_140, %get3A_141] {strides = array<i32>} : memref<80x128xf32, #tpu.memory_space<vmem>>, vector<16xf32>,
        %mul3A_143 = arith.mulf %get3A_139, %get3A_142 : vector<16xf32>
        %swap3A_144 = arith.index_cast %scan3A_108 : i32 to index
        %swap3A_145 = arith.constant 48 : index
        %swap3A_146 = tpu.vector_load %arg10[%swap3A_144, %swap3A_145] {strides = array<i32>} : memref<80x128xf32, #tpu.memory_space<vmem>>, vector<16xf32>,
        tpu.vector_store %arg10[%swap3A_144, %swap3A_145], %mul3A_143 {strides = array<i32>} : memref<80x128xf32, #tpu.memory_space<vmem>>, vector<16xf32>,
        %get3A_147 = arith.index_cast %scan3A_108 : i32 to index
        %get3A_148 = arith.constant 64 : index
        %get3A_149 = tpu.vector_load %arg10[%get3A_147, %get3A_148] {strides = array<i32>} : memref<80x128xf32, #tpu.memory_space<vmem>>, vector<16xf32>,
        %get3A_150 = arith.index_cast %scan3A_108 : i32 to index
        %get3A_151 = arith.constant 64 : index
        %get3A_152 = tpu.vector_load %arg11[%get3A_150, %get3A_151] {strides = array<i32>} : memref<80x128xf32, #tpu.memory_space<vmem>>, vector<16xf32>,
        %mul3A_153 = arith.mulf %get3A_149, %get3A_152 : vector<16xf32>
        %swap3A_154 = arith.index_cast %scan3A_108 : i32 to index
        %swap3A_155 = arith.constant 64 : index
        %swap3A_156 = tpu.vector_load %arg10[%swap3A_154, %swap3A_155] {strides = array<i32>} : memref<80x128xf32, #tpu.memory_space<vmem>>, vector<16xf32>,
        tpu.vector_store %arg10[%swap3A_154, %swap3A_155], %mul3A_153 {strides = array<i32>} : memref<80x128xf32, #tpu.memory_space<vmem>>, vector<16xf32>,
        %get3A_157 = arith.index_cast %scan3A_108 : i32 to index
        %get3A_158 = arith.constant 80 : index
        %get3A_159 = tpu.vector_load %arg10[%get3A_157, %get3A_158] {strides = array<i32>} : memref<80x128xf32, #tpu.memory_space<vmem>>, vector<16xf32>,
        %get3A_160 = arith.index_cast %scan3A_108 : i32 to index
        %get3A_161 = arith.constant 80 : index
        %get3A_162 = tpu.vector_load %arg11[%get3A_160, %get3A_161] {strides = array<i32>} : memref<80x128xf32, #tpu.memory_space<vmem>>, vector<16xf32>,
        %mul3A_163 = arith.mulf %get3A_159, %get3A_162 : vector<16xf32>
        %swap3A_164 = arith.index_cast %scan3A_108 : i32 to index
        %swap3A_165 = arith.constant 80 : index
        %swap3A_166 = tpu.vector_load %arg10[%swap3A_164, %swap3A_165] {strides = array<i32>} : memref<80x128xf32, #tpu.memory_space<vmem>>, vector<16xf32>,
        tpu.vector_store %arg10[%swap3A_164, %swap3A_165], %mul3A_163 {strides = array<i32>} : memref<80x128xf32, #tpu.memory_space<vmem>>, vector<16xf32>,
        %get3A_167 = arith.index_cast %scan3A_108 : i32 to index
        %get3A_168 = arith.constant 96 : index
        %get3A_169 = tpu.vector_load %arg10[%get3A_167, %get3A_168] {strides = array<i32>} : memref<80x128xf32, #tpu.memory_space<vmem>>, vector<16xf32>,
        %get3A_170 = arith.index_cast %scan3A_108 : i32 to index
        %get3A_171 = arith.constant 96 : index
        %get3A_172 = tpu.vector_load %arg11[%get3A_170, %get3A_171] {strides = array<i32>} : memref<80x128xf32, #tpu.memory_space<vmem>>, vector<16xf32>,
        %mul3A_173 = arith.mulf %get3A_169, %get3A_172 : vector<16xf32>
        %swap3A_174 = arith.index_cast %scan3A_108 : i32 to index
        %swap3A_175 = arith.constant 96 : index
        %swap3A_176 = tpu.vector_load %arg10[%swap3A_174, %swap3A_175] {strides = array<i32>} : memref<80x128xf32, #tpu.memory_space<vmem>>, vector<16xf32>,
        tpu.vector_store %arg10[%swap3A_174, %swap3A_175], %mul3A_173 {strides = array<i32>} : memref<80x128xf32, #tpu.memory_space<vmem>>, vector<16xf32>,
        %get3A_177 = arith.index_cast %scan3A_108 : i32 to index
        %get3A_178 = arith.constant 112 : index
        %get3A_179 = tpu.vector_load %arg10[%get3A_177, %get3A_178] {strides = array<i32>} : memref<80x128xf32, #tpu.memory_space<vmem>>, vector<16xf32>,
        %get3A_180 = arith.index_cast %scan3A_108 : i32 to index
        %get3A_181 = arith.constant 112 : index
        %get3A_182 = tpu.vector_load %arg11[%get3A_180, %get3A_181] {strides = array<i32>} : memref<80x128xf32, #tpu.memory_space<vmem>>, vector<16xf32>,
        %mul3A_183 = arith.mulf %get3A_179, %get3A_182 : vector<16xf32>
        %swap3A_184 = arith.index_cast %scan3A_108 : i32 to index
        %swap3A_185 = arith.constant 112 : index
        %swap3A_186 = tpu.vector_load %arg10[%swap3A_184, %swap3A_185] {strides = array<i32>} : memref<80x128xf32, #tpu.memory_space<vmem>>, vector<16xf32>,
        tpu.vector_store %arg10[%swap3A_184, %swap3A_185], %mul3A_183 {strides = array<i32>} : memref<80x128xf32, #tpu.memory_space<vmem>>, vector<16xf32>,
      }
      %scan3A_38 = arith.constant 80 : i32
      %run_scoped3A_39 = arith.constant 0 : i32
      "tpu.region"() ({
        %run_scoped3A_108 = tpu.sem_alloc : memref<!tpu.dma_semaphore, #tpu.memory_space<semaphore_mem>>
        %dma_start3A = arith.constant 0 : i32
        %dma_start3A_109 = tpu.memref_slice %arg9[%run_scoped3A_39, %dma_start3A] : memref<5x80xi32, #tpu.memory_space<vmem>> -> memref<1x80xi32, #tpu.memory_space<vmem>>
        %dma_start3A_110 = tpu.memref_squeeze %dma_start3A_109 : memref<1x80xi32, #tpu.memory_space<vmem>> -> memref<80xi32, #tpu.memory_space<vmem>>
        %dma_start3A_111 = arith.constant 0 : i32
        %dma_start3A_112 = arith.constant 0 : i32
        %dma_start3A_113 = tpu.memref_slice %arg12[%dma_start3A_111, %dma_start3A_112] : memref<10000x128xf32, #tpu.memory_space<vmem_shared>> -> memref<10000x128xf32, #tpu.memory_space<vmem_shared>>
        tpu.enqueue_indirect_dma source(%arg10 : memref<80x128xf32, #tpu.memory_space<vmem>>) target(%dma_start3A_113 : memref<10000x128xf32, #tpu.memory_space<vmem_shared>>) offsets(%dma_start3A_110 : memref<80xi32, #tpu.memory_space<vmem>>) semaphore(%run_scoped3A_108 : memref<!tpu.dma_semaphore, #tpu.memory_space<semaphore_mem>>) {add = true}
        %dma_wait3A = arith.constant 0 : i32
        %dma_wait3A_114 = tpu.memref_slice %arg9[%run_scoped3A_39, %dma_wait3A] : memref<5x80xi32, #tpu.memory_space<vmem>> -> memref<1x80xi32, #tpu.memory_space<vmem>>
        %dma_wait3A_115 = tpu.memref_squeeze %dma_wait3A_114 : memref<1x80xi32, #tpu.memory_space<vmem>> -> memref<80xi32, #tpu.memory_space<vmem>>
        %dma_wait3A_116 = arith.constant 0 : i32
        %dma_wait3A_117 = arith.constant 0 : i32
        %dma_wait3A_118 = tpu.memref_slice %arg12[%dma_wait3A_116, %dma_wait3A_117] : memref<10000x128xf32, #tpu.memory_space<vmem_shared>> -> memref<10000x128xf32, #tpu.memory_space<vmem_shared>>
        tpu.wait_indirect_dma semaphore(%run_scoped3A_108 : memref<!tpu.dma_semaphore, #tpu.memory_space<semaphore_mem>>) src(%arg10 : memref<80x128xf32, #tpu.memory_space<vmem>>) dst(%dma_wait3A_118 : memref<10000x128xf32, #tpu.memory_space<vmem_shared>>)
        tpu.yield
      }) : () -> ()
      %run_scoped3A_40 = arith.constant 1 : i32
      "tpu.region"() ({
        %run_scoped3A_108 = tpu.sem_alloc : memref<!tpu.dma_semaphore, #tpu.memory_space<semaphore_mem>>
        %dma_start3A = arith.constant 0 : i32
        %dma_start3A_109 = tpu.memref_slice %arg8[%run_scoped3A_40, %dma_start3A] : memref<5x80xi32, #tpu.memory_space<vmem>> -> memref<1x80xi32, #tpu.memory_space<vmem>>
        %dma_start3A_110 = tpu.memref_squeeze %dma_start3A_109 : memref<1x80xi32, #tpu.memory_space<vmem>> -> memref<80xi32, #tpu.memory_space<vmem>>
        %dma_start3A_111 = arith.constant 0 : i32
        %dma_start3A_112 = arith.constant 0 : i32
        %dma_start3A_113 = tpu.memref_slice %arg2[%dma_start3A_111, %dma_start3A_112] : memref<10000x128xf32, #tpu.memory_space<hbm>> -> memref<10000x128xf32, #tpu.memory_space<hbm>>
        tpu.enqueue_indirect_dma source(%dma_start3A_113 : memref<10000x128xf32, #tpu.memory_space<hbm>>) target(%arg10 : memref<80x128xf32, #tpu.memory_space<vmem>>) offsets(%dma_start3A_110 : memref<80xi32, #tpu.memory_space<vmem>>) semaphore(%run_scoped3A_108 : memref<!tpu.dma_semaphore, #tpu.memory_space<semaphore_mem>>)
        %dma_wait3A = arith.constant 0 : i32
        %dma_wait3A_114 = tpu.memref_slice %arg8[%run_scoped3A_40, %dma_wait3A] : memref<5x80xi32, #tpu.memory_space<vmem>> -> memref<1x80xi32, #tpu.memory_space<vmem>>
        %dma_wait3A_115 = tpu.memref_squeeze %dma_wait3A_114 : memref<1x80xi32, #tpu.memory_space<vmem>> -> memref<80xi32, #tpu.memory_space<vmem>>
        %dma_wait3A_116 = arith.constant 0 : i32
        %dma_wait3A_117 = arith.constant 0 : i32
        %dma_wait3A_118 = tpu.memref_slice %arg2[%dma_wait3A_116, %dma_wait3A_117] : memref<10000x128xf32, #tpu.memory_space<hbm>> -> memref<10000x128xf32, #tpu.memory_space<hbm>>
        tpu.wait_indirect_dma semaphore(%run_scoped3A_108 : memref<!tpu.dma_semaphore, #tpu.memory_space<semaphore_mem>>) src(%dma_wait3A_118 : memref<10000x128xf32, #tpu.memory_space<hbm>>) dst(%arg10 : memref<80x128xf32, #tpu.memory_space<vmem>>)
        tpu.yield
      }) : () -> ()
      %mul3A_41 = arith.constant 10000 : i32
      %mul3A_42 = arith.muli %add3A, %mul3A_41 : i32
      %mul3A_43 = arith.constant 5 : i32
      %mul3A_44 = arith.muli %scan3A_23, %mul3A_43 : i32
      %add3A_45 = arith.constant 1 : i32
      %add3A_46 = arith.addi %mul3A_44, %add3A_45 : i32
      %mul3A_47 = arith.constant 80 : i32
      %mul3A_48 = arith.muli %add3A_46, %mul3A_47 : i32
      %add3A_49 = arith.addi %mul3A_42, %mul3A_48 : i32
      "tpu.region"() ({
        %run_scoped3A_108 = tpu.sem_alloc : memref<!tpu.dma_semaphore, #tpu.memory_space<semaphore_mem>>
        %dma_start3A = arith.constant 0 : i32
        %dma_start3A_109 = tpu.memref_slice %arg3[%add3A_49, %dma_start3A] : memref<320000x128xf32, #tpu.memory_space<hbm>> -> memref<80x128xf32, #tpu.memory_space<hbm>>
        %dma_start3A_110 = arith.constant 0 : i32
        %dma_start3A_111 = tpu.memref_slice %arg3[%add3A_49, %dma_start3A_110] : memref<320000x128xf32, #tpu.memory_space<hbm>> -> memref<80x128xf32, #tpu.memory_space<hbm>>
        tpu.enqueue_dma source(%dma_start3A_111 : memref<80x128xf32, #tpu.memory_space<hbm>>) target(%arg11 : memref<80x128xf32, #tpu.memory_space<vmem>>) target_semaphore(%run_scoped3A_108 : memref<!tpu.dma_semaphore, #tpu.memory_space<semaphore_mem>>)
        %dma_wait3A = arith.constant 0 : i32
        %dma_wait3A_112 = tpu.memref_slice %arg3[%add3A_49, %dma_wait3A] : memref<320000x128xf32, #tpu.memory_space<hbm>> -> memref<80x128xf32, #tpu.memory_space<hbm>>
        %dma_wait3A_113 = arith.constant 0 : i32
        %dma_wait3A_114 = tpu.memref_slice %arg3[%add3A_49, %dma_wait3A_113] : memref<320000x128xf32, #tpu.memory_space<hbm>> -> memref<80x128xf32, #tpu.memory_space<hbm>>
        tpu.wait_dma2 semaphore(%run_scoped3A_108 : memref<!tpu.dma_semaphore, #tpu.memory_space<semaphore_mem>>) src(%dma_wait3A_114 : memref<80x128xf32, #tpu.memory_space<hbm>>) dst(%arg11 : memref<80x128xf32, #tpu.memory_space<vmem>>)
        tpu.yield
      }) : () -> ()
      %scan3A_50 = arith.constant 0 : i32
      %scan3A_51 = arith.constant 0 : i32
      %scan3A_52 = arith.constant 80 : i32
      %scan3A_53 = arith.addi %scan3A_51, %scan3A_52 : i32
      %scan3A_54 = arith.constant 1 : i32
      scf.for %scan3A_108 = %scan3A_51 to %scan3A_53 step %scan3A_54  : i32 {
        %get3A = arith.index_cast %scan3A_108 : i32 to index
        %get3A_109 = arith.constant 0 : index
        %get3A_110 = tpu.vector_load %arg10[%get3A, %get3A_109] {strides = array<i32>} : memref<80x128xf32, #tpu.memory_space<vmem>>, vector<16xf32>,
        %get3A_111 = arith.index_cast %scan3A_108 : i32 to index
        %get3A_112 = arith.constant 0 : index
        %get3A_113 = tpu.vector_load %arg11[%get3A_111, %get3A_112] {strides = array<i32>} : memref<80x128xf32, #tpu.memory_space<vmem>>, vector<16xf32>,
        %mul3A_114 = arith.mulf %get3A_110, %get3A_113 : vector<16xf32>
        %swap3A = arith.index_cast %scan3A_108 : i32 to index
        %swap3A_115 = arith.constant 0 : index
        %swap3A_116 = tpu.vector_load %arg10[%swap3A, %swap3A_115] {strides = array<i32>} : memref<80x128xf32, #tpu.memory_space<vmem>>, vector<16xf32>,
        tpu.vector_store %arg10[%swap3A, %swap3A_115], %mul3A_114 {strides = array<i32>} : memref<80x128xf32, #tpu.memory_space<vmem>>, vector<16xf32>,
        %get3A_117 = arith.index_cast %scan3A_108 : i32 to index
        %get3A_118 = arith.constant 16 : index
        %get3A_119 = tpu.vector_load %arg10[%get3A_117, %get3A_118] {strides = array<i32>} : memref<80x128xf32, #tpu.memory_space<vmem>>, vector<16xf32>,
        %get3A_120 = arith.index_cast %scan3A_108 : i32 to index
        %get3A_121 = arith.constant 16 : index
        %get3A_122 = tpu.vector_load %arg11[%get3A_120, %get3A_121] {strides = array<i32>} : memref<80x128xf32, #tpu.memory_space<vmem>>, vector<16xf32>,
        %mul3A_123 = arith.mulf %get3A_119, %get3A_122 : vector<16xf32>
        %swap3A_124 = arith.index_cast %scan3A_108 : i32 to index
        %swap3A_125 = arith.constant 16 : index
        %swap3A_126 = tpu.vector_load %arg10[%swap3A_124, %swap3A_125] {strides = array<i32>} : memref<80x128xf32, #tpu.memory_space<vmem>>, vector<16xf32>,
        tpu.vector_store %arg10[%swap3A_124, %swap3A_125], %mul3A_123 {strides = array<i32>} : memref<80x128xf32, #tpu.memory_space<vmem>>, vector<16xf32>,
        %get3A_127 = arith.index_cast %scan3A_108 : i32 to index
        %get3A_128 = arith.constant 32 : index
        %get3A_129 = tpu.vector_load %arg10[%get3A_127, %get3A_128] {strides = array<i32>} : memref<80x128xf32, #tpu.memory_space<vmem>>, vector<16xf32>,
        %get3A_130 = arith.index_cast %scan3A_108 : i32 to index
        %get3A_131 = arith.constant 32 : index
        %get3A_132 = tpu.vector_load %arg11[%get3A_130, %get3A_131] {strides = array<i32>} : memref<80x128xf32, #tpu.memory_space<vmem>>, vector<16xf32>,
        %mul3A_133 = arith.mulf %get3A_129, %get3A_132 : vector<16xf32>
        %swap3A_134 = arith.index_cast %scan3A_108 : i32 to index
        %swap3A_135 = arith.constant 32 : index
        %swap3A_136 = tpu.vector_load %arg10[%swap3A_134, %swap3A_135] {strides = array<i32>} : memref<80x128xf32, #tpu.memory_space<vmem>>, vector<16xf32>,
        tpu.vector_store %arg10[%swap3A_134, %swap3A_135], %mul3A_133 {strides = array<i32>} : memref<80x128xf32, #tpu.memory_space<vmem>>, vector<16xf32>,
        %get3A_137 = arith.index_cast %scan3A_108 : i32 to index
        %get3A_138 = arith.constant 48 : index
        %get3A_139 = tpu.vector_load %arg10[%get3A_137, %get3A_138] {strides = array<i32>} : memref<80x128xf32, #tpu.memory_space<vmem>>, vector<16xf32>,
        %get3A_140 = arith.index_cast %scan3A_108 : i32 to index
        %get3A_141 = arith.constant 48 : index
        %get3A_142 = tpu.vector_load %arg11[%get3A_140, %get3A_141] {strides = array<i32>} : memref<80x128xf32, #tpu.memory_space<vmem>>, vector<16xf32>,
        %mul3A_143 = arith.mulf %get3A_139, %get3A_142 : vector<16xf32>
        %swap3A_144 = arith.index_cast %scan3A_108 : i32 to index
        %swap3A_145 = arith.constant 48 : index
        %swap3A_146 = tpu.vector_load %arg10[%swap3A_144, %swap3A_145] {strides = array<i32>} : memref<80x128xf32, #tpu.memory_space<vmem>>, vector<16xf32>,
        tpu.vector_store %arg10[%swap3A_144, %swap3A_145], %mul3A_143 {strides = array<i32>} : memref<80x128xf32, #tpu.memory_space<vmem>>, vector<16xf32>,
        %get3A_147 = arith.index_cast %scan3A_108 : i32 to index
        %get3A_148 = arith.constant 64 : index
        %get3A_149 = tpu.vector_load %arg10[%get3A_147, %get3A_148] {strides = array<i32>} : memref<80x128xf32, #tpu.memory_space<vmem>>, vector<16xf32>,
        %get3A_150 = arith.index_cast %scan3A_108 : i32 to index
        %get3A_151 = arith.constant 64 : index
        %get3A_152 = tpu.vector_load %arg11[%get3A_150, %get3A_151] {strides = array<i32>} : memref<80x128xf32, #tpu.memory_space<vmem>>, vector<16xf32>,
        %mul3A_153 = arith.mulf %get3A_149, %get3A_152 : vector<16xf32>
        %swap3A_154 = arith.index_cast %scan3A_108 : i32 to index
        %swap3A_155 = arith.constant 64 : index
        %swap3A_156 = tpu.vector_load %arg10[%swap3A_154, %swap3A_155] {strides = array<i32>} : memref<80x128xf32, #tpu.memory_space<vmem>>, vector<16xf32>,
        tpu.vector_store %arg10[%swap3A_154, %swap3A_155], %mul3A_153 {strides = array<i32>} : memref<80x128xf32, #tpu.memory_space<vmem>>, vector<16xf32>,
        %get3A_157 = arith.index_cast %scan3A_108 : i32 to index
        %get3A_158 = arith.constant 80 : index
        %get3A_159 = tpu.vector_load %arg10[%get3A_157, %get3A_158] {strides = array<i32>} : memref<80x128xf32, #tpu.memory_space<vmem>>, vector<16xf32>,
        %get3A_160 = arith.index_cast %scan3A_108 : i32 to index
        %get3A_161 = arith.constant 80 : index
        %get3A_162 = tpu.vector_load %arg11[%get3A_160, %get3A_161] {strides = array<i32>} : memref<80x128xf32, #tpu.memory_space<vmem>>, vector<16xf32>,
        %mul3A_163 = arith.mulf %get3A_159, %get3A_162 : vector<16xf32>
        %swap3A_164 = arith.index_cast %scan3A_108 : i32 to index
        %swap3A_165 = arith.constant 80 : index
        %swap3A_166 = tpu.vector_load %arg10[%swap3A_164, %swap3A_165] {strides = array<i32>} : memref<80x128xf32, #tpu.memory_space<vmem>>, vector<16xf32>,
        tpu.vector_store %arg10[%swap3A_164, %swap3A_165], %mul3A_163 {strides = array<i32>} : memref<80x128xf32, #tpu.memory_space<vmem>>, vector<16xf32>,
        %get3A_167 = arith.index_cast %scan3A_108 : i32 to index
        %get3A_168 = arith.constant 96 : index
        %get3A_169 = tpu.vector_load %arg10[%get3A_167, %get3A_168] {strides = array<i32>} : memref<80x128xf32, #tpu.memory_space<vmem>>, vector<16xf32>,
        %get3A_170 = arith.index_cast %scan3A_108 : i32 to index
        %get3A_171 = arith.constant 96 : index
        %get3A_172 = tpu.vector_load %arg11[%get3A_170, %get3A_171] {strides = array<i32>} : memref<80x128xf32, #tpu.memory_space<vmem>>, vector<16xf32>,
        %mul3A_173 = arith.mulf %get3A_169, %get3A_172 : vector<16xf32>
        %swap3A_174 = arith.index_cast %scan3A_108 : i32 to index
        %swap3A_175 = arith.constant 96 : index
        %swap3A_176 = tpu.vector_load %arg10[%swap3A_174, %swap3A_175] {strides = array<i32>} : memref<80x128xf32, #tpu.memory_space<vmem>>, vector<16xf32>,
        tpu.vector_store %arg10[%swap3A_174, %swap3A_175], %mul3A_173 {strides = array<i32>} : memref<80x128xf32, #tpu.memory_space<vmem>>, vector<16xf32>,
        %get3A_177 = arith.index_cast %scan3A_108 : i32 to index
        %get3A_178 = arith.constant 112 : index
        %get3A_179 = tpu.vector_load %arg10[%get3A_177, %get3A_178] {strides = array<i32>} : memref<80x128xf32, #tpu.memory_space<vmem>>, vector<16xf32>,
        %get3A_180 = arith.index_cast %scan3A_108 : i32 to index
        %get3A_181 = arith.constant 112 : index
        %get3A_182 = tpu.vector_load %arg11[%get3A_180, %get3A_181] {strides = array<i32>} : memref<80x128xf32, #tpu.memory_space<vmem>>, vector<16xf32>,
        %mul3A_183 = arith.mulf %get3A_179, %get3A_182 : vector<16xf32>
        %swap3A_184 = arith.index_cast %scan3A_108 : i32 to index
        %swap3A_185 = arith.constant 112 : index
        %swap3A_186 = tpu.vector_load %arg10[%swap3A_184, %swap3A_185] {strides = array<i32>} : memref<80x128xf32, #tpu.memory_space<vmem>>, vector<16xf32>,
        tpu.vector_store %arg10[%swap3A_184, %swap3A_185], %mul3A_183 {strides = array<i32>} : memref<80x128xf32, #tpu.memory_space<vmem>>, vector<16xf32>,
      }
      %scan3A_55 = arith.constant 80 : i32
      %run_scoped3A_56 = arith.constant 1 : i32
      "tpu.region"() ({
        %run_scoped3A_108 = tpu.sem_alloc : memref<!tpu.dma_semaphore, #tpu.memory_space<semaphore_mem>>
        %dma_start3A = arith.constant 0 : i32
        %dma_start3A_109 = tpu.memref_slice %arg9[%run_scoped3A_56, %dma_start3A] : memref<5x80xi32, #tpu.memory_space<vmem>> -> memref<1x80xi32, #tpu.memory_space<vmem>>
        %dma_start3A_110 = tpu.memref_squeeze %dma_start3A_109 : memref<1x80xi32, #tpu.memory_space<vmem>> -> memref<80xi32, #tpu.memory_space<vmem>>
        %dma_start3A_111 = arith.constant 0 : i32
        %dma_start3A_112 = arith.constant 0 : i32
        %dma_start3A_113 = tpu.memref_slice %arg12[%dma_start3A_111, %dma_start3A_112] : memref<10000x128xf32, #tpu.memory_space<vmem_shared>> -> memref<10000x128xf32, #tpu.memory_space<vmem_shared>>
        tpu.enqueue_indirect_dma source(%arg10 : memref<80x128xf32, #tpu.memory_space<vmem>>) target(%dma_start3A_113 : memref<10000x128xf32, #tpu.memory_space<vmem_shared>>) offsets(%dma_start3A_110 : memref<80xi32, #tpu.memory_space<vmem>>) semaphore(%run_scoped3A_108 : memref<!tpu.dma_semaphore, #tpu.memory_space<semaphore_mem>>) {add = true}
        %dma_wait3A = arith.constant 0 : i32
        %dma_wait3A_114 = tpu.memref_slice %arg9[%run_scoped3A_56, %dma_wait3A] : memref<5x80xi32, #tpu.memory_space<vmem>> -> memref<1x80xi32, #tpu.memory_space<vmem>>
        %dma_wait3A_115 = tpu.memref_squeeze %dma_wait3A_114 : memref<1x80xi32, #tpu.memory_space<vmem>> -> memref<80xi32, #tpu.memory_space<vmem>>
        %dma_wait3A_116 = arith.constant 0 : i32
        %dma_wait3A_117 = arith.constant 0 : i32
        %dma_wait3A_118 = tpu.memref_slice %arg12[%dma_wait3A_116, %dma_wait3A_117] : memref<10000x128xf32, #tpu.memory_space<vmem_shared>> -> memref<10000x128xf32, #tpu.memory_space<vmem_shared>>
        tpu.wait_indirect_dma semaphore(%run_scoped3A_108 : memref<!tpu.dma_semaphore, #tpu.memory_space<semaphore_mem>>) src(%arg10 : memref<80x128xf32, #tpu.memory_space<vmem>>) dst(%dma_wait3A_118 : memref<10000x128xf32, #tpu.memory_space<vmem_shared>>)
        tpu.yield
      }) : () -> ()
      %run_scoped3A_57 = arith.constant 2 : i32
      "tpu.region"() ({
        %run_scoped3A_108 = tpu.sem_alloc : memref<!tpu.dma_semaphore, #tpu.memory_space<semaphore_mem>>
        %dma_start3A = arith.constant 0 : i32
        %dma_start3A_109 = tpu.memref_slice %arg8[%run_scoped3A_57, %dma_start3A] : memref<5x80xi32, #tpu.memory_space<vmem>> -> memref<1x80xi32, #tpu.memory_space<vmem>>
        %dma_start3A_110 = tpu.memref_squeeze %dma_start3A_109 : memref<1x80xi32, #tpu.memory_space<vmem>> -> memref<80xi32, #tpu.memory_space<vmem>>
        %dma_start3A_111 = arith.constant 0 : i32
        %dma_start3A_112 = arith.constant 0 : i32
        %dma_start3A_113 = tpu.memref_slice %arg2[%dma_start3A_111, %dma_start3A_112] : memref<10000x128xf32, #tpu.memory_space<hbm>> -> memref<10000x128xf32, #tpu.memory_space<hbm>>
        tpu.enqueue_indirect_dma source(%dma_start3A_113 : memref<10000x128xf32, #tpu.memory_space<hbm>>) target(%arg10 : memref<80x128xf32, #tpu.memory_space<vmem>>) offsets(%dma_start3A_110 : memref<80xi32, #tpu.memory_space<vmem>>) semaphore(%run_scoped3A_108 : memref<!tpu.dma_semaphore, #tpu.memory_space<semaphore_mem>>)
        %dma_wait3A = arith.constant 0 : i32
        %dma_wait3A_114 = tpu.memref_slice %arg8[%run_scoped3A_57, %dma_wait3A] : memref<5x80xi32, #tpu.memory_space<vmem>> -> memref<1x80xi32, #tpu.memory_space<vmem>>
        %dma_wait3A_115 = tpu.memref_squeeze %dma_wait3A_114 : memref<1x80xi32, #tpu.memory_space<vmem>> -> memref<80xi32, #tpu.memory_space<vmem>>
        %dma_wait3A_116 = arith.constant 0 : i32
        %dma_wait3A_117 = arith.constant 0 : i32
        %dma_wait3A_118 = tpu.memref_slice %arg2[%dma_wait3A_116, %dma_wait3A_117] : memref<10000x128xf32, #tpu.memory_space<hbm>> -> memref<10000x128xf32, #tpu.memory_space<hbm>>
        tpu.wait_indirect_dma semaphore(%run_scoped3A_108 : memref<!tpu.dma_semaphore, #tpu.memory_space<semaphore_mem>>) src(%dma_wait3A_118 : memref<10000x128xf32, #tpu.memory_space<hbm>>) dst(%arg10 : memref<80x128xf32, #tpu.memory_space<vmem>>)
        tpu.yield
      }) : () -> ()
      %mul3A_58 = arith.constant 10000 : i32
      %mul3A_59 = arith.muli %add3A, %mul3A_58 : i32
      %mul3A_60 = arith.constant 5 : i32
      %mul3A_61 = arith.muli %scan3A_23, %mul3A_60 : i32
      %add3A_62 = arith.constant 2 : i32
      %add3A_63 = arith.addi %mul3A_61, %add3A_62 : i32
      %mul3A_64 = arith.constant 80 : i32
      %mul3A_65 = arith.muli %add3A_63, %mul3A_64 : i32
      %add3A_66 = arith.addi %mul3A_59, %mul3A_65 : i32
      "tpu.region"() ({
        %run_scoped3A_108 = tpu.sem_alloc : memref<!tpu.dma_semaphore, #tpu.memory_space<semaphore_mem>>
        %dma_start3A = arith.constant 0 : i32
        %dma_start3A_109 = tpu.memref_slice %arg3[%add3A_66, %dma_start3A] : memref<320000x128xf32, #tpu.memory_space<hbm>> -> memref<80x128xf32, #tpu.memory_space<hbm>>
        %dma_start3A_110 = arith.constant 0 : i32
        %dma_start3A_111 = tpu.memref_slice %arg3[%add3A_66, %dma_start3A_110] : memref<320000x128xf32, #tpu.memory_space<hbm>> -> memref<80x128xf32, #tpu.memory_space<hbm>>
        tpu.enqueue_dma source(%dma_start3A_111 : memref<80x128xf32, #tpu.memory_space<hbm>>) target(%arg11 : memref<80x128xf32, #tpu.memory_space<vmem>>) target_semaphore(%run_scoped3A_108 : memref<!tpu.dma_semaphore, #tpu.memory_space<semaphore_mem>>)
        %dma_wait3A = arith.constant 0 : i32
        %dma_wait3A_112 = tpu.memref_slice %arg3[%add3A_66, %dma_wait3A] : memref<320000x128xf32, #tpu.memory_space<hbm>> -> memref<80x128xf32, #tpu.memory_space<hbm>>
        %dma_wait3A_113 = arith.constant 0 : i32
        %dma_wait3A_114 = tpu.memref_slice %arg3[%add3A_66, %dma_wait3A_113] : memref<320000x128xf32, #tpu.memory_space<hbm>> -> memref<80x128xf32, #tpu.memory_space<hbm>>
        tpu.wait_dma2 semaphore(%run_scoped3A_108 : memref<!tpu.dma_semaphore, #tpu.memory_space<semaphore_mem>>) src(%dma_wait3A_114 : memref<80x128xf32, #tpu.memory_space<hbm>>) dst(%arg11 : memref<80x128xf32, #tpu.memory_space<vmem>>)
        tpu.yield
      }) : () -> ()
      %scan3A_67 = arith.constant 0 : i32
      %scan3A_68 = arith.constant 0 : i32
      %scan3A_69 = arith.constant 80 : i32
      %scan3A_70 = arith.addi %scan3A_68, %scan3A_69 : i32
      %scan3A_71 = arith.constant 1 : i32
      scf.for %scan3A_108 = %scan3A_68 to %scan3A_70 step %scan3A_71  : i32 {
        %get3A = arith.index_cast %scan3A_108 : i32 to index
        %get3A_109 = arith.constant 0 : index
        %get3A_110 = tpu.vector_load %arg10[%get3A, %get3A_109] {strides = array<i32>} : memref<80x128xf32, #tpu.memory_space<vmem>>, vector<16xf32>,
        %get3A_111 = arith.index_cast %scan3A_108 : i32 to index
        %get3A_112 = arith.constant 0 : index
        %get3A_113 = tpu.vector_load %arg11[%get3A_111, %get3A_112] {strides = array<i32>} : memref<80x128xf32, #tpu.memory_space<vmem>>, vector<16xf32>,
        %mul3A_114 = arith.mulf %get3A_110, %get3A_113 : vector<16xf32>
        %swap3A = arith.index_cast %scan3A_108 : i32 to index
        %swap3A_115 = arith.constant 0 : index
        %swap3A_116 = tpu.vector_load %arg10[%swap3A, %swap3A_115] {strides = array<i32>} : memref<80x128xf32, #tpu.memory_space<vmem>>, vector<16xf32>,
        tpu.vector_store %arg10[%swap3A, %swap3A_115], %mul3A_114 {strides = array<i32>} : memref<80x128xf32, #tpu.memory_space<vmem>>, vector<16xf32>,
        %get3A_117 = arith.index_cast %scan3A_108 : i32 to index
        %get3A_118 = arith.constant 16 : index
        %get3A_119 = tpu.vector_load %arg10[%get3A_117, %get3A_118] {strides = array<i32>} : memref<80x128xf32, #tpu.memory_space<vmem>>, vector<16xf32>,
        %get3A_120 = arith.index_cast %scan3A_108 : i32 to index
        %get3A_121 = arith.constant 16 : index
        %get3A_122 = tpu.vector_load %arg11[%get3A_120, %get3A_121] {strides = array<i32>} : memref<80x128xf32, #tpu.memory_space<vmem>>, vector<16xf32>,
        %mul3A_123 = arith.mulf %get3A_119, %get3A_122 : vector<16xf32>
        %swap3A_124 = arith.index_cast %scan3A_108 : i32 to index
        %swap3A_125 = arith.constant 16 : index
        %swap3A_126 = tpu.vector_load %arg10[%swap3A_124, %swap3A_125] {strides = array<i32>} : memref<80x128xf32, #tpu.memory_space<vmem>>, vector<16xf32>,
        tpu.vector_store %arg10[%swap3A_124, %swap3A_125], %mul3A_123 {strides = array<i32>} : memref<80x128xf32, #tpu.memory_space<vmem>>, vector<16xf32>,
        %get3A_127 = arith.index_cast %scan3A_108 : i32 to index
        %get3A_128 = arith.constant 32 : index
        %get3A_129 = tpu.vector_load %arg10[%get3A_127, %get3A_128] {strides = array<i32>} : memref<80x128xf32, #tpu.memory_space<vmem>>, vector<16xf32>,
        %get3A_130 = arith.index_cast %scan3A_108 : i32 to index
        %get3A_131 = arith.constant 32 : index
        %get3A_132 = tpu.vector_load %arg11[%get3A_130, %get3A_131] {strides = array<i32>} : memref<80x128xf32, #tpu.memory_space<vmem>>, vector<16xf32>,
        %mul3A_133 = arith.mulf %get3A_129, %get3A_132 : vector<16xf32>
        %swap3A_134 = arith.index_cast %scan3A_108 : i32 to index
        %swap3A_135 = arith.constant 32 : index
        %swap3A_136 = tpu.vector_load %arg10[%swap3A_134, %swap3A_135] {strides = array<i32>} : memref<80x128xf32, #tpu.memory_space<vmem>>, vector<16xf32>,
        tpu.vector_store %arg10[%swap3A_134, %swap3A_135], %mul3A_133 {strides = array<i32>} : memref<80x128xf32, #tpu.memory_space<vmem>>, vector<16xf32>,
        %get3A_137 = arith.index_cast %scan3A_108 : i32 to index
        %get3A_138 = arith.constant 48 : index
        %get3A_139 = tpu.vector_load %arg10[%get3A_137, %get3A_138] {strides = array<i32>} : memref<80x128xf32, #tpu.memory_space<vmem>>, vector<16xf32>,
        %get3A_140 = arith.index_cast %scan3A_108 : i32 to index
        %get3A_141 = arith.constant 48 : index
        %get3A_142 = tpu.vector_load %arg11[%get3A_140, %get3A_141] {strides = array<i32>} : memref<80x128xf32, #tpu.memory_space<vmem>>, vector<16xf32>,
        %mul3A_143 = arith.mulf %get3A_139, %get3A_142 : vector<16xf32>
        %swap3A_144 = arith.index_cast %scan3A_108 : i32 to index
        %swap3A_145 = arith.constant 48 : index
        %swap3A_146 = tpu.vector_load %arg10[%swap3A_144, %swap3A_145] {strides = array<i32>} : memref<80x128xf32, #tpu.memory_space<vmem>>, vector<16xf32>,
        tpu.vector_store %arg10[%swap3A_144, %swap3A_145], %mul3A_143 {strides = array<i32>} : memref<80x128xf32, #tpu.memory_space<vmem>>, vector<16xf32>,
        %get3A_147 = arith.index_cast %scan3A_108 : i32 to index
        %get3A_148 = arith.constant 64 : index
        %get3A_149 = tpu.vector_load %arg10[%get3A_147, %get3A_148] {strides = array<i32>} : memref<80x128xf32, #tpu.memory_space<vmem>>, vector<16xf32>,
        %get3A_150 = arith.index_cast %scan3A_108 : i32 to index
        %get3A_151 = arith.constant 64 : index
        %get3A_152 = tpu.vector_load %arg11[%get3A_150, %get3A_151] {strides = array<i32>} : memref<80x128xf32, #tpu.memory_space<vmem>>, vector<16xf32>,
        %mul3A_153 = arith.mulf %get3A_149, %get3A_152 : vector<16xf32>
        %swap3A_154 = arith.index_cast %scan3A_108 : i32 to index
        %swap3A_155 = arith.constant 64 : index
        %swap3A_156 = tpu.vector_load %arg10[%swap3A_154, %swap3A_155] {strides = array<i32>} : memref<80x128xf32, #tpu.memory_space<vmem>>, vector<16xf32>,
        tpu.vector_store %arg10[%swap3A_154, %swap3A_155], %mul3A_153 {strides = array<i32>} : memref<80x128xf32, #tpu.memory_space<vmem>>, vector<16xf32>,
        %get3A_157 = arith.index_cast %scan3A_108 : i32 to index
        %get3A_158 = arith.constant 80 : index
        %get3A_159 = tpu.vector_load %arg10[%get3A_157, %get3A_158] {strides = array<i32>} : memref<80x128xf32, #tpu.memory_space<vmem>>, vector<16xf32>,
        %get3A_160 = arith.index_cast %scan3A_108 : i32 to index
        %get3A_161 = arith.constant 80 : index
        %get3A_162 = tpu.vector_load %arg11[%get3A_160, %get3A_161] {strides = array<i32>} : memref<80x128xf32, #tpu.memory_space<vmem>>, vector<16xf32>,
        %mul3A_163 = arith.mulf %get3A_159, %get3A_162 : vector<16xf32>
        %swap3A_164 = arith.index_cast %scan3A_108 : i32 to index
        %swap3A_165 = arith.constant 80 : index
        %swap3A_166 = tpu.vector_load %arg10[%swap3A_164, %swap3A_165] {strides = array<i32>} : memref<80x128xf32, #tpu.memory_space<vmem>>, vector<16xf32>,
        tpu.vector_store %arg10[%swap3A_164, %swap3A_165], %mul3A_163 {strides = array<i32>} : memref<80x128xf32, #tpu.memory_space<vmem>>, vector<16xf32>,
        %get3A_167 = arith.index_cast %scan3A_108 : i32 to index
        %get3A_168 = arith.constant 96 : index
        %get3A_169 = tpu.vector_load %arg10[%get3A_167, %get3A_168] {strides = array<i32>} : memref<80x128xf32, #tpu.memory_space<vmem>>, vector<16xf32>,
        %get3A_170 = arith.index_cast %scan3A_108 : i32 to index
        %get3A_171 = arith.constant 96 : index
        %get3A_172 = tpu.vector_load %arg11[%get3A_170, %get3A_171] {strides = array<i32>} : memref<80x128xf32, #tpu.memory_space<vmem>>, vector<16xf32>,
        %mul3A_173 = arith.mulf %get3A_169, %get3A_172 : vector<16xf32>
        %swap3A_174 = arith.index_cast %scan3A_108 : i32 to index
        %swap3A_175 = arith.constant 96 : index
        %swap3A_176 = tpu.vector_load %arg10[%swap3A_174, %swap3A_175] {strides = array<i32>} : memref<80x128xf32, #tpu.memory_space<vmem>>, vector<16xf32>,
        tpu.vector_store %arg10[%swap3A_174, %swap3A_175], %mul3A_173 {strides = array<i32>} : memref<80x128xf32, #tpu.memory_space<vmem>>, vector<16xf32>,
        %get3A_177 = arith.index_cast %scan3A_108 : i32 to index
        %get3A_178 = arith.constant 112 : index
        %get3A_179 = tpu.vector_load %arg10[%get3A_177, %get3A_178] {strides = array<i32>} : memref<80x128xf32, #tpu.memory_space<vmem>>, vector<16xf32>,
        %get3A_180 = arith.index_cast %scan3A_108 : i32 to index
        %get3A_181 = arith.constant 112 : index
        %get3A_182 = tpu.vector_load %arg11[%get3A_180, %get3A_181] {strides = array<i32>} : memref<80x128xf32, #tpu.memory_space<vmem>>, vector<16xf32>,
        %mul3A_183 = arith.mulf %get3A_179, %get3A_182 : vector<16xf32>
        %swap3A_184 = arith.index_cast %scan3A_108 : i32 to index
        %swap3A_185 = arith.constant 112 : index
        %swap3A_186 = tpu.vector_load %arg10[%swap3A_184, %swap3A_185] {strides = array<i32>} : memref<80x128xf32, #tpu.memory_space<vmem>>, vector<16xf32>,
        tpu.vector_store %arg10[%swap3A_184, %swap3A_185], %mul3A_183 {strides = array<i32>} : memref<80x128xf32, #tpu.memory_space<vmem>>, vector<16xf32>,
      }
      %scan3A_72 = arith.constant 80 : i32
      %run_scoped3A_73 = arith.constant 2 : i32
      "tpu.region"() ({
        %run_scoped3A_108 = tpu.sem_alloc : memref<!tpu.dma_semaphore, #tpu.memory_space<semaphore_mem>>
        %dma_start3A = arith.constant 0 : i32
        %dma_start3A_109 = tpu.memref_slice %arg9[%run_scoped3A_73, %dma_start3A] : memref<5x80xi32, #tpu.memory_space<vmem>> -> memref<1x80xi32, #tpu.memory_space<vmem>>
        %dma_start3A_110 = tpu.memref_squeeze %dma_start3A_109 : memref<1x80xi32, #tpu.memory_space<vmem>> -> memref<80xi32, #tpu.memory_space<vmem>>
        %dma_start3A_111 = arith.constant 0 : i32
        %dma_start3A_112 = arith.constant 0 : i32
        %dma_start3A_113 = tpu.memref_slice %arg12[%dma_start3A_111, %dma_start3A_112] : memref<10000x128xf32, #tpu.memory_space<vmem_shared>> -> memref<10000x128xf32, #tpu.memory_space<vmem_shared>>
        tpu.enqueue_indirect_dma source(%arg10 : memref<80x128xf32, #tpu.memory_space<vmem>>) target(%dma_start3A_113 : memref<10000x128xf32, #tpu.memory_space<vmem_shared>>) offsets(%dma_start3A_110 : memref<80xi32, #tpu.memory_space<vmem>>) semaphore(%run_scoped3A_108 : memref<!tpu.dma_semaphore, #tpu.memory_space<semaphore_mem>>) {add = true}
        %dma_wait3A = arith.constant 0 : i32
        %dma_wait3A_114 = tpu.memref_slice %arg9[%run_scoped3A_73, %dma_wait3A] : memref<5x80xi32, #tpu.memory_space<vmem>> -> memref<1x80xi32, #tpu.memory_space<vmem>>
        %dma_wait3A_115 = tpu.memref_squeeze %dma_wait3A_114 : memref<1x80xi32, #tpu.memory_space<vmem>> -> memref<80xi32, #tpu.memory_space<vmem>>
        %dma_wait3A_116 = arith.constant 0 : i32
        %dma_wait3A_117 = arith.constant 0 : i32
        %dma_wait3A_118 = tpu.memref_slice %arg12[%dma_wait3A_116, %dma_wait3A_117] : memref<10000x128xf32, #tpu.memory_space<vmem_shared>> -> memref<10000x128xf32, #tpu.memory_space<vmem_shared>>
        tpu.wait_indirect_dma semaphore(%run_scoped3A_108 : memref<!tpu.dma_semaphore, #tpu.memory_space<semaphore_mem>>) src(%arg10 : memref<80x128xf32, #tpu.memory_space<vmem>>) dst(%dma_wait3A_118 : memref<10000x128xf32, #tpu.memory_space<vmem_shared>>)
        tpu.yield
      }) : () -> ()
      %run_scoped3A_74 = arith.constant 3 : i32
      "tpu.region"() ({
        %run_scoped3A_108 = tpu.sem_alloc : memref<!tpu.dma_semaphore, #tpu.memory_space<semaphore_mem>>
        %dma_start3A = arith.constant 0 : i32
        %dma_start3A_109 = tpu.memref_slice %arg8[%run_scoped3A_74, %dma_start3A] : memref<5x80xi32, #tpu.memory_space<vmem>> -> memref<1x80xi32, #tpu.memory_space<vmem>>
        %dma_start3A_110 = tpu.memref_squeeze %dma_start3A_109 : memref<1x80xi32, #tpu.memory_space<vmem>> -> memref<80xi32, #tpu.memory_space<vmem>>
        %dma_start3A_111 = arith.constant 0 : i32
        %dma_start3A_112 = arith.constant 0 : i32
        %dma_start3A_113 = tpu.memref_slice %arg2[%dma_start3A_111, %dma_start3A_112] : memref<10000x128xf32, #tpu.memory_space<hbm>> -> memref<10000x128xf32, #tpu.memory_space<hbm>>
        tpu.enqueue_indirect_dma source(%dma_start3A_113 : memref<10000x128xf32, #tpu.memory_space<hbm>>) target(%arg10 : memref<80x128xf32, #tpu.memory_space<vmem>>) offsets(%dma_start3A_110 : memref<80xi32, #tpu.memory_space<vmem>>) semaphore(%run_scoped3A_108 : memref<!tpu.dma_semaphore, #tpu.memory_space<semaphore_mem>>)
        %dma_wait3A = arith.constant 0 : i32
        %dma_wait3A_114 = tpu.memref_slice %arg8[%run_scoped3A_74, %dma_wait3A] : memref<5x80xi32, #tpu.memory_space<vmem>> -> memref<1x80xi32, #tpu.memory_space<vmem>>
        %dma_wait3A_115 = tpu.memref_squeeze %dma_wait3A_114 : memref<1x80xi32, #tpu.memory_space<vmem>> -> memref<80xi32, #tpu.memory_space<vmem>>
        %dma_wait3A_116 = arith.constant 0 : i32
        %dma_wait3A_117 = arith.constant 0 : i32
        %dma_wait3A_118 = tpu.memref_slice %arg2[%dma_wait3A_116, %dma_wait3A_117] : memref<10000x128xf32, #tpu.memory_space<hbm>> -> memref<10000x128xf32, #tpu.memory_space<hbm>>
        tpu.wait_indirect_dma semaphore(%run_scoped3A_108 : memref<!tpu.dma_semaphore, #tpu.memory_space<semaphore_mem>>) src(%dma_wait3A_118 : memref<10000x128xf32, #tpu.memory_space<hbm>>) dst(%arg10 : memref<80x128xf32, #tpu.memory_space<vmem>>)
        tpu.yield
      }) : () -> ()
      %mul3A_75 = arith.constant 10000 : i32
      %mul3A_76 = arith.muli %add3A, %mul3A_75 : i32
      %mul3A_77 = arith.constant 5 : i32
      %mul3A_78 = arith.muli %scan3A_23, %mul3A_77 : i32
      %add3A_79 = arith.constant 3 : i32
      %add3A_80 = arith.addi %mul3A_78, %add3A_79 : i32
      %mul3A_81 = arith.constant 80 : i32
      %mul3A_82 = arith.muli %add3A_80, %mul3A_81 : i32
      %add3A_83 = arith.addi %mul3A_76, %mul3A_82 : i32
      "tpu.region"() ({
        %run_scoped3A_108 = tpu.sem_alloc : memref<!tpu.dma_semaphore, #tpu.memory_space<semaphore_mem>>
        %dma_start3A = arith.constant 0 : i32
        %dma_start3A_109 = tpu.memref_slice %arg3[%add3A_83, %dma_start3A] : memref<320000x128xf32, #tpu.memory_space<hbm>> -> memref<80x128xf32, #tpu.memory_space<hbm>>
        %dma_start3A_110 = arith.constant 0 : i32
        %dma_start3A_111 = tpu.memref_slice %arg3[%add3A_83, %dma_start3A_110] : memref<320000x128xf32, #tpu.memory_space<hbm>> -> memref<80x128xf32, #tpu.memory_space<hbm>>
        tpu.enqueue_dma source(%dma_start3A_111 : memref<80x128xf32, #tpu.memory_space<hbm>>) target(%arg11 : memref<80x128xf32, #tpu.memory_space<vmem>>) target_semaphore(%run_scoped3A_108 : memref<!tpu.dma_semaphore, #tpu.memory_space<semaphore_mem>>)
        %dma_wait3A = arith.constant 0 : i32
        %dma_wait3A_112 = tpu.memref_slice %arg3[%add3A_83, %dma_wait3A] : memref<320000x128xf32, #tpu.memory_space<hbm>> -> memref<80x128xf32, #tpu.memory_space<hbm>>
        %dma_wait3A_113 = arith.constant 0 : i32
        %dma_wait3A_114 = tpu.memref_slice %arg3[%add3A_83, %dma_wait3A_113] : memref<320000x128xf32, #tpu.memory_space<hbm>> -> memref<80x128xf32, #tpu.memory_space<hbm>>
        tpu.wait_dma2 semaphore(%run_scoped3A_108 : memref<!tpu.dma_semaphore, #tpu.memory_space<semaphore_mem>>) src(%dma_wait3A_114 : memref<80x128xf32, #tpu.memory_space<hbm>>) dst(%arg11 : memref<80x128xf32, #tpu.memory_space<vmem>>)
        tpu.yield
      }) : () -> ()
      %scan3A_84 = arith.constant 0 : i32
      %scan3A_85 = arith.constant 0 : i32
      %scan3A_86 = arith.constant 80 : i32
      %scan3A_87 = arith.addi %scan3A_85, %scan3A_86 : i32
      %scan3A_88 = arith.constant 1 : i32
      scf.for %scan3A_108 = %scan3A_85 to %scan3A_87 step %scan3A_88  : i32 {
        %get3A = arith.index_cast %scan3A_108 : i32 to index
        %get3A_109 = arith.constant 0 : index
        %get3A_110 = tpu.vector_load %arg10[%get3A, %get3A_109] {strides = array<i32>} : memref<80x128xf32, #tpu.memory_space<vmem>>, vector<16xf32>,
        %get3A_111 = arith.index_cast %scan3A_108 : i32 to index
        %get3A_112 = arith.constant 0 : index
        %get3A_113 = tpu.vector_load %arg11[%get3A_111, %get3A_112] {strides = array<i32>} : memref<80x128xf32, #tpu.memory_space<vmem>>, vector<16xf32>,
        %mul3A_114 = arith.mulf %get3A_110, %get3A_113 : vector<16xf32>
        %swap3A = arith.index_cast %scan3A_108 : i32 to index
        %swap3A_115 = arith.constant 0 : index
        %swap3A_116 = tpu.vector_load %arg10[%swap3A, %swap3A_115] {strides = array<i32>} : memref<80x128xf32, #tpu.memory_space<vmem>>, vector<16xf32>,
        tpu.vector_store %arg10[%swap3A, %swap3A_115], %mul3A_114 {strides = array<i32>} : memref<80x128xf32, #tpu.memory_space<vmem>>, vector<16xf32>,
        %get3A_117 = arith.index_cast %scan3A_108 : i32 to index
        %get3A_118 = arith.constant 16 : index
        %get3A_119 = tpu.vector_load %arg10[%get3A_117, %get3A_118] {strides = array<i32>} : memref<80x128xf32, #tpu.memory_space<vmem>>, vector<16xf32>,
        %get3A_120 = arith.index_cast %scan3A_108 : i32 to index
        %get3A_121 = arith.constant 16 : index
        %get3A_122 = tpu.vector_load %arg11[%get3A_120, %get3A_121] {strides = array<i32>} : memref<80x128xf32, #tpu.memory_space<vmem>>, vector<16xf32>,
        %mul3A_123 = arith.mulf %get3A_119, %get3A_122 : vector<16xf32>
        %swap3A_124 = arith.index_cast %scan3A_108 : i32 to index
        %swap3A_125 = arith.constant 16 : index
        %swap3A_126 = tpu.vector_load %arg10[%swap3A_124, %swap3A_125] {strides = array<i32>} : memref<80x128xf32, #tpu.memory_space<vmem>>, vector<16xf32>,
        tpu.vector_store %arg10[%swap3A_124, %swap3A_125], %mul3A_123 {strides = array<i32>} : memref<80x128xf32, #tpu.memory_space<vmem>>, vector<16xf32>,
        %get3A_127 = arith.index_cast %scan3A_108 : i32 to index
        %get3A_128 = arith.constant 32 : index
        %get3A_129 = tpu.vector_load %arg10[%get3A_127, %get3A_128] {strides = array<i32>} : memref<80x128xf32, #tpu.memory_space<vmem>>, vector<16xf32>,
        %get3A_130 = arith.index_cast %scan3A_108 : i32 to index
        %get3A_131 = arith.constant 32 : index
        %get3A_132 = tpu.vector_load %arg11[%get3A_130, %get3A_131] {strides = array<i32>} : memref<80x128xf32, #tpu.memory_space<vmem>>, vector<16xf32>,
        %mul3A_133 = arith.mulf %get3A_129, %get3A_132 : vector<16xf32>
        %swap3A_134 = arith.index_cast %scan3A_108 : i32 to index
        %swap3A_135 = arith.constant 32 : index
        %swap3A_136 = tpu.vector_load %arg10[%swap3A_134, %swap3A_135] {strides = array<i32>} : memref<80x128xf32, #tpu.memory_space<vmem>>, vector<16xf32>,
        tpu.vector_store %arg10[%swap3A_134, %swap3A_135], %mul3A_133 {strides = array<i32>} : memref<80x128xf32, #tpu.memory_space<vmem>>, vector<16xf32>,
        %get3A_137 = arith.index_cast %scan3A_108 : i32 to index
        %get3A_138 = arith.constant 48 : index
        %get3A_139 = tpu.vector_load %arg10[%get3A_137, %get3A_138] {strides = array<i32>} : memref<80x128xf32, #tpu.memory_space<vmem>>, vector<16xf32>,
        %get3A_140 = arith.index_cast %scan3A_108 : i32 to index
        %get3A_141 = arith.constant 48 : index
        %get3A_142 = tpu.vector_load %arg11[%get3A_140, %get3A_141] {strides = array<i32>} : memref<80x128xf32, #tpu.memory_space<vmem>>, vector<16xf32>,
        %mul3A_143 = arith.mulf %get3A_139, %get3A_142 : vector<16xf32>
        %swap3A_144 = arith.index_cast %scan3A_108 : i32 to index
        %swap3A_145 = arith.constant 48 : index
        %swap3A_146 = tpu.vector_load %arg10[%swap3A_144, %swap3A_145] {strides = array<i32>} : memref<80x128xf32, #tpu.memory_space<vmem>>, vector<16xf32>,
        tpu.vector_store %arg10[%swap3A_144, %swap3A_145], %mul3A_143 {strides = array<i32>} : memref<80x128xf32, #tpu.memory_space<vmem>>, vector<16xf32>,
        %get3A_147 = arith.index_cast %scan3A_108 : i32 to index
        %get3A_148 = arith.constant 64 : index
        %get3A_149 = tpu.vector_load %arg10[%get3A_147, %get3A_148] {strides = array<i32>} : memref<80x128xf32, #tpu.memory_space<vmem>>, vector<16xf32>,
        %get3A_150 = arith.index_cast %scan3A_108 : i32 to index
        %get3A_151 = arith.constant 64 : index
        %get3A_152 = tpu.vector_load %arg11[%get3A_150, %get3A_151] {strides = array<i32>} : memref<80x128xf32, #tpu.memory_space<vmem>>, vector<16xf32>,
        %mul3A_153 = arith.mulf %get3A_149, %get3A_152 : vector<16xf32>
        %swap3A_154 = arith.index_cast %scan3A_108 : i32 to index
        %swap3A_155 = arith.constant 64 : index
        %swap3A_156 = tpu.vector_load %arg10[%swap3A_154, %swap3A_155] {strides = array<i32>} : memref<80x128xf32, #tpu.memory_space<vmem>>, vector<16xf32>,
        tpu.vector_store %arg10[%swap3A_154, %swap3A_155], %mul3A_153 {strides = array<i32>} : memref<80x128xf32, #tpu.memory_space<vmem>>, vector<16xf32>,
        %get3A_157 = arith.index_cast %scan3A_108 : i32 to index
        %get3A_158 = arith.constant 80 : index
        %get3A_159 = tpu.vector_load %arg10[%get3A_157, %get3A_158] {strides = array<i32>} : memref<80x128xf32, #tpu.memory_space<vmem>>, vector<16xf32>,
        %get3A_160 = arith.index_cast %scan3A_108 : i32 to index
        %get3A_161 = arith.constant 80 : index
        %get3A_162 = tpu.vector_load %arg11[%get3A_160, %get3A_161] {strides = array<i32>} : memref<80x128xf32, #tpu.memory_space<vmem>>, vector<16xf32>,
        %mul3A_163 = arith.mulf %get3A_159, %get3A_162 : vector<16xf32>
        %swap3A_164 = arith.index_cast %scan3A_108 : i32 to index
        %swap3A_165 = arith.constant 80 : index
        %swap3A_166 = tpu.vector_load %arg10[%swap3A_164, %swap3A_165] {strides = array<i32>} : memref<80x128xf32, #tpu.memory_space<vmem>>, vector<16xf32>,
        tpu.vector_store %arg10[%swap3A_164, %swap3A_165], %mul3A_163 {strides = array<i32>} : memref<80x128xf32, #tpu.memory_space<vmem>>, vector<16xf32>,
        %get3A_167 = arith.index_cast %scan3A_108 : i32 to index
        %get3A_168 = arith.constant 96 : index
        %get3A_169 = tpu.vector_load %arg10[%get3A_167, %get3A_168] {strides = array<i32>} : memref<80x128xf32, #tpu.memory_space<vmem>>, vector<16xf32>,
        %get3A_170 = arith.index_cast %scan3A_108 : i32 to index
        %get3A_171 = arith.constant 96 : index
        %get3A_172 = tpu.vector_load %arg11[%get3A_170, %get3A_171] {strides = array<i32>} : memref<80x128xf32, #tpu.memory_space<vmem>>, vector<16xf32>,
        %mul3A_173 = arith.mulf %get3A_169, %get3A_172 : vector<16xf32>
        %swap3A_174 = arith.index_cast %scan3A_108 : i32 to index
        %swap3A_175 = arith.constant 96 : index
        %swap3A_176 = tpu.vector_load %arg10[%swap3A_174, %swap3A_175] {strides = array<i32>} : memref<80x128xf32, #tpu.memory_space<vmem>>, vector<16xf32>,
        tpu.vector_store %arg10[%swap3A_174, %swap3A_175], %mul3A_173 {strides = array<i32>} : memref<80x128xf32, #tpu.memory_space<vmem>>, vector<16xf32>,
        %get3A_177 = arith.index_cast %scan3A_108 : i32 to index
        %get3A_178 = arith.constant 112 : index
        %get3A_179 = tpu.vector_load %arg10[%get3A_177, %get3A_178] {strides = array<i32>} : memref<80x128xf32, #tpu.memory_space<vmem>>, vector<16xf32>,
        %get3A_180 = arith.index_cast %scan3A_108 : i32 to index
        %get3A_181 = arith.constant 112 : index
        %get3A_182 = tpu.vector_load %arg11[%get3A_180, %get3A_181] {strides = array<i32>} : memref<80x128xf32, #tpu.memory_space<vmem>>, vector<16xf32>,
        %mul3A_183 = arith.mulf %get3A_179, %get3A_182 : vector<16xf32>
        %swap3A_184 = arith.index_cast %scan3A_108 : i32 to index
        %swap3A_185 = arith.constant 112 : index
        %swap3A_186 = tpu.vector_load %arg10[%swap3A_184, %swap3A_185] {strides = array<i32>} : memref<80x128xf32, #tpu.memory_space<vmem>>, vector<16xf32>,
        tpu.vector_store %arg10[%swap3A_184, %swap3A_185], %mul3A_183 {strides = array<i32>} : memref<80x128xf32, #tpu.memory_space<vmem>>, vector<16xf32>,
      }
      %scan3A_89 = arith.constant 80 : i32
      %run_scoped3A_90 = arith.constant 3 : i32
      "tpu.region"() ({
        %run_scoped3A_108 = tpu.sem_alloc : memref<!tpu.dma_semaphore, #tpu.memory_space<semaphore_mem>>
        %dma_start3A = arith.constant 0 : i32
        %dma_start3A_109 = tpu.memref_slice %arg9[%run_scoped3A_90, %dma_start3A] : memref<5x80xi32, #tpu.memory_space<vmem>> -> memref<1x80xi32, #tpu.memory_space<vmem>>
        %dma_start3A_110 = tpu.memref_squeeze %dma_start3A_109 : memref<1x80xi32, #tpu.memory_space<vmem>> -> memref<80xi32, #tpu.memory_space<vmem>>
        %dma_start3A_111 = arith.constant 0 : i32
        %dma_start3A_112 = arith.constant 0 : i32
        %dma_start3A_113 = tpu.memref_slice %arg12[%dma_start3A_111, %dma_start3A_112] : memref<10000x128xf32, #tpu.memory_space<vmem_shared>> -> memref<10000x128xf32, #tpu.memory_space<vmem_shared>>
        tpu.enqueue_indirect_dma source(%arg10 : memref<80x128xf32, #tpu.memory_space<vmem>>) target(%dma_start3A_113 : memref<10000x128xf32, #tpu.memory_space<vmem_shared>>) offsets(%dma_start3A_110 : memref<80xi32, #tpu.memory_space<vmem>>) semaphore(%run_scoped3A_108 : memref<!tpu.dma_semaphore, #tpu.memory_space<semaphore_mem>>) {add = true}
        %dma_wait3A = arith.constant 0 : i32
        %dma_wait3A_114 = tpu.memref_slice %arg9[%run_scoped3A_90, %dma_wait3A] : memref<5x80xi32, #tpu.memory_space<vmem>> -> memref<1x80xi32, #tpu.memory_space<vmem>>
        %dma_wait3A_115 = tpu.memref_squeeze %dma_wait3A_114 : memref<1x80xi32, #tpu.memory_space<vmem>> -> memref<80xi32, #tpu.memory_space<vmem>>
        %dma_wait3A_116 = arith.constant 0 : i32
        %dma_wait3A_117 = arith.constant 0 : i32
        %dma_wait3A_118 = tpu.memref_slice %arg12[%dma_wait3A_116, %dma_wait3A_117] : memref<10000x128xf32, #tpu.memory_space<vmem_shared>> -> memref<10000x128xf32, #tpu.memory_space<vmem_shared>>
        tpu.wait_indirect_dma semaphore(%run_scoped3A_108 : memref<!tpu.dma_semaphore, #tpu.memory_space<semaphore_mem>>) src(%arg10 : memref<80x128xf32, #tpu.memory_space<vmem>>) dst(%dma_wait3A_118 : memref<10000x128xf32, #tpu.memory_space<vmem_shared>>)
        tpu.yield
      }) : () -> ()
      %run_scoped3A_91 = arith.constant 4 : i32
      "tpu.region"() ({
        %run_scoped3A_108 = tpu.sem_alloc : memref<!tpu.dma_semaphore, #tpu.memory_space<semaphore_mem>>
        %dma_start3A = arith.constant 0 : i32
        %dma_start3A_109 = tpu.memref_slice %arg8[%run_scoped3A_91, %dma_start3A] : memref<5x80xi32, #tpu.memory_space<vmem>> -> memref<1x80xi32, #tpu.memory_space<vmem>>
        %dma_start3A_110 = tpu.memref_squeeze %dma_start3A_109 : memref<1x80xi32, #tpu.memory_space<vmem>> -> memref<80xi32, #tpu.memory_space<vmem>>
        %dma_start3A_111 = arith.constant 0 : i32
        %dma_start3A_112 = arith.constant 0 : i32
        %dma_start3A_113 = tpu.memref_slice %arg2[%dma_start3A_111, %dma_start3A_112] : memref<10000x128xf32, #tpu.memory_space<hbm>> -> memref<10000x128xf32, #tpu.memory_space<hbm>>
        tpu.enqueue_indirect_dma source(%dma_start3A_113 : memref<10000x128xf32, #tpu.memory_space<hbm>>) target(%arg10 : memref<80x128xf32, #tpu.memory_space<vmem>>) offsets(%dma_start3A_110 : memref<80xi32, #tpu.memory_space<vmem>>) semaphore(%run_scoped3A_108 : memref<!tpu.dma_semaphore, #tpu.memory_space<semaphore_mem>>)
        %dma_wait3A = arith.constant 0 : i32
        %dma_wait3A_114 = tpu.memref_slice %arg8[%run_scoped3A_91, %dma_wait3A] : memref<5x80xi32, #tpu.memory_space<vmem>> -> memref<1x80xi32, #tpu.memory_space<vmem>>
        %dma_wait3A_115 = tpu.memref_squeeze %dma_wait3A_114 : memref<1x80xi32, #tpu.memory_space<vmem>> -> memref<80xi32, #tpu.memory_space<vmem>>
        %dma_wait3A_116 = arith.constant 0 : i32
        %dma_wait3A_117 = arith.constant 0 : i32
        %dma_wait3A_118 = tpu.memref_slice %arg2[%dma_wait3A_116, %dma_wait3A_117] : memref<10000x128xf32, #tpu.memory_space<hbm>> -> memref<10000x128xf32, #tpu.memory_space<hbm>>
        tpu.wait_indirect_dma semaphore(%run_scoped3A_108 : memref<!tpu.dma_semaphore, #tpu.memory_space<semaphore_mem>>) src(%dma_wait3A_118 : memref<10000x128xf32, #tpu.memory_space<hbm>>) dst(%arg10 : memref<80x128xf32, #tpu.memory_space<vmem>>)
        tpu.yield
      }) : () -> ()
      %mul3A_92 = arith.constant 10000 : i32
      %mul3A_93 = arith.muli %add3A, %mul3A_92 : i32
      %mul3A_94 = arith.constant 5 : i32
      %mul3A_95 = arith.muli %scan3A_23, %mul3A_94 : i32
      %add3A_96 = arith.constant 4 : i32
      %add3A_97 = arith.addi %mul3A_95, %add3A_96 : i32
      %mul3A_98 = arith.constant 80 : i32
      %mul3A_99 = arith.muli %add3A_97, %mul3A_98 : i32
      %add3A_100 = arith.addi %mul3A_93, %mul3A_99 : i32
      "tpu.region"() ({
        %run_scoped3A_108 = tpu.sem_alloc : memref<!tpu.dma_semaphore, #tpu.memory_space<semaphore_mem>>
        %dma_start3A = arith.constant 0 : i32
        %dma_start3A_109 = tpu.memref_slice %arg3[%add3A_100, %dma_start3A] : memref<320000x128xf32, #tpu.memory_space<hbm>> -> memref<80x128xf32, #tpu.memory_space<hbm>>
        %dma_start3A_110 = arith.constant 0 : i32
        %dma_start3A_111 = tpu.memref_slice %arg3[%add3A_100, %dma_start3A_110] : memref<320000x128xf32, #tpu.memory_space<hbm>> -> memref<80x128xf32, #tpu.memory_space<hbm>>
        tpu.enqueue_dma source(%dma_start3A_111 : memref<80x128xf32, #tpu.memory_space<hbm>>) target(%arg11 : memref<80x128xf32, #tpu.memory_space<vmem>>) target_semaphore(%run_scoped3A_108 : memref<!tpu.dma_semaphore, #tpu.memory_space<semaphore_mem>>)
        %dma_wait3A = arith.constant 0 : i32
        %dma_wait3A_112 = tpu.memref_slice %arg3[%add3A_100, %dma_wait3A] : memref<320000x128xf32, #tpu.memory_space<hbm>> -> memref<80x128xf32, #tpu.memory_space<hbm>>
        %dma_wait3A_113 = arith.constant 0 : i32
        %dma_wait3A_114 = tpu.memref_slice %arg3[%add3A_100, %dma_wait3A_113] : memref<320000x128xf32, #tpu.memory_space<hbm>> -> memref<80x128xf32, #tpu.memory_space<hbm>>
        tpu.wait_dma2 semaphore(%run_scoped3A_108 : memref<!tpu.dma_semaphore, #tpu.memory_space<semaphore_mem>>) src(%dma_wait3A_114 : memref<80x128xf32, #tpu.memory_space<hbm>>) dst(%arg11 : memref<80x128xf32, #tpu.memory_space<vmem>>)
        tpu.yield
      }) : () -> ()
      %scan3A_101 = arith.constant 0 : i32
      %scan3A_102 = arith.constant 0 : i32
      %scan3A_103 = arith.constant 80 : i32
      %scan3A_104 = arith.addi %scan3A_102, %scan3A_103 : i32
      %scan3A_105 = arith.constant 1 : i32
      scf.for %scan3A_108 = %scan3A_102 to %scan3A_104 step %scan3A_105  : i32 {
        %get3A = arith.index_cast %scan3A_108 : i32 to index
        %get3A_109 = arith.constant 0 : index
        %get3A_110 = tpu.vector_load %arg10[%get3A, %get3A_109] {strides = array<i32>} : memref<80x128xf32, #tpu.memory_space<vmem>>, vector<16xf32>,
        %get3A_111 = arith.index_cast %scan3A_108 : i32 to index
        %get3A_112 = arith.constant 0 : index
        %get3A_113 = tpu.vector_load %arg11[%get3A_111, %get3A_112] {strides = array<i32>} : memref<80x128xf32, #tpu.memory_space<vmem>>, vector<16xf32>,
        %mul3A_114 = arith.mulf %get3A_110, %get3A_113 : vector<16xf32>
        %swap3A = arith.index_cast %scan3A_108 : i32 to index
        %swap3A_115 = arith.constant 0 : index
        %swap3A_116 = tpu.vector_load %arg10[%swap3A, %swap3A_115] {strides = array<i32>} : memref<80x128xf32, #tpu.memory_space<vmem>>, vector<16xf32>,
        tpu.vector_store %arg10[%swap3A, %swap3A_115], %mul3A_114 {strides = array<i32>} : memref<80x128xf32, #tpu.memory_space<vmem>>, vector<16xf32>,
        %get3A_117 = arith.index_cast %scan3A_108 : i32 to index
        %get3A_118 = arith.constant 16 : index
        %get3A_119 = tpu.vector_load %arg10[%get3A_117, %get3A_118] {strides = array<i32>} : memref<80x128xf32, #tpu.memory_space<vmem>>, vector<16xf32>,
        %get3A_120 = arith.index_cast %scan3A_108 : i32 to index
        %get3A_121 = arith.constant 16 : index
        %get3A_122 = tpu.vector_load %arg11[%get3A_120, %get3A_121] {strides = array<i32>} : memref<80x128xf32, #tpu.memory_space<vmem>>, vector<16xf32>,
        %mul3A_123 = arith.mulf %get3A_119, %get3A_122 : vector<16xf32>
        %swap3A_124 = arith.index_cast %scan3A_108 : i32 to index
        %swap3A_125 = arith.constant 16 : index
        %swap3A_126 = tpu.vector_load %arg10[%swap3A_124, %swap3A_125] {strides = array<i32>} : memref<80x128xf32, #tpu.memory_space<vmem>>, vector<16xf32>,
        tpu.vector_store %arg10[%swap3A_124, %swap3A_125], %mul3A_123 {strides = array<i32>} : memref<80x128xf32, #tpu.memory_space<vmem>>, vector<16xf32>,
        %get3A_127 = arith.index_cast %scan3A_108 : i32 to index
        %get3A_128 = arith.constant 32 : index
        %get3A_129 = tpu.vector_load %arg10[%get3A_127, %get3A_128] {strides = array<i32>} : memref<80x128xf32, #tpu.memory_space<vmem>>, vector<16xf32>,
        %get3A_130 = arith.index_cast %scan3A_108 : i32 to index
        %get3A_131 = arith.constant 32 : index
        %get3A_132 = tpu.vector_load %arg11[%get3A_130, %get3A_131] {strides = array<i32>} : memref<80x128xf32, #tpu.memory_space<vmem>>, vector<16xf32>,
        %mul3A_133 = arith.mulf %get3A_129, %get3A_132 : vector<16xf32>
        %swap3A_134 = arith.index_cast %scan3A_108 : i32 to index
        %swap3A_135 = arith.constant 32 : index
        %swap3A_136 = tpu.vector_load %arg10[%swap3A_134, %swap3A_135] {strides = array<i32>} : memref<80x128xf32, #tpu.memory_space<vmem>>, vector<16xf32>,
        tpu.vector_store %arg10[%swap3A_134, %swap3A_135], %mul3A_133 {strides = array<i32>} : memref<80x128xf32, #tpu.memory_space<vmem>>, vector<16xf32>,
        %get3A_137 = arith.index_cast %scan3A_108 : i32 to index
        %get3A_138 = arith.constant 48 : index
        %get3A_139 = tpu.vector_load %arg10[%get3A_137, %get3A_138] {strides = array<i32>} : memref<80x128xf32, #tpu.memory_space<vmem>>, vector<16xf32>,
        %get3A_140 = arith.index_cast %scan3A_108 : i32 to index
        %get3A_141 = arith.constant 48 : index
        %get3A_142 = tpu.vector_load %arg11[%get3A_140, %get3A_141] {strides = array<i32>} : memref<80x128xf32, #tpu.memory_space<vmem>>, vector<16xf32>,
        %mul3A_143 = arith.mulf %get3A_139, %get3A_142 : vector<16xf32>
        %swap3A_144 = arith.index_cast %scan3A_108 : i32 to index
        %swap3A_145 = arith.constant 48 : index
        %swap3A_146 = tpu.vector_load %arg10[%swap3A_144, %swap3A_145] {strides = array<i32>} : memref<80x128xf32, #tpu.memory_space<vmem>>, vector<16xf32>,
        tpu.vector_store %arg10[%swap3A_144, %swap3A_145], %mul3A_143 {strides = array<i32>} : memref<80x128xf32, #tpu.memory_space<vmem>>, vector<16xf32>,
        %get3A_147 = arith.index_cast %scan3A_108 : i32 to index
        %get3A_148 = arith.constant 64 : index
        %get3A_149 = tpu.vector_load %arg10[%get3A_147, %get3A_148] {strides = array<i32>} : memref<80x128xf32, #tpu.memory_space<vmem>>, vector<16xf32>,
        %get3A_150 = arith.index_cast %scan3A_108 : i32 to index
        %get3A_151 = arith.constant 64 : index
        %get3A_152 = tpu.vector_load %arg11[%get3A_150, %get3A_151] {strides = array<i32>} : memref<80x128xf32, #tpu.memory_space<vmem>>, vector<16xf32>,
        %mul3A_153 = arith.mulf %get3A_149, %get3A_152 : vector<16xf32>
        %swap3A_154 = arith.index_cast %scan3A_108 : i32 to index
        %swap3A_155 = arith.constant 64 : index
        %swap3A_156 = tpu.vector_load %arg10[%swap3A_154, %swap3A_155] {strides = array<i32>} : memref<80x128xf32, #tpu.memory_space<vmem>>, vector<16xf32>,
        tpu.vector_store %arg10[%swap3A_154, %swap3A_155], %mul3A_153 {strides = array<i32>} : memref<80x128xf32, #tpu.memory_space<vmem>>, vector<16xf32>,
        %get3A_157 = arith.index_cast %scan3A_108 : i32 to index
        %get3A_158 = arith.constant 80 : index
        %get3A_159 = tpu.vector_load %arg10[%get3A_157, %get3A_158] {strides = array<i32>} : memref<80x128xf32, #tpu.memory_space<vmem>>, vector<16xf32>,
        %get3A_160 = arith.index_cast %scan3A_108 : i32 to index
        %get3A_161 = arith.constant 80 : index
        %get3A_162 = tpu.vector_load %arg11[%get3A_160, %get3A_161] {strides = array<i32>} : memref<80x128xf32, #tpu.memory_space<vmem>>, vector<16xf32>,
        %mul3A_163 = arith.mulf %get3A_159, %get3A_162 : vector<16xf32>
        %swap3A_164 = arith.index_cast %scan3A_108 : i32 to index
        %swap3A_165 = arith.constant 80 : index
        %swap3A_166 = tpu.vector_load %arg10[%swap3A_164, %swap3A_165] {strides = array<i32>} : memref<80x128xf32, #tpu.memory_space<vmem>>, vector<16xf32>,
        tpu.vector_store %arg10[%swap3A_164, %swap3A_165], %mul3A_163 {strides = array<i32>} : memref<80x128xf32, #tpu.memory_space<vmem>>, vector<16xf32>,
        %get3A_167 = arith.index_cast %scan3A_108 : i32 to index
        %get3A_168 = arith.constant 96 : index
        %get3A_169 = tpu.vector_load %arg10[%get3A_167, %get3A_168] {strides = array<i32>} : memref<80x128xf32, #tpu.memory_space<vmem>>, vector<16xf32>,
        %get3A_170 = arith.index_cast %scan3A_108 : i32 to index
        %get3A_171 = arith.constant 96 : index
        %get3A_172 = tpu.vector_load %arg11[%get3A_170, %get3A_171] {strides = array<i32>} : memref<80x128xf32, #tpu.memory_space<vmem>>, vector<16xf32>,
        %mul3A_173 = arith.mulf %get3A_169, %get3A_172 : vector<16xf32>
        %swap3A_174 = arith.index_cast %scan3A_108 : i32 to index
        %swap3A_175 = arith.constant 96 : index
        %swap3A_176 = tpu.vector_load %arg10[%swap3A_174, %swap3A_175] {strides = array<i32>} : memref<80x128xf32, #tpu.memory_space<vmem>>, vector<16xf32>,
        tpu.vector_store %arg10[%swap3A_174, %swap3A_175], %mul3A_173 {strides = array<i32>} : memref<80x128xf32, #tpu.memory_space<vmem>>, vector<16xf32>,
        %get3A_177 = arith.index_cast %scan3A_108 : i32 to index
        %get3A_178 = arith.constant 112 : index
        %get3A_179 = tpu.vector_load %arg10[%get3A_177, %get3A_178] {strides = array<i32>} : memref<80x128xf32, #tpu.memory_space<vmem>>, vector<16xf32>,
        %get3A_180 = arith.index_cast %scan3A_108 : i32 to index
        %get3A_181 = arith.constant 112 : index
        %get3A_182 = tpu.vector_load %arg11[%get3A_180, %get3A_181] {strides = array<i32>} : memref<80x128xf32, #tpu.memory_space<vmem>>, vector<16xf32>,
        %mul3A_183 = arith.mulf %get3A_179, %get3A_182 : vector<16xf32>
        %swap3A_184 = arith.index_cast %scan3A_108 : i32 to index
        %swap3A_185 = arith.constant 112 : index
        %swap3A_186 = tpu.vector_load %arg10[%swap3A_184, %swap3A_185] {strides = array<i32>} : memref<80x128xf32, #tpu.memory_space<vmem>>, vector<16xf32>,
        tpu.vector_store %arg10[%swap3A_184, %swap3A_185], %mul3A_183 {strides = array<i32>} : memref<80x128xf32, #tpu.memory_space<vmem>>, vector<16xf32>,
      }
      %scan3A_106 = arith.constant 80 : i32
      %run_scoped3A_107 = arith.constant 4 : i32
      "tpu.region"() ({
        %run_scoped3A_108 = tpu.sem_alloc : memref<!tpu.dma_semaphore, #tpu.memory_space<semaphore_mem>>
        %dma_start3A = arith.constant 0 : i32
        %dma_start3A_109 = tpu.memref_slice %arg9[%run_scoped3A_107, %dma_start3A] : memref<5x80xi32, #tpu.memory_space<vmem>> -> memref<1x80xi32, #tpu.memory_space<vmem>>
        %dma_start3A_110 = tpu.memref_squeeze %dma_start3A_109 : memref<1x80xi32, #tpu.memory_space<vmem>> -> memref<80xi32, #tpu.memory_space<vmem>>
        %dma_start3A_111 = arith.constant 0 : i32
        %dma_start3A_112 = arith.constant 0 : i32
        %dma_start3A_113 = tpu.memref_slice %arg12[%dma_start3A_111, %dma_start3A_112] : memref<10000x128xf32, #tpu.memory_space<vmem_shared>> -> memref<10000x128xf32, #tpu.memory_space<vmem_shared>>
        tpu.enqueue_indirect_dma source(%arg10 : memref<80x128xf32, #tpu.memory_space<vmem>>) target(%dma_start3A_113 : memref<10000x128xf32, #tpu.memory_space<vmem_shared>>) offsets(%dma_start3A_110 : memref<80xi32, #tpu.memory_space<vmem>>) semaphore(%run_scoped3A_108 : memref<!tpu.dma_semaphore, #tpu.memory_space<semaphore_mem>>) {add = true}
        %dma_wait3A = arith.constant 0 : i32
        %dma_wait3A_114 = tpu.memref_slice %arg9[%run_scoped3A_107, %dma_wait3A] : memref<5x80xi32, #tpu.memory_space<vmem>> -> memref<1x80xi32, #tpu.memory_space<vmem>>
        %dma_wait3A_115 = tpu.memref_squeeze %dma_wait3A_114 : memref<1x80xi32, #tpu.memory_space<vmem>> -> memref<80xi32, #tpu.memory_space<vmem>>
        %dma_wait3A_116 = arith.constant 0 : i32
        %dma_wait3A_117 = arith.constant 0 : i32
        %dma_wait3A_118 = tpu.memref_slice %arg12[%dma_wait3A_116, %dma_wait3A_117] : memref<10000x128xf32, #tpu.memory_space<vmem_shared>> -> memref<10000x128xf32, #tpu.memory_space<vmem_shared>>
        tpu.wait_indirect_dma semaphore(%run_scoped3A_108 : memref<!tpu.dma_semaphore, #tpu.memory_space<semaphore_mem>>) src(%arg10 : memref<80x128xf32, #tpu.memory_space<vmem>>) dst(%dma_wait3A_118 : memref<10000x128xf32, #tpu.memory_space<vmem_shared>>)
        tpu.yield
      }) : () -> ()
    }
    %scan3A_11 = arith.constant 25 : i32
    %barrier3A_12 = arith.constant 0 : index
    tpu.barrier barrier_id(%barrier3A_12)
    %lt3A_13 = arith.constant 15 : i32
    %lt3A_14 = arith.cmpi slt, %arg1, %lt3A_13 : i32
    %convert_element_type3A_15 = arith.extui %lt3A_14 : i1 to i32
    %cond3A_16 = arith.constant 0 : i32
    %cond3A_17 = arith.cmpi ne, %convert_element_type3A_15, %cond3A_16 : i32
    scf.if %cond3A_17 {
      %mul3A_23 = arith.constant 624 : i32
      %mul3A_24 = arith.muli %arg1, %mul3A_23 : i32
      %mul3A_25 = arith.constant 624 : i32
      %mul3A_26 = arith.muli %arg1, %mul3A_25 : i32
      "tpu.region"() ({
        %run_scoped3A = tpu.sem_alloc : memref<!tpu.dma_semaphore, #tpu.memory_space<semaphore_mem>>
        %dma_start3A = arith.constant 0 : i32
        %dma_start3A_27 = tpu.memref_slice %arg7[%arg0, %mul3A_26, %dma_start3A] : memref<2x10000x128xf32, #tpu.memory_space<hbm>> -> memref<1x624x128xf32, #tpu.memory_space<hbm>>
        %dma_start3A_28 = tpu.memref_squeeze %dma_start3A_27 : memref<1x624x128xf32, #tpu.memory_space<hbm>> -> memref<624x128xf32, #tpu.memory_space<hbm>>
        %dma_start3A_29 = arith.constant 0 : i32
        %dma_start3A_30 = tpu.memref_slice %arg12[%mul3A_24, %dma_start3A_29] : memref<10000x128xf32, #tpu.memory_space<vmem_shared>> -> memref<624x128xf32, #tpu.memory_space<vmem_shared>>
        tpu.enqueue_dma source(%dma_start3A_30 : memref<624x128xf32, #tpu.memory_space<vmem_shared>>) target(%dma_start3A_28 : memref<624x128xf32, #tpu.memory_space<hbm>>) target_semaphore(%run_scoped3A : memref<!tpu.dma_semaphore, #tpu.memory_space<semaphore_mem>>)
        %dma_wait3A = arith.constant 0 : i32
        %dma_wait3A_31 = tpu.memref_slice %arg7[%arg0, %mul3A_26, %dma_wait3A] : memref<2x10000x128xf32, #tpu.memory_space<hbm>> -> memref<1x624x128xf32, #tpu.memory_space<hbm>>
        %dma_wait3A_32 = tpu.memref_squeeze %dma_wait3A_31 : memref<1x624x128xf32, #tpu.memory_space<hbm>> -> memref<624x128xf32, #tpu.memory_space<hbm>>
        %dma_wait3A_33 = arith.constant 0 : i32
        %dma_wait3A_34 = tpu.memref_slice %arg12[%mul3A_24, %dma_wait3A_33] : memref<10000x128xf32, #tpu.memory_space<vmem_shared>> -> memref<624x128xf32, #tpu.memory_space<vmem_shared>>
        tpu.wait_dma2 semaphore(%run_scoped3A : memref<!tpu.dma_semaphore, #tpu.memory_space<semaphore_mem>>) src(%dma_wait3A_34 : memref<624x128xf32, #tpu.memory_space<vmem_shared>>) dst(%dma_wait3A_32 : memref<624x128xf32, #tpu.memory_space<hbm>>)
        tpu.yield
      }) : () -> ()
    } else {
    }
    %eq3A_18 = arith.constant 15 : i32
    %eq3A_19 = arith.cmpi eq, %arg1, %eq3A_18 : i32
    %convert_element_type3A_20 = arith.extui %eq3A_19 : i1 to i32
    %cond3A_21 = arith.constant 0 : i32
    %cond3A_22 = arith.cmpi ne, %convert_element_type3A_20, %cond3A_21 : i32
    scf.if %cond3A_22 {
      "tpu.region"() ({
        %run_scoped3A = tpu.sem_alloc : memref<!tpu.dma_semaphore, #tpu.memory_space<semaphore_mem>>
        %dma_start3A = arith.constant 9360 : i32
        %dma_start3A_23 = arith.constant 0 : i32
        %dma_start3A_24 = tpu.memref_slice %arg7[%arg0, %dma_start3A, %dma_start3A_23] : memref<2x10000x128xf32, #tpu.memory_space<hbm>> -> memref<1x640x128xf32, #tpu.memory_space<hbm>>
        %dma_start3A_25 = tpu.memref_squeeze %dma_start3A_24 : memref<1x640x128xf32, #tpu.memory_space<hbm>> -> memref<640x128xf32, #tpu.memory_space<hbm>>
        %dma_start3A_26 = arith.constant 9360 : i32
        %dma_start3A_27 = arith.constant 0 : i32
        %dma_start3A_28 = tpu.memref_slice %arg12[%dma_start3A_26, %dma_start3A_27] : memref<10000x128xf32, #tpu.memory_space<vmem_shared>> -> memref<640x128xf32, #tpu.memory_space<vmem_shared>>
        tpu.enqueue_dma source(%dma_start3A_28 : memref<640x128xf32, #tpu.memory_space<vmem_shared>>) target(%dma_start3A_25 : memref<640x128xf32, #tpu.memory_space<hbm>>) target_semaphore(%run_scoped3A : memref<!tpu.dma_semaphore, #tpu.memory_space<semaphore_mem>>)
        %dma_wait3A = arith.constant 9360 : i32
        %dma_wait3A_29 = arith.constant 0 : i32
        %dma_wait3A_30 = tpu.memref_slice %arg7[%arg0, %dma_wait3A, %dma_wait3A_29] : memref<2x10000x128xf32, #tpu.memory_space<hbm>> -> memref<1x640x128xf32, #tpu.memory_space<hbm>>
        %dma_wait3A_31 = tpu.memref_squeeze %dma_wait3A_30 : memref<1x640x128xf32, #tpu.memory_space<hbm>> -> memref<640x128xf32, #tpu.memory_space<hbm>>
        %dma_wait3A_32 = arith.constant 9360 : i32
        %dma_wait3A_33 = arith.constant 0 : i32
        %dma_wait3A_34 = tpu.memref_slice %arg12[%dma_wait3A_32, %dma_wait3A_33] : memref<10000x128xf32, #tpu.memory_space<vmem_shared>> -> memref<640x128xf32, #tpu.memory_space<vmem_shared>>
        tpu.wait_dma2 semaphore(%run_scoped3A : memref<!tpu.dma_semaphore, #tpu.memory_space<semaphore_mem>>) src(%dma_wait3A_34 : memref<640x128xf32, #tpu.memory_space<vmem_shared>>) dst(%dma_wait3A_31 : memref<640x128xf32, #tpu.memory_space<hbm>>)
        tpu.yield
      }) : () -> ()
    } else {
    }
    return
  }
}

#map = affine_map<(d0, d1) -> (0, 0)>
#map1 = affine_map<(d0, d1) -> (0, 0, 0, 0)>
#map2 = affine_map<(d0, d1) -> (0, 0, 0)>
module attributes {stable_mosaic.version = 14 : i64} {
  func.func @_k2_body(%arg0: i32, %arg1: i32, %arg2: memref<10000x128xf32, #tpu.memory_space<hbm>>, %arg3: memref<320000x128xf32, #tpu.memory_space<hbm>>, %arg4: memref<32x25x5x80xi32, #tpu.memory_space<hbm>>, %arg5: memref<32x25x5x80xi32, #tpu.memory_space<hbm>>, %arg6: memref<10000x128xf32, #tpu.memory_space<hbm>>, %arg7: memref<2x10000x128xf32, #tpu.memory_space<hbm>>, %arg8: memref<5x80xi32, #tpu.memory_space<vmem>>, %arg9: memref<5x80xi32, #tpu.memory_space<vmem>>, %arg10: memref<80x128xf32, #tpu.memory_space<vmem>>, %arg11: memref<80x128xf32, #tpu.memory_space<vmem>>, %arg12: memref<10000x128xf32, #tpu.memory_space<vmem_shared>>) attributes {dimension_semantics = [#tpu.dimension_semantics<core_parallel>, #tpu.dimension_semantics<subcore_parallel>], iteration_bounds = array<i64: 2, 16>, scalar_prefetch = 0 : i64, scratch_operands = 5 : i64, tpu.core_type = #tpu.core_type<sc_vector_subcore>, window_params = [{transform_indices = #map}, {transform_indices = #map}, {transform_indices = #map1}, {transform_indices = #map1}, {transform_indices = #map}, {transform_indices = #map2}]} {
    %mul3A = arith.constant 16 : i32
    %mul3A_0 = arith.muli %arg0, %mul3A : i32
    %add3A = arith.addi %mul3A_0, %arg1 : i32
    %lt3A = arith.constant 15 : i32
    %lt3A_1 = arith.cmpi slt, %arg1, %lt3A : i32
    %convert_element_type3A = arith.extui %lt3A_1 : i1 to i32
    %cond3A = arith.constant 0 : i32
    %cond3A_2 = arith.cmpi ne, %convert_element_type3A, %cond3A : i32
    scf.if %cond3A_2 {
      %mul3A_23 = arith.constant 624 : i32
      %mul3A_24 = arith.muli %arg1, %mul3A_23 : i32
      %mul3A_25 = arith.constant 624 : i32
      %mul3A_26 = arith.muli %arg1, %mul3A_25 : i32
      "tpu.region"() ({
        %run_scoped3A = tpu.sem_alloc : memref<!tpu.dma_semaphore, #tpu.memory_space<semaphore_mem>>
        %dma_start3A = arith.constant 0 : i32
        %dma_start3A_27 = tpu.memref_slice %arg12[%mul3A_26, %dma_start3A] : memref<10000x128xf32, #tpu.memory_space<vmem_shared>> -> memref<624x128xf32, #tpu.memory_space<vmem_shared>>
        %dma_start3A_28 = arith.constant 0 : i32
        %dma_start3A_29 = tpu.memref_slice %arg6[%mul3A_24, %dma_start3A_28] : memref<10000x128xf32, #tpu.memory_space<hbm>> -> memref<624x128xf32, #tpu.memory_space<hbm>>
        tpu.enqueue_dma source(%dma_start3A_29 : memref<624x128xf32, #tpu.memory_space<hbm>>) target(%dma_start3A_27 : memref<624x128xf32, #tpu.memory_space<vmem_shared>>) target_semaphore(%run_scoped3A : memref<!tpu.dma_semaphore, #tpu.memory_space<semaphore_mem>>)
        %dma_wait3A = arith.constant 0 : i32
        %dma_wait3A_30 = tpu.memref_slice %arg12[%mul3A_26, %dma_wait3A] : memref<10000x128xf32, #tpu.memory_space<vmem_shared>> -> memref<624x128xf32, #tpu.memory_space<vmem_shared>>
        %dma_wait3A_31 = arith.constant 0 : i32
        %dma_wait3A_32 = tpu.memref_slice %arg6[%mul3A_24, %dma_wait3A_31] : memref<10000x128xf32, #tpu.memory_space<hbm>> -> memref<624x128xf32, #tpu.memory_space<hbm>>
        tpu.wait_dma2 semaphore(%run_scoped3A : memref<!tpu.dma_semaphore, #tpu.memory_space<semaphore_mem>>) src(%dma_wait3A_32 : memref<624x128xf32, #tpu.memory_space<hbm>>) dst(%dma_wait3A_30 : memref<624x128xf32, #tpu.memory_space<vmem_shared>>)
        tpu.yield
      }) : () -> ()
    } else {
    }
    %eq3A = arith.constant 15 : i32
    %eq3A_3 = arith.cmpi eq, %arg1, %eq3A : i32
    %convert_element_type3A_4 = arith.extui %eq3A_3 : i1 to i32
    %cond3A_5 = arith.constant 0 : i32
    %cond3A_6 = arith.cmpi ne, %convert_element_type3A_4, %cond3A_5 : i32
    scf.if %cond3A_6 {
      "tpu.region"() ({
        %run_scoped3A = tpu.sem_alloc : memref<!tpu.dma_semaphore, #tpu.memory_space<semaphore_mem>>
        %dma_start3A = arith.constant 9360 : i32
        %dma_start3A_23 = arith.constant 0 : i32
        %dma_start3A_24 = tpu.memref_slice %arg12[%dma_start3A, %dma_start3A_23] : memref<10000x128xf32, #tpu.memory_space<vmem_shared>> -> memref<640x128xf32, #tpu.memory_space<vmem_shared>>
        %dma_start3A_25 = arith.constant 9360 : i32
        %dma_start3A_26 = arith.constant 0 : i32
        %dma_start3A_27 = tpu.memref_slice %arg6[%dma_start3A_25, %dma_start3A_26] : memref<10000x128xf32, #tpu.memory_space<hbm>> -> memref<640x128xf32, #tpu.memory_space<hbm>>
        tpu.enqueue_dma source(%dma_start3A_27 : memref<640x128xf32, #tpu.memory_space<hbm>>) target(%dma_start3A_24 : memref<640x128xf32, #tpu.memory_space<vmem_shared>>) target_semaphore(%run_scoped3A : memref<!tpu.dma_semaphore, #tpu.memory_space<semaphore_mem>>)
        %dma_wait3A = arith.constant 9360 : i32
        %dma_wait3A_28 = arith.constant 0 : i32
        %dma_wait3A_29 = tpu.memref_slice %arg12[%dma_wait3A, %dma_wait3A_28] : memref<10000x128xf32, #tpu.memory_space<vmem_shared>> -> memref<640x128xf32, #tpu.memory_space<vmem_shared>>
        %dma_wait3A_30 = arith.constant 9360 : i32
        %dma_wait3A_31 = arith.constant 0 : i32
        %dma_wait3A_32 = tpu.memref_slice %arg6[%dma_wait3A_30, %dma_wait3A_31] : memref<10000x128xf32, #tpu.memory_space<hbm>> -> memref<640x128xf32, #tpu.memory_space<hbm>>
        tpu.wait_dma2 semaphore(%run_scoped3A : memref<!tpu.dma_semaphore, #tpu.memory_space<semaphore_mem>>) src(%dma_wait3A_32 : memref<640x128xf32, #tpu.memory_space<hbm>>) dst(%dma_wait3A_29 : memref<640x128xf32, #tpu.memory_space<vmem_shared>>)
        tpu.yield
      }) : () -> ()
    } else {
    }
    %barrier3A = arith.constant 0 : index
    tpu.barrier barrier_id(%barrier3A)
    %scan3A = arith.constant 0 : i32
    %scan3A_7 = arith.constant 0 : i32
    %scan3A_8 = arith.constant 25 : i32
    %scan3A_9 = arith.addi %scan3A_7, %scan3A_8 : i32
    %scan3A_10 = arith.constant 1 : i32
    scf.for %scan3A_23 = %scan3A_7 to %scan3A_9 step %scan3A_10  : i32 {
      "tpu.region"() ({
        %run_scoped3A_108 = tpu.sem_alloc : memref<!tpu.dma_semaphore, #tpu.memory_space<semaphore_mem>>
        %dma_start3A = arith.constant 0 : i32
        %dma_start3A_109 = arith.constant 0 : i32
        %dma_start3A_110 = tpu.memref_slice %arg4[%add3A, %scan3A_23, %dma_start3A, %dma_start3A_109] : memref<32x25x5x80xi32, #tpu.memory_space<hbm>> -> memref<1x1x5x80xi32, #tpu.memory_space<hbm>>
        %dma_start3A_111 = tpu.memref_squeeze %dma_start3A_110 : memref<1x1x5x80xi32, #tpu.memory_space<hbm>> -> memref<5x80xi32, #tpu.memory_space<hbm>>
        %dma_start3A_112 = arith.constant 0 : i32
        %dma_start3A_113 = arith.constant 0 : i32
        %dma_start3A_114 = tpu.memref_slice %arg4[%add3A, %scan3A_23, %dma_start3A_112, %dma_start3A_113] : memref<32x25x5x80xi32, #tpu.memory_space<hbm>> -> memref<1x1x5x80xi32, #tpu.memory_space<hbm>>
        %dma_start3A_115 = tpu.memref_squeeze %dma_start3A_114 : memref<1x1x5x80xi32, #tpu.memory_space<hbm>> -> memref<5x80xi32, #tpu.memory_space<hbm>>
        tpu.enqueue_dma source(%dma_start3A_115 : memref<5x80xi32, #tpu.memory_space<hbm>>) target(%arg8 : memref<5x80xi32, #tpu.memory_space<vmem>>) target_semaphore(%run_scoped3A_108 : memref<!tpu.dma_semaphore, #tpu.memory_space<semaphore_mem>>)
        %dma_wait3A = arith.constant 0 : i32
        %dma_wait3A_116 = arith.constant 0 : i32
        %dma_wait3A_117 = tpu.memref_slice %arg4[%add3A, %scan3A_23, %dma_wait3A, %dma_wait3A_116] : memref<32x25x5x80xi32, #tpu.memory_space<hbm>> -> memref<1x1x5x80xi32, #tpu.memory_space<hbm>>
        %dma_wait3A_118 = tpu.memref_squeeze %dma_wait3A_117 : memref<1x1x5x80xi32, #tpu.memory_space<hbm>> -> memref<5x80xi32, #tpu.memory_space<hbm>>
        %dma_wait3A_119 = arith.constant 0 : i32
        %dma_wait3A_120 = arith.constant 0 : i32
        %dma_wait3A_121 = tpu.memref_slice %arg4[%add3A, %scan3A_23, %dma_wait3A_119, %dma_wait3A_120] : memref<32x25x5x80xi32, #tpu.memory_space<hbm>> -> memref<1x1x5x80xi32, #tpu.memory_space<hbm>>
        %dma_wait3A_122 = tpu.memref_squeeze %dma_wait3A_121 : memref<1x1x5x80xi32, #tpu.memory_space<hbm>> -> memref<5x80xi32, #tpu.memory_space<hbm>>
        tpu.wait_dma2 semaphore(%run_scoped3A_108 : memref<!tpu.dma_semaphore, #tpu.memory_space<semaphore_mem>>) src(%dma_wait3A_122 : memref<5x80xi32, #tpu.memory_space<hbm>>) dst(%arg8 : memref<5x80xi32, #tpu.memory_space<vmem>>)
        tpu.yield
      }) : () -> ()
      "tpu.region"() ({
        %run_scoped3A_108 = tpu.sem_alloc : memref<!tpu.dma_semaphore, #tpu.memory_space<semaphore_mem>>
        %dma_start3A = arith.constant 0 : i32
        %dma_start3A_109 = arith.constant 0 : i32
        %dma_start3A_110 = tpu.memref_slice %arg5[%add3A, %scan3A_23, %dma_start3A, %dma_start3A_109] : memref<32x25x5x80xi32, #tpu.memory_space<hbm>> -> memref<1x1x5x80xi32, #tpu.memory_space<hbm>>
        %dma_start3A_111 = tpu.memref_squeeze %dma_start3A_110 : memref<1x1x5x80xi32, #tpu.memory_space<hbm>> -> memref<5x80xi32, #tpu.memory_space<hbm>>
        %dma_start3A_112 = arith.constant 0 : i32
        %dma_start3A_113 = arith.constant 0 : i32
        %dma_start3A_114 = tpu.memref_slice %arg5[%add3A, %scan3A_23, %dma_start3A_112, %dma_start3A_113] : memref<32x25x5x80xi32, #tpu.memory_space<hbm>> -> memref<1x1x5x80xi32, #tpu.memory_space<hbm>>
        %dma_start3A_115 = tpu.memref_squeeze %dma_start3A_114 : memref<1x1x5x80xi32, #tpu.memory_space<hbm>> -> memref<5x80xi32, #tpu.memory_space<hbm>>
        tpu.enqueue_dma source(%dma_start3A_115 : memref<5x80xi32, #tpu.memory_space<hbm>>) target(%arg9 : memref<5x80xi32, #tpu.memory_space<vmem>>) target_semaphore(%run_scoped3A_108 : memref<!tpu.dma_semaphore, #tpu.memory_space<semaphore_mem>>)
        %dma_wait3A = arith.constant 0 : i32
        %dma_wait3A_116 = arith.constant 0 : i32
        %dma_wait3A_117 = tpu.memref_slice %arg5[%add3A, %scan3A_23, %dma_wait3A, %dma_wait3A_116] : memref<32x25x5x80xi32, #tpu.memory_space<hbm>> -> memref<1x1x5x80xi32, #tpu.memory_space<hbm>>
        %dma_wait3A_118 = tpu.memref_squeeze %dma_wait3A_117 : memref<1x1x5x80xi32, #tpu.memory_space<hbm>> -> memref<5x80xi32, #tpu.memory_space<hbm>>
        %dma_wait3A_119 = arith.constant 0 : i32
        %dma_wait3A_120 = arith.constant 0 : i32
        %dma_wait3A_121 = tpu.memref_slice %arg5[%add3A, %scan3A_23, %dma_wait3A_119, %dma_wait3A_120] : memref<32x25x5x80xi32, #tpu.memory_space<hbm>> -> memref<1x1x5x80xi32, #tpu.memory_space<hbm>>
        %dma_wait3A_122 = tpu.memref_squeeze %dma_wait3A_121 : memref<1x1x5x80xi32, #tpu.memory_space<hbm>> -> memref<5x80xi32, #tpu.memory_space<hbm>>
        tpu.wait_dma2 semaphore(%run_scoped3A_108 : memref<!tpu.dma_semaphore, #tpu.memory_space<semaphore_mem>>) src(%dma_wait3A_122 : memref<5x80xi32, #tpu.memory_space<hbm>>) dst(%arg9 : memref<5x80xi32, #tpu.memory_space<vmem>>)
        tpu.yield
      }) : () -> ()
      %run_scoped3A = arith.constant 0 : i32
      "tpu.region"() ({
        %run_scoped3A_108 = tpu.sem_alloc : memref<!tpu.dma_semaphore, #tpu.memory_space<semaphore_mem>>
        %dma_start3A = arith.constant 0 : i32
        %dma_start3A_109 = tpu.memref_slice %arg8[%run_scoped3A, %dma_start3A] : memref<5x80xi32, #tpu.memory_space<vmem>> -> memref<1x80xi32, #tpu.memory_space<vmem>>
        %dma_start3A_110 = tpu.memref_squeeze %dma_start3A_109 : memref<1x80xi32, #tpu.memory_space<vmem>> -> memref<80xi32, #tpu.memory_space<vmem>>
        %dma_start3A_111 = arith.constant 0 : i32
        %dma_start3A_112 = arith.constant 0 : i32
        %dma_start3A_113 = tpu.memref_slice %arg2[%dma_start3A_111, %dma_start3A_112] : memref<10000x128xf32, #tpu.memory_space<hbm>> -> memref<10000x128xf32, #tpu.memory_space<hbm>>
        tpu.enqueue_indirect_dma source(%dma_start3A_113 : memref<10000x128xf32, #tpu.memory_space<hbm>>) target(%arg10 : memref<80x128xf32, #tpu.memory_space<vmem>>) offsets(%dma_start3A_110 : memref<80xi32, #tpu.memory_space<vmem>>) semaphore(%run_scoped3A_108 : memref<!tpu.dma_semaphore, #tpu.memory_space<semaphore_mem>>)
        %dma_wait3A = arith.constant 0 : i32
        %dma_wait3A_114 = tpu.memref_slice %arg8[%run_scoped3A, %dma_wait3A] : memref<5x80xi32, #tpu.memory_space<vmem>> -> memref<1x80xi32, #tpu.memory_space<vmem>>
        %dma_wait3A_115 = tpu.memref_squeeze %dma_wait3A_114 : memref<1x80xi32, #tpu.memory_space<vmem>> -> memref<80xi32, #tpu.memory_space<vmem>>
        %dma_wait3A_116 = arith.constant 0 : i32
        %dma_wait3A_117 = arith.constant 0 : i32
        %dma_wait3A_118 = tpu.memref_slice %arg2[%dma_wait3A_116, %dma_wait3A_117] : memref<10000x128xf32, #tpu.memory_space<hbm>> -> memref<10000x128xf32, #tpu.memory_space<hbm>>
        tpu.wait_indirect_dma semaphore(%run_scoped3A_108 : memref<!tpu.dma_semaphore, #tpu.memory_space<semaphore_mem>>) src(%dma_wait3A_118 : memref<10000x128xf32, #tpu.memory_space<hbm>>) dst(%arg10 : memref<80x128xf32, #tpu.memory_space<vmem>>)
        tpu.yield
      }) : () -> ()
      %mul3A_24 = arith.constant 10000 : i32
      %mul3A_25 = arith.muli %add3A, %mul3A_24 : i32
      %mul3A_26 = arith.constant 5 : i32
      %mul3A_27 = arith.muli %scan3A_23, %mul3A_26 : i32
      %add3A_28 = arith.constant 0 : i32
      %add3A_29 = arith.addi %mul3A_27, %add3A_28 : i32
      %mul3A_30 = arith.constant 80 : i32
      %mul3A_31 = arith.muli %add3A_29, %mul3A_30 : i32
      %add3A_32 = arith.addi %mul3A_25, %mul3A_31 : i32
      "tpu.region"() ({
        %run_scoped3A_108 = tpu.sem_alloc : memref<!tpu.dma_semaphore, #tpu.memory_space<semaphore_mem>>
        %dma_start3A = arith.constant 0 : i32
        %dma_start3A_109 = tpu.memref_slice %arg3[%add3A_32, %dma_start3A] : memref<320000x128xf32, #tpu.memory_space<hbm>> -> memref<80x128xf32, #tpu.memory_space<hbm>>
        %dma_start3A_110 = arith.constant 0 : i32
        %dma_start3A_111 = tpu.memref_slice %arg3[%add3A_32, %dma_start3A_110] : memref<320000x128xf32, #tpu.memory_space<hbm>> -> memref<80x128xf32, #tpu.memory_space<hbm>>
        tpu.enqueue_dma source(%dma_start3A_111 : memref<80x128xf32, #tpu.memory_space<hbm>>) target(%arg11 : memref<80x128xf32, #tpu.memory_space<vmem>>) target_semaphore(%run_scoped3A_108 : memref<!tpu.dma_semaphore, #tpu.memory_space<semaphore_mem>>)
        %dma_wait3A = arith.constant 0 : i32
        %dma_wait3A_112 = tpu.memref_slice %arg3[%add3A_32, %dma_wait3A] : memref<320000x128xf32, #tpu.memory_space<hbm>> -> memref<80x128xf32, #tpu.memory_space<hbm>>
        %dma_wait3A_113 = arith.constant 0 : i32
        %dma_wait3A_114 = tpu.memref_slice %arg3[%add3A_32, %dma_wait3A_113] : memref<320000x128xf32, #tpu.memory_space<hbm>> -> memref<80x128xf32, #tpu.memory_space<hbm>>
        tpu.wait_dma2 semaphore(%run_scoped3A_108 : memref<!tpu.dma_semaphore, #tpu.memory_space<semaphore_mem>>) src(%dma_wait3A_114 : memref<80x128xf32, #tpu.memory_space<hbm>>) dst(%arg11 : memref<80x128xf32, #tpu.memory_space<vmem>>)
        tpu.yield
      }) : () -> ()
      %scan3A_33 = arith.constant 0 : i32
      %scan3A_34 = arith.constant 0 : i32
      %scan3A_35 = arith.constant 80 : i32
      %scan3A_36 = arith.addi %scan3A_34, %scan3A_35 : i32
      %scan3A_37 = arith.constant 1 : i32
      scf.for %scan3A_108 = %scan3A_34 to %scan3A_36 step %scan3A_37  : i32 {
        %get3A = arith.index_cast %scan3A_108 : i32 to index
        %get3A_109 = arith.constant 0 : index
        %get3A_110 = tpu.vector_load %arg10[%get3A, %get3A_109] {strides = array<i32>} : memref<80x128xf32, #tpu.memory_space<vmem>>, vector<16xf32>,
        %get3A_111 = arith.index_cast %scan3A_108 : i32 to index
        %get3A_112 = arith.constant 0 : index
        %get3A_113 = tpu.vector_load %arg11[%get3A_111, %get3A_112] {strides = array<i32>} : memref<80x128xf32, #tpu.memory_space<vmem>>, vector<16xf32>,
        %mul3A_114 = arith.mulf %get3A_110, %get3A_113 : vector<16xf32>
        %swap3A = arith.index_cast %scan3A_108 : i32 to index
        %swap3A_115 = arith.constant 0 : index
        %swap3A_116 = tpu.vector_load %arg10[%swap3A, %swap3A_115] {strides = array<i32>} : memref<80x128xf32, #tpu.memory_space<vmem>>, vector<16xf32>,
        tpu.vector_store %arg10[%swap3A, %swap3A_115], %mul3A_114 {strides = array<i32>} : memref<80x128xf32, #tpu.memory_space<vmem>>, vector<16xf32>,
        %get3A_117 = arith.index_cast %scan3A_108 : i32 to index
        %get3A_118 = arith.constant 16 : index
        %get3A_119 = tpu.vector_load %arg10[%get3A_117, %get3A_118] {strides = array<i32>} : memref<80x128xf32, #tpu.memory_space<vmem>>, vector<16xf32>,
        %get3A_120 = arith.index_cast %scan3A_108 : i32 to index
        %get3A_121 = arith.constant 16 : index
        %get3A_122 = tpu.vector_load %arg11[%get3A_120, %get3A_121] {strides = array<i32>} : memref<80x128xf32, #tpu.memory_space<vmem>>, vector<16xf32>,
        %mul3A_123 = arith.mulf %get3A_119, %get3A_122 : vector<16xf32>
        %swap3A_124 = arith.index_cast %scan3A_108 : i32 to index
        %swap3A_125 = arith.constant 16 : index
        %swap3A_126 = tpu.vector_load %arg10[%swap3A_124, %swap3A_125] {strides = array<i32>} : memref<80x128xf32, #tpu.memory_space<vmem>>, vector<16xf32>,
        tpu.vector_store %arg10[%swap3A_124, %swap3A_125], %mul3A_123 {strides = array<i32>} : memref<80x128xf32, #tpu.memory_space<vmem>>, vector<16xf32>,
        %get3A_127 = arith.index_cast %scan3A_108 : i32 to index
        %get3A_128 = arith.constant 32 : index
        %get3A_129 = tpu.vector_load %arg10[%get3A_127, %get3A_128] {strides = array<i32>} : memref<80x128xf32, #tpu.memory_space<vmem>>, vector<16xf32>,
        %get3A_130 = arith.index_cast %scan3A_108 : i32 to index
        %get3A_131 = arith.constant 32 : index
        %get3A_132 = tpu.vector_load %arg11[%get3A_130, %get3A_131] {strides = array<i32>} : memref<80x128xf32, #tpu.memory_space<vmem>>, vector<16xf32>,
        %mul3A_133 = arith.mulf %get3A_129, %get3A_132 : vector<16xf32>
        %swap3A_134 = arith.index_cast %scan3A_108 : i32 to index
        %swap3A_135 = arith.constant 32 : index
        %swap3A_136 = tpu.vector_load %arg10[%swap3A_134, %swap3A_135] {strides = array<i32>} : memref<80x128xf32, #tpu.memory_space<vmem>>, vector<16xf32>,
        tpu.vector_store %arg10[%swap3A_134, %swap3A_135], %mul3A_133 {strides = array<i32>} : memref<80x128xf32, #tpu.memory_space<vmem>>, vector<16xf32>,
        %get3A_137 = arith.index_cast %scan3A_108 : i32 to index
        %get3A_138 = arith.constant 48 : index
        %get3A_139 = tpu.vector_load %arg10[%get3A_137, %get3A_138] {strides = array<i32>} : memref<80x128xf32, #tpu.memory_space<vmem>>, vector<16xf32>,
        %get3A_140 = arith.index_cast %scan3A_108 : i32 to index
        %get3A_141 = arith.constant 48 : index
        %get3A_142 = tpu.vector_load %arg11[%get3A_140, %get3A_141] {strides = array<i32>} : memref<80x128xf32, #tpu.memory_space<vmem>>, vector<16xf32>,
        %mul3A_143 = arith.mulf %get3A_139, %get3A_142 : vector<16xf32>
        %swap3A_144 = arith.index_cast %scan3A_108 : i32 to index
        %swap3A_145 = arith.constant 48 : index
        %swap3A_146 = tpu.vector_load %arg10[%swap3A_144, %swap3A_145] {strides = array<i32>} : memref<80x128xf32, #tpu.memory_space<vmem>>, vector<16xf32>,
        tpu.vector_store %arg10[%swap3A_144, %swap3A_145], %mul3A_143 {strides = array<i32>} : memref<80x128xf32, #tpu.memory_space<vmem>>, vector<16xf32>,
        %get3A_147 = arith.index_cast %scan3A_108 : i32 to index
        %get3A_148 = arith.constant 64 : index
        %get3A_149 = tpu.vector_load %arg10[%get3A_147, %get3A_148] {strides = array<i32>} : memref<80x128xf32, #tpu.memory_space<vmem>>, vector<16xf32>,
        %get3A_150 = arith.index_cast %scan3A_108 : i32 to index
        %get3A_151 = arith.constant 64 : index
        %get3A_152 = tpu.vector_load %arg11[%get3A_150, %get3A_151] {strides = array<i32>} : memref<80x128xf32, #tpu.memory_space<vmem>>, vector<16xf32>,
        %mul3A_153 = arith.mulf %get3A_149, %get3A_152 : vector<16xf32>
        %swap3A_154 = arith.index_cast %scan3A_108 : i32 to index
        %swap3A_155 = arith.constant 64 : index
        %swap3A_156 = tpu.vector_load %arg10[%swap3A_154, %swap3A_155] {strides = array<i32>} : memref<80x128xf32, #tpu.memory_space<vmem>>, vector<16xf32>,
        tpu.vector_store %arg10[%swap3A_154, %swap3A_155], %mul3A_153 {strides = array<i32>} : memref<80x128xf32, #tpu.memory_space<vmem>>, vector<16xf32>,
        %get3A_157 = arith.index_cast %scan3A_108 : i32 to index
        %get3A_158 = arith.constant 80 : index
        %get3A_159 = tpu.vector_load %arg10[%get3A_157, %get3A_158] {strides = array<i32>} : memref<80x128xf32, #tpu.memory_space<vmem>>, vector<16xf32>,
        %get3A_160 = arith.index_cast %scan3A_108 : i32 to index
        %get3A_161 = arith.constant 80 : index
        %get3A_162 = tpu.vector_load %arg11[%get3A_160, %get3A_161] {strides = array<i32>} : memref<80x128xf32, #tpu.memory_space<vmem>>, vector<16xf32>,
        %mul3A_163 = arith.mulf %get3A_159, %get3A_162 : vector<16xf32>
        %swap3A_164 = arith.index_cast %scan3A_108 : i32 to index
        %swap3A_165 = arith.constant 80 : index
        %swap3A_166 = tpu.vector_load %arg10[%swap3A_164, %swap3A_165] {strides = array<i32>} : memref<80x128xf32, #tpu.memory_space<vmem>>, vector<16xf32>,
        tpu.vector_store %arg10[%swap3A_164, %swap3A_165], %mul3A_163 {strides = array<i32>} : memref<80x128xf32, #tpu.memory_space<vmem>>, vector<16xf32>,
        %get3A_167 = arith.index_cast %scan3A_108 : i32 to index
        %get3A_168 = arith.constant 96 : index
        %get3A_169 = tpu.vector_load %arg10[%get3A_167, %get3A_168] {strides = array<i32>} : memref<80x128xf32, #tpu.memory_space<vmem>>, vector<16xf32>,
        %get3A_170 = arith.index_cast %scan3A_108 : i32 to index
        %get3A_171 = arith.constant 96 : index
        %get3A_172 = tpu.vector_load %arg11[%get3A_170, %get3A_171] {strides = array<i32>} : memref<80x128xf32, #tpu.memory_space<vmem>>, vector<16xf32>,
        %mul3A_173 = arith.mulf %get3A_169, %get3A_172 : vector<16xf32>
        %swap3A_174 = arith.index_cast %scan3A_108 : i32 to index
        %swap3A_175 = arith.constant 96 : index
        %swap3A_176 = tpu.vector_load %arg10[%swap3A_174, %swap3A_175] {strides = array<i32>} : memref<80x128xf32, #tpu.memory_space<vmem>>, vector<16xf32>,
        tpu.vector_store %arg10[%swap3A_174, %swap3A_175], %mul3A_173 {strides = array<i32>} : memref<80x128xf32, #tpu.memory_space<vmem>>, vector<16xf32>,
        %get3A_177 = arith.index_cast %scan3A_108 : i32 to index
        %get3A_178 = arith.constant 112 : index
        %get3A_179 = tpu.vector_load %arg10[%get3A_177, %get3A_178] {strides = array<i32>} : memref<80x128xf32, #tpu.memory_space<vmem>>, vector<16xf32>,
        %get3A_180 = arith.index_cast %scan3A_108 : i32 to index
        %get3A_181 = arith.constant 112 : index
        %get3A_182 = tpu.vector_load %arg11[%get3A_180, %get3A_181] {strides = array<i32>} : memref<80x128xf32, #tpu.memory_space<vmem>>, vector<16xf32>,
        %mul3A_183 = arith.mulf %get3A_179, %get3A_182 : vector<16xf32>
        %swap3A_184 = arith.index_cast %scan3A_108 : i32 to index
        %swap3A_185 = arith.constant 112 : index
        %swap3A_186 = tpu.vector_load %arg10[%swap3A_184, %swap3A_185] {strides = array<i32>} : memref<80x128xf32, #tpu.memory_space<vmem>>, vector<16xf32>,
        tpu.vector_store %arg10[%swap3A_184, %swap3A_185], %mul3A_183 {strides = array<i32>} : memref<80x128xf32, #tpu.memory_space<vmem>>, vector<16xf32>,
      }
      %scan3A_38 = arith.constant 80 : i32
      %run_scoped3A_39 = arith.constant 0 : i32
      "tpu.region"() ({
        %run_scoped3A_108 = tpu.sem_alloc : memref<!tpu.dma_semaphore, #tpu.memory_space<semaphore_mem>>
        %dma_start3A = arith.constant 0 : i32
        %dma_start3A_109 = tpu.memref_slice %arg9[%run_scoped3A_39, %dma_start3A] : memref<5x80xi32, #tpu.memory_space<vmem>> -> memref<1x80xi32, #tpu.memory_space<vmem>>
        %dma_start3A_110 = tpu.memref_squeeze %dma_start3A_109 : memref<1x80xi32, #tpu.memory_space<vmem>> -> memref<80xi32, #tpu.memory_space<vmem>>
        %dma_start3A_111 = arith.constant 0 : i32
        %dma_start3A_112 = arith.constant 0 : i32
        %dma_start3A_113 = tpu.memref_slice %arg12[%dma_start3A_111, %dma_start3A_112] : memref<10000x128xf32, #tpu.memory_space<vmem_shared>> -> memref<10000x128xf32, #tpu.memory_space<vmem_shared>>
        tpu.enqueue_indirect_dma source(%arg10 : memref<80x128xf32, #tpu.memory_space<vmem>>) target(%dma_start3A_113 : memref<10000x128xf32, #tpu.memory_space<vmem_shared>>) offsets(%dma_start3A_110 : memref<80xi32, #tpu.memory_space<vmem>>) semaphore(%run_scoped3A_108 : memref<!tpu.dma_semaphore, #tpu.memory_space<semaphore_mem>>) {add = true}
        %dma_wait3A = arith.constant 0 : i32
        %dma_wait3A_114 = tpu.memref_slice %arg9[%run_scoped3A_39, %dma_wait3A] : memref<5x80xi32, #tpu.memory_space<vmem>> -> memref<1x80xi32, #tpu.memory_space<vmem>>
        %dma_wait3A_115 = tpu.memref_squeeze %dma_wait3A_114 : memref<1x80xi32, #tpu.memory_space<vmem>> -> memref<80xi32, #tpu.memory_space<vmem>>
        %dma_wait3A_116 = arith.constant 0 : i32
        %dma_wait3A_117 = arith.constant 0 : i32
        %dma_wait3A_118 = tpu.memref_slice %arg12[%dma_wait3A_116, %dma_wait3A_117] : memref<10000x128xf32, #tpu.memory_space<vmem_shared>> -> memref<10000x128xf32, #tpu.memory_space<vmem_shared>>
        tpu.wait_indirect_dma semaphore(%run_scoped3A_108 : memref<!tpu.dma_semaphore, #tpu.memory_space<semaphore_mem>>) src(%arg10 : memref<80x128xf32, #tpu.memory_space<vmem>>) dst(%dma_wait3A_118 : memref<10000x128xf32, #tpu.memory_space<vmem_shared>>)
        tpu.yield
      }) : () -> ()
      %run_scoped3A_40 = arith.constant 1 : i32
      "tpu.region"() ({
        %run_scoped3A_108 = tpu.sem_alloc : memref<!tpu.dma_semaphore, #tpu.memory_space<semaphore_mem>>
        %dma_start3A = arith.constant 0 : i32
        %dma_start3A_109 = tpu.memref_slice %arg8[%run_scoped3A_40, %dma_start3A] : memref<5x80xi32, #tpu.memory_space<vmem>> -> memref<1x80xi32, #tpu.memory_space<vmem>>
        %dma_start3A_110 = tpu.memref_squeeze %dma_start3A_109 : memref<1x80xi32, #tpu.memory_space<vmem>> -> memref<80xi32, #tpu.memory_space<vmem>>
        %dma_start3A_111 = arith.constant 0 : i32
        %dma_start3A_112 = arith.constant 0 : i32
        %dma_start3A_113 = tpu.memref_slice %arg2[%dma_start3A_111, %dma_start3A_112] : memref<10000x128xf32, #tpu.memory_space<hbm>> -> memref<10000x128xf32, #tpu.memory_space<hbm>>
        tpu.enqueue_indirect_dma source(%dma_start3A_113 : memref<10000x128xf32, #tpu.memory_space<hbm>>) target(%arg10 : memref<80x128xf32, #tpu.memory_space<vmem>>) offsets(%dma_start3A_110 : memref<80xi32, #tpu.memory_space<vmem>>) semaphore(%run_scoped3A_108 : memref<!tpu.dma_semaphore, #tpu.memory_space<semaphore_mem>>)
        %dma_wait3A = arith.constant 0 : i32
        %dma_wait3A_114 = tpu.memref_slice %arg8[%run_scoped3A_40, %dma_wait3A] : memref<5x80xi32, #tpu.memory_space<vmem>> -> memref<1x80xi32, #tpu.memory_space<vmem>>
        %dma_wait3A_115 = tpu.memref_squeeze %dma_wait3A_114 : memref<1x80xi32, #tpu.memory_space<vmem>> -> memref<80xi32, #tpu.memory_space<vmem>>
        %dma_wait3A_116 = arith.constant 0 : i32
        %dma_wait3A_117 = arith.constant 0 : i32
        %dma_wait3A_118 = tpu.memref_slice %arg2[%dma_wait3A_116, %dma_wait3A_117] : memref<10000x128xf32, #tpu.memory_space<hbm>> -> memref<10000x128xf32, #tpu.memory_space<hbm>>
        tpu.wait_indirect_dma semaphore(%run_scoped3A_108 : memref<!tpu.dma_semaphore, #tpu.memory_space<semaphore_mem>>) src(%dma_wait3A_118 : memref<10000x128xf32, #tpu.memory_space<hbm>>) dst(%arg10 : memref<80x128xf32, #tpu.memory_space<vmem>>)
        tpu.yield
      }) : () -> ()
      %mul3A_41 = arith.constant 10000 : i32
      %mul3A_42 = arith.muli %add3A, %mul3A_41 : i32
      %mul3A_43 = arith.constant 5 : i32
      %mul3A_44 = arith.muli %scan3A_23, %mul3A_43 : i32
      %add3A_45 = arith.constant 1 : i32
      %add3A_46 = arith.addi %mul3A_44, %add3A_45 : i32
      %mul3A_47 = arith.constant 80 : i32
      %mul3A_48 = arith.muli %add3A_46, %mul3A_47 : i32
      %add3A_49 = arith.addi %mul3A_42, %mul3A_48 : i32
      "tpu.region"() ({
        %run_scoped3A_108 = tpu.sem_alloc : memref<!tpu.dma_semaphore, #tpu.memory_space<semaphore_mem>>
        %dma_start3A = arith.constant 0 : i32
        %dma_start3A_109 = tpu.memref_slice %arg3[%add3A_49, %dma_start3A] : memref<320000x128xf32, #tpu.memory_space<hbm>> -> memref<80x128xf32, #tpu.memory_space<hbm>>
        %dma_start3A_110 = arith.constant 0 : i32
        %dma_start3A_111 = tpu.memref_slice %arg3[%add3A_49, %dma_start3A_110] : memref<320000x128xf32, #tpu.memory_space<hbm>> -> memref<80x128xf32, #tpu.memory_space<hbm>>
        tpu.enqueue_dma source(%dma_start3A_111 : memref<80x128xf32, #tpu.memory_space<hbm>>) target(%arg11 : memref<80x128xf32, #tpu.memory_space<vmem>>) target_semaphore(%run_scoped3A_108 : memref<!tpu.dma_semaphore, #tpu.memory_space<semaphore_mem>>)
        %dma_wait3A = arith.constant 0 : i32
        %dma_wait3A_112 = tpu.memref_slice %arg3[%add3A_49, %dma_wait3A] : memref<320000x128xf32, #tpu.memory_space<hbm>> -> memref<80x128xf32, #tpu.memory_space<hbm>>
        %dma_wait3A_113 = arith.constant 0 : i32
        %dma_wait3A_114 = tpu.memref_slice %arg3[%add3A_49, %dma_wait3A_113] : memref<320000x128xf32, #tpu.memory_space<hbm>> -> memref<80x128xf32, #tpu.memory_space<hbm>>
        tpu.wait_dma2 semaphore(%run_scoped3A_108 : memref<!tpu.dma_semaphore, #tpu.memory_space<semaphore_mem>>) src(%dma_wait3A_114 : memref<80x128xf32, #tpu.memory_space<hbm>>) dst(%arg11 : memref<80x128xf32, #tpu.memory_space<vmem>>)
        tpu.yield
      }) : () -> ()
      %scan3A_50 = arith.constant 0 : i32
      %scan3A_51 = arith.constant 0 : i32
      %scan3A_52 = arith.constant 80 : i32
      %scan3A_53 = arith.addi %scan3A_51, %scan3A_52 : i32
      %scan3A_54 = arith.constant 1 : i32
      scf.for %scan3A_108 = %scan3A_51 to %scan3A_53 step %scan3A_54  : i32 {
        %get3A = arith.index_cast %scan3A_108 : i32 to index
        %get3A_109 = arith.constant 0 : index
        %get3A_110 = tpu.vector_load %arg10[%get3A, %get3A_109] {strides = array<i32>} : memref<80x128xf32, #tpu.memory_space<vmem>>, vector<16xf32>,
        %get3A_111 = arith.index_cast %scan3A_108 : i32 to index
        %get3A_112 = arith.constant 0 : index
        %get3A_113 = tpu.vector_load %arg11[%get3A_111, %get3A_112] {strides = array<i32>} : memref<80x128xf32, #tpu.memory_space<vmem>>, vector<16xf32>,
        %mul3A_114 = arith.mulf %get3A_110, %get3A_113 : vector<16xf32>
        %swap3A = arith.index_cast %scan3A_108 : i32 to index
        %swap3A_115 = arith.constant 0 : index
        %swap3A_116 = tpu.vector_load %arg10[%swap3A, %swap3A_115] {strides = array<i32>} : memref<80x128xf32, #tpu.memory_space<vmem>>, vector<16xf32>,
        tpu.vector_store %arg10[%swap3A, %swap3A_115], %mul3A_114 {strides = array<i32>} : memref<80x128xf32, #tpu.memory_space<vmem>>, vector<16xf32>,
        %get3A_117 = arith.index_cast %scan3A_108 : i32 to index
        %get3A_118 = arith.constant 16 : index
        %get3A_119 = tpu.vector_load %arg10[%get3A_117, %get3A_118] {strides = array<i32>} : memref<80x128xf32, #tpu.memory_space<vmem>>, vector<16xf32>,
        %get3A_120 = arith.index_cast %scan3A_108 : i32 to index
        %get3A_121 = arith.constant 16 : index
        %get3A_122 = tpu.vector_load %arg11[%get3A_120, %get3A_121] {strides = array<i32>} : memref<80x128xf32, #tpu.memory_space<vmem>>, vector<16xf32>,
        %mul3A_123 = arith.mulf %get3A_119, %get3A_122 : vector<16xf32>
        %swap3A_124 = arith.index_cast %scan3A_108 : i32 to index
        %swap3A_125 = arith.constant 16 : index
        %swap3A_126 = tpu.vector_load %arg10[%swap3A_124, %swap3A_125] {strides = array<i32>} : memref<80x128xf32, #tpu.memory_space<vmem>>, vector<16xf32>,
        tpu.vector_store %arg10[%swap3A_124, %swap3A_125], %mul3A_123 {strides = array<i32>} : memref<80x128xf32, #tpu.memory_space<vmem>>, vector<16xf32>,
        %get3A_127 = arith.index_cast %scan3A_108 : i32 to index
        %get3A_128 = arith.constant 32 : index
        %get3A_129 = tpu.vector_load %arg10[%get3A_127, %get3A_128] {strides = array<i32>} : memref<80x128xf32, #tpu.memory_space<vmem>>, vector<16xf32>,
        %get3A_130 = arith.index_cast %scan3A_108 : i32 to index
        %get3A_131 = arith.constant 32 : index
        %get3A_132 = tpu.vector_load %arg11[%get3A_130, %get3A_131] {strides = array<i32>} : memref<80x128xf32, #tpu.memory_space<vmem>>, vector<16xf32>,
        %mul3A_133 = arith.mulf %get3A_129, %get3A_132 : vector<16xf32>
        %swap3A_134 = arith.index_cast %scan3A_108 : i32 to index
        %swap3A_135 = arith.constant 32 : index
        %swap3A_136 = tpu.vector_load %arg10[%swap3A_134, %swap3A_135] {strides = array<i32>} : memref<80x128xf32, #tpu.memory_space<vmem>>, vector<16xf32>,
        tpu.vector_store %arg10[%swap3A_134, %swap3A_135], %mul3A_133 {strides = array<i32>} : memref<80x128xf32, #tpu.memory_space<vmem>>, vector<16xf32>,
        %get3A_137 = arith.index_cast %scan3A_108 : i32 to index
        %get3A_138 = arith.constant 48 : index
        %get3A_139 = tpu.vector_load %arg10[%get3A_137, %get3A_138] {strides = array<i32>} : memref<80x128xf32, #tpu.memory_space<vmem>>, vector<16xf32>,
        %get3A_140 = arith.index_cast %scan3A_108 : i32 to index
        %get3A_141 = arith.constant 48 : index
        %get3A_142 = tpu.vector_load %arg11[%get3A_140, %get3A_141] {strides = array<i32>} : memref<80x128xf32, #tpu.memory_space<vmem>>, vector<16xf32>,
        %mul3A_143 = arith.mulf %get3A_139, %get3A_142 : vector<16xf32>
        %swap3A_144 = arith.index_cast %scan3A_108 : i32 to index
        %swap3A_145 = arith.constant 48 : index
        %swap3A_146 = tpu.vector_load %arg10[%swap3A_144, %swap3A_145] {strides = array<i32>} : memref<80x128xf32, #tpu.memory_space<vmem>>, vector<16xf32>,
        tpu.vector_store %arg10[%swap3A_144, %swap3A_145], %mul3A_143 {strides = array<i32>} : memref<80x128xf32, #tpu.memory_space<vmem>>, vector<16xf32>,
        %get3A_147 = arith.index_cast %scan3A_108 : i32 to index
        %get3A_148 = arith.constant 64 : index
        %get3A_149 = tpu.vector_load %arg10[%get3A_147, %get3A_148] {strides = array<i32>} : memref<80x128xf32, #tpu.memory_space<vmem>>, vector<16xf32>,
        %get3A_150 = arith.index_cast %scan3A_108 : i32 to index
        %get3A_151 = arith.constant 64 : index
        %get3A_152 = tpu.vector_load %arg11[%get3A_150, %get3A_151] {strides = array<i32>} : memref<80x128xf32, #tpu.memory_space<vmem>>, vector<16xf32>,
        %mul3A_153 = arith.mulf %get3A_149, %get3A_152 : vector<16xf32>
        %swap3A_154 = arith.index_cast %scan3A_108 : i32 to index
        %swap3A_155 = arith.constant 64 : index
        %swap3A_156 = tpu.vector_load %arg10[%swap3A_154, %swap3A_155] {strides = array<i32>} : memref<80x128xf32, #tpu.memory_space<vmem>>, vector<16xf32>,
        tpu.vector_store %arg10[%swap3A_154, %swap3A_155], %mul3A_153 {strides = array<i32>} : memref<80x128xf32, #tpu.memory_space<vmem>>, vector<16xf32>,
        %get3A_157 = arith.index_cast %scan3A_108 : i32 to index
        %get3A_158 = arith.constant 80 : index
        %get3A_159 = tpu.vector_load %arg10[%get3A_157, %get3A_158] {strides = array<i32>} : memref<80x128xf32, #tpu.memory_space<vmem>>, vector<16xf32>,
        %get3A_160 = arith.index_cast %scan3A_108 : i32 to index
        %get3A_161 = arith.constant 80 : index
        %get3A_162 = tpu.vector_load %arg11[%get3A_160, %get3A_161] {strides = array<i32>} : memref<80x128xf32, #tpu.memory_space<vmem>>, vector<16xf32>,
        %mul3A_163 = arith.mulf %get3A_159, %get3A_162 : vector<16xf32>
        %swap3A_164 = arith.index_cast %scan3A_108 : i32 to index
        %swap3A_165 = arith.constant 80 : index
        %swap3A_166 = tpu.vector_load %arg10[%swap3A_164, %swap3A_165] {strides = array<i32>} : memref<80x128xf32, #tpu.memory_space<vmem>>, vector<16xf32>,
        tpu.vector_store %arg10[%swap3A_164, %swap3A_165], %mul3A_163 {strides = array<i32>} : memref<80x128xf32, #tpu.memory_space<vmem>>, vector<16xf32>,
        %get3A_167 = arith.index_cast %scan3A_108 : i32 to index
        %get3A_168 = arith.constant 96 : index
        %get3A_169 = tpu.vector_load %arg10[%get3A_167, %get3A_168] {strides = array<i32>} : memref<80x128xf32, #tpu.memory_space<vmem>>, vector<16xf32>,
        %get3A_170 = arith.index_cast %scan3A_108 : i32 to index
        %get3A_171 = arith.constant 96 : index
        %get3A_172 = tpu.vector_load %arg11[%get3A_170, %get3A_171] {strides = array<i32>} : memref<80x128xf32, #tpu.memory_space<vmem>>, vector<16xf32>,
        %mul3A_173 = arith.mulf %get3A_169, %get3A_172 : vector<16xf32>
        %swap3A_174 = arith.index_cast %scan3A_108 : i32 to index
        %swap3A_175 = arith.constant 96 : index
        %swap3A_176 = tpu.vector_load %arg10[%swap3A_174, %swap3A_175] {strides = array<i32>} : memref<80x128xf32, #tpu.memory_space<vmem>>, vector<16xf32>,
        tpu.vector_store %arg10[%swap3A_174, %swap3A_175], %mul3A_173 {strides = array<i32>} : memref<80x128xf32, #tpu.memory_space<vmem>>, vector<16xf32>,
        %get3A_177 = arith.index_cast %scan3A_108 : i32 to index
        %get3A_178 = arith.constant 112 : index
        %get3A_179 = tpu.vector_load %arg10[%get3A_177, %get3A_178] {strides = array<i32>} : memref<80x128xf32, #tpu.memory_space<vmem>>, vector<16xf32>,
        %get3A_180 = arith.index_cast %scan3A_108 : i32 to index
        %get3A_181 = arith.constant 112 : index
        %get3A_182 = tpu.vector_load %arg11[%get3A_180, %get3A_181] {strides = array<i32>} : memref<80x128xf32, #tpu.memory_space<vmem>>, vector<16xf32>,
        %mul3A_183 = arith.mulf %get3A_179, %get3A_182 : vector<16xf32>
        %swap3A_184 = arith.index_cast %scan3A_108 : i32 to index
        %swap3A_185 = arith.constant 112 : index
        %swap3A_186 = tpu.vector_load %arg10[%swap3A_184, %swap3A_185] {strides = array<i32>} : memref<80x128xf32, #tpu.memory_space<vmem>>, vector<16xf32>,
        tpu.vector_store %arg10[%swap3A_184, %swap3A_185], %mul3A_183 {strides = array<i32>} : memref<80x128xf32, #tpu.memory_space<vmem>>, vector<16xf32>,
      }
      %scan3A_55 = arith.constant 80 : i32
      %run_scoped3A_56 = arith.constant 1 : i32
      "tpu.region"() ({
        %run_scoped3A_108 = tpu.sem_alloc : memref<!tpu.dma_semaphore, #tpu.memory_space<semaphore_mem>>
        %dma_start3A = arith.constant 0 : i32
        %dma_start3A_109 = tpu.memref_slice %arg9[%run_scoped3A_56, %dma_start3A] : memref<5x80xi32, #tpu.memory_space<vmem>> -> memref<1x80xi32, #tpu.memory_space<vmem>>
        %dma_start3A_110 = tpu.memref_squeeze %dma_start3A_109 : memref<1x80xi32, #tpu.memory_space<vmem>> -> memref<80xi32, #tpu.memory_space<vmem>>
        %dma_start3A_111 = arith.constant 0 : i32
        %dma_start3A_112 = arith.constant 0 : i32
        %dma_start3A_113 = tpu.memref_slice %arg12[%dma_start3A_111, %dma_start3A_112] : memref<10000x128xf32, #tpu.memory_space<vmem_shared>> -> memref<10000x128xf32, #tpu.memory_space<vmem_shared>>
        tpu.enqueue_indirect_dma source(%arg10 : memref<80x128xf32, #tpu.memory_space<vmem>>) target(%dma_start3A_113 : memref<10000x128xf32, #tpu.memory_space<vmem_shared>>) offsets(%dma_start3A_110 : memref<80xi32, #tpu.memory_space<vmem>>) semaphore(%run_scoped3A_108 : memref<!tpu.dma_semaphore, #tpu.memory_space<semaphore_mem>>) {add = true}
        %dma_wait3A = arith.constant 0 : i32
        %dma_wait3A_114 = tpu.memref_slice %arg9[%run_scoped3A_56, %dma_wait3A] : memref<5x80xi32, #tpu.memory_space<vmem>> -> memref<1x80xi32, #tpu.memory_space<vmem>>
        %dma_wait3A_115 = tpu.memref_squeeze %dma_wait3A_114 : memref<1x80xi32, #tpu.memory_space<vmem>> -> memref<80xi32, #tpu.memory_space<vmem>>
        %dma_wait3A_116 = arith.constant 0 : i32
        %dma_wait3A_117 = arith.constant 0 : i32
        %dma_wait3A_118 = tpu.memref_slice %arg12[%dma_wait3A_116, %dma_wait3A_117] : memref<10000x128xf32, #tpu.memory_space<vmem_shared>> -> memref<10000x128xf32, #tpu.memory_space<vmem_shared>>
        tpu.wait_indirect_dma semaphore(%run_scoped3A_108 : memref<!tpu.dma_semaphore, #tpu.memory_space<semaphore_mem>>) src(%arg10 : memref<80x128xf32, #tpu.memory_space<vmem>>) dst(%dma_wait3A_118 : memref<10000x128xf32, #tpu.memory_space<vmem_shared>>)
        tpu.yield
      }) : () -> ()
      %run_scoped3A_57 = arith.constant 2 : i32
      "tpu.region"() ({
        %run_scoped3A_108 = tpu.sem_alloc : memref<!tpu.dma_semaphore, #tpu.memory_space<semaphore_mem>>
        %dma_start3A = arith.constant 0 : i32
        %dma_start3A_109 = tpu.memref_slice %arg8[%run_scoped3A_57, %dma_start3A] : memref<5x80xi32, #tpu.memory_space<vmem>> -> memref<1x80xi32, #tpu.memory_space<vmem>>
        %dma_start3A_110 = tpu.memref_squeeze %dma_start3A_109 : memref<1x80xi32, #tpu.memory_space<vmem>> -> memref<80xi32, #tpu.memory_space<vmem>>
        %dma_start3A_111 = arith.constant 0 : i32
        %dma_start3A_112 = arith.constant 0 : i32
        %dma_start3A_113 = tpu.memref_slice %arg2[%dma_start3A_111, %dma_start3A_112] : memref<10000x128xf32, #tpu.memory_space<hbm>> -> memref<10000x128xf32, #tpu.memory_space<hbm>>
        tpu.enqueue_indirect_dma source(%dma_start3A_113 : memref<10000x128xf32, #tpu.memory_space<hbm>>) target(%arg10 : memref<80x128xf32, #tpu.memory_space<vmem>>) offsets(%dma_start3A_110 : memref<80xi32, #tpu.memory_space<vmem>>) semaphore(%run_scoped3A_108 : memref<!tpu.dma_semaphore, #tpu.memory_space<semaphore_mem>>)
        %dma_wait3A = arith.constant 0 : i32
        %dma_wait3A_114 = tpu.memref_slice %arg8[%run_scoped3A_57, %dma_wait3A] : memref<5x80xi32, #tpu.memory_space<vmem>> -> memref<1x80xi32, #tpu.memory_space<vmem>>
        %dma_wait3A_115 = tpu.memref_squeeze %dma_wait3A_114 : memref<1x80xi32, #tpu.memory_space<vmem>> -> memref<80xi32, #tpu.memory_space<vmem>>
        %dma_wait3A_116 = arith.constant 0 : i32
        %dma_wait3A_117 = arith.constant 0 : i32
        %dma_wait3A_118 = tpu.memref_slice %arg2[%dma_wait3A_116, %dma_wait3A_117] : memref<10000x128xf32, #tpu.memory_space<hbm>> -> memref<10000x128xf32, #tpu.memory_space<hbm>>
        tpu.wait_indirect_dma semaphore(%run_scoped3A_108 : memref<!tpu.dma_semaphore, #tpu.memory_space<semaphore_mem>>) src(%dma_wait3A_118 : memref<10000x128xf32, #tpu.memory_space<hbm>>) dst(%arg10 : memref<80x128xf32, #tpu.memory_space<vmem>>)
        tpu.yield
      }) : () -> ()
      %mul3A_58 = arith.constant 10000 : i32
      %mul3A_59 = arith.muli %add3A, %mul3A_58 : i32
      %mul3A_60 = arith.constant 5 : i32
      %mul3A_61 = arith.muli %scan3A_23, %mul3A_60 : i32
      %add3A_62 = arith.constant 2 : i32
      %add3A_63 = arith.addi %mul3A_61, %add3A_62 : i32
      %mul3A_64 = arith.constant 80 : i32
      %mul3A_65 = arith.muli %add3A_63, %mul3A_64 : i32
      %add3A_66 = arith.addi %mul3A_59, %mul3A_65 : i32
      "tpu.region"() ({
        %run_scoped3A_108 = tpu.sem_alloc : memref<!tpu.dma_semaphore, #tpu.memory_space<semaphore_mem>>
        %dma_start3A = arith.constant 0 : i32
        %dma_start3A_109 = tpu.memref_slice %arg3[%add3A_66, %dma_start3A] : memref<320000x128xf32, #tpu.memory_space<hbm>> -> memref<80x128xf32, #tpu.memory_space<hbm>>
        %dma_start3A_110 = arith.constant 0 : i32
        %dma_start3A_111 = tpu.memref_slice %arg3[%add3A_66, %dma_start3A_110] : memref<320000x128xf32, #tpu.memory_space<hbm>> -> memref<80x128xf32, #tpu.memory_space<hbm>>
        tpu.enqueue_dma source(%dma_start3A_111 : memref<80x128xf32, #tpu.memory_space<hbm>>) target(%arg11 : memref<80x128xf32, #tpu.memory_space<vmem>>) target_semaphore(%run_scoped3A_108 : memref<!tpu.dma_semaphore, #tpu.memory_space<semaphore_mem>>)
        %dma_wait3A = arith.constant 0 : i32
        %dma_wait3A_112 = tpu.memref_slice %arg3[%add3A_66, %dma_wait3A] : memref<320000x128xf32, #tpu.memory_space<hbm>> -> memref<80x128xf32, #tpu.memory_space<hbm>>
        %dma_wait3A_113 = arith.constant 0 : i32
        %dma_wait3A_114 = tpu.memref_slice %arg3[%add3A_66, %dma_wait3A_113] : memref<320000x128xf32, #tpu.memory_space<hbm>> -> memref<80x128xf32, #tpu.memory_space<hbm>>
        tpu.wait_dma2 semaphore(%run_scoped3A_108 : memref<!tpu.dma_semaphore, #tpu.memory_space<semaphore_mem>>) src(%dma_wait3A_114 : memref<80x128xf32, #tpu.memory_space<hbm>>) dst(%arg11 : memref<80x128xf32, #tpu.memory_space<vmem>>)
        tpu.yield
      }) : () -> ()
      %scan3A_67 = arith.constant 0 : i32
      %scan3A_68 = arith.constant 0 : i32
      %scan3A_69 = arith.constant 80 : i32
      %scan3A_70 = arith.addi %scan3A_68, %scan3A_69 : i32
      %scan3A_71 = arith.constant 1 : i32
      scf.for %scan3A_108 = %scan3A_68 to %scan3A_70 step %scan3A_71  : i32 {
        %get3A = arith.index_cast %scan3A_108 : i32 to index
        %get3A_109 = arith.constant 0 : index
        %get3A_110 = tpu.vector_load %arg10[%get3A, %get3A_109] {strides = array<i32>} : memref<80x128xf32, #tpu.memory_space<vmem>>, vector<16xf32>,
        %get3A_111 = arith.index_cast %scan3A_108 : i32 to index
        %get3A_112 = arith.constant 0 : index
        %get3A_113 = tpu.vector_load %arg11[%get3A_111, %get3A_112] {strides = array<i32>} : memref<80x128xf32, #tpu.memory_space<vmem>>, vector<16xf32>,
        %mul3A_114 = arith.mulf %get3A_110, %get3A_113 : vector<16xf32>
        %swap3A = arith.index_cast %scan3A_108 : i32 to index
        %swap3A_115 = arith.constant 0 : index
        %swap3A_116 = tpu.vector_load %arg10[%swap3A, %swap3A_115] {strides = array<i32>} : memref<80x128xf32, #tpu.memory_space<vmem>>, vector<16xf32>,
        tpu.vector_store %arg10[%swap3A, %swap3A_115], %mul3A_114 {strides = array<i32>} : memref<80x128xf32, #tpu.memory_space<vmem>>, vector<16xf32>,
        %get3A_117 = arith.index_cast %scan3A_108 : i32 to index
        %get3A_118 = arith.constant 16 : index
        %get3A_119 = tpu.vector_load %arg10[%get3A_117, %get3A_118] {strides = array<i32>} : memref<80x128xf32, #tpu.memory_space<vmem>>, vector<16xf32>,
        %get3A_120 = arith.index_cast %scan3A_108 : i32 to index
        %get3A_121 = arith.constant 16 : index
        %get3A_122 = tpu.vector_load %arg11[%get3A_120, %get3A_121] {strides = array<i32>} : memref<80x128xf32, #tpu.memory_space<vmem>>, vector<16xf32>,
        %mul3A_123 = arith.mulf %get3A_119, %get3A_122 : vector<16xf32>
        %swap3A_124 = arith.index_cast %scan3A_108 : i32 to index
        %swap3A_125 = arith.constant 16 : index
        %swap3A_126 = tpu.vector_load %arg10[%swap3A_124, %swap3A_125] {strides = array<i32>} : memref<80x128xf32, #tpu.memory_space<vmem>>, vector<16xf32>,
        tpu.vector_store %arg10[%swap3A_124, %swap3A_125], %mul3A_123 {strides = array<i32>} : memref<80x128xf32, #tpu.memory_space<vmem>>, vector<16xf32>,
        %get3A_127 = arith.index_cast %scan3A_108 : i32 to index
        %get3A_128 = arith.constant 32 : index
        %get3A_129 = tpu.vector_load %arg10[%get3A_127, %get3A_128] {strides = array<i32>} : memref<80x128xf32, #tpu.memory_space<vmem>>, vector<16xf32>,
        %get3A_130 = arith.index_cast %scan3A_108 : i32 to index
        %get3A_131 = arith.constant 32 : index
        %get3A_132 = tpu.vector_load %arg11[%get3A_130, %get3A_131] {strides = array<i32>} : memref<80x128xf32, #tpu.memory_space<vmem>>, vector<16xf32>,
        %mul3A_133 = arith.mulf %get3A_129, %get3A_132 : vector<16xf32>
        %swap3A_134 = arith.index_cast %scan3A_108 : i32 to index
        %swap3A_135 = arith.constant 32 : index
        %swap3A_136 = tpu.vector_load %arg10[%swap3A_134, %swap3A_135] {strides = array<i32>} : memref<80x128xf32, #tpu.memory_space<vmem>>, vector<16xf32>,
        tpu.vector_store %arg10[%swap3A_134, %swap3A_135], %mul3A_133 {strides = array<i32>} : memref<80x128xf32, #tpu.memory_space<vmem>>, vector<16xf32>,
        %get3A_137 = arith.index_cast %scan3A_108 : i32 to index
        %get3A_138 = arith.constant 48 : index
        %get3A_139 = tpu.vector_load %arg10[%get3A_137, %get3A_138] {strides = array<i32>} : memref<80x128xf32, #tpu.memory_space<vmem>>, vector<16xf32>,
        %get3A_140 = arith.index_cast %scan3A_108 : i32 to index
        %get3A_141 = arith.constant 48 : index
        %get3A_142 = tpu.vector_load %arg11[%get3A_140, %get3A_141] {strides = array<i32>} : memref<80x128xf32, #tpu.memory_space<vmem>>, vector<16xf32>,
        %mul3A_143 = arith.mulf %get3A_139, %get3A_142 : vector<16xf32>
        %swap3A_144 = arith.index_cast %scan3A_108 : i32 to index
        %swap3A_145 = arith.constant 48 : index
        %swap3A_146 = tpu.vector_load %arg10[%swap3A_144, %swap3A_145] {strides = array<i32>} : memref<80x128xf32, #tpu.memory_space<vmem>>, vector<16xf32>,
        tpu.vector_store %arg10[%swap3A_144, %swap3A_145], %mul3A_143 {strides = array<i32>} : memref<80x128xf32, #tpu.memory_space<vmem>>, vector<16xf32>,
        %get3A_147 = arith.index_cast %scan3A_108 : i32 to index
        %get3A_148 = arith.constant 64 : index
        %get3A_149 = tpu.vector_load %arg10[%get3A_147, %get3A_148] {strides = array<i32>} : memref<80x128xf32, #tpu.memory_space<vmem>>, vector<16xf32>,
        %get3A_150 = arith.index_cast %scan3A_108 : i32 to index
        %get3A_151 = arith.constant 64 : index
        %get3A_152 = tpu.vector_load %arg11[%get3A_150, %get3A_151] {strides = array<i32>} : memref<80x128xf32, #tpu.memory_space<vmem>>, vector<16xf32>,
        %mul3A_153 = arith.mulf %get3A_149, %get3A_152 : vector<16xf32>
        %swap3A_154 = arith.index_cast %scan3A_108 : i32 to index
        %swap3A_155 = arith.constant 64 : index
        %swap3A_156 = tpu.vector_load %arg10[%swap3A_154, %swap3A_155] {strides = array<i32>} : memref<80x128xf32, #tpu.memory_space<vmem>>, vector<16xf32>,
        tpu.vector_store %arg10[%swap3A_154, %swap3A_155], %mul3A_153 {strides = array<i32>} : memref<80x128xf32, #tpu.memory_space<vmem>>, vector<16xf32>,
        %get3A_157 = arith.index_cast %scan3A_108 : i32 to index
        %get3A_158 = arith.constant 80 : index
        %get3A_159 = tpu.vector_load %arg10[%get3A_157, %get3A_158] {strides = array<i32>} : memref<80x128xf32, #tpu.memory_space<vmem>>, vector<16xf32>,
        %get3A_160 = arith.index_cast %scan3A_108 : i32 to index
        %get3A_161 = arith.constant 80 : index
        %get3A_162 = tpu.vector_load %arg11[%get3A_160, %get3A_161] {strides = array<i32>} : memref<80x128xf32, #tpu.memory_space<vmem>>, vector<16xf32>,
        %mul3A_163 = arith.mulf %get3A_159, %get3A_162 : vector<16xf32>
        %swap3A_164 = arith.index_cast %scan3A_108 : i32 to index
        %swap3A_165 = arith.constant 80 : index
        %swap3A_166 = tpu.vector_load %arg10[%swap3A_164, %swap3A_165] {strides = array<i32>} : memref<80x128xf32, #tpu.memory_space<vmem>>, vector<16xf32>,
        tpu.vector_store %arg10[%swap3A_164, %swap3A_165], %mul3A_163 {strides = array<i32>} : memref<80x128xf32, #tpu.memory_space<vmem>>, vector<16xf32>,
        %get3A_167 = arith.index_cast %scan3A_108 : i32 to index
        %get3A_168 = arith.constant 96 : index
        %get3A_169 = tpu.vector_load %arg10[%get3A_167, %get3A_168] {strides = array<i32>} : memref<80x128xf32, #tpu.memory_space<vmem>>, vector<16xf32>,
        %get3A_170 = arith.index_cast %scan3A_108 : i32 to index
        %get3A_171 = arith.constant 96 : index
        %get3A_172 = tpu.vector_load %arg11[%get3A_170, %get3A_171] {strides = array<i32>} : memref<80x128xf32, #tpu.memory_space<vmem>>, vector<16xf32>,
        %mul3A_173 = arith.mulf %get3A_169, %get3A_172 : vector<16xf32>
        %swap3A_174 = arith.index_cast %scan3A_108 : i32 to index
        %swap3A_175 = arith.constant 96 : index
        %swap3A_176 = tpu.vector_load %arg10[%swap3A_174, %swap3A_175] {strides = array<i32>} : memref<80x128xf32, #tpu.memory_space<vmem>>, vector<16xf32>,
        tpu.vector_store %arg10[%swap3A_174, %swap3A_175], %mul3A_173 {strides = array<i32>} : memref<80x128xf32, #tpu.memory_space<vmem>>, vector<16xf32>,
        %get3A_177 = arith.index_cast %scan3A_108 : i32 to index
        %get3A_178 = arith.constant 112 : index
        %get3A_179 = tpu.vector_load %arg10[%get3A_177, %get3A_178] {strides = array<i32>} : memref<80x128xf32, #tpu.memory_space<vmem>>, vector<16xf32>,
        %get3A_180 = arith.index_cast %scan3A_108 : i32 to index
        %get3A_181 = arith.constant 112 : index
        %get3A_182 = tpu.vector_load %arg11[%get3A_180, %get3A_181] {strides = array<i32>} : memref<80x128xf32, #tpu.memory_space<vmem>>, vector<16xf32>,
        %mul3A_183 = arith.mulf %get3A_179, %get3A_182 : vector<16xf32>
        %swap3A_184 = arith.index_cast %scan3A_108 : i32 to index
        %swap3A_185 = arith.constant 112 : index
        %swap3A_186 = tpu.vector_load %arg10[%swap3A_184, %swap3A_185] {strides = array<i32>} : memref<80x128xf32, #tpu.memory_space<vmem>>, vector<16xf32>,
        tpu.vector_store %arg10[%swap3A_184, %swap3A_185], %mul3A_183 {strides = array<i32>} : memref<80x128xf32, #tpu.memory_space<vmem>>, vector<16xf32>,
      }
      %scan3A_72 = arith.constant 80 : i32
      %run_scoped3A_73 = arith.constant 2 : i32
      "tpu.region"() ({
        %run_scoped3A_108 = tpu.sem_alloc : memref<!tpu.dma_semaphore, #tpu.memory_space<semaphore_mem>>
        %dma_start3A = arith.constant 0 : i32
        %dma_start3A_109 = tpu.memref_slice %arg9[%run_scoped3A_73, %dma_start3A] : memref<5x80xi32, #tpu.memory_space<vmem>> -> memref<1x80xi32, #tpu.memory_space<vmem>>
        %dma_start3A_110 = tpu.memref_squeeze %dma_start3A_109 : memref<1x80xi32, #tpu.memory_space<vmem>> -> memref<80xi32, #tpu.memory_space<vmem>>
        %dma_start3A_111 = arith.constant 0 : i32
        %dma_start3A_112 = arith.constant 0 : i32
        %dma_start3A_113 = tpu.memref_slice %arg12[%dma_start3A_111, %dma_start3A_112] : memref<10000x128xf32, #tpu.memory_space<vmem_shared>> -> memref<10000x128xf32, #tpu.memory_space<vmem_shared>>
        tpu.enqueue_indirect_dma source(%arg10 : memref<80x128xf32, #tpu.memory_space<vmem>>) target(%dma_start3A_113 : memref<10000x128xf32, #tpu.memory_space<vmem_shared>>) offsets(%dma_start3A_110 : memref<80xi32, #tpu.memory_space<vmem>>) semaphore(%run_scoped3A_108 : memref<!tpu.dma_semaphore, #tpu.memory_space<semaphore_mem>>) {add = true}
        %dma_wait3A = arith.constant 0 : i32
        %dma_wait3A_114 = tpu.memref_slice %arg9[%run_scoped3A_73, %dma_wait3A] : memref<5x80xi32, #tpu.memory_space<vmem>> -> memref<1x80xi32, #tpu.memory_space<vmem>>
        %dma_wait3A_115 = tpu.memref_squeeze %dma_wait3A_114 : memref<1x80xi32, #tpu.memory_space<vmem>> -> memref<80xi32, #tpu.memory_space<vmem>>
        %dma_wait3A_116 = arith.constant 0 : i32
        %dma_wait3A_117 = arith.constant 0 : i32
        %dma_wait3A_118 = tpu.memref_slice %arg12[%dma_wait3A_116, %dma_wait3A_117] : memref<10000x128xf32, #tpu.memory_space<vmem_shared>> -> memref<10000x128xf32, #tpu.memory_space<vmem_shared>>
        tpu.wait_indirect_dma semaphore(%run_scoped3A_108 : memref<!tpu.dma_semaphore, #tpu.memory_space<semaphore_mem>>) src(%arg10 : memref<80x128xf32, #tpu.memory_space<vmem>>) dst(%dma_wait3A_118 : memref<10000x128xf32, #tpu.memory_space<vmem_shared>>)
        tpu.yield
      }) : () -> ()
      %run_scoped3A_74 = arith.constant 3 : i32
      "tpu.region"() ({
        %run_scoped3A_108 = tpu.sem_alloc : memref<!tpu.dma_semaphore, #tpu.memory_space<semaphore_mem>>
        %dma_start3A = arith.constant 0 : i32
        %dma_start3A_109 = tpu.memref_slice %arg8[%run_scoped3A_74, %dma_start3A] : memref<5x80xi32, #tpu.memory_space<vmem>> -> memref<1x80xi32, #tpu.memory_space<vmem>>
        %dma_start3A_110 = tpu.memref_squeeze %dma_start3A_109 : memref<1x80xi32, #tpu.memory_space<vmem>> -> memref<80xi32, #tpu.memory_space<vmem>>
        %dma_start3A_111 = arith.constant 0 : i32
        %dma_start3A_112 = arith.constant 0 : i32
        %dma_start3A_113 = tpu.memref_slice %arg2[%dma_start3A_111, %dma_start3A_112] : memref<10000x128xf32, #tpu.memory_space<hbm>> -> memref<10000x128xf32, #tpu.memory_space<hbm>>
        tpu.enqueue_indirect_dma source(%dma_start3A_113 : memref<10000x128xf32, #tpu.memory_space<hbm>>) target(%arg10 : memref<80x128xf32, #tpu.memory_space<vmem>>) offsets(%dma_start3A_110 : memref<80xi32, #tpu.memory_space<vmem>>) semaphore(%run_scoped3A_108 : memref<!tpu.dma_semaphore, #tpu.memory_space<semaphore_mem>>)
        %dma_wait3A = arith.constant 0 : i32
        %dma_wait3A_114 = tpu.memref_slice %arg8[%run_scoped3A_74, %dma_wait3A] : memref<5x80xi32, #tpu.memory_space<vmem>> -> memref<1x80xi32, #tpu.memory_space<vmem>>
        %dma_wait3A_115 = tpu.memref_squeeze %dma_wait3A_114 : memref<1x80xi32, #tpu.memory_space<vmem>> -> memref<80xi32, #tpu.memory_space<vmem>>
        %dma_wait3A_116 = arith.constant 0 : i32
        %dma_wait3A_117 = arith.constant 0 : i32
        %dma_wait3A_118 = tpu.memref_slice %arg2[%dma_wait3A_116, %dma_wait3A_117] : memref<10000x128xf32, #tpu.memory_space<hbm>> -> memref<10000x128xf32, #tpu.memory_space<hbm>>
        tpu.wait_indirect_dma semaphore(%run_scoped3A_108 : memref<!tpu.dma_semaphore, #tpu.memory_space<semaphore_mem>>) src(%dma_wait3A_118 : memref<10000x128xf32, #tpu.memory_space<hbm>>) dst(%arg10 : memref<80x128xf32, #tpu.memory_space<vmem>>)
        tpu.yield
      }) : () -> ()
      %mul3A_75 = arith.constant 10000 : i32
      %mul3A_76 = arith.muli %add3A, %mul3A_75 : i32
      %mul3A_77 = arith.constant 5 : i32
      %mul3A_78 = arith.muli %scan3A_23, %mul3A_77 : i32
      %add3A_79 = arith.constant 3 : i32
      %add3A_80 = arith.addi %mul3A_78, %add3A_79 : i32
      %mul3A_81 = arith.constant 80 : i32
      %mul3A_82 = arith.muli %add3A_80, %mul3A_81 : i32
      %add3A_83 = arith.addi %mul3A_76, %mul3A_82 : i32
      "tpu.region"() ({
        %run_scoped3A_108 = tpu.sem_alloc : memref<!tpu.dma_semaphore, #tpu.memory_space<semaphore_mem>>
        %dma_start3A = arith.constant 0 : i32
        %dma_start3A_109 = tpu.memref_slice %arg3[%add3A_83, %dma_start3A] : memref<320000x128xf32, #tpu.memory_space<hbm>> -> memref<80x128xf32, #tpu.memory_space<hbm>>
        %dma_start3A_110 = arith.constant 0 : i32
        %dma_start3A_111 = tpu.memref_slice %arg3[%add3A_83, %dma_start3A_110] : memref<320000x128xf32, #tpu.memory_space<hbm>> -> memref<80x128xf32, #tpu.memory_space<hbm>>
        tpu.enqueue_dma source(%dma_start3A_111 : memref<80x128xf32, #tpu.memory_space<hbm>>) target(%arg11 : memref<80x128xf32, #tpu.memory_space<vmem>>) target_semaphore(%run_scoped3A_108 : memref<!tpu.dma_semaphore, #tpu.memory_space<semaphore_mem>>)
        %dma_wait3A = arith.constant 0 : i32
        %dma_wait3A_112 = tpu.memref_slice %arg3[%add3A_83, %dma_wait3A] : memref<320000x128xf32, #tpu.memory_space<hbm>> -> memref<80x128xf32, #tpu.memory_space<hbm>>
        %dma_wait3A_113 = arith.constant 0 : i32
        %dma_wait3A_114 = tpu.memref_slice %arg3[%add3A_83, %dma_wait3A_113] : memref<320000x128xf32, #tpu.memory_space<hbm>> -> memref<80x128xf32, #tpu.memory_space<hbm>>
        tpu.wait_dma2 semaphore(%run_scoped3A_108 : memref<!tpu.dma_semaphore, #tpu.memory_space<semaphore_mem>>) src(%dma_wait3A_114 : memref<80x128xf32, #tpu.memory_space<hbm>>) dst(%arg11 : memref<80x128xf32, #tpu.memory_space<vmem>>)
        tpu.yield
      }) : () -> ()
      %scan3A_84 = arith.constant 0 : i32
      %scan3A_85 = arith.constant 0 : i32
      %scan3A_86 = arith.constant 80 : i32
      %scan3A_87 = arith.addi %scan3A_85, %scan3A_86 : i32
      %scan3A_88 = arith.constant 1 : i32
      scf.for %scan3A_108 = %scan3A_85 to %scan3A_87 step %scan3A_88  : i32 {
        %get3A = arith.index_cast %scan3A_108 : i32 to index
        %get3A_109 = arith.constant 0 : index
        %get3A_110 = tpu.vector_load %arg10[%get3A, %get3A_109] {strides = array<i32>} : memref<80x128xf32, #tpu.memory_space<vmem>>, vector<16xf32>,
        %get3A_111 = arith.index_cast %scan3A_108 : i32 to index
        %get3A_112 = arith.constant 0 : index
        %get3A_113 = tpu.vector_load %arg11[%get3A_111, %get3A_112] {strides = array<i32>} : memref<80x128xf32, #tpu.memory_space<vmem>>, vector<16xf32>,
        %mul3A_114 = arith.mulf %get3A_110, %get3A_113 : vector<16xf32>
        %swap3A = arith.index_cast %scan3A_108 : i32 to index
        %swap3A_115 = arith.constant 0 : index
        %swap3A_116 = tpu.vector_load %arg10[%swap3A, %swap3A_115] {strides = array<i32>} : memref<80x128xf32, #tpu.memory_space<vmem>>, vector<16xf32>,
        tpu.vector_store %arg10[%swap3A, %swap3A_115], %mul3A_114 {strides = array<i32>} : memref<80x128xf32, #tpu.memory_space<vmem>>, vector<16xf32>,
        %get3A_117 = arith.index_cast %scan3A_108 : i32 to index
        %get3A_118 = arith.constant 16 : index
        %get3A_119 = tpu.vector_load %arg10[%get3A_117, %get3A_118] {strides = array<i32>} : memref<80x128xf32, #tpu.memory_space<vmem>>, vector<16xf32>,
        %get3A_120 = arith.index_cast %scan3A_108 : i32 to index
        %get3A_121 = arith.constant 16 : index
        %get3A_122 = tpu.vector_load %arg11[%get3A_120, %get3A_121] {strides = array<i32>} : memref<80x128xf32, #tpu.memory_space<vmem>>, vector<16xf32>,
        %mul3A_123 = arith.mulf %get3A_119, %get3A_122 : vector<16xf32>
        %swap3A_124 = arith.index_cast %scan3A_108 : i32 to index
        %swap3A_125 = arith.constant 16 : index
        %swap3A_126 = tpu.vector_load %arg10[%swap3A_124, %swap3A_125] {strides = array<i32>} : memref<80x128xf32, #tpu.memory_space<vmem>>, vector<16xf32>,
        tpu.vector_store %arg10[%swap3A_124, %swap3A_125], %mul3A_123 {strides = array<i32>} : memref<80x128xf32, #tpu.memory_space<vmem>>, vector<16xf32>,
        %get3A_127 = arith.index_cast %scan3A_108 : i32 to index
        %get3A_128 = arith.constant 32 : index
        %get3A_129 = tpu.vector_load %arg10[%get3A_127, %get3A_128] {strides = array<i32>} : memref<80x128xf32, #tpu.memory_space<vmem>>, vector<16xf32>,
        %get3A_130 = arith.index_cast %scan3A_108 : i32 to index
        %get3A_131 = arith.constant 32 : index
        %get3A_132 = tpu.vector_load %arg11[%get3A_130, %get3A_131] {strides = array<i32>} : memref<80x128xf32, #tpu.memory_space<vmem>>, vector<16xf32>,
        %mul3A_133 = arith.mulf %get3A_129, %get3A_132 : vector<16xf32>
        %swap3A_134 = arith.index_cast %scan3A_108 : i32 to index
        %swap3A_135 = arith.constant 32 : index
        %swap3A_136 = tpu.vector_load %arg10[%swap3A_134, %swap3A_135] {strides = array<i32>} : memref<80x128xf32, #tpu.memory_space<vmem>>, vector<16xf32>,
        tpu.vector_store %arg10[%swap3A_134, %swap3A_135], %mul3A_133 {strides = array<i32>} : memref<80x128xf32, #tpu.memory_space<vmem>>, vector<16xf32>,
        %get3A_137 = arith.index_cast %scan3A_108 : i32 to index
        %get3A_138 = arith.constant 48 : index
        %get3A_139 = tpu.vector_load %arg10[%get3A_137, %get3A_138] {strides = array<i32>} : memref<80x128xf32, #tpu.memory_space<vmem>>, vector<16xf32>,
        %get3A_140 = arith.index_cast %scan3A_108 : i32 to index
        %get3A_141 = arith.constant 48 : index
        %get3A_142 = tpu.vector_load %arg11[%get3A_140, %get3A_141] {strides = array<i32>} : memref<80x128xf32, #tpu.memory_space<vmem>>, vector<16xf32>,
        %mul3A_143 = arith.mulf %get3A_139, %get3A_142 : vector<16xf32>
        %swap3A_144 = arith.index_cast %scan3A_108 : i32 to index
        %swap3A_145 = arith.constant 48 : index
        %swap3A_146 = tpu.vector_load %arg10[%swap3A_144, %swap3A_145] {strides = array<i32>} : memref<80x128xf32, #tpu.memory_space<vmem>>, vector<16xf32>,
        tpu.vector_store %arg10[%swap3A_144, %swap3A_145], %mul3A_143 {strides = array<i32>} : memref<80x128xf32, #tpu.memory_space<vmem>>, vector<16xf32>,
        %get3A_147 = arith.index_cast %scan3A_108 : i32 to index
        %get3A_148 = arith.constant 64 : index
        %get3A_149 = tpu.vector_load %arg10[%get3A_147, %get3A_148] {strides = array<i32>} : memref<80x128xf32, #tpu.memory_space<vmem>>, vector<16xf32>,
        %get3A_150 = arith.index_cast %scan3A_108 : i32 to index
        %get3A_151 = arith.constant 64 : index
        %get3A_152 = tpu.vector_load %arg11[%get3A_150, %get3A_151] {strides = array<i32>} : memref<80x128xf32, #tpu.memory_space<vmem>>, vector<16xf32>,
        %mul3A_153 = arith.mulf %get3A_149, %get3A_152 : vector<16xf32>
        %swap3A_154 = arith.index_cast %scan3A_108 : i32 to index
        %swap3A_155 = arith.constant 64 : index
        %swap3A_156 = tpu.vector_load %arg10[%swap3A_154, %swap3A_155] {strides = array<i32>} : memref<80x128xf32, #tpu.memory_space<vmem>>, vector<16xf32>,
        tpu.vector_store %arg10[%swap3A_154, %swap3A_155], %mul3A_153 {strides = array<i32>} : memref<80x128xf32, #tpu.memory_space<vmem>>, vector<16xf32>,
        %get3A_157 = arith.index_cast %scan3A_108 : i32 to index
        %get3A_158 = arith.constant 80 : index
        %get3A_159 = tpu.vector_load %arg10[%get3A_157, %get3A_158] {strides = array<i32>} : memref<80x128xf32, #tpu.memory_space<vmem>>, vector<16xf32>,
        %get3A_160 = arith.index_cast %scan3A_108 : i32 to index
        %get3A_161 = arith.constant 80 : index
        %get3A_162 = tpu.vector_load %arg11[%get3A_160, %get3A_161] {strides = array<i32>} : memref<80x128xf32, #tpu.memory_space<vmem>>, vector<16xf32>,
        %mul3A_163 = arith.mulf %get3A_159, %get3A_162 : vector<16xf32>
        %swap3A_164 = arith.index_cast %scan3A_108 : i32 to index
        %swap3A_165 = arith.constant 80 : index
        %swap3A_166 = tpu.vector_load %arg10[%swap3A_164, %swap3A_165] {strides = array<i32>} : memref<80x128xf32, #tpu.memory_space<vmem>>, vector<16xf32>,
        tpu.vector_store %arg10[%swap3A_164, %swap3A_165], %mul3A_163 {strides = array<i32>} : memref<80x128xf32, #tpu.memory_space<vmem>>, vector<16xf32>,
        %get3A_167 = arith.index_cast %scan3A_108 : i32 to index
        %get3A_168 = arith.constant 96 : index
        %get3A_169 = tpu.vector_load %arg10[%get3A_167, %get3A_168] {strides = array<i32>} : memref<80x128xf32, #tpu.memory_space<vmem>>, vector<16xf32>,
        %get3A_170 = arith.index_cast %scan3A_108 : i32 to index
        %get3A_171 = arith.constant 96 : index
        %get3A_172 = tpu.vector_load %arg11[%get3A_170, %get3A_171] {strides = array<i32>} : memref<80x128xf32, #tpu.memory_space<vmem>>, vector<16xf32>,
        %mul3A_173 = arith.mulf %get3A_169, %get3A_172 : vector<16xf32>
        %swap3A_174 = arith.index_cast %scan3A_108 : i32 to index
        %swap3A_175 = arith.constant 96 : index
        %swap3A_176 = tpu.vector_load %arg10[%swap3A_174, %swap3A_175] {strides = array<i32>} : memref<80x128xf32, #tpu.memory_space<vmem>>, vector<16xf32>,
        tpu.vector_store %arg10[%swap3A_174, %swap3A_175], %mul3A_173 {strides = array<i32>} : memref<80x128xf32, #tpu.memory_space<vmem>>, vector<16xf32>,
        %get3A_177 = arith.index_cast %scan3A_108 : i32 to index
        %get3A_178 = arith.constant 112 : index
        %get3A_179 = tpu.vector_load %arg10[%get3A_177, %get3A_178] {strides = array<i32>} : memref<80x128xf32, #tpu.memory_space<vmem>>, vector<16xf32>,
        %get3A_180 = arith.index_cast %scan3A_108 : i32 to index
        %get3A_181 = arith.constant 112 : index
        %get3A_182 = tpu.vector_load %arg11[%get3A_180, %get3A_181] {strides = array<i32>} : memref<80x128xf32, #tpu.memory_space<vmem>>, vector<16xf32>,
        %mul3A_183 = arith.mulf %get3A_179, %get3A_182 : vector<16xf32>
        %swap3A_184 = arith.index_cast %scan3A_108 : i32 to index
        %swap3A_185 = arith.constant 112 : index
        %swap3A_186 = tpu.vector_load %arg10[%swap3A_184, %swap3A_185] {strides = array<i32>} : memref<80x128xf32, #tpu.memory_space<vmem>>, vector<16xf32>,
        tpu.vector_store %arg10[%swap3A_184, %swap3A_185], %mul3A_183 {strides = array<i32>} : memref<80x128xf32, #tpu.memory_space<vmem>>, vector<16xf32>,
      }
      %scan3A_89 = arith.constant 80 : i32
      %run_scoped3A_90 = arith.constant 3 : i32
      "tpu.region"() ({
        %run_scoped3A_108 = tpu.sem_alloc : memref<!tpu.dma_semaphore, #tpu.memory_space<semaphore_mem>>
        %dma_start3A = arith.constant 0 : i32
        %dma_start3A_109 = tpu.memref_slice %arg9[%run_scoped3A_90, %dma_start3A] : memref<5x80xi32, #tpu.memory_space<vmem>> -> memref<1x80xi32, #tpu.memory_space<vmem>>
        %dma_start3A_110 = tpu.memref_squeeze %dma_start3A_109 : memref<1x80xi32, #tpu.memory_space<vmem>> -> memref<80xi32, #tpu.memory_space<vmem>>
        %dma_start3A_111 = arith.constant 0 : i32
        %dma_start3A_112 = arith.constant 0 : i32
        %dma_start3A_113 = tpu.memref_slice %arg12[%dma_start3A_111, %dma_start3A_112] : memref<10000x128xf32, #tpu.memory_space<vmem_shared>> -> memref<10000x128xf32, #tpu.memory_space<vmem_shared>>
        tpu.enqueue_indirect_dma source(%arg10 : memref<80x128xf32, #tpu.memory_space<vmem>>) target(%dma_start3A_113 : memref<10000x128xf32, #tpu.memory_space<vmem_shared>>) offsets(%dma_start3A_110 : memref<80xi32, #tpu.memory_space<vmem>>) semaphore(%run_scoped3A_108 : memref<!tpu.dma_semaphore, #tpu.memory_space<semaphore_mem>>) {add = true}
        %dma_wait3A = arith.constant 0 : i32
        %dma_wait3A_114 = tpu.memref_slice %arg9[%run_scoped3A_90, %dma_wait3A] : memref<5x80xi32, #tpu.memory_space<vmem>> -> memref<1x80xi32, #tpu.memory_space<vmem>>
        %dma_wait3A_115 = tpu.memref_squeeze %dma_wait3A_114 : memref<1x80xi32, #tpu.memory_space<vmem>> -> memref<80xi32, #tpu.memory_space<vmem>>
        %dma_wait3A_116 = arith.constant 0 : i32
        %dma_wait3A_117 = arith.constant 0 : i32
        %dma_wait3A_118 = tpu.memref_slice %arg12[%dma_wait3A_116, %dma_wait3A_117] : memref<10000x128xf32, #tpu.memory_space<vmem_shared>> -> memref<10000x128xf32, #tpu.memory_space<vmem_shared>>
        tpu.wait_indirect_dma semaphore(%run_scoped3A_108 : memref<!tpu.dma_semaphore, #tpu.memory_space<semaphore_mem>>) src(%arg10 : memref<80x128xf32, #tpu.memory_space<vmem>>) dst(%dma_wait3A_118 : memref<10000x128xf32, #tpu.memory_space<vmem_shared>>)
        tpu.yield
      }) : () -> ()
      %run_scoped3A_91 = arith.constant 4 : i32
      "tpu.region"() ({
        %run_scoped3A_108 = tpu.sem_alloc : memref<!tpu.dma_semaphore, #tpu.memory_space<semaphore_mem>>
        %dma_start3A = arith.constant 0 : i32
        %dma_start3A_109 = tpu.memref_slice %arg8[%run_scoped3A_91, %dma_start3A] : memref<5x80xi32, #tpu.memory_space<vmem>> -> memref<1x80xi32, #tpu.memory_space<vmem>>
        %dma_start3A_110 = tpu.memref_squeeze %dma_start3A_109 : memref<1x80xi32, #tpu.memory_space<vmem>> -> memref<80xi32, #tpu.memory_space<vmem>>
        %dma_start3A_111 = arith.constant 0 : i32
        %dma_start3A_112 = arith.constant 0 : i32
        %dma_start3A_113 = tpu.memref_slice %arg2[%dma_start3A_111, %dma_start3A_112] : memref<10000x128xf32, #tpu.memory_space<hbm>> -> memref<10000x128xf32, #tpu.memory_space<hbm>>
        tpu.enqueue_indirect_dma source(%dma_start3A_113 : memref<10000x128xf32, #tpu.memory_space<hbm>>) target(%arg10 : memref<80x128xf32, #tpu.memory_space<vmem>>) offsets(%dma_start3A_110 : memref<80xi32, #tpu.memory_space<vmem>>) semaphore(%run_scoped3A_108 : memref<!tpu.dma_semaphore, #tpu.memory_space<semaphore_mem>>)
        %dma_wait3A = arith.constant 0 : i32
        %dma_wait3A_114 = tpu.memref_slice %arg8[%run_scoped3A_91, %dma_wait3A] : memref<5x80xi32, #tpu.memory_space<vmem>> -> memref<1x80xi32, #tpu.memory_space<vmem>>
        %dma_wait3A_115 = tpu.memref_squeeze %dma_wait3A_114 : memref<1x80xi32, #tpu.memory_space<vmem>> -> memref<80xi32, #tpu.memory_space<vmem>>
        %dma_wait3A_116 = arith.constant 0 : i32
        %dma_wait3A_117 = arith.constant 0 : i32
        %dma_wait3A_118 = tpu.memref_slice %arg2[%dma_wait3A_116, %dma_wait3A_117] : memref<10000x128xf32, #tpu.memory_space<hbm>> -> memref<10000x128xf32, #tpu.memory_space<hbm>>
        tpu.wait_indirect_dma semaphore(%run_scoped3A_108 : memref<!tpu.dma_semaphore, #tpu.memory_space<semaphore_mem>>) src(%dma_wait3A_118 : memref<10000x128xf32, #tpu.memory_space<hbm>>) dst(%arg10 : memref<80x128xf32, #tpu.memory_space<vmem>>)
        tpu.yield
      }) : () -> ()
      %mul3A_92 = arith.constant 10000 : i32
      %mul3A_93 = arith.muli %add3A, %mul3A_92 : i32
      %mul3A_94 = arith.constant 5 : i32
      %mul3A_95 = arith.muli %scan3A_23, %mul3A_94 : i32
      %add3A_96 = arith.constant 4 : i32
      %add3A_97 = arith.addi %mul3A_95, %add3A_96 : i32
      %mul3A_98 = arith.constant 80 : i32
      %mul3A_99 = arith.muli %add3A_97, %mul3A_98 : i32
      %add3A_100 = arith.addi %mul3A_93, %mul3A_99 : i32
      "tpu.region"() ({
        %run_scoped3A_108 = tpu.sem_alloc : memref<!tpu.dma_semaphore, #tpu.memory_space<semaphore_mem>>
        %dma_start3A = arith.constant 0 : i32
        %dma_start3A_109 = tpu.memref_slice %arg3[%add3A_100, %dma_start3A] : memref<320000x128xf32, #tpu.memory_space<hbm>> -> memref<80x128xf32, #tpu.memory_space<hbm>>
        %dma_start3A_110 = arith.constant 0 : i32
        %dma_start3A_111 = tpu.memref_slice %arg3[%add3A_100, %dma_start3A_110] : memref<320000x128xf32, #tpu.memory_space<hbm>> -> memref<80x128xf32, #tpu.memory_space<hbm>>
        tpu.enqueue_dma source(%dma_start3A_111 : memref<80x128xf32, #tpu.memory_space<hbm>>) target(%arg11 : memref<80x128xf32, #tpu.memory_space<vmem>>) target_semaphore(%run_scoped3A_108 : memref<!tpu.dma_semaphore, #tpu.memory_space<semaphore_mem>>)
        %dma_wait3A = arith.constant 0 : i32
        %dma_wait3A_112 = tpu.memref_slice %arg3[%add3A_100, %dma_wait3A] : memref<320000x128xf32, #tpu.memory_space<hbm>> -> memref<80x128xf32, #tpu.memory_space<hbm>>
        %dma_wait3A_113 = arith.constant 0 : i32
        %dma_wait3A_114 = tpu.memref_slice %arg3[%add3A_100, %dma_wait3A_113] : memref<320000x128xf32, #tpu.memory_space<hbm>> -> memref<80x128xf32, #tpu.memory_space<hbm>>
        tpu.wait_dma2 semaphore(%run_scoped3A_108 : memref<!tpu.dma_semaphore, #tpu.memory_space<semaphore_mem>>) src(%dma_wait3A_114 : memref<80x128xf32, #tpu.memory_space<hbm>>) dst(%arg11 : memref<80x128xf32, #tpu.memory_space<vmem>>)
        tpu.yield
      }) : () -> ()
      %scan3A_101 = arith.constant 0 : i32
      %scan3A_102 = arith.constant 0 : i32
      %scan3A_103 = arith.constant 80 : i32
      %scan3A_104 = arith.addi %scan3A_102, %scan3A_103 : i32
      %scan3A_105 = arith.constant 1 : i32
      scf.for %scan3A_108 = %scan3A_102 to %scan3A_104 step %scan3A_105  : i32 {
        %get3A = arith.index_cast %scan3A_108 : i32 to index
        %get3A_109 = arith.constant 0 : index
        %get3A_110 = tpu.vector_load %arg10[%get3A, %get3A_109] {strides = array<i32>} : memref<80x128xf32, #tpu.memory_space<vmem>>, vector<16xf32>,
        %get3A_111 = arith.index_cast %scan3A_108 : i32 to index
        %get3A_112 = arith.constant 0 : index
        %get3A_113 = tpu.vector_load %arg11[%get3A_111, %get3A_112] {strides = array<i32>} : memref<80x128xf32, #tpu.memory_space<vmem>>, vector<16xf32>,
        %mul3A_114 = arith.mulf %get3A_110, %get3A_113 : vector<16xf32>
        %swap3A = arith.index_cast %scan3A_108 : i32 to index
        %swap3A_115 = arith.constant 0 : index
        %swap3A_116 = tpu.vector_load %arg10[%swap3A, %swap3A_115] {strides = array<i32>} : memref<80x128xf32, #tpu.memory_space<vmem>>, vector<16xf32>,
        tpu.vector_store %arg10[%swap3A, %swap3A_115], %mul3A_114 {strides = array<i32>} : memref<80x128xf32, #tpu.memory_space<vmem>>, vector<16xf32>,
        %get3A_117 = arith.index_cast %scan3A_108 : i32 to index
        %get3A_118 = arith.constant 16 : index
        %get3A_119 = tpu.vector_load %arg10[%get3A_117, %get3A_118] {strides = array<i32>} : memref<80x128xf32, #tpu.memory_space<vmem>>, vector<16xf32>,
        %get3A_120 = arith.index_cast %scan3A_108 : i32 to index
        %get3A_121 = arith.constant 16 : index
        %get3A_122 = tpu.vector_load %arg11[%get3A_120, %get3A_121] {strides = array<i32>} : memref<80x128xf32, #tpu.memory_space<vmem>>, vector<16xf32>,
        %mul3A_123 = arith.mulf %get3A_119, %get3A_122 : vector<16xf32>
        %swap3A_124 = arith.index_cast %scan3A_108 : i32 to index
        %swap3A_125 = arith.constant 16 : index
        %swap3A_126 = tpu.vector_load %arg10[%swap3A_124, %swap3A_125] {strides = array<i32>} : memref<80x128xf32, #tpu.memory_space<vmem>>, vector<16xf32>,
        tpu.vector_store %arg10[%swap3A_124, %swap3A_125], %mul3A_123 {strides = array<i32>} : memref<80x128xf32, #tpu.memory_space<vmem>>, vector<16xf32>,
        %get3A_127 = arith.index_cast %scan3A_108 : i32 to index
        %get3A_128 = arith.constant 32 : index
        %get3A_129 = tpu.vector_load %arg10[%get3A_127, %get3A_128] {strides = array<i32>} : memref<80x128xf32, #tpu.memory_space<vmem>>, vector<16xf32>,
        %get3A_130 = arith.index_cast %scan3A_108 : i32 to index
        %get3A_131 = arith.constant 32 : index
        %get3A_132 = tpu.vector_load %arg11[%get3A_130, %get3A_131] {strides = array<i32>} : memref<80x128xf32, #tpu.memory_space<vmem>>, vector<16xf32>,
        %mul3A_133 = arith.mulf %get3A_129, %get3A_132 : vector<16xf32>
        %swap3A_134 = arith.index_cast %scan3A_108 : i32 to index
        %swap3A_135 = arith.constant 32 : index
        %swap3A_136 = tpu.vector_load %arg10[%swap3A_134, %swap3A_135] {strides = array<i32>} : memref<80x128xf32, #tpu.memory_space<vmem>>, vector<16xf32>,
        tpu.vector_store %arg10[%swap3A_134, %swap3A_135], %mul3A_133 {strides = array<i32>} : memref<80x128xf32, #tpu.memory_space<vmem>>, vector<16xf32>,
        %get3A_137 = arith.index_cast %scan3A_108 : i32 to index
        %get3A_138 = arith.constant 48 : index
        %get3A_139 = tpu.vector_load %arg10[%get3A_137, %get3A_138] {strides = array<i32>} : memref<80x128xf32, #tpu.memory_space<vmem>>, vector<16xf32>,
        %get3A_140 = arith.index_cast %scan3A_108 : i32 to index
        %get3A_141 = arith.constant 48 : index
        %get3A_142 = tpu.vector_load %arg11[%get3A_140, %get3A_141] {strides = array<i32>} : memref<80x128xf32, #tpu.memory_space<vmem>>, vector<16xf32>,
        %mul3A_143 = arith.mulf %get3A_139, %get3A_142 : vector<16xf32>
        %swap3A_144 = arith.index_cast %scan3A_108 : i32 to index
        %swap3A_145 = arith.constant 48 : index
        %swap3A_146 = tpu.vector_load %arg10[%swap3A_144, %swap3A_145] {strides = array<i32>} : memref<80x128xf32, #tpu.memory_space<vmem>>, vector<16xf32>,
        tpu.vector_store %arg10[%swap3A_144, %swap3A_145], %mul3A_143 {strides = array<i32>} : memref<80x128xf32, #tpu.memory_space<vmem>>, vector<16xf32>,
        %get3A_147 = arith.index_cast %scan3A_108 : i32 to index
        %get3A_148 = arith.constant 64 : index
        %get3A_149 = tpu.vector_load %arg10[%get3A_147, %get3A_148] {strides = array<i32>} : memref<80x128xf32, #tpu.memory_space<vmem>>, vector<16xf32>,
        %get3A_150 = arith.index_cast %scan3A_108 : i32 to index
        %get3A_151 = arith.constant 64 : index
        %get3A_152 = tpu.vector_load %arg11[%get3A_150, %get3A_151] {strides = array<i32>} : memref<80x128xf32, #tpu.memory_space<vmem>>, vector<16xf32>,
        %mul3A_153 = arith.mulf %get3A_149, %get3A_152 : vector<16xf32>
        %swap3A_154 = arith.index_cast %scan3A_108 : i32 to index
        %swap3A_155 = arith.constant 64 : index
        %swap3A_156 = tpu.vector_load %arg10[%swap3A_154, %swap3A_155] {strides = array<i32>} : memref<80x128xf32, #tpu.memory_space<vmem>>, vector<16xf32>,
        tpu.vector_store %arg10[%swap3A_154, %swap3A_155], %mul3A_153 {strides = array<i32>} : memref<80x128xf32, #tpu.memory_space<vmem>>, vector<16xf32>,
        %get3A_157 = arith.index_cast %scan3A_108 : i32 to index
        %get3A_158 = arith.constant 80 : index
        %get3A_159 = tpu.vector_load %arg10[%get3A_157, %get3A_158] {strides = array<i32>} : memref<80x128xf32, #tpu.memory_space<vmem>>, vector<16xf32>,
        %get3A_160 = arith.index_cast %scan3A_108 : i32 to index
        %get3A_161 = arith.constant 80 : index
        %get3A_162 = tpu.vector_load %arg11[%get3A_160, %get3A_161] {strides = array<i32>} : memref<80x128xf32, #tpu.memory_space<vmem>>, vector<16xf32>,
        %mul3A_163 = arith.mulf %get3A_159, %get3A_162 : vector<16xf32>
        %swap3A_164 = arith.index_cast %scan3A_108 : i32 to index
        %swap3A_165 = arith.constant 80 : index
        %swap3A_166 = tpu.vector_load %arg10[%swap3A_164, %swap3A_165] {strides = array<i32>} : memref<80x128xf32, #tpu.memory_space<vmem>>, vector<16xf32>,
        tpu.vector_store %arg10[%swap3A_164, %swap3A_165], %mul3A_163 {strides = array<i32>} : memref<80x128xf32, #tpu.memory_space<vmem>>, vector<16xf32>,
        %get3A_167 = arith.index_cast %scan3A_108 : i32 to index
        %get3A_168 = arith.constant 96 : index
        %get3A_169 = tpu.vector_load %arg10[%get3A_167, %get3A_168] {strides = array<i32>} : memref<80x128xf32, #tpu.memory_space<vmem>>, vector<16xf32>,
        %get3A_170 = arith.index_cast %scan3A_108 : i32 to index
        %get3A_171 = arith.constant 96 : index
        %get3A_172 = tpu.vector_load %arg11[%get3A_170, %get3A_171] {strides = array<i32>} : memref<80x128xf32, #tpu.memory_space<vmem>>, vector<16xf32>,
        %mul3A_173 = arith.mulf %get3A_169, %get3A_172 : vector<16xf32>
        %swap3A_174 = arith.index_cast %scan3A_108 : i32 to index
        %swap3A_175 = arith.constant 96 : index
        %swap3A_176 = tpu.vector_load %arg10[%swap3A_174, %swap3A_175] {strides = array<i32>} : memref<80x128xf32, #tpu.memory_space<vmem>>, vector<16xf32>,
        tpu.vector_store %arg10[%swap3A_174, %swap3A_175], %mul3A_173 {strides = array<i32>} : memref<80x128xf32, #tpu.memory_space<vmem>>, vector<16xf32>,
        %get3A_177 = arith.index_cast %scan3A_108 : i32 to index
        %get3A_178 = arith.constant 112 : index
        %get3A_179 = tpu.vector_load %arg10[%get3A_177, %get3A_178] {strides = array<i32>} : memref<80x128xf32, #tpu.memory_space<vmem>>, vector<16xf32>,
        %get3A_180 = arith.index_cast %scan3A_108 : i32 to index
        %get3A_181 = arith.constant 112 : index
        %get3A_182 = tpu.vector_load %arg11[%get3A_180, %get3A_181] {strides = array<i32>} : memref<80x128xf32, #tpu.memory_space<vmem>>, vector<16xf32>,
        %mul3A_183 = arith.mulf %get3A_179, %get3A_182 : vector<16xf32>
        %swap3A_184 = arith.index_cast %scan3A_108 : i32 to index
        %swap3A_185 = arith.constant 112 : index
        %swap3A_186 = tpu.vector_load %arg10[%swap3A_184, %swap3A_185] {strides = array<i32>} : memref<80x128xf32, #tpu.memory_space<vmem>>, vector<16xf32>,
        tpu.vector_store %arg10[%swap3A_184, %swap3A_185], %mul3A_183 {strides = array<i32>} : memref<80x128xf32, #tpu.memory_space<vmem>>, vector<16xf32>,
      }
      %scan3A_106 = arith.constant 80 : i32
      %run_scoped3A_107 = arith.constant 4 : i32
      "tpu.region"() ({
        %run_scoped3A_108 = tpu.sem_alloc : memref<!tpu.dma_semaphore, #tpu.memory_space<semaphore_mem>>
        %dma_start3A = arith.constant 0 : i32
        %dma_start3A_109 = tpu.memref_slice %arg9[%run_scoped3A_107, %dma_start3A] : memref<5x80xi32, #tpu.memory_space<vmem>> -> memref<1x80xi32, #tpu.memory_space<vmem>>
        %dma_start3A_110 = tpu.memref_squeeze %dma_start3A_109 : memref<1x80xi32, #tpu.memory_space<vmem>> -> memref<80xi32, #tpu.memory_space<vmem>>
        %dma_start3A_111 = arith.constant 0 : i32
        %dma_start3A_112 = arith.constant 0 : i32
        %dma_start3A_113 = tpu.memref_slice %arg12[%dma_start3A_111, %dma_start3A_112] : memref<10000x128xf32, #tpu.memory_space<vmem_shared>> -> memref<10000x128xf32, #tpu.memory_space<vmem_shared>>
        tpu.enqueue_indirect_dma source(%arg10 : memref<80x128xf32, #tpu.memory_space<vmem>>) target(%dma_start3A_113 : memref<10000x128xf32, #tpu.memory_space<vmem_shared>>) offsets(%dma_start3A_110 : memref<80xi32, #tpu.memory_space<vmem>>) semaphore(%run_scoped3A_108 : memref<!tpu.dma_semaphore, #tpu.memory_space<semaphore_mem>>) {add = true}
        %dma_wait3A = arith.constant 0 : i32
        %dma_wait3A_114 = tpu.memref_slice %arg9[%run_scoped3A_107, %dma_wait3A] : memref<5x80xi32, #tpu.memory_space<vmem>> -> memref<1x80xi32, #tpu.memory_space<vmem>>
        %dma_wait3A_115 = tpu.memref_squeeze %dma_wait3A_114 : memref<1x80xi32, #tpu.memory_space<vmem>> -> memref<80xi32, #tpu.memory_space<vmem>>
        %dma_wait3A_116 = arith.constant 0 : i32
        %dma_wait3A_117 = arith.constant 0 : i32
        %dma_wait3A_118 = tpu.memref_slice %arg12[%dma_wait3A_116, %dma_wait3A_117] : memref<10000x128xf32, #tpu.memory_space<vmem_shared>> -> memref<10000x128xf32, #tpu.memory_space<vmem_shared>>
        tpu.wait_indirect_dma semaphore(%run_scoped3A_108 : memref<!tpu.dma_semaphore, #tpu.memory_space<semaphore_mem>>) src(%arg10 : memref<80x128xf32, #tpu.memory_space<vmem>>) dst(%dma_wait3A_118 : memref<10000x128xf32, #tpu.memory_space<vmem_shared>>)
        tpu.yield
      }) : () -> ()
    }
    %scan3A_11 = arith.constant 25 : i32
    %barrier3A_12 = arith.constant 0 : index
    tpu.barrier barrier_id(%barrier3A_12)
    %lt3A_13 = arith.constant 15 : i32
    %lt3A_14 = arith.cmpi slt, %arg1, %lt3A_13 : i32
    %convert_element_type3A_15 = arith.extui %lt3A_14 : i1 to i32
    %cond3A_16 = arith.constant 0 : i32
    %cond3A_17 = arith.cmpi ne, %convert_element_type3A_15, %cond3A_16 : i32
    scf.if %cond3A_17 {
      %mul3A_23 = arith.constant 624 : i32
      %mul3A_24 = arith.muli %arg1, %mul3A_23 : i32
      %mul3A_25 = arith.constant 624 : i32
      %mul3A_26 = arith.muli %arg1, %mul3A_25 : i32
      "tpu.region"() ({
        %run_scoped3A = tpu.sem_alloc : memref<!tpu.dma_semaphore, #tpu.memory_space<semaphore_mem>>
        %dma_start3A = arith.constant 0 : i32
        %dma_start3A_27 = tpu.memref_slice %arg7[%arg0, %mul3A_26, %dma_start3A] : memref<2x10000x128xf32, #tpu.memory_space<hbm>> -> memref<1x624x128xf32, #tpu.memory_space<hbm>>
        %dma_start3A_28 = tpu.memref_squeeze %dma_start3A_27 : memref<1x624x128xf32, #tpu.memory_space<hbm>> -> memref<624x128xf32, #tpu.memory_space<hbm>>
        %dma_start3A_29 = arith.constant 0 : i32
        %dma_start3A_30 = tpu.memref_slice %arg12[%mul3A_24, %dma_start3A_29] : memref<10000x128xf32, #tpu.memory_space<vmem_shared>> -> memref<624x128xf32, #tpu.memory_space<vmem_shared>>
        tpu.enqueue_dma source(%dma_start3A_30 : memref<624x128xf32, #tpu.memory_space<vmem_shared>>) target(%dma_start3A_28 : memref<624x128xf32, #tpu.memory_space<hbm>>) target_semaphore(%run_scoped3A : memref<!tpu.dma_semaphore, #tpu.memory_space<semaphore_mem>>)
        %dma_wait3A = arith.constant 0 : i32
        %dma_wait3A_31 = tpu.memref_slice %arg7[%arg0, %mul3A_26, %dma_wait3A] : memref<2x10000x128xf32, #tpu.memory_space<hbm>> -> memref<1x624x128xf32, #tpu.memory_space<hbm>>
        %dma_wait3A_32 = tpu.memref_squeeze %dma_wait3A_31 : memref<1x624x128xf32, #tpu.memory_space<hbm>> -> memref<624x128xf32, #tpu.memory_space<hbm>>
        %dma_wait3A_33 = arith.constant 0 : i32
        %dma_wait3A_34 = tpu.memref_slice %arg12[%mul3A_24, %dma_wait3A_33] : memref<10000x128xf32, #tpu.memory_space<vmem_shared>> -> memref<624x128xf32, #tpu.memory_space<vmem_shared>>
        tpu.wait_dma2 semaphore(%run_scoped3A : memref<!tpu.dma_semaphore, #tpu.memory_space<semaphore_mem>>) src(%dma_wait3A_34 : memref<624x128xf32, #tpu.memory_space<vmem_shared>>) dst(%dma_wait3A_32 : memref<624x128xf32, #tpu.memory_space<hbm>>)
        tpu.yield
      }) : () -> ()
    } else {
    }
    %eq3A_18 = arith.constant 15 : i32
    %eq3A_19 = arith.cmpi eq, %arg1, %eq3A_18 : i32
    %convert_element_type3A_20 = arith.extui %eq3A_19 : i1 to i32
    %cond3A_21 = arith.constant 0 : i32
    %cond3A_22 = arith.cmpi ne, %convert_element_type3A_20, %cond3A_21 : i32
    scf.if %cond3A_22 {
      "tpu.region"() ({
        %run_scoped3A = tpu.sem_alloc : memref<!tpu.dma_semaphore, #tpu.memory_space<semaphore_mem>>
        %dma_start3A = arith.constant 9360 : i32
        %dma_start3A_23 = arith.constant 0 : i32
        %dma_start3A_24 = tpu.memref_slice %arg7[%arg0, %dma_start3A, %dma_start3A_23] : memref<2x10000x128xf32, #tpu.memory_space<hbm>> -> memref<1x640x128xf32, #tpu.memory_space<hbm>>
        %dma_start3A_25 = tpu.memref_squeeze %dma_start3A_24 : memref<1x640x128xf32, #tpu.memory_space<hbm>> -> memref<640x128xf32, #tpu.memory_space<hbm>>
        %dma_start3A_26 = arith.constant 9360 : i32
        %dma_start3A_27 = arith.constant 0 : i32
        %dma_start3A_28 = tpu.memref_slice %arg12[%dma_start3A_26, %dma_start3A_27] : memref<10000x128xf32, #tpu.memory_space<vmem_shared>> -> memref<640x128xf32, #tpu.memory_space<vmem_shared>>
        tpu.enqueue_dma source(%dma_start3A_28 : memref<640x128xf32, #tpu.memory_space<vmem_shared>>) target(%dma_start3A_25 : memref<640x128xf32, #tpu.memory_space<hbm>>) target_semaphore(%run_scoped3A : memref<!tpu.dma_semaphore, #tpu.memory_space<semaphore_mem>>)
        %dma_wait3A = arith.constant 9360 : i32
        %dma_wait3A_29 = arith.constant 0 : i32
        %dma_wait3A_30 = tpu.memref_slice %arg7[%arg0, %dma_wait3A, %dma_wait3A_29] : memref<2x10000x128xf32, #tpu.memory_space<hbm>> -> memref<1x640x128xf32, #tpu.memory_space<hbm>>
        %dma_wait3A_31 = tpu.memref_squeeze %dma_wait3A_30 : memref<1x640x128xf32, #tpu.memory_space<hbm>> -> memref<640x128xf32, #tpu.memory_space<hbm>>
        %dma_wait3A_32 = arith.constant 9360 : i32
        %dma_wait3A_33 = arith.constant 0 : i32
        %dma_wait3A_34 = tpu.memref_slice %arg12[%dma_wait3A_32, %dma_wait3A_33] : memref<10000x128xf32, #tpu.memory_space<vmem_shared>> -> memref<640x128xf32, #tpu.memory_space<vmem_shared>>
        tpu.wait_dma2 semaphore(%run_scoped3A : memref<!tpu.dma_semaphore, #tpu.memory_space<semaphore_mem>>) src(%dma_wait3A_34 : memref<640x128xf32, #tpu.memory_space<vmem_shared>>) dst(%dma_wait3A_31 : memref<640x128xf32, #tpu.memory_space<hbm>>)
        tpu.yield
      }) : () -> ()
    } else {
    }
    return
  }
}

module attributes {stable_mosaic.version = 14 : i64} {
  func.func @_a2_body(%arg0: i32, %arg1: memref<1280x1xf32, #tpu.memory_space<vmem>>, %arg2: memref<16x128xf32, #tpu.memory_space<vmem>>, %arg3: memref<128x128xf32, #tpu.memory_space<vmem>>, %arg4: memref<1280x128xf32, #tpu.memory_space<vmem>>) attributes {dimension_semantics = [#tpu.dimension_semantics<arbitrary>], iteration_bounds = array<i64: 250>, scalar_prefetch = 0 : i64, scratch_operands = 0 : i64, tpu.core_type = #tpu.core_type<tc>, window_params = [{transform_indices = @transform_0, window_bounds = array<i64: 1280, 1>}, {pipeline_mode = #tpu.pipeline_mode<synchronous>, transform_indices = @transform_1, window_bounds = array<i64: 16, 128>}, {pipeline_mode = #tpu.pipeline_mode<synchronous>, transform_indices = @transform_2, window_bounds = array<i64: 128, 128>}, {transform_indices = @transform_3, window_bounds = array<i64: 1280, 128>}]} {
    %get3A = arith.constant 0 : index
    %get3A_0 = arith.constant 0 : index
    %get3A_1 = vector.load %arg1[%get3A, %get3A_0] : memref<1280x1xf32, #tpu.memory_space<vmem>>, vector<1280x1xf32>
    %add3A = arith.constant 9.99999971E-10 : f32
    %add3A_2 = vector.broadcast %add3A : f32 to vector<1280x1xf32>
    %add3A_3 = arith.addf %get3A_1, %add3A_2 : vector<1280x1xf32>
    %sqrt3A = math.sqrt %add3A_3 : vector<1280x1xf32>
    %iota3A = tpu.iota {dimensions = array<i32: 1>} : vector<1280x16xi32>
    %convert_element_type3A = arith.sitofp %iota3A : vector<1280x16xi32> to vector<1280x16xf32>
    %mul3A = arith.constant 0.277777791 : f32
    %mul3A_4 = vector.broadcast %mul3A : f32 to vector<1280x16xf32>
    %mul3A_5 = arith.mulf %convert_element_type3A, %mul3A_4 : vector<1280x16xf32>
    %sub3A = vector.broadcast %sqrt3A : vector<1280x1xf32> to vector<1280x16xf32>
    %sub3A_6 = arith.subf %sub3A, %mul3A_5 : vector<1280x16xf32>
    %mul3A_7 = arith.constant 3.600000e+00 : f32
    %mul3A_8 = vector.broadcast %mul3A_7 : f32 to vector<1280x16xf32>
    %mul3A_9 = arith.mulf %sub3A_6, %mul3A_8 : vector<1280x16xf32>
    %lt3A = arith.constant 10 : i32
    %lt3A_10 = vector.broadcast %lt3A : i32 to vector<1280x16xi32>
    %lt3A_11 = arith.cmpi slt, %iota3A, %lt3A_10 : vector<1280x16xi32>
    %mul3A_12 = arith.mulf %mul3A_9, %mul3A_9 : vector<1280x16xf32>
    %neg3A = arith.constant 0.000000e+00 : f32
    %neg3A_13 = vector.broadcast %neg3A : f32 to vector<1280x16xf32>
    %neg3A_14 = arith.subf %neg3A_13, %mul3A_12 : vector<1280x16xf32>
    %exp3A = math.exp %neg3A_14 : vector<1280x16xf32>
    %mul3A_15 = arith.constant 0.892857134 : f32
    %mul3A_16 = vector.broadcast %mul3A_15 : f32 to vector<1280x16xf32>
    %mul3A_17 = arith.mulf %exp3A, %mul3A_16 : vector<1280x16xf32>
    %jit3A = arith.constant 0.000000e+00 : f32
    %broadcast_in_dim3A = vector.broadcast %jit3A : f32 to vector<1280x16xf32>
    %select_n3A = arith.select %lt3A_11, %mul3A_17, %broadcast_in_dim3A : vector<1280x16xi1>, vector<1280x16xf32>
    %get3A_18 = arith.constant 0 : index
    %get3A_19 = arith.constant 0 : index
    %get3A_20 = vector.load %arg2[%get3A_18, %get3A_19] : memref<16x128xf32, #tpu.memory_space<vmem>>, vector<16x128xf32>
    %dot_general3A = arith.constant dense<0.000000e+00> : vector<1280x128xf32>
    %dot_general3A_21 = tpu.matmul %select_n3A, %get3A_20, %dot_general3A {dimension_numbers = #tpu.dot_dimension_numbers<[1], [0], [0], [1], [0, 0, 1, 1], [], []>, transpose_lhs_hint = false} : vector<1280x16xf32>, vector<16x128xf32>, vector<1280x128xf32> -> vector<1280x128xf32>
    %logistic3A = arith.negf %dot_general3A_21 : vector<1280x128xf32>
    %logistic3A_22 = math.exp %logistic3A : vector<1280x128xf32>
    %logistic3A_23 = arith.constant 1.000000e+00 : f32
    %logistic3A_24 = vector.broadcast %logistic3A_23 : f32 to vector<1280x128xf32>
    %logistic3A_25 = arith.addf %logistic3A_24, %logistic3A_22 : vector<1280x128xf32>
    %logistic3A_26 = arith.divf %logistic3A_24, %logistic3A_25 : vector<1280x128xf32>
    %mul3A_27 = arith.mulf %dot_general3A_21, %logistic3A_26 : vector<1280x128xf32>
    %mul3A_28 = arith.constant 4.000000e-01 : f32
    %mul3A_29 = vector.broadcast %mul3A_28 : f32 to vector<1280x1xf32>
    %mul3A_30 = arith.mulf %sqrt3A, %mul3A_29 : vector<1280x1xf32>
    %sub3A_31 = arith.constant 1.000000e+00 : f32
    %sub3A_32 = vector.broadcast %sub3A_31 : f32 to vector<1280x1xf32>
    %sub3A_33 = arith.subf %mul3A_30, %sub3A_32 : vector<1280x1xf32>
    %mul3A_34 = arith.constant 2.000000e+00 : f32
    %mul3A_35 = vector.broadcast %mul3A_34 : f32 to vector<1280x1xf32>
    %mul3A_36 = arith.mulf %mul3A_35, %sub3A_33 : vector<1280x1xf32>
    %mul3A_37 = arith.constant 3.14159274 : f32
    %mul3A_38 = vector.broadcast %mul3A_37 : f32 to vector<1280x1xf32>
    %mul3A_39 = arith.mulf %mul3A_38, %mul3A_36 : vector<1280x1xf32>
    %cos3A = math.cos %mul3A_39 : vector<1280x1xf32>
    %sub3A_40 = arith.constant 1.000000e+00 : f32
    %sub3A_41 = vector.broadcast %sub3A_40 : f32 to vector<1280x1xf32>
    %sub3A_42 = arith.subf %sub3A_41, %cos3A : vector<1280x1xf32>
    %mul3A_43 = arith.constant 5.000000e-01 : f32
    %mul3A_44 = vector.broadcast %mul3A_43 : f32 to vector<1280x1xf32>
    %mul3A_45 = arith.mulf %sub3A_42, %mul3A_44 : vector<1280x1xf32>
    %gt3A = arith.constant 0.000000e+00 : f32
    %gt3A_46 = vector.broadcast %gt3A : f32 to vector<1280x1xf32>
    %gt3A_47 = arith.cmpf ogt, %mul3A_36, %gt3A_46 : vector<1280x1xf32>
    %jit3A_48 = arith.constant 0.000000e+00 : f32
    %broadcast_in_dim3A_49 = vector.broadcast %jit3A_48 : f32 to vector<1280x1xf32>
    %select_n3A_50 = arith.select %gt3A_47, %broadcast_in_dim3A_49, %mul3A_45 : vector<1280x1xi1>, vector<1280x1xf32>
    %lt3A_51 = arith.constant -1.000000e+00 : f32
    %lt3A_52 = vector.broadcast %lt3A_51 : f32 to vector<1280x1xf32>
    %lt3A_53 = arith.cmpf olt, %mul3A_36, %lt3A_52 : vector<1280x1xf32>
    %jit3A_54 = arith.constant 1.000000e+00 : f32
    %broadcast_in_dim3A_55 = vector.broadcast %jit3A_54 : f32 to vector<1280x1xf32>
    %select_n3A_56 = arith.select %lt3A_53, %broadcast_in_dim3A_55, %select_n3A_50 : vector<1280x1xi1>, vector<1280x1xf32>
    %mul3A_57 = vector.broadcast %select_n3A_56 : vector<1280x1xf32> to vector<1280x128xf32>
    %mul3A_58 = arith.mulf %mul3A_27, %mul3A_57 : vector<1280x128xf32>
    %get3A_59 = arith.constant 0 : index
    %get3A_60 = arith.constant 0 : index
    %get3A_61 = vector.load %arg3[%get3A_59, %get3A_60] : memref<128x128xf32, #tpu.memory_space<vmem>>, vector<128x128xf32>
    %dot_general3A_62 = arith.constant dense<0.000000e+00> : vector<1280x128xf32>
    %dot_general3A_63 = tpu.matmul %mul3A_58, %get3A_61, %dot_general3A_62 {dimension_numbers = #tpu.dot_dimension_numbers<[1], [0], [0], [1], [0, 0, 1, 1], [], []>, transpose_lhs_hint = false} : vector<1280x128xf32>, vector<128x128xf32>, vector<1280x128xf32> -> vector<1280x128xf32>
    %mul3A_64 = arith.constant 0.0883883461 : f32
    %mul3A_65 = vector.broadcast %mul3A_64 : f32 to vector<1280x128xf32>
    %mul3A_66 = arith.mulf %dot_general3A_63, %mul3A_65 : vector<1280x128xf32>
    %swap3A = arith.constant 0 : index
    %swap3A_67 = arith.constant 0 : index
    %swap3A_68 = vector.load %arg4[%swap3A, %swap3A_67] : memref<1280x128xf32, #tpu.memory_space<vmem>>, vector<1280x128xf32>
    tpu.vector_store %arg4[%swap3A, %swap3A_67], %mul3A_66 {strides = array<i32>} : memref<1280x128xf32, #tpu.memory_space<vmem>>, vector<1280x128xf32>,
    return
  }
  func.func @transform_0(%arg0: i32) -> (i32, i32) {
    %c0_i32 = arith.constant 0 : i32
    %c0_i32_0 = arith.constant 0 : i32
    return %arg0, %c0_i32 : i32, i32
  }
  func.func @transform_1(%arg0: i32) -> (i32, i32) {
    %c0_i32 = arith.constant 0 : i32
    %c0_i32_0 = arith.constant 0 : i32
    %c0_i32_1 = arith.constant 0 : i32
    return %c0_i32, %c0_i32_0 : i32, i32
  }
  func.func @transform_2(%arg0: i32) -> (i32, i32) {
    %c0_i32 = arith.constant 0 : i32
    %c0_i32_0 = arith.constant 0 : i32
    %c0_i32_1 = arith.constant 0 : i32
    return %c0_i32, %c0_i32_0 : i32, i32
  }
  func.func @transform_3(%arg0: i32) -> (i32, i32) {
    %c0_i32 = arith.constant 0 : i32
    %c0_i32_0 = arith.constant 0 : i32
    return %arg0, %c0_i32 : i32, i32
  }
}

module attributes {stable_mosaic.version = 14 : i64} {
  func.func @_a1_body(%arg0: i32, %arg1: memref<400x128xf32, #tpu.memory_space<vmem>>, %arg2: memref<1x128xf32, #tpu.memory_space<vmem>>, %arg3: memref<128x128xf32, #tpu.memory_space<vmem>>, %arg4: memref<128x128xf32, #tpu.memory_space<vmem>>, %arg5: memref<400x128xf32, #tpu.memory_space<vmem>>, %arg6: memref<400x128xf32, #tpu.memory_space<vmem>>) attributes {dimension_semantics = [#tpu.dimension_semantics<arbitrary>], iteration_bounds = array<i64: 25>, scalar_prefetch = 0 : i64, scratch_operands = 0 : i64, tpu.core_type = #tpu.core_type<tc>, window_params = [{transform_indices = @transform_0, window_bounds = array<i64: 400, 128>}, {pipeline_mode = #tpu.pipeline_mode<synchronous>, transform_indices = @transform_1, window_bounds = array<i64: 1, 128>}, {pipeline_mode = #tpu.pipeline_mode<synchronous>, transform_indices = @transform_2, window_bounds = array<i64: 128, 128>}, {pipeline_mode = #tpu.pipeline_mode<synchronous>, transform_indices = @transform_3, window_bounds = array<i64: 128, 128>}, {transform_indices = @transform_4, window_bounds = array<i64: 400, 128>}, {transform_indices = @transform_5, window_bounds = array<i64: 400, 128>}]} {
    %get3A = arith.constant 0 : index
    %get3A_0 = arith.constant 0 : index
    %get3A_1 = vector.load %arg1[%get3A, %get3A_0] : memref<400x128xf32, #tpu.memory_space<vmem>>, vector<400x128xf32>
    %get3A_2 = arith.constant 0 : index
    %get3A_3 = arith.constant 0 : index
    %get3A_4 = vector.load %arg2[%get3A_2, %get3A_3] : memref<1x128xf32, #tpu.memory_space<vmem>>, vector<1x128xf32>
    %add3A = vector.broadcast %get3A_4 : vector<1x128xf32> to vector<400x128xf32>
    %add3A_5 = arith.addf %get3A_1, %add3A : vector<400x128xf32>
    %get3A_6 = arith.constant 0 : index
    %get3A_7 = arith.constant 0 : index
    %get3A_8 = vector.load %arg3[%get3A_6, %get3A_7] : memref<128x128xf32, #tpu.memory_space<vmem>>, vector<128x128xf32>
    %dot_general3A = arith.constant dense<0.000000e+00> : vector<400x128xf32>
    %dot_general3A_9 = tpu.matmul %add3A_5, %get3A_8, %dot_general3A {dimension_numbers = #tpu.dot_dimension_numbers<[1], [0], [0], [1], [0, 0, 1, 1], [], []>, transpose_lhs_hint = false} : vector<400x128xf32>, vector<128x128xf32>, vector<400x128xf32> -> vector<400x128xf32>
    %mul3A = arith.constant 0.0338247567 : f32
    %mul3A_10 = vector.broadcast %mul3A : f32 to vector<400x128xf32>
    %mul3A_11 = arith.mulf %dot_general3A_9, %mul3A_10 : vector<400x128xf32>
    %swap3A = arith.constant 0 : index
    %swap3A_12 = arith.constant 0 : index
    %swap3A_13 = vector.load %arg5[%swap3A, %swap3A_12] : memref<400x128xf32, #tpu.memory_space<vmem>>, vector<400x128xf32>
    tpu.vector_store %arg5[%swap3A, %swap3A_12], %mul3A_11 {strides = array<i32>} : memref<400x128xf32, #tpu.memory_space<vmem>>, vector<400x128xf32>,
    %get3A_14 = arith.constant 0 : index
    %get3A_15 = arith.constant 0 : index
    %get3A_16 = vector.load %arg4[%get3A_14, %get3A_15] : memref<128x128xf32, #tpu.memory_space<vmem>>, vector<128x128xf32>
    %dot_general3A_17 = arith.constant dense<0.000000e+00> : vector<400x128xf32>
    %dot_general3A_18 = tpu.matmul %add3A_5, %get3A_16, %dot_general3A_17 {dimension_numbers = #tpu.dot_dimension_numbers<[1], [0], [0], [1], [0, 0, 1, 1], [], []>, transpose_lhs_hint = false} : vector<400x128xf32>, vector<128x128xf32>, vector<400x128xf32> -> vector<400x128xf32>
    %mul3A_19 = arith.constant 0.0883883461 : f32
    %mul3A_20 = vector.broadcast %mul3A_19 : f32 to vector<400x128xf32>
    %mul3A_21 = arith.mulf %dot_general3A_18, %mul3A_20 : vector<400x128xf32>
    %swap3A_22 = arith.constant 0 : index
    %swap3A_23 = arith.constant 0 : index
    %swap3A_24 = vector.load %arg6[%swap3A_22, %swap3A_23] : memref<400x128xf32, #tpu.memory_space<vmem>>, vector<400x128xf32>
    tpu.vector_store %arg6[%swap3A_22, %swap3A_23], %mul3A_21 {strides = array<i32>} : memref<400x128xf32, #tpu.memory_space<vmem>>, vector<400x128xf32>,
    return
  }
  func.func @transform_0(%arg0: i32) -> (i32, i32) {
    %c0_i32 = arith.constant 0 : i32
    %c0_i32_0 = arith.constant 0 : i32
    return %arg0, %c0_i32 : i32, i32
  }
  func.func @transform_1(%arg0: i32) -> (i32, i32) {
    %c0_i32 = arith.constant 0 : i32
    %c0_i32_0 = arith.constant 0 : i32
    %c0_i32_1 = arith.constant 0 : i32
    return %c0_i32, %c0_i32_0 : i32, i32
  }
  func.func @transform_2(%arg0: i32) -> (i32, i32) {
    %c0_i32 = arith.constant 0 : i32
    %c0_i32_0 = arith.constant 0 : i32
    %c0_i32_1 = arith.constant 0 : i32
    return %c0_i32, %c0_i32_0 : i32, i32
  }
  func.func @transform_3(%arg0: i32) -> (i32, i32) {
    %c0_i32 = arith.constant 0 : i32
    %c0_i32_0 = arith.constant 0 : i32
    %c0_i32_1 = arith.constant 0 : i32
    return %c0_i32, %c0_i32_0 : i32, i32
  }
  func.func @transform_4(%arg0: i32) -> (i32, i32) {
    %c0_i32 = arith.constant 0 : i32
    %c0_i32_0 = arith.constant 0 : i32
    return %arg0, %c0_i32 : i32, i32
  }
  func.func @transform_5(%arg0: i32) -> (i32, i32) {
    %c0_i32 = arith.constant 0 : i32
    %c0_i32_0 = arith.constant 0 : i32
    return %arg0, %c0_i32 : i32, i32
  }
}

module attributes {stable_mosaic.version = 14 : i64} {
  func.func @_k3_body(%arg0: i32, %arg1: memref<2x400x128xf32, #tpu.memory_space<vmem>>, %arg2: memref<400x128xf32, #tpu.memory_space<vmem>>, %arg3: memref<128x128xf32, #tpu.memory_space<vmem>>, %arg4: memref<128x128xf32, #tpu.memory_space<vmem>>, %arg5: memref<400x128xf32, #tpu.memory_space<vmem>>) attributes {dimension_semantics = [#tpu.dimension_semantics<arbitrary>], iteration_bounds = array<i64: 25>, scalar_prefetch = 0 : i64, scratch_operands = 0 : i64, tpu.core_type = #tpu.core_type<tc>, window_params = [{transform_indices = @transform_0, window_bounds = array<i64: 2, 400, 128>}, {transform_indices = @transform_1, window_bounds = array<i64: 400, 128>}, {pipeline_mode = #tpu.pipeline_mode<synchronous>, transform_indices = @transform_2, window_bounds = array<i64: 128, 128>}, {pipeline_mode = #tpu.pipeline_mode<synchronous>, transform_indices = @transform_3, window_bounds = array<i64: 128, 128>}, {transform_indices = @transform_4, window_bounds = array<i64: 400, 128>}]} {
    %get3A = arith.constant 0 : index
    %get3A_0 = arith.constant 0 : index
    %get3A_1 = arith.constant 0 : index
    %get3A_2 = vector.load %arg1[%get3A, %get3A_0, %get3A_1] : memref<2x400x128xf32, #tpu.memory_space<vmem>>, vector<1x400x128xf32>
    %get3A_3 = vector.shape_cast %get3A_2 : vector<1x400x128xf32> to vector<400x128xf32>
    %get3A_4 = arith.constant 1 : index
    %get3A_5 = arith.constant 0 : index
    %get3A_6 = arith.constant 0 : index
    %get3A_7 = vector.load %arg1[%get3A_4, %get3A_5, %get3A_6] : memref<2x400x128xf32, #tpu.memory_space<vmem>>, vector<1x400x128xf32>
    %get3A_8 = vector.shape_cast %get3A_7 : vector<1x400x128xf32> to vector<400x128xf32>
    %add3A = arith.addf %get3A_3, %get3A_8 : vector<400x128xf32>
    %get3A_9 = arith.constant 0 : index
    %get3A_10 = arith.constant 0 : index
    %get3A_11 = vector.load %arg3[%get3A_9, %get3A_10] : memref<128x128xf32, #tpu.memory_space<vmem>>, vector<128x128xf32>
    %dot_general3A = arith.constant dense<0.000000e+00> : vector<400x128xf32>
    %dot_general3A_12 = tpu.matmul %add3A, %get3A_11, %dot_general3A {dimension_numbers = #tpu.dot_dimension_numbers<[1], [0], [0], [1], [0, 0, 1, 1], [], []>, transpose_lhs_hint = false} : vector<400x128xf32>, vector<128x128xf32>, vector<400x128xf32> -> vector<400x128xf32>
    %mul3A = arith.constant 0.0144356173 : f32
    %mul3A_13 = vector.broadcast %mul3A : f32 to vector<400x128xf32>
    %mul3A_14 = arith.mulf %dot_general3A_12, %mul3A_13 : vector<400x128xf32>
    %get3A_15 = arith.constant 0 : index
    %get3A_16 = arith.constant 0 : index
    %get3A_17 = vector.load %arg2[%get3A_15, %get3A_16] : memref<400x128xf32, #tpu.memory_space<vmem>>, vector<400x128xf32>
    %add3A_18 = arith.addf %get3A_17, %mul3A_14 : vector<400x128xf32>
    %logistic3A = arith.negf %add3A_18 : vector<400x128xf32>
    %logistic3A_19 = math.exp %logistic3A : vector<400x128xf32>
    %logistic3A_20 = arith.constant 1.000000e+00 : f32
    %logistic3A_21 = vector.broadcast %logistic3A_20 : f32 to vector<400x128xf32>
    %logistic3A_22 = arith.addf %logistic3A_21, %logistic3A_19 : vector<400x128xf32>
    %logistic3A_23 = arith.divf %logistic3A_21, %logistic3A_22 : vector<400x128xf32>
    %mul3A_24 = arith.mulf %add3A_18, %logistic3A_23 : vector<400x128xf32>
    %swap3A = arith.constant 0 : index
    %swap3A_25 = arith.constant 0 : index
    %swap3A_26 = vector.load %arg5[%swap3A, %swap3A_25] : memref<400x128xf32, #tpu.memory_space<vmem>>, vector<400x128xf32>
    tpu.vector_store %arg5[%swap3A, %swap3A_25], %mul3A_24 {strides = array<i32>} : memref<400x128xf32, #tpu.memory_space<vmem>>, vector<400x128xf32>,
    return
  }
  func.func @transform_0(%arg0: i32) -> (i32, i32, i32) {
    %c0_i32 = arith.constant 0 : i32
    %c0_i32_0 = arith.constant 0 : i32
    %c0_i32_1 = arith.constant 0 : i32
    return %c0_i32, %arg0, %c0_i32_0 : i32, i32, i32
  }
  func.func @transform_1(%arg0: i32) -> (i32, i32) {
    %c0_i32 = arith.constant 0 : i32
    %c0_i32_0 = arith.constant 0 : i32
    return %arg0, %c0_i32 : i32, i32
  }
  func.func @transform_2(%arg0: i32) -> (i32, i32) {
    %c0_i32 = arith.constant 0 : i32
    %c0_i32_0 = arith.constant 0 : i32
    %c0_i32_1 = arith.constant 0 : i32
    return %c0_i32, %c0_i32_0 : i32, i32
  }
  func.func @transform_3(%arg0: i32) -> (i32, i32) {
    %c0_i32 = arith.constant 0 : i32
    %c0_i32_0 = arith.constant 0 : i32
    %c0_i32_1 = arith.constant 0 : i32
    return %c0_i32, %c0_i32_0 : i32, i32
  }
  func.func @transform_4(%arg0: i32) -> (i32, i32) {
    %c0_i32 = arith.constant 0 : i32
    %c0_i32_0 = arith.constant 0 : i32
    return %arg0, %c0_i32 : i32, i32
  }
}

module attributes {stable_mosaic.version = 14 : i64} {
  func.func @_k3_body(%arg0: i32, %arg1: memref<2x400x128xf32, #tpu.memory_space<vmem>>, %arg2: memref<400x128xf32, #tpu.memory_space<vmem>>, %arg3: memref<128x128xf32, #tpu.memory_space<vmem>>, %arg4: memref<128x128xf32, #tpu.memory_space<vmem>>, %arg5: memref<400x128xf32, #tpu.memory_space<vmem>>) attributes {dimension_semantics = [#tpu.dimension_semantics<arbitrary>], iteration_bounds = array<i64: 25>, scalar_prefetch = 0 : i64, scratch_operands = 0 : i64, tpu.core_type = #tpu.core_type<tc>, window_params = [{transform_indices = @transform_0, window_bounds = array<i64: 2, 400, 128>}, {transform_indices = @transform_1, window_bounds = array<i64: 400, 128>}, {pipeline_mode = #tpu.pipeline_mode<synchronous>, transform_indices = @transform_2, window_bounds = array<i64: 128, 128>}, {pipeline_mode = #tpu.pipeline_mode<synchronous>, transform_indices = @transform_3, window_bounds = array<i64: 128, 128>}, {transform_indices = @transform_4, window_bounds = array<i64: 400, 128>}]} {
    %get3A = arith.constant 0 : index
    %get3A_0 = arith.constant 0 : index
    %get3A_1 = arith.constant 0 : index
    %get3A_2 = vector.load %arg1[%get3A, %get3A_0, %get3A_1] : memref<2x400x128xf32, #tpu.memory_space<vmem>>, vector<1x400x128xf32>
    %get3A_3 = vector.shape_cast %get3A_2 : vector<1x400x128xf32> to vector<400x128xf32>
    %get3A_4 = arith.constant 1 : index
    %get3A_5 = arith.constant 0 : index
    %get3A_6 = arith.constant 0 : index
    %get3A_7 = vector.load %arg1[%get3A_4, %get3A_5, %get3A_6] : memref<2x400x128xf32, #tpu.memory_space<vmem>>, vector<1x400x128xf32>
    %get3A_8 = vector.shape_cast %get3A_7 : vector<1x400x128xf32> to vector<400x128xf32>
    %add3A = arith.addf %get3A_3, %get3A_8 : vector<400x128xf32>
    %get3A_9 = arith.constant 0 : index
    %get3A_10 = arith.constant 0 : index
    %get3A_11 = vector.load %arg3[%get3A_9, %get3A_10] : memref<128x128xf32, #tpu.memory_space<vmem>>, vector<128x128xf32>
    %dot_general3A = arith.constant dense<0.000000e+00> : vector<400x128xf32>
    %dot_general3A_12 = tpu.matmul %add3A, %get3A_11, %dot_general3A {dimension_numbers = #tpu.dot_dimension_numbers<[1], [0], [0], [1], [0, 0, 1, 1], [], []>, transpose_lhs_hint = false} : vector<400x128xf32>, vector<128x128xf32>, vector<400x128xf32> -> vector<400x128xf32>
    %mul3A = arith.constant 0.0144356173 : f32
    %mul3A_13 = vector.broadcast %mul3A : f32 to vector<400x128xf32>
    %mul3A_14 = arith.mulf %dot_general3A_12, %mul3A_13 : vector<400x128xf32>
    %get3A_15 = arith.constant 0 : index
    %get3A_16 = arith.constant 0 : index
    %get3A_17 = vector.load %arg2[%get3A_15, %get3A_16] : memref<400x128xf32, #tpu.memory_space<vmem>>, vector<400x128xf32>
    %add3A_18 = arith.addf %get3A_17, %mul3A_14 : vector<400x128xf32>
    %get3A_19 = arith.constant 0 : index
    %get3A_20 = arith.constant 0 : index
    %get3A_21 = vector.load %arg4[%get3A_19, %get3A_20] : memref<128x128xf32, #tpu.memory_space<vmem>>, vector<128x128xf32>
    %dot_general3A_22 = arith.constant dense<0.000000e+00> : vector<400x128xf32>
    %dot_general3A_23 = tpu.matmul %add3A_18, %get3A_21, %dot_general3A_22 {dimension_numbers = #tpu.dot_dimension_numbers<[1], [0], [0], [1], [0, 0, 1, 1], [], []>, transpose_lhs_hint = false} : vector<400x128xf32>, vector<128x128xf32>, vector<400x128xf32> -> vector<400x128xf32>
    %swap3A = arith.constant 0 : index
    %swap3A_24 = arith.constant 0 : index
    %swap3A_25 = vector.load %arg5[%swap3A, %swap3A_24] : memref<400x128xf32, #tpu.memory_space<vmem>>, vector<400x128xf32>
    tpu.vector_store %arg5[%swap3A, %swap3A_24], %dot_general3A_23 {strides = array<i32>} : memref<400x128xf32, #tpu.memory_space<vmem>>, vector<400x128xf32>,
    return
  }
  func.func @transform_0(%arg0: i32) -> (i32, i32, i32) {
    %c0_i32 = arith.constant 0 : i32
    %c0_i32_0 = arith.constant 0 : i32
    %c0_i32_1 = arith.constant 0 : i32
    return %c0_i32, %arg0, %c0_i32_0 : i32, i32, i32
  }
  func.func @transform_1(%arg0: i32) -> (i32, i32) {
    %c0_i32 = arith.constant 0 : i32
    %c0_i32_0 = arith.constant 0 : i32
    return %arg0, %c0_i32 : i32, i32
  }
  func.func @transform_2(%arg0: i32) -> (i32, i32) {
    %c0_i32 = arith.constant 0 : i32
    %c0_i32_0 = arith.constant 0 : i32
    %c0_i32_1 = arith.constant 0 : i32
    return %c0_i32, %c0_i32_0 : i32, i32
  }
  func.func @transform_3(%arg0: i32) -> (i32, i32) {
    %c0_i32 = arith.constant 0 : i32
    %c0_i32_0 = arith.constant 0 : i32
    %c0_i32_1 = arith.constant 0 : i32
    return %c0_i32, %c0_i32_0 : i32, i32
  }
  func.func @transform_4(%arg0: i32) -> (i32, i32) {
    %c0_i32 = arith.constant 0 : i32
    %c0_i32_0 = arith.constant 0 : i32
    return %arg0, %c0_i32 : i32, i32
  }
}

</mosaic_0001>

<sc_bundles>
// kernel: kernel.15.cloned.1.call-start
scs
__scs_entry_jumppad:
0x0: {  	(pc) =	sbr.rel $0x88, $3  }
0x1: {  	(tag) =	ssettag $0x0;
	lr =	simm.s32 $0x1  }
0x2: {  	[smem:$0x3F96] =	sst lr;
	_ =	strace $0xD0000000  }
0x3: {  	_ = 	snop  }
0x4: {  	_ = 	snop  }
0x5: {  	_ = 	snop  }
0x6: {  	_ = 	snop  }
0x7: {  	_ = 	snop  }
__scs_overlays_trampoline_lowered:
0x8: {  	[smem:$0x3FA5] =	sst s0  }
0x9: {  	[smem:$0x3FA6] =	sst s1  }
0xa: {  	[smem:$0x3FA7] =	sst s2  }
0xb: {  	[smem:$0x3FA8] =	sst s3  }
0xc: {  	[smem:$0x3FA9] =	sst s4  }
0xd: {  	[smem:$0x3FAA] =	sst s5  }
0xe: {  	[smem:$0x3FAB] =	sst s6  }
0xf: {  	[smem:$0x3FAC] =	sst s7  }
0x10: {  	[smem:$0x3FAD] =	sst s8  }
0x11: {  	[smem:$0x3FAE] =	sst s9;
	s0 =	simm.s32 @!p0 $0x0  }
0x12: {  	s1 =	sld [smem:$0x3F94];
	s0 =	simm.s32 @p0 $0x1  }
0x13: {  	[smem:$0x3FAF] =	sst s0;
	s0 =	simm.s32 @!p1 $0x0  }
0x14: {  	s2 =	sld [smem:$0x3F93];
	s0 =	simm.s32 @p1 $0x1  }
0x15: {  	[smem:$0x3FB0] =	sst s0;
	s0 =	simm.s32 @!p2 $0x0  }
0x16: {  	s3 =	sld [smem:$0x3FDB];
	s0 =	simm.s32 @p2 $0x1  }
0x17: {  	s4 =	simm.s32 $0x1BF5;
	[smem:$0x3FB2] =	sst s0  }
0x18: {  	s0 =	sld [smem:$0x3F95];
	_ =	swait.ge [sflag:s4], $0x0  }
0x19: {  	s7 =	sld [smem:$0x3F96]  }
0x1a: {  	s8 =	sadd.s32 $0xFFFFE003, lr  }
0x1b: {  	s9 =	sadd.s32 $0xFFFFFEF7, lr;
	s5 =	simm.s32 $0xFFFFFFFF;
	p2 =	slt.u32 s8, $0xFFFFF086  }
0x1c: {  	p1 =	slt.u32 s9, $0xF7A;
	s5 =	simm.s32 @!p2 $0x0  }
0x1d: {  	s5 =	simm.s32 @p1 $0x1;
	p0 =	seq.s32 s7, s2  }
0x1e: {  	s7 =	smul.u32 @!p0 $0xF7A, s2;
	p2 =	seq.s32 @!p0 s5, $0x0  }
0x1f: {  	s9 =	smul.u32 $0xF7A, s1;
	s8 =	simm.s32 @!p0 $0x1BF5;
	p2 =	por !p2, p0  }
0x20: {  	[sflag:s8] =	ssyncset.s32 @!p0 $0xFFFFF086;
	s6 =	sadd.s32 @!p0 s3, s7;
	s7 =	simm.s32 @!p0 $0x108  }
0x21: {  	s3 =	sadd.s32 s3, s9;
	s6 =	sadd.s32 @!p0 $0x88, s6;
	s7 =	simm.s32 @p2 $0x1082  }
0x22: {  	[simem:s7], [sflag:s8] =	dma.local @!p0 [hbm:s6], $0xF7A  }
0x23: {  	s9 =	sor.u32 $0xD0000000, s2;
	s6 =	simm.s32 $0x108;
	_ =	swait.ge @!p0 [sflag:s8], $0x0  }
0x24: {  	s3 =	sadd.s32 $0x88, s3;
	s6 =	simm.s32 @!p1 $0x1082;
	[sflag:s4] =	ssyncset.s32 $0xFFFFF086  }
0x25: {  	[simem:s6], [sflag:s4] =	dma.local [hbm:s3], $0xF7A  }
0x26: {  	[smem:$0x3F96] =	sst s1;
	(tag) =	ssettag s2;
	_ =	strace s9  }
0x27: {  	s1 =	sld [smem:$0x3FA6]  }
0x28: {  	s2 =	sld [smem:$0x3FA7]  }
0x29: {  	s4 =	sld [smem:$0x3FA9]  }
0x2a: {  	p0 =	seq.s32 s5, $0x0;
	s5 =	sld [smem:$0x3FAA]  }
0x2b: {  	s6 =	sld [smem:$0x3FAB]  }
0x2c: {  	s7 =	sld [smem:$0x3FAC]  }
0x2d: {  	s3 =	simm.s32 $0x108;
	s8 =	sld [smem:$0x3FAD]  }
0x2e: {  	s3 =	simm.s32 @!p0 $0x1082;
	s9 =	sld [smem:$0x3FAE]  }
0x2f: {  	lr =	sadd.s32 s0, s3;
	s0 =	sld [smem:$0x3FA5]  }
0x30: {  	s3 =	sld [smem:$0x3FA8]  }
0x31: {  	[smem:$0x3FB1] =	sst s10  }
0x32: {  	s10 =	sld [smem:$0x3FAF];
	_ =	sdelay $0x3  }
0x33: {  	p0 =	seq.s32 s10, $0x1;
	s10 =	sld [smem:$0x3FB1];
	_ =	sdelay $0x3  }
0x34: {  	[smem:$0x3FB1] =	sst s10  }
0x35: {  	s10 =	sld [smem:$0x3FB0];
	_ =	sdelay $0x3  }
0x36: {  	p1 =	seq.s32 s10, $0x1;
	s10 =	sld [smem:$0x3FB1];
	_ =	sdelay $0x3  }
0x37: {  	[smem:$0x3FB1] =	sst s10  }
0x38: {  	s10 =	sld [smem:$0x3FB2]  }
0x39: {  	_ = 	snop;
	(pc) =	sbr.ind lr, $3  }
0x3a: {  	_ = 	snop  }
0x3b: {  	_ = 	snop  }
0x3c: {  	p2 =	seq.s32 s10, $0x1;
	s10 =	sld [smem:$0x3FB1]  }
0x3d: {  	_ =	shalt  }
0x3e: {  	_ =	shalt  }
0x3f: {  	_ =	shalt  }
0x40: {  	_ =	shalt  }
0x41: {  	_ =	shalt  }
0x42: {  	_ =	shalt  }
0x43: {  	_ =	shalt  }
0x44: {  	_ =	shalt  }
0x45: {  	_ =	shalt  }
0x46: {  	_ =	shalt  }
0x47: {  	_ =	shalt  }
0x48: {  	_ =	shalt  }
0x49: {  	_ =	shalt  }
0x4a: {  	_ =	shalt  }
0x4b: {  	_ =	shalt  }
0x4c: {  	_ =	shalt  }
0x4d: {  	_ =	shalt  }
0x4e: {  	_ =	shalt  }
0x4f: {  	_ =	shalt  }
0x50: {  	_ =	shalt  }
0x51: {  	_ =	shalt  }
0x52: {  	_ =	shalt  }
0x53: {  	_ =	shalt  }
0x54: {  	_ =	shalt  }
0x55: {  	_ =	shalt  }
0x56: {  	_ =	shalt  }
0x57: {  	_ =	shalt  }
0x58: {  	_ =	shalt  }
0x59: {  	_ =	shalt  }
0x5a: {  	_ =	shalt  }
0x5b: {  	_ =	shalt  }
0x5c: {  	_ =	shalt  }
0x5d: {  	_ =	shalt  }
0x5e: {  	_ =	shalt  }
0x5f: {  	_ =	shalt  }
0x60: {  	_ =	shalt  }
0x61: {  	_ =	shalt  }
0x62: {  	_ =	shalt  }
0x63: {  	_ =	shalt  }
0x64: {  	_ =	shalt  }
0x65: {  	_ =	shalt  }
0x66: {  	_ =	shalt  }
0x67: {  	_ =	shalt  }
0x68: {  	_ =	shalt  }
0x69: {  	_ =	shalt  }
0x6a: {  	_ =	shalt  }
0x6b: {  	_ =	shalt  }
0x6c: {  	_ =	shalt  }
0x6d: {  	_ =	shalt  }
0x6e: {  	_ =	shalt  }
0x6f: {  	_ =	shalt  }
0x70: {  	_ =	shalt  }
0x71: {  	_ =	shalt  }
0x72: {  	_ =	shalt  }
0x73: {  	_ =	shalt  }
0x74: {  	_ =	shalt  }
0x75: {  	_ =	shalt  }
0x76: {  	_ =	shalt  }
0x77: {  	_ =	shalt  }
0x78: {  	_ =	shalt  }
0x79: {  	_ =	shalt  }
0x7a: {  	_ =	shalt  }
0x7b: {  	_ =	shalt  }
0x7c: {  	_ =	shalt  }
0x7d: {  	_ =	shalt  }
0x7e: {  	_ =	shalt  }
0x7f: {  	_ =	shalt  }
0x80: {  	_ =	shalt  }
0x81: {  	_ =	shalt  }
0x82: {  	_ =	shalt  }
0x83: {  	_ =	shalt  }
0x84: {  	_ =	shalt  }
0x85: {  	_ =	shalt  }
0x86: {  	_ =	shalt  }
0x87: {  	_ =	shalt  }
.Lfunc_end0:
.L_simem_size_0:
called_computation_lowered:
.L_overlay_start_0:
0x88: {  	s2 =	sld [smem:$0x3FD9]  }
0x89: {  	s3 =	sld [smem:$0x3FFE];
	_ =	sdelay $0x1  }
0x8a: {  	s1 =	srdreg.scid  }
0x8b: {  	s0 =	sand.u32 $0x1, s1  }
0x8c: {  	s17 =	sshll.u32 s0, $0xA;
	s2 =	sadd.s32 s3, s2  }
0x8d: {  	s2 =	sadd.s32 s2, s17  }
0x8e: {  	[smem:$0x3FBD] =	sst s2  }
0x8f: {  	_ = 	snop  }
0x90: {  	s2 =	sld [smem:$0x3FC8]  }
0x91: {  	s18 =	sld [smem:$0x3FC6];
	(tm) =	ssettm $0x1  }
0x92: {  	s4 =	sld [smem:$0x3FFB];
	_ =	sdelay $0x3  }
0x93: {  	_ =	strace s4  }
0x94: {  	s4 =	sld [smem:$0x3FFC];
	_ =	sdelay $0x3  }
0x95: {  	_ =	strace s4  }
0x96: {  	s4 =	sld [smem:$0x3FFD];
	_ =	sdelay $0x3  }
0x97: {  	_ =	strace s4  }
0x98: {  	_ =	strace $0x8FFFFFFF  }
0x99: {  	s19 =	sld [smem:$0x3FDB];
	_ =	sdelay $0x1  }
0x9a: {  	s5 =	simm.s32 $_scs_section_size  }
0x9b: {  	s6 =	simm.s32 $_size__tile_overlayer_lowered;
	s7 =	simm.s32 $_tile_overlayer_lowered  }
0x9c: {  	s22 =	simm.s32 $0x1BFF;
	s21 =	sshll.u32 s7, $0x1;
	s4 =	sadd.s32 s5, s19  }
0x9d: {  	s8 =	simm.s32 $0x0;
	s20 =	sshll.u32 s6, $0x1;
	s6 =	sadd.s32 s21, s4  }
0x9e: {  	[timem:s8], [sflag:s22] =	dma.local [hbm:s6], s20  }
0x9f: {  	_ =	swait.ge [sflag:s22], s20  }
0xa0: {  	s5 =	ssub.s32 $0x0, s20;
	[sflag:s22] =	ssyncset.done $0x0  }
0xa1: {  	[sflag:s22] =	ssyncadd.s32 s5;
	_ =	sdelay $0x1  }
0xa2: {  	s23 =	simm.s32 $0x1B8B  }
0xa3: {  	_ =	swait.ge [sflag:s23], $0x1  }
0xa4: {  	[sflag:s23] =	ssyncset.done $0x0  }
0xa5: {  	s25 =	simm.s32 $0x1B8E;
	s24 =	sld [smem:$0x3FFE];
	[sflag:s23] =	ssyncadd.s32 $0xFFFFFFFF  }
0xa6: {  	s26 =	simm.s32 $execute0_lowered;
	[smem:$0x3FD2] =	sst s25  }
0xa7: {  	s6 =	sshll.u32 s26, $0x1;
	_ =	strace $0x80000046;
	[dreg:$0x1] =	wrdreg $0xFFFFFFFF  }
0xa8: {  	s28 =	simm.s32 $_size_execute0_lowered;
	s4 =	sadd.s32 s4, s6;
	[dreg:$0x0] =	wrdreg $0x0  }
0xa9: {  	s6 =	sshll.u32 s28, $0x1;
	[dreg:$0x2] =	wrdreg s4  }
0xaa: {  	[dreg:$0x3] =	wrdreg s6  }
0xab: {  	[dreg:$0x4] =	wrdreg $0xC0  }
0xac: {  	_ =	task [dreg:s8], $0x5FFFF  }
0xad: {  	[dreg:$0x1] =	wrdreg $0xFFFFFFFF  }
0xae: {  	[dreg:$0x0] =	wrdreg $0x60  }
0xaf: {  	[dreg:$0x2] =	wrdreg s24  }
0xb0: {  	[dreg:$0x3] =	wrdreg s2  }
0xb1: {  	[dreg:$0x4] =	wrdreg s18  }
0xb2: {  	[dreg:$0x5] =	wrdreg $0x9  }
0xb3: {  	_ =	task.clear_ibuf [dreg:s8], $0x6FFFF;
	_ =	strace $0x90000046  }
0xb4: {  	s29 =	simm.s32 $0x9;
	_ =	strace $0x80000048  }
0xb5: {  	_ =	swait.ge [sflag:s29], $0x1  }
0xb6: {  	[sflag:s29] =	ssyncadd.s32 $0xFFFFFFFF  }
0xb7: {  	_ =	strace $0x90000048  }
0xb8: {  	_ =	sfence  }
0xb9: {  	s30 =	sld [smem:$0x0];
	_ =	sdelay $0x2  }
0xba: {  	s31 =	sshll.u32 s1, $0xD;
	s1 =	sshrl.u32 s1, $0x2  }
0xbb: {  	s3 =	sand.u32 $0x4000, s31;
	s1 =	sadd.s32 s1, s30  }
0xbc: {  	s0 =	sor.u32 s3, s0;
	s1 =	sshll.u32 s1, $0x11  }
0xbd: {  	s0 =	sor.u32 s1, s0  }
0xbe: {  	s0 =	sadd.s32 $0x8F2B, s0  }
0xbf: {  	[sflag:s0] =	ssyncadd.remote.s32 $0x1  }
0xc0: {  	_ =	sfence.sel $0xFFFF  }
0xc1: {  	[dreg:$0x0] =	wrdreg $0xFFFFFFFF;
	(pc) =	sbr.abs _section_cstart, $3  }
0xc2: {  	[dreg:$0x1] =	wrdreg $0xFFFFFFFF  }
0xc3: {  	_ =	task.clear_ibuf [dreg:s8], $0x2FFFF;
	_ =	strace $0x9FFFFFFF  }
0xc4: {  	(tm) =	ssettm $0x7FFFFFFF  }
0xc5: {  	_ =	shalt  }
tec
execute0_lowered:
.L_overlay_start_1:
0x0: {  	(tag) =	ssettag $0x1  }
0x1: {  	s7 =	rddreg [dreg:$0x0]  }
0x2: {  	s8 =	rddreg [dreg:$0x1]  }
0x3: {  	s1 =	rddreg [dreg:$0x2]  }
0x4: {  	s0 =	rddreg [dreg:$0x3];
	s3 =	simm.s32 $0x0;
	s2 =	srdreg.scid  }
0x5: {  	s15 =	simm.s32 $0x2F80;
	s16 =	simm.s32 $0x5700;
	s17 =	simm.s32 $0x400  }
0x6: {  	s18 =	simm.s32 $0x7E80;
	[smem:$0x7FF] =	sst s3;
	s9 =	sand.u32 $0x1, s2  }
0x7: {  	s2 =	stileid.u32;
	s4 =	sadd.s32 $0x38400, s7;
	s6 =	smul.u32 $0x64000, s9  }
0x8: {  	s5 =	sadd.s32 $0x37E00, s7;
	_ =	strace $0x80000047;
	s10 =	smul.u32 $0x6400, s2  }
0x9: {  	s11 =	smul.u32 $0x27100, s9;
	s13 =	sshll.u32 s9, $0x4;
	s9 =	ssub.s32 $0x2, s9  }
0xa: {  	s12 =	smul.u32 $0x2710, s2;
	s19 =	sor.u32 s2, s13;
	s31 =	sshrl.u32 s9, $0x1  }
0xb: {  	s13 =	simm.s32 $0x800;
	s10 =	sadd.s32 s10, s6;
	s28 =	smul.u32 $0x1900, s19  }
0xc: {  	s6 =	sadd.s32 $0x37800, s7;
	s26 =	sadd.s32 s12, s11;
	s29 =	smul.u32 $0x32, s19  }
0xd: {  	s9 =	ssub.s32 s9, s31;
	p0 =	sgt.u32 s19, $0x18;
	s10 =	sshrl.u32 s10, $0x3  }
0xe: {  	s19 =	simm.s32 $0x0;
	s25 =	sadd.s32 s10, s7;
	s10 =	sshrl.u32 s26, $0x3  }
0xf: {  	s9 =	smax.u32 s9, $0x1;
	s30 =	sadd.s32 s28, s7;
	s14 =	sadd.s32 s10, s7  }
0x10: {  	s7 =	sadd.s32 s8, s29;
	s8 =	sadd.s32 $0x42800, s30;
	s10 =	sadd.s32 $0x1E800, s25  }
0x11: {  	s11 =	sadd.s32 $0x5800, s25;
	s12 =	sadd.s32 $0x38A00, s14;
	s14 =	simm.s32 $0x1  }
.LBB2_1:
0x12: {  	[tilespmem:s13], [sflag:$0x1] =	stream.linear.gather [hbm4b:s4+s3], $0x2780, $0x38;
	[tilespmem:$0x14A80] =	vst v63  }
0x13: {  	_ =	swait.ge [sflag:s14], $0x2780  }
0x14: {  	[sflag:s14] =	ssyncset.done $0x0  }
0x15: {  	[sflag:s14] =	ssyncadd.s32 $0xFFFFD880  }
0x16: {  	[tilespmem:s15], [sflag:$0x1] =	stream.linear.gather [hbm4b:s5+s3], $0x2780, $0x38;
	[tilespmem:$0x14A80] =	vst v63  }
0x17: {  	_ =	swait.ge [sflag:s14], $0x2780  }
0x18: {  	[sflag:s14] =	ssyncset.done $0x0  }
0x19: {  	[sflag:s14] =	ssyncadd.s32 $0xFFFFD880  }
0x1a: {  	[tilespmem:s16], [sflag:$0x1] =	stream.linear.gather [hbm4b:s6+s3], $0x2780, $0x38;
	[tilespmem:$0x14A80] =	vst v63  }
0x1b: {  	_ =	swait.ge [sflag:s14], $0x2780  }
0x1c: {  	[sflag:s14] =	ssyncset.done $0x0  }
0x1d: {  	s20 =	smov.u32 s12;
	s21 =	simm.s32 $0x0;
	[sflag:s14] =	ssyncadd.s32 $0xFFFFD880  }
.LBB2_2:
0x1e: {  	s22 =	sadd.s32 s21, s11  }
0x1f: {  	[tilespmem:s3], [sflag:$0x1] =	stream.linear.gather [hbm4b:s22+s3], $0x280, $0x38;
	[tilespmem:$0x14A80] =	vst v63  }
0x20: {  	_ =	swait.ge [sflag:s14], $0x280  }
0x21: {  	[sflag:s14] =	ssyncset.done $0x0  }
0x22: {  	s31 =	sadd.s32 s21, s10;
	[sflag:s14] =	ssyncadd.s32 $0xFFFFFD80  }
0x23: {  	[tilespmem:s17], [sflag:$0x1] =	stream.linear.gather [hbm4b:s31+s3], $0x280, $0x38;
	[tilespmem:$0x14A80] =	vst v63  }
0x24: {  	_ =	swait.ge [sflag:s14], $0x280  }
0x25: {  	[sflag:s14] =	ssyncset.done $0x0  }
0x26: {  	[sflag:s14] =	ssyncadd.s32 $0xFFFFFD80  }
0x27: {  	v0 =	vld [tilespmem:$0x0]  }
0x28: {  	v1 =	vld [tilespmem:$0x400];
	_ =	sdelay $0x6  }
0x29: {  	v2 =	vld.idx.msk [tilespmem:v0+s13+$0x0], $0xffff  }
0x2a: {  	v3 =	vld.idx.msk [tilespmem:v1+s13+$0x0], $0xffff  }
0x2b: {  	v4 =	vld.idx.msk [tilespmem:v0+s15+$0x0], $0xffff  }
0x2c: {  	v5 =	vld.idx.msk [tilespmem:v1+s15+$0x0], $0xffff  }
0x2d: {  	v0 =	vld.idx.msk [tilespmem:v0+s16+$0x0], $0xffff  }
0x2e: {  	v1 =	vld.idx.msk [tilespmem:v1+s16+$0x0], $0xffff;
	_ =	sdelay $0x2  }
0x2f: {  	v2 =	vsub.f32 v2, v3;
	v62 =	vsub.f32 v4, v5  }
0x30: {  	v63 =	vld [tilespmem:$0x10]  }
0x31: {  	v9 =	vld [tilespmem:$0x410];
	v0 =	vsub.f32 v0, v1;
	v7 =	vmul.f32 v2, v2;
	v8 =	vmul.f32 v62, v62;
	_ =	sdelay $0x1  }
0x32: {  	v0 =	vmul.f32 v0, v0;
	v1 =	vadd.f32 v8, v7;
	_ =	sdelay $0x1  }
0x33: {  	v0 =	vadd.f32 v0, v1;
	_ =	sdelay $0x1  }
0x34: {  	[tilespmem:$0x7E80] =	vst v0  }
0x35: {  	v0 =	vld.idx.msk [tilespmem:v63+s13+$0x0], $0xffff  }
0x36: {  	v10 =	vld.idx.msk [tilespmem:v9+s13+$0x0], $0xffff  }
0x37: {  	v11 =	vld.idx.msk [tilespmem:v63+s15+$0x0], $0xffff  }
0x38: {  	v12 =	vld.idx.msk [tilespmem:v9+s15+$0x0], $0xffff  }
0x39: {  	v4 =	vld.idx.msk [tilespmem:v63+s16+$0x0], $0xffff  }
0x3a: {  	v3 =	vld.idx.msk [tilespmem:v9+s16+$0x0], $0xffff;
	_ =	sdelay $0x2  }
0x3b: {  	v0 =	vsub.f32 v0, v10;
	v13 =	vsub.f32 v11, v12  }
0x3c: {  	v14 =	vld [tilespmem:$0x20]  }
0x3d: {  	v15 =	vld [tilespmem:$0x420];
	v3 =	vsub.f32 v4, v3;
	v0 =	vmul.f32 v0, v0;
	v1 =	vmul.f32 v13, v13;
	_ =	sdelay $0x1  }
0x3e: {  	v16 =	vmul.f32 v3, v3;
	v0 =	vadd.f32 v1, v0;
	_ =	sdelay $0x1  }
0x3f: {  	v0 =	vadd.f32 v16, v0;
	_ =	sdelay $0x1  }
0x40: {  	[tilespmem:$0x7E90] =	vst v0  }
0x41: {  	v0 =	vld.idx.msk [tilespmem:v14+s13+$0x0], $0xffff  }
0x42: {  	v17 =	vld.idx.msk [tilespmem:v15+s13+$0x0], $0xffff  }
0x43: {  	v18 =	vld.idx.msk [tilespmem:v14+s15+$0x0], $0xffff  }
0x44: {  	v19 =	vld.idx.msk [tilespmem:v15+s15+$0x0], $0xffff  }
0x45: {  	v2 =	vld.idx.msk [tilespmem:v14+s16+$0x0], $0xffff  }
0x46: {  	v4 =	vld.idx.msk [tilespmem:v15+s16+$0x0], $0xffff;
	_ =	sdelay $0x2  }
0x47: {  	v0 =	vsub.f32 v0, v17;
	v20 =	vsub.f32 v18, v19  }
0x48: {  	v21 =	vld [tilespmem:$0x30]  }
0x49: {  	v22 =	vld [tilespmem:$0x430];
	v2 =	vsub.f32 v2, v4;
	v0 =	vmul.f32 v0, v0;
	v1 =	vmul.f32 v20, v20;
	_ =	sdelay $0x1  }
0x4a: {  	v23 =	vmul.f32 v2, v2;
	v0 =	vadd.f32 v1, v0;
	_ =	sdelay $0x1  }
0x4b: {  	v0 =	vadd.f32 v23, v0;
	_ =	sdelay $0x1  }
0x4c: {  	[tilespmem:$0x7EA0] =	vst v0  }
0x4d: {  	v0 =	vld.idx.msk [tilespmem:v21+s13+$0x0], $0xffff  }
0x4e: {  	v24 =	vld.idx.msk [tilespmem:v22+s13+$0x0], $0xffff  }
0x4f: {  	v25 =	vld.idx.msk [tilespmem:v21+s15+$0x0], $0xffff  }
0x50: {  	v26 =	vld.idx.msk [tilespmem:v22+s15+$0x0], $0xffff  }
0x51: {  	v3 =	vld.idx.msk [tilespmem:v21+s16+$0x0], $0xffff  }
0x52: {  	v4 =	vld.idx.msk [tilespmem:v22+s16+$0x0], $0xffff;
	_ =	sdelay $0x2  }
0x53: {  	v0 =	vsub.f32 v0, v24;
	v27 =	vsub.f32 v25, v26  }
0x54: {  	v28 =	vld [tilespmem:$0x40]  }
0x55: {  	v29 =	vld [tilespmem:$0x440];
	v3 =	vsub.f32 v3, v4;
	v0 =	vmul.f32 v0, v0;
	v1 =	vmul.f32 v27, v27;
	_ =	sdelay $0x1  }
0x56: {  	v30 =	vmul.f32 v3, v3;
	v0 =	vadd.f32 v1, v0;
	_ =	sdelay $0x1  }
0x57: {  	v0 =	vadd.f32 v30, v0;
	_ =	sdelay $0x1  }
0x58: {  	[tilespmem:$0x7EB0] =	vst v0  }
0x59: {  	v0 =	vld.idx.msk [tilespmem:v28+s13+$0x0], $0xffff  }
0x5a: {  	v31 =	vld.idx.msk [tilespmem:v29+s13+$0x0], $0xffff  }
0x5b: {  	v32 =	vld.idx.msk [tilespmem:v28+s15+$0x0], $0xffff  }
0x5c: {  	v33 =	vld.idx.msk [tilespmem:v29+s15+$0x0], $0xffff  }
0x5d: {  	v2 =	vld.idx.msk [tilespmem:v28+s16+$0x0], $0xffff  }
0x5e: {  	v4 =	vld.idx.msk [tilespmem:v29+s16+$0x0], $0xffff;
	_ =	sdelay $0x2  }
0x5f: {  	v0 =	vsub.f32 v0, v31;
	v34 =	vsub.f32 v32, v33  }
0x60: {  	v35 =	vld [tilespmem:$0x80]  }
0x61: {  	v36 =	vld [tilespmem:$0x480];
	v2 =	vsub.f32 v2, v4;
	v0 =	vmul.f32 v0, v0;
	v1 =	vmul.f32 v34, v34;
	_ =	sdelay $0x1  }
0x62: {  	v37 =	vmul.f32 v2, v2;
	v0 =	vadd.f32 v1, v0;
	_ =	sdelay $0x1  }
0x63: {  	v0 =	vadd.f32 v37, v0;
	_ =	sdelay $0x1  }
0x64: {  	[tilespmem:$0x7EC0] =	vst v0  }
0x65: {  	v0 =	vld.idx.msk [tilespmem:v35+s13+$0x0], $0xffff  }
0x66: {  	v38 =	vld.idx.msk [tilespmem:v36+s13+$0x0], $0xffff  }
0x67: {  	v39 =	vld.idx.msk [tilespmem:v35+s15+$0x0], $0xffff  }
0x68: {  	v40 =	vld.idx.msk [tilespmem:v36+s15+$0x0], $0xffff  }
0x69: {  	v3 =	vld.idx.msk [tilespmem:v35+s16+$0x0], $0xffff  }
0x6a: {  	v4 =	vld.idx.msk [tilespmem:v36+s16+$0x0], $0xffff;
	_ =	sdelay $0x2  }
0x6b: {  	v0 =	vsub.f32 v0, v38;
	v41 =	vsub.f32 v39, v40  }
0x6c: {  	v42 =	vld [tilespmem:$0x90]  }
0x6d: {  	v43 =	vld [tilespmem:$0x490];
	v3 =	vsub.f32 v3, v4;
	v0 =	vmul.f32 v0, v0;
	v1 =	vmul.f32 v41, v41;
	_ =	sdelay $0x1  }
0x6e: {  	v44 =	vmul.f32 v3, v3;
	v0 =	vadd.f32 v1, v0;
	_ =	sdelay $0x1  }
0x6f: {  	v0 =	vadd.f32 v44, v0;
	_ =	sdelay $0x1  }
0x70: {  	[tilespmem:$0x7ED0] =	vst v0  }
0x71: {  	v0 =	vld.idx.msk [tilespmem:v42+s13+$0x0], $0xffff  }
0x72: {  	v45 =	vld.idx.msk [tilespmem:v43+s13+$0x0], $0xffff  }
0x73: {  	v46 =	vld.idx.msk [tilespmem:v42+s15+$0x0], $0xffff  }
0x74: {  	v47 =	vld.idx.msk [tilespmem:v43+s15+$0x0], $0xffff  }
0x75: {  	v2 =	vld.idx.msk [tilespmem:v42+s16+$0x0], $0xffff  }
0x76: {  	v4 =	vld.idx.msk [tilespmem:v43+s16+$0x0], $0xffff;
	_ =	sdelay $0x2  }
0x77: {  	v0 =	vsub.f32 v0, v45;
	v48 =	vsub.f32 v46, v47  }
0x78: {  	v49 =	vld [tilespmem:$0xA0]  }
0x79: {  	v50 =	vld [tilespmem:$0x4A0];
	v2 =	vsub.f32 v2, v4;
	v0 =	vmul.f32 v0, v0;
	v1 =	vmul.f32 v48, v48;
	_ =	sdelay $0x1  }
0x7a: {  	v51 =	vmul.f32 v2, v2;
	v0 =	vadd.f32 v1, v0;
	_ =	sdelay $0x1  }
0x7b: {  	v0 =	vadd.f32 v51, v0;
	_ =	sdelay $0x1  }
0x7c: {  	[tilespmem:$0x7EE0] =	vst v0  }
0x7d: {  	v0 =	vld.idx.msk [tilespmem:v49+s13+$0x0], $0xffff  }
0x7e: {  	v52 =	vld.idx.msk [tilespmem:v50+s13+$0x0], $0xffff  }
0x7f: {  	v53 =	vld.idx.msk [tilespmem:v49+s15+$0x0], $0xffff  }
0x80: {  	v54 =	vld.idx.msk [tilespmem:v50+s15+$0x0], $0xffff  }
0x81: {  	v3 =	vld.idx.msk [tilespmem:v49+s16+$0x0], $0xffff  }
0x82: {  	v4 =	vld.idx.msk [tilespmem:v50+s16+$0x0], $0xffff;
	_ =	sdelay $0x2  }
0x83: {  	v0 =	vsub.f32 v0, v52;
	v55 =	vsub.f32 v53, v54  }
0x84: {  	v56 =	vld [tilespmem:$0xB0]  }
0x85: {  	v57 =	vld [tilespmem:$0x4B0];
	v3 =	vsub.f32 v3, v4;
	v0 =	vmul.f32 v0, v0;
	v1 =	vmul.f32 v55, v55;
	_ =	sdelay $0x1  }
0x86: {  	v58 =	vmul.f32 v3, v3;
	v0 =	vadd.f32 v1, v0;
	_ =	sdelay $0x1  }
0x87: {  	v0 =	vadd.f32 v58, v0;
	_ =	sdelay $0x1  }
0x88: {  	[tilespmem:$0x7EF0] =	vst v0  }
0x89: {  	v0 =	vld.idx.msk [tilespmem:v56+s13+$0x0], $0xffff  }
0x8a: {  	v59 =	vld.idx.msk [tilespmem:v57+s13+$0x0], $0xffff  }
0x8b: {  	v60 =	vld.idx.msk [tilespmem:v56+s15+$0x0], $0xffff  }
0x8c: {  	v61 =	vld.idx.msk [tilespmem:v57+s15+$0x0], $0xffff  }
0x8d: {  	v2 =	vld.idx.msk [tilespmem:v56+s16+$0x0], $0xffff  }
0x8e: {  	v4 =	vld.idx.msk [tilespmem:v57+s16+$0x0], $0xffff;
	_ =	sdelay $0x2  }
0x8f: {  	v0 =	vsub.f32 v0, v59;
	v62 =	vsub.f32 v60, v61  }
0x90: {  	v63 =	vld [tilespmem:$0xC0]  }
0x91: {  	v8 =	vld [tilespmem:$0x4C0];
	v2 =	vsub.f32 v2, v4;
	v0 =	vmul.f32 v0, v0;
	v1 =	vmul.f32 v62, v62;
	_ =	sdelay $0x1  }
0x92: {  	v9 =	vmul.f32 v2, v2;
	v0 =	vadd.f32 v1, v0;
	_ =	sdelay $0x1  }
0x93: {  	v0 =	vadd.f32 v9, v0;
	_ =	sdelay $0x1  }
0x94: {  	[tilespmem:$0x7F00] =	vst v0  }
0x95: {  	v0 =	vld.idx.msk [tilespmem:v63+s13+$0x0], $0xffff  }
0x96: {  	v10 =	vld.idx.msk [tilespmem:v8+s13+$0x0], $0xffff  }
0x97: {  	v11 =	vld.idx.msk [tilespmem:v63+s15+$0x0], $0xffff  }
0x98: {  	v12 =	vld.idx.msk [tilespmem:v8+s15+$0x0], $0xffff  }
0x99: {  	v3 =	vld.idx.msk [tilespmem:v63+s16+$0x0], $0xffff  }
0x9a: {  	v4 =	vld.idx.msk [tilespmem:v8+s16+$0x0], $0xffff;
	_ =	sdelay $0x2  }
0x9b: {  	v0 =	vsub.f32 v0, v10;
	v13 =	vsub.f32 v11, v12  }
0x9c: {  	v14 =	vld [tilespmem:$0x100]  }
0x9d: {  	v15 =	vld [tilespmem:$0x500];
	v3 =	vsub.f32 v3, v4;
	v0 =	vmul.f32 v0, v0;
	v1 =	vmul.f32 v13, v13;
	_ =	sdelay $0x1  }
0x9e: {  	v16 =	vmul.f32 v3, v3;
	v0 =	vadd.f32 v1, v0;
	_ =	sdelay $0x1  }
0x9f: {  	v0 =	vadd.f32 v16, v0;
	_ =	sdelay $0x1  }
0xa0: {  	[tilespmem:$0x7F10] =	vst v0  }
0xa1: {  	v0 =	vld.idx.msk [tilespmem:v14+s13+$0x0], $0xffff  }
0xa2: {  	v17 =	vld.idx.msk [tilespmem:v15+s13+$0x0], $0xffff  }
0xa3: {  	v18 =	vld.idx.msk [tilespmem:v14+s15+$0x0], $0xffff  }
0xa4: {  	v19 =	vld.idx.msk [tilespmem:v15+s15+$0x0], $0xffff  }
0xa5: {  	v2 =	vld.idx.msk [tilespmem:v14+s16+$0x0], $0xffff  }
0xa6: {  	v4 =	vld.idx.msk [tilespmem:v15+s16+$0x0], $0xffff;
	_ =	sdelay $0x2  }
0xa7: {  	v0 =	vsub.f32 v0, v17;
	v20 =	vsub.f32 v18, v19  }
0xa8: {  	v21 =	vld [tilespmem:$0x110]  }
0xa9: {  	v22 =	vld [tilespmem:$0x510];
	v2 =	vsub.f32 v2, v4;
	v0 =	vmul.f32 v0, v0;
	v1 =	vmul.f32 v20, v20;
	_ =	sdelay $0x1  }
0xaa: {  	v23 =	vmul.f32 v2, v2;
	v0 =	vadd.f32 v1, v0;
	_ =	sdelay $0x1  }
0xab: {  	v0 =	vadd.f32 v23, v0;
	_ =	sdelay $0x1  }
0xac: {  	[tilespmem:$0x7F20] =	vst v0  }
0xad: {  	v0 =	vld.idx.msk [tilespmem:v21+s13+$0x0], $0xffff  }
0xae: {  	v24 =	vld.idx.msk [tilespmem:v22+s13+$0x0], $0xffff  }
0xaf: {  	v25 =	vld.idx.msk [tilespmem:v21+s15+$0x0], $0xffff  }
0xb0: {  	v26 =	vld.idx.msk [tilespmem:v22+s15+$0x0], $0xffff  }
0xb1: {  	v3 =	vld.idx.msk [tilespmem:v21+s16+$0x0], $0xffff  }
0xb2: {  	v4 =	vld.idx.msk [tilespmem:v22+s16+$0x0], $0xffff;
	_ =	sdelay $0x2  }
0xb3: {  	v0 =	vsub.f32 v0, v24;
	v27 =	vsub.f32 v25, v26  }
0xb4: {  	v28 =	vld [tilespmem:$0x120]  }
0xb5: {  	v29 =	vld [tilespmem:$0x520];
	v3 =	vsub.f32 v3, v4;
	v0 =	vmul.f32 v0, v0;
	v1 =	vmul.f32 v27, v27;
	_ =	sdelay $0x1  }
0xb6: {  	v30 =	vmul.f32 v3, v3;
	v0 =	vadd.f32 v1, v0;
	_ =	sdelay $0x1  }
0xb7: {  	v0 =	vadd.f32 v30, v0;
	_ =	sdelay $0x1  }
0xb8: {  	[tilespmem:$0x7F30] =	vst v0  }
0xb9: {  	v0 =	vld.idx.msk [tilespmem:v28+s13+$0x0], $0xffff  }
0xba: {  	v31 =	vld.idx.msk [tilespmem:v29+s13+$0x0], $0xffff  }
0xbb: {  	v32 =	vld.idx.msk [tilespmem:v28+s15+$0x0], $0xffff  }
0xbc: {  	v33 =	vld.idx.msk [tilespmem:v29+s15+$0x0], $0xffff  }
0xbd: {  	v2 =	vld.idx.msk [tilespmem:v28+s16+$0x0], $0xffff  }
0xbe: {  	v4 =	vld.idx.msk [tilespmem:v29+s16+$0x0], $0xffff;
	_ =	sdelay $0x2  }
0xbf: {  	v0 =	vsub.f32 v0, v31;
	v34 =	vsub.f32 v32, v33  }
0xc0: {  	v35 =	vld [tilespmem:$0x130]  }
0xc1: {  	v36 =	vld [tilespmem:$0x530];
	v2 =	vsub.f32 v2, v4;
	v0 =	vmul.f32 v0, v0;
	v1 =	vmul.f32 v34, v34;
	_ =	sdelay $0x1  }
0xc2: {  	v37 =	vmul.f32 v2, v2;
	v0 =	vadd.f32 v1, v0;
	_ =	sdelay $0x1  }
0xc3: {  	v0 =	vadd.f32 v37, v0;
	_ =	sdelay $0x1  }
0xc4: {  	[tilespmem:$0x7F40] =	vst v0  }
0xc5: {  	v0 =	vld.idx.msk [tilespmem:v35+s13+$0x0], $0xffff  }
0xc6: {  	v38 =	vld.idx.msk [tilespmem:v36+s13+$0x0], $0xffff  }
0xc7: {  	v39 =	vld.idx.msk [tilespmem:v35+s15+$0x0], $0xffff  }
0xc8: {  	v40 =	vld.idx.msk [tilespmem:v36+s15+$0x0], $0xffff  }
0xc9: {  	v3 =	vld.idx.msk [tilespmem:v35+s16+$0x0], $0xffff  }
0xca: {  	v4 =	vld.idx.msk [tilespmem:v36+s16+$0x0], $0xffff;
	_ =	sdelay $0x2  }
0xcb: {  	v0 =	vsub.f32 v0, v38;
	v41 =	vsub.f32 v39, v40  }
0xcc: {  	v42 =	vld [tilespmem:$0x140]  }
0xcd: {  	v43 =	vld [tilespmem:$0x540];
	v3 =	vsub.f32 v3, v4;
	v0 =	vmul.f32 v0, v0;
	v1 =	vmul.f32 v41, v41;
	_ =	sdelay $0x1  }
0xce: {  	v44 =	vmul.f32 v3, v3;
	v0 =	vadd.f32 v1, v0;
	_ =	sdelay $0x1  }
0xcf: {  	v0 =	vadd.f32 v44, v0;
	_ =	sdelay $0x1  }
0xd0: {  	[tilespmem:$0x7F50] =	vst v0  }
0xd1: {  	v0 =	vld.idx.msk [tilespmem:v42+s13+$0x0], $0xffff  }
0xd2: {  	v45 =	vld.idx.msk [tilespmem:v43+s13+$0x0], $0xffff  }
0xd3: {  	v46 =	vld.idx.msk [tilespmem:v42+s15+$0x0], $0xffff  }
0xd4: {  	v47 =	vld.idx.msk [tilespmem:v43+s15+$0x0], $0xffff  }
0xd5: {  	v2 =	vld.idx.msk [tilespmem:v42+s16+$0x0], $0xffff  }
0xd6: {  	v4 =	vld.idx.msk [tilespmem:v43+s16+$0x0], $0xffff;
	_ =	sdelay $0x2  }
0xd7: {  	v0 =	vsub.f32 v0, v45;
	v48 =	vsub.f32 v46, v47  }
0xd8: {  	v49 =	vld [tilespmem:$0x180]  }
0xd9: {  	v50 =	vld [tilespmem:$0x580];
	v2 =	vsub.f32 v2, v4;
	v0 =	vmul.f32 v0, v0;
	v1 =	vmul.f32 v48, v48;
	_ =	sdelay $0x1  }
0xda: {  	v51 =	vmul.f32 v2, v2;
	v0 =	vadd.f32 v1, v0;
	_ =	sdelay $0x1  }
0xdb: {  	v0 =	vadd.f32 v51, v0;
	_ =	sdelay $0x1  }
0xdc: {  	[tilespmem:$0x7F60] =	vst v0  }
0xdd: {  	v0 =	vld.idx.msk [tilespmem:v49+s13+$0x0], $0xffff  }
0xde: {  	v52 =	vld.idx.msk [tilespmem:v50+s13+$0x0], $0xffff  }
0xdf: {  	v53 =	vld.idx.msk [tilespmem:v49+s15+$0x0], $0xffff  }
0xe0: {  	v54 =	vld.idx.msk [tilespmem:v50+s15+$0x0], $0xffff  }
0xe1: {  	v3 =	vld.idx.msk [tilespmem:v49+s16+$0x0], $0xffff  }
0xe2: {  	v4 =	vld.idx.msk [tilespmem:v50+s16+$0x0], $0xffff;
	_ =	sdelay $0x2  }
0xe3: {  	v0 =	vsub.f32 v0, v52;
	v55 =	vsub.f32 v53, v54  }
0xe4: {  	v56 =	vld [tilespmem:$0x190]  }
0xe5: {  	v57 =	vld [tilespmem:$0x590];
	v3 =	vsub.f32 v3, v4;
	v0 =	vmul.f32 v0, v0;
	v1 =	vmul.f32 v55, v55;
	_ =	sdelay $0x1  }
0xe6: {  	v58 =	vmul.f32 v3, v3;
	v0 =	vadd.f32 v1, v0;
	_ =	sdelay $0x1  }
0xe7: {  	v0 =	vadd.f32 v58, v0;
	_ =	sdelay $0x1  }
0xe8: {  	[tilespmem:$0x7F70] =	vst v0  }
0xe9: {  	v0 =	vld.idx.msk [tilespmem:v56+s13+$0x0], $0xffff  }
0xea: {  	v59 =	vld.idx.msk [tilespmem:v57+s13+$0x0], $0xffff  }
0xeb: {  	v60 =	vld.idx.msk [tilespmem:v56+s15+$0x0], $0xffff  }
0xec: {  	v61 =	vld.idx.msk [tilespmem:v57+s15+$0x0], $0xffff  }
0xed: {  	v2 =	vld.idx.msk [tilespmem:v56+s16+$0x0], $0xffff  }
0xee: {  	v4 =	vld.idx.msk [tilespmem:v57+s16+$0x0], $0xffff;
	_ =	sdelay $0x2  }
0xef: {  	v0 =	vsub.f32 v0, v59;
	v62 =	vsub.f32 v60, v61  }
0xf0: {  	v63 =	vld [tilespmem:$0x1A0]  }
0xf1: {  	v8 =	vld [tilespmem:$0x5A0];
	v2 =	vsub.f32 v2, v4;
	v0 =	vmul.f32 v0, v0;
	v1 =	vmul.f32 v62, v62;
	_ =	sdelay $0x1  }
0xf2: {  	v9 =	vmul.f32 v2, v2;
	v0 =	vadd.f32 v1, v0;
	_ =	sdelay $0x1  }
0xf3: {  	v0 =	vadd.f32 v9, v0;
	_ =	sdelay $0x1  }
0xf4: {  	[tilespmem:$0x7F80] =	vst v0  }
0xf5: {  	v0 =	vld.idx.msk [tilespmem:v63+s13+$0x0], $0xffff  }
0xf6: {  	v10 =	vld.idx.msk [tilespmem:v8+s13+$0x0], $0xffff  }
0xf7: {  	v11 =	vld.idx.msk [tilespmem:v63+s15+$0x0], $0xffff  }
0xf8: {  	v12 =	vld.idx.msk [tilespmem:v8+s15+$0x0], $0xffff  }
0xf9: {  	v3 =	vld.idx.msk [tilespmem:v63+s16+$0x0], $0xffff  }
0xfa: {  	v4 =	vld.idx.msk [tilespmem:v8+s16+$0x0], $0xffff;
	_ =	sdelay $0x2  }
0xfb: {  	v0 =	vsub.f32 v0, v10;
	v13 =	vsub.f32 v11, v12  }
0xfc: {  	v14 =	vld [tilespmem:$0x1B0]  }
0xfd: {  	v15 =	vld [tilespmem:$0x5B0];
	v3 =	vsub.f32 v3, v4;
	v0 =	vmul.f32 v0, v0;
	v1 =	vmul.f32 v13, v13;
	_ =	sdelay $0x1  }
0xfe: {  	v16 =	vmul.f32 v3, v3;
	v0 =	vadd.f32 v1, v0;
	_ =	sdelay $0x1  }
0xff: {  	v0 =	vadd.f32 v16, v0;
	_ =	sdelay $0x1  }
0x100: {  	[tilespmem:$0x7F90] =	vst v0  }
0x101: {  	v0 =	vld.idx.msk [tilespmem:v14+s13+$0x0], $0xffff  }
0x102: {  	v17 =	vld.idx.msk [tilespmem:v15+s13+$0x0], $0xffff  }
0x103: {  	v18 =	vld.idx.msk [tilespmem:v14+s15+$0x0], $0xffff  }
0x104: {  	v19 =	vld.idx.msk [tilespmem:v15+s15+$0x0], $0xffff  }
0x105: {  	v2 =	vld.idx.msk [tilespmem:v14+s16+$0x0], $0xffff  }
0x106: {  	v4 =	vld.idx.msk [tilespmem:v15+s16+$0x0], $0xffff;
	_ =	sdelay $0x2  }
0x107: {  	v0 =	vsub.f32 v0, v17;
	v20 =	vsub.f32 v18, v19  }
0x108: {  	v21 =	vld [tilespmem:$0x1C0]  }
0x109: {  	v22 =	vld [tilespmem:$0x5C0];
	v2 =	vsub.f32 v2, v4;
	v0 =	vmul.f32 v0, v0;
	v1 =	vmul.f32 v20, v20;
	_ =	sdelay $0x1  }
0x10a: {  	v23 =	vmul.f32 v2, v2;
	v0 =	vadd.f32 v1, v0;
	_ =	sdelay $0x1  }
0x10b: {  	v0 =	vadd.f32 v23, v0;
	_ =	sdelay $0x1  }
0x10c: {  	[tilespmem:$0x7FA0] =	vst v0  }
0x10d: {  	v0 =	vld.idx.msk [tilespmem:v21+s13+$0x0], $0xffff  }
0x10e: {  	v24 =	vld.idx.msk [tilespmem:v22+s13+$0x0], $0xffff  }
0x10f: {  	v25 =	vld.idx.msk [tilespmem:v21+s15+$0x0], $0xffff  }
0x110: {  	v26 =	vld.idx.msk [tilespmem:v22+s15+$0x0], $0xffff  }
0x111: {  	v3 =	vld.idx.msk [tilespmem:v21+s16+$0x0], $0xffff  }
0x112: {  	v4 =	vld.idx.msk [tilespmem:v22+s16+$0x0], $0xffff;
	_ =	sdelay $0x2  }
0x113: {  	v0 =	vsub.f32 v0, v24;
	v27 =	vsub.f32 v25, v26  }
0x114: {  	v28 =	vld [tilespmem:$0x200]  }
0x115: {  	v29 =	vld [tilespmem:$0x600];
	v3 =	vsub.f32 v3, v4;
	v0 =	vmul.f32 v0, v0;
	v1 =	vmul.f32 v27, v27;
	_ =	sdelay $0x1  }
0x116: {  	v30 =	vmul.f32 v3, v3;
	v0 =	vadd.f32 v1, v0;
	_ =	sdelay $0x1  }
0x117: {  	v0 =	vadd.f32 v30, v0;
	_ =	sdelay $0x1  }
0x118: {  	[tilespmem:$0x7FB0] =	vst v0  }
0x119: {  	v0 =	vld.idx.msk [tilespmem:v28+s13+$0x0], $0xffff  }
0x11a: {  	v31 =	vld.idx.msk [tilespmem:v29+s13+$0x0], $0xffff  }
0x11b: {  	v32 =	vld.idx.msk [tilespmem:v28+s15+$0x0], $0xffff  }
0x11c: {  	v33 =	vld.idx.msk [tilespmem:v29+s15+$0x0], $0xffff  }
0x11d: {  	v2 =	vld.idx.msk [tilespmem:v28+s16+$0x0], $0xffff  }
0x11e: {  	v4 =	vld.idx.msk [tilespmem:v29+s16+$0x0], $0xffff;
	_ =	sdelay $0x2  }
0x11f: {  	v0 =	vsub.f32 v0, v31;
	v34 =	vsub.f32 v32, v33  }
0x120: {  	v35 =	vld [tilespmem:$0x210]  }
0x121: {  	v36 =	vld [tilespmem:$0x610];
	v2 =	vsub.f32 v2, v4;
	v0 =	vmul.f32 v0, v0;
	v1 =	vmul.f32 v34, v34;
	_ =	sdelay $0x1  }
0x122: {  	v37 =	vmul.f32 v2, v2;
	v0 =	vadd.f32 v1, v0;
	_ =	sdelay $0x1  }
0x123: {  	v0 =	vadd.f32 v37, v0;
	_ =	sdelay $0x1  }
0x124: {  	[tilespmem:$0x7FC0] =	vst v0  }
0x125: {  	v0 =	vld.idx.msk [tilespmem:v35+s13+$0x0], $0xffff  }
0x126: {  	v38 =	vld.idx.msk [tilespmem:v36+s13+$0x0], $0xffff  }
0x127: {  	v39 =	vld.idx.msk [tilespmem:v35+s15+$0x0], $0xffff  }
0x128: {  	v40 =	vld.idx.msk [tilespmem:v36+s15+$0x0], $0xffff  }
0x129: {  	v3 =	vld.idx.msk [tilespmem:v35+s16+$0x0], $0xffff  }
0x12a: {  	v4 =	vld.idx.msk [tilespmem:v36+s16+$0x0], $0xffff;
	_ =	sdelay $0x2  }
0x12b: {  	v0 =	vsub.f32 v0, v38;
	v41 =	vsub.f32 v39, v40  }
0x12c: {  	v42 =	vld [tilespmem:$0x220]  }
0x12d: {  	v43 =	vld [tilespmem:$0x620];
	v3 =	vsub.f32 v3, v4;
	v0 =	vmul.f32 v0, v0;
	v1 =	vmul.f32 v41, v41;
	_ =	sdelay $0x1  }
0x12e: {  	v44 =	vmul.f32 v3, v3;
	v0 =	vadd.f32 v1, v0;
	_ =	sdelay $0x1  }
0x12f: {  	v0 =	vadd.f32 v44, v0;
	_ =	sdelay $0x1  }
0x130: {  	[tilespmem:$0x7FD0] =	vst v0  }
0x131: {  	v0 =	vld.idx.msk [tilespmem:v42+s13+$0x0], $0xffff  }
0x132: {  	v45 =	vld.idx.msk [tilespmem:v43+s13+$0x0], $0xffff  }
0x133: {  	v46 =	vld.idx.msk [tilespmem:v42+s15+$0x0], $0xffff  }
0x134: {  	v47 =	vld.idx.msk [tilespmem:v43+s15+$0x0], $0xffff  }
0x135: {  	v2 =	vld.idx.msk [tilespmem:v42+s16+$0x0], $0xffff  }
0x136: {  	v4 =	vld.idx.msk [tilespmem:v43+s16+$0x0], $0xffff;
	_ =	sdelay $0x2  }
0x137: {  	v0 =	vsub.f32 v0, v45;
	v48 =	vsub.f32 v46, v47  }
0x138: {  	v49 =	vld [tilespmem:$0x230]  }
0x139: {  	v50 =	vld [tilespmem:$0x630];
	v2 =	vsub.f32 v2, v4;
	v0 =	vmul.f32 v0, v0;
	v1 =	vmul.f32 v48, v48;
	_ =	sdelay $0x1  }
0x13a: {  	v51 =	vmul.f32 v2, v2;
	v0 =	vadd.f32 v1, v0;
	_ =	sdelay $0x1  }
0x13b: {  	v0 =	vadd.f32 v51, v0;
	_ =	sdelay $0x1  }
0x13c: {  	[tilespmem:$0x7FE0] =	vst v0  }
0x13d: {  	v0 =	vld.idx.msk [tilespmem:v49+s13+$0x0], $0xffff  }
0x13e: {  	v52 =	vld.idx.msk [tilespmem:v50+s13+$0x0], $0xffff  }
0x13f: {  	v53 =	vld.idx.msk [tilespmem:v49+s15+$0x0], $0xffff  }
0x140: {  	v54 =	vld.idx.msk [tilespmem:v50+s15+$0x0], $0xffff  }
0x141: {  	v3 =	vld.idx.msk [tilespmem:v49+s16+$0x0], $0xffff  }
0x142: {  	v4 =	vld.idx.msk [tilespmem:v50+s16+$0x0], $0xffff;
	_ =	sdelay $0x2  }
0x143: {  	v0 =	vsub.f32 v0, v52;
	v55 =	vsub.f32 v53, v54  }
0x144: {  	v56 =	vld [tilespmem:$0x240]  }
0x145: {  	v57 =	vld [tilespmem:$0x640];
	v3 =	vsub.f32 v3, v4;
	v0 =	vmul.f32 v0, v0;
	v1 =	vmul.f32 v55, v55;
	_ =	sdelay $0x1  }
0x146: {  	v58 =	vmul.f32 v3, v3;
	v0 =	vadd.f32 v1, v0;
	_ =	sdelay $0x1  }
0x147: {  	v0 =	vadd.f32 v58, v0;
	_ =	sdelay $0x1  }
0x148: {  	[tilespmem:$0x7FF0] =	vst v0  }
0x149: {  	v0 =	vld.idx.msk [tilespmem:v56+s13+$0x0], $0xffff  }
0x14a: {  	v59 =	vld.idx.msk [tilespmem:v57+s13+$0x0], $0xffff  }
0x14b: {  	v60 =	vld.idx.msk [tilespmem:v56+s15+$0x0], $0xffff  }
0x14c: {  	v61 =	vld.idx.msk [tilespmem:v57+s15+$0x0], $0xffff  }
0x14d: {  	v2 =	vld.idx.msk [tilespmem:v56+s16+$0x0], $0xffff  }
0x14e: {  	v4 =	vld.idx.msk [tilespmem:v57+s16+$0x0], $0xffff;
	_ =	sdelay $0x2  }
0x14f: {  	v0 =	vsub.f32 v0, v59;
	v62 =	vsub.f32 v60, v61;
	_ =	sdelay $0x1  }
0x150: {  	v2 =	vsub.f32 v2, v4;
	v0 =	vmul.f32 v0, v0;
	v1 =	vmul.f32 v62, v62;
	_ =	sdelay $0x1  }
0x151: {  	v63 =	vmul.f32 v2, v2;
	v0 =	vadd.f32 v1, v0;
	_ =	sdelay $0x1  }
0x152: {  	v0 =	vadd.f32 v63, v0  }
0x153: {  	p1 =	sne.s32 s21, $0xC00  }
.Ltmp0:
0x154: {  	[tilespmem:$0x8000] =	vst v0;
	(pc) =	sbr.rel @p1 .LBB2_2-.Ltmp0, $4  }
0x155: {  	[hbm4b:s20+s3] =	stream.linear.scatter [tilespmem:s18], [sflag:$0x1], $0x190, $0x38;
	[tilespmem:$0x14A80] =	vst v63  }
0x156: {  	_ =	swait.ge [sflag:s14], $0x190  }
0x157: {  	[sflag:s14] =	ssyncset.done $0x0  }
0x158: {  	s21 =	sadd.s32 $0x80, s21;
	s20 =	sadd.s32 $0x32, s20;
	[sflag:s14] =	ssyncadd.s32 $0xFFFFFE70  }
0x159: {  	s20 =	simm.s32 @!p0 $0x0;
	s21 =	simm.s32 @!p0 $0x8080;
	s22 =	simm.s32 @!p0 $0x1  }
0x15a: {  	[tilespmem:s21], [sflag:$0x1] =	stream.linear.gather @!p0 [hbm4b:s7+s20], $0x190, $0x38;
	[tilespmem:$0x14A80] =	vst v63  }
0x15b: {  	_ =	swait.ge @!p0 [sflag:s22], $0x190  }
0x15c: {  	[sflag:s22] =	ssyncset.done @!p0 $0x0  }
0x15d: {  	s23 =	simm.s32 @!p0 $0x190;
	s24 =	simm.s32 @!p0 $0x8280;
	[sflag:s22] =	ssyncadd.s32 @!p0 $0xFFFFFE70  }
0x15e: {  	[tilespmem:s24], [sflag:$0x1] =	stream.indirect.gather @!p0 [hbm4b:s1+s23], $0x80, s21, s23, $0xb8;
	[tilespmem:$0x14A80] =	vst v63  }
0x15f: {  	s19 =	sadd.s32 $0x1, s19;
	_ =	swait.ge @!p0 [sflag:s22], $0xC800  }
0x160: {  	p1 =	sne.s32 s19, s9;
	[sflag:s22] =	ssyncset.done @!p0 $0x0  }
.Ltmp1:
0x161: {  	[sflag:s22] =	ssyncadd.s32 @!p0 $0xFFFF3800;
	(pc) =	sbr.rel @p1 .LBB2_1-.Ltmp1, $4  }
0x162: {  	[hbm4b:s8+s20] =	stream.linear.scatter @!p0 [tilespmem:s24], [sflag:$0x1], $0xC800, $0x38;
	[tilespmem:$0x14A80] =	vst v63  }
0x163: {  	_ =	swait.ge @!p0 [sflag:s22], $0xC800  }
0x164: {  	[sflag:s22] =	ssyncset.done @!p0 $0x0  }
0x165: {  	[sflag:s22] =	ssyncadd.s32 @!p0 $0xFFFF3800  }
0x166: {  	_ =	sfence.sel $0x180000  }
0x167: {  	[bflag:$0x0] =	sbarrier.arrive $0xFFFF  }
0x168: {  	p0 =	sne.s32 s2, $0x0;
	_ =	strace $0x90000047  }
0x169: {  	s0 =	sadd.s32 @!p0 $0x100000, s0;
	[bflag:$0x2] =	sbarrier.arrive $0xFFFF  }
0x16a: {  	[sflag:s0] =	ssyncadd.tile.s32 @!p0 $0x1;
	_ =	shalt  }
.Lfunc_end2:
_tile_overlayer_lowered:
.L_overlay_start_2:
0x16b: {  	(tag) =	ssettag $0x2  }
0x16c: {  	s0 =	rddreg [dreg:$0x0];
	s2 =	stileid.u32  }
0x16d: {  	s1 =	rddreg [dreg:$0x1];
	p0 =	sne.s32 s2, $0x0  }
0x16e: {  	s3 =	rddreg [dreg:$0x2];
	[bflag:$0x3] =	sbarrier.arrive $0xFFFF;
	s2 =	simm.s32 @!p0 $0x1C01  }
0x16f: {  	[timem:s3], [sflag:s2] =	dma.local @!p0 [hbm:s0], s1  }
0x170: {  	s0 =	simm.s32 @!p0 $0x1  }
0x171: {  	_ =	swait.ge @!p0 [sflag:s0], s1  }
0x172: {  	s1 =	ssub.s32 @!p0 $0x0, s1;
	[sflag:s0] =	ssyncset.done @!p0 $0x0  }
0x173: {  	[sflag:s0] =	ssyncadd.s32 @!p0 s1  }
0x174: {  	[bflag:$0x3] =	sbarrier.arrive $0xFFFF  }
0x175: {  	_ =	shalt  }

// kernel: kernel.18.cloned.1.call-start
scs
__scs_entry_jumppad:
0x0: {  	(pc) =	sbr.rel $0x88, $3  }
0x1: {  	(tag) =	ssettag $0x0;
	lr =	simm.s32 $0x1  }
0x2: {  	[smem:$0x3F96] =	sst lr;
	_ =	strace $0xD0000000  }
0x3: {  	_ = 	snop  }
0x4: {  	_ = 	snop  }
0x5: {  	_ = 	snop  }
0x6: {  	_ = 	snop  }
0x7: {  	_ = 	snop  }
__scs_overlays_trampoline_lowered:
0x8: {  	[smem:$0x3FA5] =	sst s0  }
0x9: {  	[smem:$0x3FA6] =	sst s1  }
0xa: {  	[smem:$0x3FA7] =	sst s2  }
0xb: {  	[smem:$0x3FA8] =	sst s3  }
0xc: {  	[smem:$0x3FA9] =	sst s4  }
0xd: {  	[smem:$0x3FAA] =	sst s5  }
0xe: {  	[smem:$0x3FAB] =	sst s6  }
0xf: {  	[smem:$0x3FAC] =	sst s7  }
0x10: {  	[smem:$0x3FAD] =	sst s8  }
0x11: {  	[smem:$0x3FAE] =	sst s9;
	s0 =	simm.s32 @!p0 $0x0  }
0x12: {  	s1 =	sld [smem:$0x3F94];
	s0 =	simm.s32 @p0 $0x1  }
0x13: {  	[smem:$0x3FAF] =	sst s0;
	s0 =	simm.s32 @!p1 $0x0  }
0x14: {  	s2 =	sld [smem:$0x3F93];
	s0 =	simm.s32 @p1 $0x1  }
0x15: {  	[smem:$0x3FB0] =	sst s0;
	s0 =	simm.s32 @!p2 $0x0  }
0x16: {  	s3 =	sld [smem:$0x3FDB];
	s0 =	simm.s32 @p2 $0x1  }
0x17: {  	s4 =	simm.s32 $0x1BF5;
	[smem:$0x3FB2] =	sst s0  }
0x18: {  	s0 =	sld [smem:$0x3F95];
	_ =	swait.ge [sflag:s4], $0x0  }
0x19: {  	s7 =	sld [smem:$0x3F96]  }
0x1a: {  	s8 =	sadd.s32 $0xFFFFE003, lr  }
0x1b: {  	s9 =	sadd.s32 $0xFFFFFEF7, lr;
	s5 =	simm.s32 $0xFFFFFFFF;
	p2 =	slt.u32 s8, $0xFFFFF086  }
0x1c: {  	p1 =	slt.u32 s9, $0xF7A;
	s5 =	simm.s32 @!p2 $0x0  }
0x1d: {  	s5 =	simm.s32 @p1 $0x1;
	p0 =	seq.s32 s7, s2  }
0x1e: {  	s7 =	smul.u32 @!p0 $0xF7A, s2;
	p2 =	seq.s32 @!p0 s5, $0x0  }
0x1f: {  	s9 =	smul.u32 $0xF7A, s1;
	s8 =	simm.s32 @!p0 $0x1BF5;
	p2 =	por !p2, p0  }
0x20: {  	[sflag:s8] =	ssyncset.s32 @!p0 $0xFFFFF086;
	s6 =	sadd.s32 @!p0 s3, s7;
	s7 =	simm.s32 @!p0 $0x108  }
0x21: {  	s3 =	sadd.s32 s3, s9;
	s6 =	sadd.s32 @!p0 $0x88, s6;
	s7 =	simm.s32 @p2 $0x1082  }
0x22: {  	[simem:s7], [sflag:s8] =	dma.local @!p0 [hbm:s6], $0xF7A  }
0x23: {  	s9 =	sor.u32 $0xD0000000, s2;
	s6 =	simm.s32 $0x108;
	_ =	swait.ge @!p0 [sflag:s8], $0x0  }
0x24: {  	s3 =	sadd.s32 $0x88, s3;
	s6 =	simm.s32 @!p1 $0x1082;
	[sflag:s4] =	ssyncset.s32 $0xFFFFF086  }
0x25: {  	[simem:s6], [sflag:s4] =	dma.local [hbm:s3], $0xF7A  }
0x26: {  	[smem:$0x3F96] =	sst s1;
	(tag) =	ssettag s2;
	_ =	strace s9  }
0x27: {  	s1 =	sld [smem:$0x3FA6]  }
0x28: {  	s2 =	sld [smem:$0x3FA7]  }
0x29: {  	s4 =	sld [smem:$0x3FA9]  }
0x2a: {  	p0 =	seq.s32 s5, $0x0;
	s5 =	sld [smem:$0x3FAA]  }
0x2b: {  	s6 =	sld [smem:$0x3FAB]  }
0x2c: {  	s7 =	sld [smem:$0x3FAC]  }
0x2d: {  	s3 =	simm.s32 $0x108;
	s8 =	sld [smem:$0x3FAD]  }
0x2e: {  	s3 =	simm.s32 @!p0 $0x1082;
	s9 =	sld [smem:$0x3FAE]  }
0x2f: {  	lr =	sadd.s32 s0, s3;
	s0 =	sld [smem:$0x3FA5]  }
0x30: {  	s3 =	sld [smem:$0x3FA8]  }
0x31: {  	[smem:$0x3FB1] =	sst s10  }
0x32: {  	s10 =	sld [smem:$0x3FAF];
	_ =	sdelay $0x3  }
0x33: {  	p0 =	seq.s32 s10, $0x1;
	s10 =	sld [smem:$0x3FB1];
	_ =	sdelay $0x3  }
0x34: {  	[smem:$0x3FB1] =	sst s10  }
0x35: {  	s10 =	sld [smem:$0x3FB0];
	_ =	sdelay $0x3  }
0x36: {  	p1 =	seq.s32 s10, $0x1;
	s10 =	sld [smem:$0x3FB1];
	_ =	sdelay $0x3  }
0x37: {  	[smem:$0x3FB1] =	sst s10  }
0x38: {  	s10 =	sld [smem:$0x3FB2]  }
0x39: {  	_ = 	snop;
	(pc) =	sbr.ind lr, $3  }
0x3a: {  	_ = 	snop  }
0x3b: {  	_ = 	snop  }
0x3c: {  	p2 =	seq.s32 s10, $0x1;
	s10 =	sld [smem:$0x3FB1]  }
0x3d: {  	_ =	shalt  }
0x3e: {  	_ =	shalt  }
0x3f: {  	_ =	shalt  }
0x40: {  	_ =	shalt  }
0x41: {  	_ =	shalt  }
0x42: {  	_ =	shalt  }
0x43: {  	_ =	shalt  }
0x44: {  	_ =	shalt  }
0x45: {  	_ =	shalt  }
0x46: {  	_ =	shalt  }
0x47: {  	_ =	shalt  }
0x48: {  	_ =	shalt  }
0x49: {  	_ =	shalt  }
0x4a: {  	_ =	shalt  }
0x4b: {  	_ =	shalt  }
0x4c: {  	_ =	shalt  }
0x4d: {  	_ =	shalt  }
0x4e: {  	_ =	shalt  }
0x4f: {  	_ =	shalt  }
0x50: {  	_ =	shalt  }
0x51: {  	_ =	shalt  }
0x52: {  	_ =	shalt  }
0x53: {  	_ =	shalt  }
0x54: {  	_ =	shalt  }
0x55: {  	_ =	shalt  }
0x56: {  	_ =	shalt  }
0x57: {  	_ =	shalt  }
0x58: {  	_ =	shalt  }
0x59: {  	_ =	shalt  }
0x5a: {  	_ =	shalt  }
0x5b: {  	_ =	shalt  }
0x5c: {  	_ =	shalt  }
0x5d: {  	_ =	shalt  }
0x5e: {  	_ =	shalt  }
0x5f: {  	_ =	shalt  }
0x60: {  	_ =	shalt  }
0x61: {  	_ =	shalt  }
0x62: {  	_ =	shalt  }
0x63: {  	_ =	shalt  }
0x64: {  	_ =	shalt  }
0x65: {  	_ =	shalt  }
0x66: {  	_ =	shalt  }
0x67: {  	_ =	shalt  }
0x68: {  	_ =	shalt  }
0x69: {  	_ =	shalt  }
0x6a: {  	_ =	shalt  }
0x6b: {  	_ =	shalt  }
0x6c: {  	_ =	shalt  }
0x6d: {  	_ =	shalt  }
0x6e: {  	_ =	shalt  }
0x6f: {  	_ =	shalt  }
0x70: {  	_ =	shalt  }
0x71: {  	_ =	shalt  }
0x72: {  	_ =	shalt  }
0x73: {  	_ =	shalt  }
0x74: {  	_ =	shalt  }
0x75: {  	_ =	shalt  }
0x76: {  	_ =	shalt  }
0x77: {  	_ =	shalt  }
0x78: {  	_ =	shalt  }
0x79: {  	_ =	shalt  }
0x7a: {  	_ =	shalt  }
0x7b: {  	_ =	shalt  }
0x7c: {  	_ =	shalt  }
0x7d: {  	_ =	shalt  }
0x7e: {  	_ =	shalt  }
0x7f: {  	_ =	shalt  }
0x80: {  	_ =	shalt  }
0x81: {  	_ =	shalt  }
0x82: {  	_ =	shalt  }
0x83: {  	_ =	shalt  }
0x84: {  	_ =	shalt  }
0x85: {  	_ =	shalt  }
0x86: {  	_ =	shalt  }
0x87: {  	_ =	shalt  }
.Lfunc_end0:
.L_simem_size_0:
called_computation.1_lowered:
.L_overlay_start_0:
0x88: {  	s2 =	sld [smem:$0x3FD9]  }
0x89: {  	s3 =	sld [smem:$0x3FFE];
	_ =	sdelay $0x1  }
0x8a: {  	s1 =	srdreg.scid  }
0x8b: {  	s0 =	sand.u32 $0x1, s1  }
0x8c: {  	s16 =	sshll.u32 s0, $0xA;
	s2 =	sadd.s32 s3, s2  }
0x8d: {  	s2 =	sadd.s32 s2, s16  }
0x8e: {  	[smem:$0x3FBD] =	sst s2  }
0x8f: {  	_ = 	snop  }
0x90: {  	(tm) =	ssettm $0x1  }
0x91: {  	s17 =	sld [smem:$0x3FFB];
	_ =	sdelay $0x3  }
0x92: {  	_ =	strace s17  }
0x93: {  	s2 =	sld [smem:$0x3FFC];
	_ =	sdelay $0x3  }
0x94: {  	_ =	strace s2  }
0x95: {  	s2 =	sld [smem:$0x3FFD];
	_ =	sdelay $0x3  }
0x96: {  	_ =	strace s2  }
0x97: {  	_ =	strace $0x8FFFFFFF  }
0x98: {  	s18 =	sld [smem:$0x3FDB];
	_ =	sdelay $0x1  }
0x99: {  	s19 =	simm.s32 $_scs_section_size  }
0x9a: {  	s4 =	simm.s32 $_size__tile_overlayer_lowered;
	s5 =	simm.s32 $_tile_overlayer_lowered  }
0x9b: {  	s22 =	simm.s32 $0x1BFF;
	s21 =	sshll.u32 s5, $0x1;
	s2 =	sadd.s32 s19, s18  }
0x9c: {  	s6 =	simm.s32 $0x0;
	s20 =	sshll.u32 s4, $0x1;
	s4 =	sadd.s32 s21, s2  }
0x9d: {  	[timem:s6], [sflag:s22] =	dma.local [hbm:s4], s20  }
0x9e: {  	_ =	swait.ge [sflag:s22], s20  }
0x9f: {  	s3 =	ssub.s32 $0x0, s20;
	[sflag:s22] =	ssyncset.done $0x0  }
0xa0: {  	[sflag:s22] =	ssyncadd.s32 s3;
	_ =	sdelay $0x1  }
0xa1: {  	s23 =	simm.s32 $0x1B8B  }
0xa2: {  	_ =	swait.ge [sflag:s23], $0x1  }
0xa3: {  	[sflag:s23] =	ssyncset.done $0x0  }
0xa4: {  	s25 =	simm.s32 $0x1B8E;
	s24 =	sld [smem:$0x3FFE];
	[sflag:s23] =	ssyncadd.s32 $0xFFFFFFFF  }
0xa5: {  	s26 =	simm.s32 $execute0_lowered;
	[smem:$0x3FD2] =	sst s25  }
0xa6: {  	s4 =	sshll.u32 s26, $0x1;
	_ =	strace $0x80000049;
	[dreg:$0x1] =	wrdreg $0xFFFFFFFF  }
0xa7: {  	s28 =	simm.s32 $_size_execute0_lowered;
	s2 =	sadd.s32 s2, s4;
	[dreg:$0x0] =	wrdreg $0x0  }
0xa8: {  	s4 =	sshll.u32 s28, $0x1;
	[dreg:$0x2] =	wrdreg s2  }
0xa9: {  	[dreg:$0x3] =	wrdreg s4  }
0xaa: {  	[dreg:$0x4] =	wrdreg $0xC0  }
0xab: {  	_ =	task [dreg:s6], $0x5FFFF  }
0xac: {  	[dreg:$0x1] =	wrdreg $0xFFFFFFFF  }
0xad: {  	[dreg:$0x0] =	wrdreg $0x60  }
0xae: {  	[dreg:$0x2] =	wrdreg s24  }
0xaf: {  	[dreg:$0x3] =	wrdreg $0x58000  }
0xb0: {  	[dreg:$0x4] =	wrdreg $0x9  }
0xb1: {  	_ =	task.clear_ibuf [dreg:s6], $0x5FFFF;
	_ =	strace $0x90000049  }
0xb2: {  	s29 =	simm.s32 $0x9;
	_ =	strace $0x8000004B  }
0xb3: {  	_ =	swait.ge [sflag:s29], $0x1  }
0xb4: {  	[sflag:s29] =	ssyncadd.s32 $0xFFFFFFFF  }
0xb5: {  	_ =	strace $0x9000004B  }
0xb6: {  	_ =	sfence  }
0xb7: {  	s30 =	sld [smem:$0x0];
	_ =	sdelay $0x2  }
0xb8: {  	s31 =	sshll.u32 s1, $0xD;
	s1 =	sshrl.u32 s1, $0x2  }
0xb9: {  	s3 =	sand.u32 $0x4000, s31;
	s1 =	sadd.s32 s1, s30  }
0xba: {  	s0 =	sor.u32 s3, s0;
	s1 =	sshll.u32 s1, $0x11  }
0xbb: {  	s0 =	sor.u32 s1, s0  }
0xbc: {  	s0 =	sadd.s32 $0x8F2B, s0  }
0xbd: {  	[sflag:s0] =	ssyncadd.remote.s32 $0x1  }
0xbe: {  	_ =	sfence.sel $0xFFFF  }
0xbf: {  	[dreg:$0x0] =	wrdreg $0xFFFFFFFF;
	(pc) =	sbr.abs _section_cstart, $3  }
0xc0: {  	[dreg:$0x1] =	wrdreg $0xFFFFFFFF  }
0xc1: {  	_ =	task.clear_ibuf [dreg:s6], $0x2FFFF;
	_ =	strace $0x9FFFFFFF  }
0xc2: {  	(tm) =	ssettm $0x7FFFFFFF  }
0xc3: {  	_ =	shalt  }
tec
execute0_lowered:
.L_overlay_start_1:
0x0: {  	(tag) =	ssettag $0x1  }
0x1: {  	s0 =	rddreg [dreg:$0x0]  }
0x2: {  	s2 =	rddreg [dreg:$0x1];
	s3 =	simm.s32 $0x0  }
0x3: {  	s18 =	stileid.u32;
	s8 =	srdreg.scid;
	s22 =	simm.s32 $0x1  }
0x4: {  	s28 =	simm.s32 $0x80;
	s29 =	simm.s32 $0x480;
	s30 =	simm.s32 $0x100  }
0x5: {  	s31 =	simm.s32 $0x500;
	[smem:$0x7FF] =	sst s3;
	s4 =	sadd.s32 $0x37800, s0  }
0x6: {  	s1 =	smul.u32 $0x2700, s18;
	s5 =	sadd.s32 $0x54E600, s0;
	s6 =	sadd.s32 $0x5800, s0  }
0x7: {  	s7 =	sadd.s32 $0x1E800, s0;
	s10 =	sadd.s32 $0xA7EA00, s0;
	s13 =	smul.u32 $0x4E000, s18  }
0x8: {  	s8 =	sand.u32 $0x1, s8;
	s17 =	sadd.s32 $0x124800, s2;
	s24 =	smul.u32 $0x13800, s18  }
0x9: {  	p0 =	seq.s32 s18, $0xF;
	_ =	strace $0x8000004A;
	s9 =	ssub.s32 $0x2, s8  }
0xa: {  	s11 =	sshll.u32 s8, $0x4;
	s8 =	smul.u32 $0x138800, s8;
	s19 =	sshrl.u32 @p0 s17, $0x3  }
0xb: {  	s1 =	sadd.s32 s1, s0;
	s12 =	sshrl.u32 s9, $0x1;
	s11 =	sor.u32 s18, s11  }
0xc: {  	s23 =	sshrl.u32 s13, $0x2;
	s0 =	sadd.s32 $0xA7C100, s0;
	s16 =	ssub.s32 s9, s12  }
0xd: {  	s1 =	sadd.s32 $0xA57800, s1;
	s9 =	smul.u32 $0x2710, s11;
	[dreg:$0x4] =	wrdreg s0  }
0xe: {  	s11 =	smul.u32 $0x6400, s11;
	s0 =	sadd.s32 s24, s8;
	s8 =	sshrl.u32 s8, $0x3  }
0xf: {  	s24 =	simm.s32 $0x50;
	[dreg:$0x3] =	wrdreg s1;
	s1 =	sadd.s32 s23, s2  }
0x10: {  	s0 =	sshrl.u32 s0, $0x3;
	s8 =	sadd.s32 s10, s8;
	s26 =	smax.u32 s16, $0x1  }
0x11: {  	s23 =	simm.s32 $0x400;
	s12 =	sadd.s32 $0x50, s9;
	s13 =	sadd.s32 $0xA0, s9  }
0x12: {  	s14 =	sadd.s32 $0xF0, s9;
	s15 =	sadd.s32 $0x140, s9;
	s0 =	sadd.s32 s10, s0  }
0x13: {  	s25 =	sadd.s32 $0x24900, s8;
	[dreg:$0x7] =	wrdreg s26;
	s20 =	sshrl.u32 @!p0 s1, $0x3  }
0x14: {  	s26 =	simm.s32 $0x3000;
	s1 =	simm.s32 $0x580;
	[dreg:$0x5] =	wrdreg s0  }
0x15: {  	s8 =	simm.s32 $0x200;
	[dreg:$0x6] =	wrdreg s25;
	s0 =	sshll.u32 @!p0 s18, $0x6  }
0x16: {  	s10 =	simm.s32 $0x600;
	[dreg:$0x9] =	wrdreg s20;
	s18 =	sor.u32 @!p0 $0x1C01, s0  }
0x17: {  	s25 =	simm.s32 $0x800;
	s0 =	simm.s32 $0x180;
	[dreg:$0x8] =	wrdreg s18  }
.LBB2_1:
0x18: {  	s16 =	simm.s32 @p0 $0x1FC1;
	s17 =	rddreg [dreg:$0x4]  }
0x19: {  	[spmem:s19], [sflag:s16] =	dma.local @p0 [hbm:s17], $0x2800  }
0x1a: {  	s16 =	simm.s32 @p0 $0x1  }
0x1b: {  	_ =	swait.ge @p0 [sflag:s16], $0x2800  }
0x1c: {  	[sflag:s16] =	ssyncset.done @p0 $0x0  }
0x1d: {  	[sflag:s16] =	ssyncadd.s32 @p0 $0xFFFFD800;
	s16 =	rddreg [dreg:$0x3]  }
0x1e: {  	[spmem:s20], [sflag:s18] =	dma.local @!p0 [hbm:s16], $0x2700  }
0x1f: {  	s16 =	simm.s32 @!p0 $0x1  }
0x20: {  	_ =	swait.ge @!p0 [sflag:s16], $0x2700  }
0x21: {  	[sflag:s16] =	ssyncset.done @!p0 $0x0  }
0x22: {  	[sflag:s16] =	ssyncadd.s32 @!p0 $0xFFFFD900  }
0x23: {  	s21 =	smov.u32 s19;
	s16 =	simm.s32 $0x0;
	[bflag:$0x0] =	sbarrier.arrive $0xFFFF  }
.LBB2_2:
0x24: {  	s17 =	sshll.u32 s16, $0xA  }
0x25: {  	s17 =	sadd.s32 s11, s17  }
0x26: {  	s17 =	sshrl.u32 s17, $0x3  }
0x27: {  	s19 =	simm.s32 $0x0;
	s18 =	sadd.s32 s6, s17  }
0x28: {  	[tilespmem:s19], [sflag:$0x1] =	stream.linear.gather [hbm4b:s18+s19], $0x280, $0x38;
	[tilespmem:$0x19080] =	vst v63  }
0x29: {  	_ =	swait.ge [sflag:s22], $0x280  }
0x2a: {  	[sflag:s22] =	ssyncset.done $0x0  }
0x2b: {  	s17 =	sadd.s32 s7, s17;
	[sflag:s22] =	ssyncadd.s32 $0xFFFFFD80  }
0x2c: {  	[tilespmem:s23], [sflag:$0x1] =	stream.linear.gather [hbm4b:s17+s19], $0x280, $0x38;
	[tilespmem:$0x19080] =	vst v63  }
0x2d: {  	_ =	swait.ge [sflag:s22], $0x280  }
0x2e: {  	[sflag:s22] =	ssyncset.done $0x0  }
0x2f: {  	s17 =	smul.u32 $0x190, s16;
	[sflag:s22] =	ssyncadd.s32 $0xFFFFFD80  }
0x30: {  	[tilespmem:s25], [sflag:$0x1] =	stream.indirect.gather [hbm4b:s4+s24], $0x80, s19, s24, $0xb8;
	[tilespmem:$0x19080] =	vst v63  }
0x31: {  	s20 =	sadd.s32 s9, s17;
	_ =	swait.ge [sflag:s22], $0x2800  }
0x32: {  	s18 =	sshll.u32 s20, $0x4;
	[sflag:s22] =	ssyncset.done $0x0  }
0x33: {  	s18 =	sadd.s32 s5, s18;
	[sflag:s22] =	ssyncadd.s32 $0xFFFFD800  }
0x34: {  	[tilespmem:s26], [sflag:$0x1] =	stream.linear.gather [hbm4b:s18+s19], $0x2800, $0x38;
	[tilespmem:$0x19080] =	vst v63  }
0x35: {  	_ =	swait.ge [sflag:s22], $0x2800  }
0x36: {  	[sflag:s22] =	ssyncset.done $0x0  }
0x37: {  	s18 =	simm.s32 $0x0;
	[sflag:s22] =	ssyncadd.s32 $0xFFFFD800  }
0x38: {  	v7 =	vld [tilespmem:s18+$0x3000]  }
0x39: {  	v11 =	vld [tilespmem:s18+$0x3010]  }
0x3a: {  	v5 =	vld [tilespmem:s18+$0x3020]  }
0x3b: {  	v4 =	vld [tilespmem:s18+$0x3030]  }
0x3c: {  	v3 =	vld [tilespmem:s18+$0x3040]  }
0x3d: {  	v2 =	vld [tilespmem:s18+$0x3050]  }
0x3e: {  	v1 =	vld [tilespmem:s18+$0x3060]  }
0x3f: {  	v0 =	vld [tilespmem:s18+$0x3070]  }
0x40: {  	v12 =	vld [tilespmem:s18+$0x800]  }
0x41: {  	v13 =	vld [tilespmem:s18+$0x810]  }
0x42: {  	v10 =	vld [tilespmem:s18+$0x820]  }
0x43: {  	v9 =	vld [tilespmem:s18+$0x830]  }
0x44: {  	v8 =	vld [tilespmem:s18+$0x840]  }
0x45: {  	v6 =	vld [tilespmem:s18+$0x850];
	v12 =	vmul.f32 v7, v12  }
0x46: {  	s19 =	simm.s32 $0x200;
	v11 =	vmul.f32 v11, v13;
	v7 =	vld [tilespmem:s18+$0x860]  }
.LBB2_3:
0x47: {  	s20 =	sshra.s32 s19, $0x2;
	p1 =	sne.s32 s19, $0x9E00;
	[tilespmem:s18+$0x800] =	vst v12;
	v5 =	vmul.f32 v5, v10;
	v10 =	vld [tilespmem:s18+$0x870]  }
0x48: {  	v12 =	vld [tilespmem:s20+$0x3000];
	[tilespmem:s18+$0x810] =	vst v11;
	v4 =	vmul.f32 v4, v9  }
0x49: {  	v11 =	vld [tilespmem:s20+$0x3010];
	[tilespmem:s18+$0x820] =	vst v5;
	v3 =	vmul.f32 v3, v8  }
0x4a: {  	v5 =	vld [tilespmem:s20+$0x3020];
	[tilespmem:s18+$0x830] =	vst v4;
	v2 =	vmul.f32 v2, v6  }
0x4b: {  	v4 =	vld [tilespmem:s20+$0x3030];
	[tilespmem:s18+$0x840] =	vst v3;
	v1 =	vmul.f32 v1, v7  }
0x4c: {  	v3 =	vld [tilespmem:s20+$0x3040];
	[tilespmem:s18+$0x850] =	vst v2;
	v0 =	vmul.f32 v0, v10  }
0x4d: {  	v2 =	vld [tilespmem:s20+$0x3050];
	[tilespmem:s18+$0x860] =	vst v1  }
0x4e: {  	v1 =	vld [tilespmem:s20+$0x3060];
	[tilespmem:s18+$0x870] =	vst v0;
	s18 =	smov.u32 s20  }
0x4f: {  	v0 =	vld [tilespmem:s18+$0x3070]  }
0x50: {  	v6 =	vld [tilespmem:s18+$0x800]  }
0x51: {  	v7 =	vld [tilespmem:s18+$0x810]  }
.Ltmp0:
0x52: {  	v10 =	vld [tilespmem:s18+$0x820];
	(pc) =	sbr.rel @p1 .LBB2_3-.Ltmp0, $4  }
0x53: {  	v9 =	vld [tilespmem:s18+$0x830]  }
0x54: {  	v8 =	vld [tilespmem:s18+$0x840]  }
0x55: {  	v12 =	vmul.f32 v12, v6;
	v6 =	vld [tilespmem:s18+$0x850]  }
0x56: {  	s19 =	sadd.s32 $0x200, s19;
	v11 =	vmul.f32 v11, v7;
	v7 =	vld [tilespmem:s18+$0x860]  }
0x57: {  	[tilespmem:s18+$0x800] =	vst v12;
	v5 =	vmul.f32 v5, v10;
	v10 =	vld [tilespmem:s18+$0x870]  }
0x58: {  	[tilespmem:s18+$0x810] =	vst v11;
	v4 =	vmul.f32 v4, v9  }
0x59: {  	[tilespmem:s18+$0x820] =	vst v5;
	v3 =	vmul.f32 v3, v8  }
0x5a: {  	[tilespmem:s18+$0x830] =	vst v4;
	v2 =	vmul.f32 v2, v6  }
0x5b: {  	[tilespmem:s18+$0x840] =	vst v3;
	v1 =	vmul.f32 v1, v7  }
0x5c: {  	[tilespmem:s18+$0x850] =	vst v2;
	v0 =	vmul.f32 v0, v10  }
0x5d: {  	[tilespmem:s18+$0x860] =	vst v1  }
0x5e: {  	[tilespmem:s18+$0x870] =	vst v0  }
0x5f: {  	[spmem:s2] =	stream.indirect.scatter.add.f32 [tilespmem:s25], [sflag:$0x1], $0x80, s23, s24, $0xb8;
	[tilespmem:$0x19080] =	vst v63  }
0x60: {  	_ =	swait.ge [sflag:s22], $0x2800  }
0x61: {  	[sflag:s22] =	ssyncset.done $0x0  }
0x62: {  	[sflag:s22] =	ssyncadd.s32 $0xFFFFD800  }
0x63: {  	[tilespmem:s25], [sflag:$0x1] =	stream.indirect.gather [hbm4b:s4+s24], $0x80, s28, s24, $0xb8;
	[tilespmem:$0x19080] =	vst v63  }
0x64: {  	s20 =	sadd.s32 s12, s17;
	_ =	swait.ge [sflag:s22], $0x2800  }
0x65: {  	s18 =	sshll.u32 s20, $0x4;
	[sflag:s22] =	ssyncset.done $0x0  }
0x66: {  	s19 =	simm.s32 $0x0;
	s18 =	sadd.s32 s5, s18;
	[sflag:s22] =	ssyncadd.s32 $0xFFFFD800  }
0x67: {  	[tilespmem:s26], [sflag:$0x1] =	stream.linear.gather [hbm4b:s18+s19], $0x2800, $0x38;
	[tilespmem:$0x19080] =	vst v63  }
0x68: {  	_ =	swait.ge [sflag:s22], $0x2800  }
0x69: {  	[sflag:s22] =	ssyncset.done $0x0  }
0x6a: {  	s18 =	simm.s32 $0x0;
	[sflag:s22] =	ssyncadd.s32 $0xFFFFD800  }
0x6b: {  	v7 =	vld [tilespmem:s18+$0x3000]  }
0x6c: {  	v11 =	vld [tilespmem:s18+$0x3010]  }
0x6d: {  	v5 =	vld [tilespmem:s18+$0x3020]  }
0x6e: {  	v4 =	vld [tilespmem:s18+$0x3030]  }
0x6f: {  	v3 =	vld [tilespmem:s18+$0x3040]  }
0x70: {  	v2 =	vld [tilespmem:s18+$0x3050]  }
0x71: {  	v1 =	vld [tilespmem:s18+$0x3060]  }
0x72: {  	v0 =	vld [tilespmem:s18+$0x3070]  }
0x73: {  	v12 =	vld [tilespmem:s18+$0x800]  }
0x74: {  	v13 =	vld [tilespmem:s18+$0x810]  }
0x75: {  	v10 =	vld [tilespmem:s18+$0x820]  }
0x76: {  	v9 =	vld [tilespmem:s18+$0x830]  }
0x77: {  	v8 =	vld [tilespmem:s18+$0x840]  }
0x78: {  	v6 =	vld [tilespmem:s18+$0x850];
	v12 =	vmul.f32 v7, v12  }
0x79: {  	s19 =	simm.s32 $0x200;
	v11 =	vmul.f32 v11, v13;
	v7 =	vld [tilespmem:s18+$0x860]  }
.LBB2_5:
0x7a: {  	s20 =	sshra.s32 s19, $0x2;
	p1 =	sne.s32 s19, $0x9E00;
	[tilespmem:s18+$0x800] =	vst v12;
	v5 =	vmul.f32 v5, v10;
	v10 =	vld [tilespmem:s18+$0x870]  }
0x7b: {  	v12 =	vld [tilespmem:s20+$0x3000];
	[tilespmem:s18+$0x810] =	vst v11;
	v4 =	vmul.f32 v4, v9  }
0x7c: {  	v11 =	vld [tilespmem:s20+$0x3010];
	[tilespmem:s18+$0x820] =	vst v5;
	v3 =	vmul.f32 v3, v8  }
0x7d: {  	v5 =	vld [tilespmem:s20+$0x3020];
	[tilespmem:s18+$0x830] =	vst v4;
	v2 =	vmul.f32 v2, v6  }
0x7e: {  	v4 =	vld [tilespmem:s20+$0x3030];
	[tilespmem:s18+$0x840] =	vst v3;
	v1 =	vmul.f32 v1, v7  }
0x7f: {  	v3 =	vld [tilespmem:s20+$0x3040];
	[tilespmem:s18+$0x850] =	vst v2;
	v0 =	vmul.f32 v0, v10  }
0x80: {  	v2 =	vld [tilespmem:s20+$0x3050];
	[tilespmem:s18+$0x860] =	vst v1  }
0x81: {  	v1 =	vld [tilespmem:s20+$0x3060];
	[tilespmem:s18+$0x870] =	vst v0;
	s18 =	smov.u32 s20  }
0x82: {  	v0 =	vld [tilespmem:s18+$0x3070]  }
0x83: {  	v6 =	vld [tilespmem:s18+$0x800]  }
0x84: {  	v7 =	vld [tilespmem:s18+$0x810]  }
.Ltmp1:
0x85: {  	v10 =	vld [tilespmem:s18+$0x820];
	(pc) =	sbr.rel @p1 .LBB2_5-.Ltmp1, $4  }
0x86: {  	v9 =	vld [tilespmem:s18+$0x830]  }
0x87: {  	v8 =	vld [tilespmem:s18+$0x840]  }
0x88: {  	v12 =	vmul.f32 v12, v6;
	v6 =	vld [tilespmem:s18+$0x850]  }
0x89: {  	s19 =	sadd.s32 $0x200, s19;
	v11 =	vmul.f32 v11, v7;
	v7 =	vld [tilespmem:s18+$0x860]  }
0x8a: {  	[tilespmem:s18+$0x800] =	vst v12;
	v5 =	vmul.f32 v5, v10;
	v10 =	vld [tilespmem:s18+$0x870]  }
0x8b: {  	[tilespmem:s18+$0x810] =	vst v11;
	v4 =	vmul.f32 v4, v9  }
0x8c: {  	[tilespmem:s18+$0x820] =	vst v5;
	v3 =	vmul.f32 v3, v8  }
0x8d: {  	[tilespmem:s18+$0x830] =	vst v4;
	v2 =	vmul.f32 v2, v6  }
0x8e: {  	[tilespmem:s18+$0x840] =	vst v3;
	v1 =	vmul.f32 v1, v7  }
0x8f: {  	[tilespmem:s18+$0x850] =	vst v2;
	v0 =	vmul.f32 v0, v10  }
0x90: {  	[tilespmem:s18+$0x860] =	vst v1  }
0x91: {  	[tilespmem:s18+$0x870] =	vst v0  }
0x92: {  	[spmem:s2] =	stream.indirect.scatter.add.f32 [tilespmem:s25], [sflag:$0x1], $0x80, s29, s24, $0xb8;
	[tilespmem:$0x19080] =	vst v63  }
0x93: {  	_ =	swait.ge [sflag:s22], $0x2800  }
0x94: {  	[sflag:s22] =	ssyncset.done $0x0  }
0x95: {  	[sflag:s22] =	ssyncadd.s32 $0xFFFFD800  }
0x96: {  	[tilespmem:s25], [sflag:$0x1] =	stream.indirect.gather [hbm4b:s4+s24], $0x80, s30, s24, $0xb8;
	[tilespmem:$0x19080] =	vst v63  }
0x97: {  	s20 =	sadd.s32 s13, s17;
	_ =	swait.ge [sflag:s22], $0x2800  }
0x98: {  	s18 =	sshll.u32 s20, $0x4;
	[sflag:s22] =	ssyncset.done $0x0  }
0x99: {  	s19 =	simm.s32 $0x0;
	s18 =	sadd.s32 s5, s18;
	[sflag:s22] =	ssyncadd.s32 $0xFFFFD800  }
0x9a: {  	[tilespmem:s26], [sflag:$0x1] =	stream.linear.gather [hbm4b:s18+s19], $0x2800, $0x38;
	[tilespmem:$0x19080] =	vst v63  }
0x9b: {  	_ =	swait.ge [sflag:s22], $0x2800  }
0x9c: {  	[sflag:s22] =	ssyncset.done $0x0  }
0x9d: {  	s18 =	simm.s32 $0x0;
	[sflag:s22] =	ssyncadd.s32 $0xFFFFD800  }
0x9e: {  	v7 =	vld [tilespmem:s18+$0x3000]  }
0x9f: {  	v11 =	vld [tilespmem:s18+$0x3010]  }
0xa0: {  	v5 =	vld [tilespmem:s18+$0x3020]  }
0xa1: {  	v4 =	vld [tilespmem:s18+$0x3030]  }
0xa2: {  	v3 =	vld [tilespmem:s18+$0x3040]  }
0xa3: {  	v2 =	vld [tilespmem:s18+$0x3050]  }
0xa4: {  	v1 =	vld [tilespmem:s18+$0x3060]  }
0xa5: {  	v0 =	vld [tilespmem:s18+$0x3070]  }
0xa6: {  	v12 =	vld [tilespmem:s18+$0x800]  }
0xa7: {  	v13 =	vld [tilespmem:s18+$0x810]  }
0xa8: {  	v10 =	vld [tilespmem:s18+$0x820]  }
0xa9: {  	v9 =	vld [tilespmem:s18+$0x830]  }
0xaa: {  	v8 =	vld [tilespmem:s18+$0x840]  }
0xab: {  	v6 =	vld [tilespmem:s18+$0x850];
	v12 =	vmul.f32 v7, v12  }
0xac: {  	s19 =	simm.s32 $0x200;
	v11 =	vmul.f32 v11, v13;
	v7 =	vld [tilespmem:s18+$0x860]  }
.LBB2_7:
0xad: {  	s20 =	sshra.s32 s19, $0x2;
	p1 =	sne.s32 s19, $0x9E00;
	[tilespmem:s18+$0x800] =	vst v12;
	v5 =	vmul.f32 v5, v10;
	v10 =	vld [tilespmem:s18+$0x870]  }
0xae: {  	v12 =	vld [tilespmem:s20+$0x3000];
	[tilespmem:s18+$0x810] =	vst v11;
	v4 =	vmul.f32 v4, v9  }
0xaf: {  	v11 =	vld [tilespmem:s20+$0x3010];
	[tilespmem:s18+$0x820] =	vst v5;
	v3 =	vmul.f32 v3, v8  }
0xb0: {  	v5 =	vld [tilespmem:s20+$0x3020];
	[tilespmem:s18+$0x830] =	vst v4;
	v2 =	vmul.f32 v2, v6  }
0xb1: {  	v4 =	vld [tilespmem:s20+$0x3030];
	[tilespmem:s18+$0x840] =	vst v3;
	v1 =	vmul.f32 v1, v7  }
0xb2: {  	v3 =	vld [tilespmem:s20+$0x3040];
	[tilespmem:s18+$0x850] =	vst v2;
	v0 =	vmul.f32 v0, v10  }
0xb3: {  	v2 =	vld [tilespmem:s20+$0x3050];
	[tilespmem:s18+$0x860] =	vst v1  }
0xb4: {  	v1 =	vld [tilespmem:s20+$0x3060];
	[tilespmem:s18+$0x870] =	vst v0;
	s18 =	smov.u32 s20  }
0xb5: {  	v0 =	vld [tilespmem:s18+$0x3070]  }
0xb6: {  	v6 =	vld [tilespmem:s18+$0x800]  }
0xb7: {  	v7 =	vld [tilespmem:s18+$0x810]  }
.Ltmp2:
0xb8: {  	v10 =	vld [tilespmem:s18+$0x820];
	(pc) =	sbr.rel @p1 .LBB2_7-.Ltmp2, $4  }
0xb9: {  	v9 =	vld [tilespmem:s18+$0x830]  }
0xba: {  	v8 =	vld [tilespmem:s18+$0x840]  }
0xbb: {  	v12 =	vmul.f32 v12, v6;
	v6 =	vld [tilespmem:s18+$0x850]  }
0xbc: {  	s19 =	sadd.s32 $0x200, s19;
	v11 =	vmul.f32 v11, v7;
	v7 =	vld [tilespmem:s18+$0x860]  }
0xbd: {  	[tilespmem:s18+$0x800] =	vst v12;
	v5 =	vmul.f32 v5, v10;
	v10 =	vld [tilespmem:s18+$0x870]  }
0xbe: {  	[tilespmem:s18+$0x810] =	vst v11;
	v4 =	vmul.f32 v4, v9  }
0xbf: {  	[tilespmem:s18+$0x820] =	vst v5;
	v3 =	vmul.f32 v3, v8  }
0xc0: {  	[tilespmem:s18+$0x830] =	vst v4;
	v2 =	vmul.f32 v2, v6  }
0xc1: {  	[tilespmem:s18+$0x840] =	vst v3;
	v1 =	vmul.f32 v1, v7  }
0xc2: {  	[tilespmem:s18+$0x850] =	vst v2;
	v0 =	vmul.f32 v0, v10  }
0xc3: {  	[tilespmem:s18+$0x860] =	vst v1  }
0xc4: {  	[tilespmem:s18+$0x870] =	vst v0  }
0xc5: {  	[spmem:s2] =	stream.indirect.scatter.add.f32 [tilespmem:s25], [sflag:$0x1], $0x80, s31, s24, $0xb8;
	[tilespmem:$0x19080] =	vst v63  }
0xc6: {  	_ =	swait.ge [sflag:s22], $0x2800  }
0xc7: {  	[sflag:s22] =	ssyncset.done $0x0  }
0xc8: {  	[sflag:s22] =	ssyncadd.s32 $0xFFFFD800  }
0xc9: {  	[tilespmem:s25], [sflag:$0x1] =	stream.indirect.gather [hbm4b:s4+s24], $0x80, s0, s24, $0xb8;
	[tilespmem:$0x19080] =	vst v63  }
0xca: {  	s20 =	sadd.s32 s14, s17;
	_ =	swait.ge [sflag:s22], $0x2800  }
0xcb: {  	s18 =	sshll.u32 s20, $0x4;
	[sflag:s22] =	ssyncset.done $0x0  }
0xcc: {  	s19 =	simm.s32 $0x0;
	s18 =	sadd.s32 s5, s18;
	[sflag:s22] =	ssyncadd.s32 $0xFFFFD800  }
0xcd: {  	[tilespmem:s26], [sflag:$0x1] =	stream.linear.gather [hbm4b:s18+s19], $0x2800, $0x38;
	[tilespmem:$0x19080] =	vst v63  }
0xce: {  	_ =	swait.ge [sflag:s22], $0x2800  }
0xcf: {  	[sflag:s22] =	ssyncset.done $0x0  }
0xd0: {  	s18 =	simm.s32 $0x0;
	[sflag:s22] =	ssyncadd.s32 $0xFFFFD800  }
0xd1: {  	v7 =	vld [tilespmem:s18+$0x3000]  }
0xd2: {  	v11 =	vld [tilespmem:s18+$0x3010]  }
0xd3: {  	v5 =	vld [tilespmem:s18+$0x3020]  }
0xd4: {  	v4 =	vld [tilespmem:s18+$0x3030]  }
0xd5: {  	v3 =	vld [tilespmem:s18+$0x3040]  }
0xd6: {  	v2 =	vld [tilespmem:s18+$0x3050]  }
0xd7: {  	v1 =	vld [tilespmem:s18+$0x3060]  }
0xd8: {  	v0 =	vld [tilespmem:s18+$0x3070]  }
0xd9: {  	v12 =	vld [tilespmem:s18+$0x800]  }
0xda: {  	v13 =	vld [tilespmem:s18+$0x810]  }
0xdb: {  	v10 =	vld [tilespmem:s18+$0x820]  }
0xdc: {  	v9 =	vld [tilespmem:s18+$0x830]  }
0xdd: {  	v8 =	vld [tilespmem:s18+$0x840]  }
0xde: {  	v6 =	vld [tilespmem:s18+$0x850];
	v12 =	vmul.f32 v7, v12  }
0xdf: {  	s19 =	simm.s32 $0x200;
	v11 =	vmul.f32 v11, v13;
	v7 =	vld [tilespmem:s18+$0x860]  }
.LBB2_9:
0xe0: {  	s20 =	sshra.s32 s19, $0x2;
	p1 =	sne.s32 s19, $0x9E00;
	[tilespmem:s18+$0x800] =	vst v12;
	v5 =	vmul.f32 v5, v10;
	v10 =	vld [tilespmem:s18+$0x870]  }
0xe1: {  	v12 =	vld [tilespmem:s20+$0x3000];
	[tilespmem:s18+$0x810] =	vst v11;
	v4 =	vmul.f32 v4, v9  }
0xe2: {  	v11 =	vld [tilespmem:s20+$0x3010];
	[tilespmem:s18+$0x820] =	vst v5;
	v3 =	vmul.f32 v3, v8  }
0xe3: {  	v5 =	vld [tilespmem:s20+$0x3020];
	[tilespmem:s18+$0x830] =	vst v4;
	v2 =	vmul.f32 v2, v6  }
0xe4: {  	v4 =	vld [tilespmem:s20+$0x3030];
	[tilespmem:s18+$0x840] =	vst v3;
	v1 =	vmul.f32 v1, v7  }
0xe5: {  	v3 =	vld [tilespmem:s20+$0x3040];
	[tilespmem:s18+$0x850] =	vst v2;
	v0 =	vmul.f32 v0, v10  }
0xe6: {  	v2 =	vld [tilespmem:s20+$0x3050];
	[tilespmem:s18+$0x860] =	vst v1  }
0xe7: {  	v1 =	vld [tilespmem:s20+$0x3060];
	[tilespmem:s18+$0x870] =	vst v0;
	s18 =	smov.u32 s20  }
0xe8: {  	v0 =	vld [tilespmem:s18+$0x3070]  }
0xe9: {  	v6 =	vld [tilespmem:s18+$0x800]  }
0xea: {  	v7 =	vld [tilespmem:s18+$0x810]  }
.Ltmp3:
0xeb: {  	v10 =	vld [tilespmem:s18+$0x820];
	(pc) =	sbr.rel @p1 .LBB2_9-.Ltmp3, $4  }
0xec: {  	v9 =	vld [tilespmem:s18+$0x830]  }
0xed: {  	v8 =	vld [tilespmem:s18+$0x840]  }
0xee: {  	v12 =	vmul.f32 v12, v6;
	v6 =	vld [tilespmem:s18+$0x850]  }
0xef: {  	s19 =	sadd.s32 $0x200, s19;
	v11 =	vmul.f32 v11, v7;
	v7 =	vld [tilespmem:s18+$0x860]  }
0xf0: {  	[tilespmem:s18+$0x800] =	vst v12;
	v5 =	vmul.f32 v5, v10;
	v10 =	vld [tilespmem:s18+$0x870]  }
0xf1: {  	[tilespmem:s18+$0x810] =	vst v11;
	v4 =	vmul.f32 v4, v9  }
0xf2: {  	[tilespmem:s18+$0x820] =	vst v5;
	v3 =	vmul.f32 v3, v8  }
0xf3: {  	[tilespmem:s18+$0x830] =	vst v4;
	v2 =	vmul.f32 v2, v6  }
0xf4: {  	[tilespmem:s18+$0x840] =	vst v3;
	v1 =	vmul.f32 v1, v7  }
0xf5: {  	[tilespmem:s18+$0x850] =	vst v2;
	v0 =	vmul.f32 v0, v10  }
0xf6: {  	[tilespmem:s18+$0x860] =	vst v1  }
0xf7: {  	[tilespmem:s18+$0x870] =	vst v0  }
0xf8: {  	[spmem:s2] =	stream.indirect.scatter.add.f32 [tilespmem:s25], [sflag:$0x1], $0x80, s1, s24, $0xb8;
	[tilespmem:$0x19080] =	vst v63  }
0xf9: {  	_ =	swait.ge [sflag:s22], $0x2800  }
0xfa: {  	[sflag:s22] =	ssyncset.done $0x0  }
0xfb: {  	[sflag:s22] =	ssyncadd.s32 $0xFFFFD800  }
0xfc: {  	[tilespmem:s25], [sflag:$0x1] =	stream.indirect.gather [hbm4b:s4+s24], $0x80, s8, s24, $0xb8;
	[tilespmem:$0x19080] =	vst v63  }
0xfd: {  	s17 =	sadd.s32 s15, s17;
	_ =	swait.ge [sflag:s22], $0x2800  }
0xfe: {  	s17 =	sshll.u32 s17, $0x4;
	[sflag:s22] =	ssyncset.done $0x0  }
0xff: {  	s20 =	simm.s32 $0x0;
	s17 =	sadd.s32 s5, s17;
	[sflag:s22] =	ssyncadd.s32 $0xFFFFD800  }
0x100: {  	[tilespmem:s26], [sflag:$0x1] =	stream.linear.gather [hbm4b:s17+s20], $0x2800, $0x38;
	[tilespmem:$0x19080] =	vst v63  }
0x101: {  	_ =	swait.ge [sflag:s22], $0x2800  }
0x102: {  	[sflag:s22] =	ssyncset.done $0x0  }
0x103: {  	s17 =	simm.s32 $0x0;
	[sflag:s22] =	ssyncadd.s32 $0xFFFFD800  }
0x104: {  	v7 =	vld [tilespmem:s17+$0x3000]  }
0x105: {  	v11 =	vld [tilespmem:s17+$0x3010]  }
0x106: {  	v5 =	vld [tilespmem:s17+$0x3020]  }
0x107: {  	v4 =	vld [tilespmem:s17+$0x3030]  }
0x108: {  	v3 =	vld [tilespmem:s17+$0x3040]  }
0x109: {  	v2 =	vld [tilespmem:s17+$0x3050]  }
0x10a: {  	v1 =	vld [tilespmem:s17+$0x3060]  }
0x10b: {  	v0 =	vld [tilespmem:s17+$0x3070]  }
0x10c: {  	v12 =	vld [tilespmem:s17+$0x800]  }
0x10d: {  	v13 =	vld [tilespmem:s17+$0x810]  }
0x10e: {  	v10 =	vld [tilespmem:s17+$0x820]  }
0x10f: {  	v9 =	vld [tilespmem:s17+$0x830]  }
0x110: {  	v8 =	vld [tilespmem:s17+$0x840]  }
0x111: {  	v6 =	vld [tilespmem:s17+$0x850];
	v12 =	vmul.f32 v7, v12  }
0x112: {  	s18 =	simm.s32 $0x200;
	v11 =	vmul.f32 v11, v13;
	v7 =	vld [tilespmem:s17+$0x860]  }
.LBB2_11:
0x113: {  	s19 =	sshra.s32 s18, $0x2;
	p1 =	sne.s32 s18, $0x9E00;
	[tilespmem:s17+$0x800] =	vst v12;
	v5 =	vmul.f32 v5, v10;
	v10 =	vld [tilespmem:s17+$0x870]  }
0x114: {  	v12 =	vld [tilespmem:s19+$0x3000];
	[tilespmem:s17+$0x810] =	vst v11;
	v4 =	vmul.f32 v4, v9  }
0x115: {  	v11 =	vld [tilespmem:s19+$0x3010];
	[tilespmem:s17+$0x820] =	vst v5;
	v3 =	vmul.f32 v3, v8  }
0x116: {  	v5 =	vld [tilespmem:s19+$0x3020];
	[tilespmem:s17+$0x830] =	vst v4;
	v2 =	vmul.f32 v2, v6  }
0x117: {  	v4 =	vld [tilespmem:s19+$0x3030];
	[tilespmem:s17+$0x840] =	vst v3;
	v1 =	vmul.f32 v1, v7  }
0x118: {  	v3 =	vld [tilespmem:s19+$0x3040];
	[tilespmem:s17+$0x850] =	vst v2;
	v0 =	vmul.f32 v0, v10  }
0x119: {  	v2 =	vld [tilespmem:s19+$0x3050];
	[tilespmem:s17+$0x860] =	vst v1  }
0x11a: {  	v1 =	vld [tilespmem:s19+$0x3060];
	[tilespmem:s17+$0x870] =	vst v0;
	s17 =	smov.u32 s19  }
0x11b: {  	v0 =	vld [tilespmem:s17+$0x3070]  }
0x11c: {  	v6 =	vld [tilespmem:s17+$0x800]  }
0x11d: {  	v7 =	vld [tilespmem:s17+$0x810]  }
.Ltmp4:
0x11e: {  	v10 =	vld [tilespmem:s17+$0x820];
	(pc) =	sbr.rel @p1 .LBB2_11-.Ltmp4, $4  }
0x11f: {  	v9 =	vld [tilespmem:s17+$0x830]  }
0x120: {  	v8 =	vld [tilespmem:s17+$0x840]  }
0x121: {  	v12 =	vmul.f32 v12, v6;
	v6 =	vld [tilespmem:s17+$0x850]  }
0x122: {  	s18 =	sadd.s32 $0x200, s18;
	v11 =	vmul.f32 v11, v7;
	v7 =	vld [tilespmem:s17+$0x860]  }
0x123: {  	[tilespmem:s17+$0x800] =	vst v12;
	v5 =	vmul.f32 v5, v10;
	v63 =	vld [tilespmem:s17+$0x870]  }
0x124: {  	[tilespmem:s17+$0x810] =	vst v11;
	v4 =	vmul.f32 v4, v9  }
0x125: {  	[tilespmem:s17+$0x820] =	vst v5;
	v3 =	vmul.f32 v3, v8  }
0x126: {  	[tilespmem:s17+$0x830] =	vst v4;
	v2 =	vmul.f32 v2, v6  }
0x127: {  	[tilespmem:s17+$0x840] =	vst v3;
	v1 =	vmul.f32 v1, v7  }
0x128: {  	s16 =	sadd.s32 $0x1, s16;
	[tilespmem:s17+$0x850] =	vst v2;
	v0 =	vmul.f32 v0, v63  }
0x129: {  	p1 =	sne.s32 s16, $0x19;
	[tilespmem:s17+$0x860] =	vst v1  }
.Ltmp5:
0x12a: {  	[tilespmem:s17+$0x870] =	vst v0;
	(pc) =	sbr.rel @p1 .LBB2_2-.Ltmp5, $4  }
0x12b: {  	[spmem:s2] =	stream.indirect.scatter.add.f32 [tilespmem:s25], [sflag:$0x1], $0x80, s10, s24, $0xb8;
	[tilespmem:$0x19080] =	vst v63  }
0x12c: {  	_ =	swait.ge [sflag:s22], $0x2800  }
0x12d: {  	[sflag:s22] =	ssyncset.done $0x0  }
0x12e: {  	[sflag:s22] =	ssyncadd.s32 $0xFFFFD800  }
0x12f: {  	[bflag:$0x0] =	sbarrier.arrive $0xFFFF  }
0x130: {  	s16 =	simm.s32 @p0 $0x1FC1;
	s17 =	rddreg [dreg:$0x6]  }
0x131: {  	[hbm:s17], [sflag:s16] =	dma.local @p0 [spmem:s21], $0x2800  }
0x132: {  	s16 =	simm.s32 @p0 $0x1  }
0x133: {  	_ =	swait.ge @p0 [sflag:s16], $0x2800  }
0x134: {  	s18 =	rddreg [dreg:$0x8]  }
0x135: {  	[sflag:s16] =	ssyncset.done @p0 $0x0;
	s20 =	rddreg [dreg:$0x9]  }
0x136: {  	[sflag:s16] =	ssyncadd.s32 @p0 $0xFFFFD800;
	s16 =	rddreg [dreg:$0x5]  }
0x137: {  	[hbm:s16], [sflag:s18] =	dma.local @!p0 [spmem:s20], $0x2700  }
0x138: {  	s16 =	simm.s32 @!p0 $0x1  }
0x139: {  	_ =	swait.ge @!p0 [sflag:s16], $0x2700  }
0x13a: {  	s19 =	smov.u32 s21;
	s3 =	sadd.s32 $0x1, s3;
	s21 =	rddreg [dreg:$0x7]  }
0x13b: {  	p1 =	sne.s32 s3, s21  }
.Ltmp6:
0x13c: {  	_ = 	snop;
	(pc) =	sbr.rel @p1 .LBB2_1-.Ltmp6, $3  }
0x13d: {  	_ =	sdelay $0x1  }
0x13e: {  	[sflag:s16] =	ssyncset.done @!p0 $0x0  }
0x13f: {  	[sflag:s16] =	ssyncadd.s32 @!p0 $0xFFFFD900  }
0x140: {  	_ =	sfence.sel $0x180000  }
0x141: {  	[bflag:$0x0] =	sbarrier.arrive $0xFFFF  }
0x142: {  	_ =	strace $0x9000004A  }
0x143: {  	s0 =	stileid.u32;
	[bflag:$0x2] =	sbarrier.arrive $0xFFFF  }
0x144: {  	p0 =	sne.s32 s0, $0x0;
	s0 =	rddreg [dreg:$0x2]  }
0x145: {  	s0 =	sadd.s32 @!p0 $0x100000, s0  }
0x146: {  	[sflag:s0] =	ssyncadd.tile.s32 @!p0 $0x1;
	_ =	shalt  }
.Lfunc_end2:
_tile_overlayer_lowered:
.L_overlay_start_2:
0x147: {  	(tag) =	ssettag $0x2  }
0x148: {  	s0 =	rddreg [dreg:$0x0];
	s2 =	stileid.u32  }
0x149: {  	s1 =	rddreg [dreg:$0x1];
	p0 =	sne.s32 s2, $0x0  }
0x14a: {  	s3 =	rddreg [dreg:$0x2];
	[bflag:$0x3] =	sbarrier.arrive $0xFFFF;
	s2 =	simm.s32 @!p0 $0x1C01  }
0x14b: {  	[timem:s3], [sflag:s2] =	dma.local @!p0 [hbm:s0], s1  }
0x14c: {  	s0 =	simm.s32 @!p0 $0x1  }
0x14d: {  	_ =	swait.ge @!p0 [sflag:s0], s1  }
0x14e: {  	s1 =	ssub.s32 @!p0 $0x0, s1;
	[sflag:s0] =	ssyncset.done @!p0 $0x0  }
0x14f: {  	[sflag:s0] =	ssyncadd.s32 @!p0 s1  }
0x150: {  	[bflag:$0x3] =	sbarrier.arrive $0xFFFF  }
0x151: {  	_ =	shalt  }

// kernel: kernel.21.cloned.1.call-start
scs
__scs_entry_jumppad:
0x0: {  	(pc) =	sbr.rel $0x88, $3  }
0x1: {  	(tag) =	ssettag $0x0;
	lr =	simm.s32 $0x1  }
0x2: {  	[smem:$0x3F96] =	sst lr;
	_ =	strace $0xD0000000  }
0x3: {  	_ = 	snop  }
0x4: {  	_ = 	snop  }
0x5: {  	_ = 	snop  }
0x6: {  	_ = 	snop  }
0x7: {  	_ = 	snop  }
__scs_overlays_trampoline_lowered:
0x8: {  	[smem:$0x3FA5] =	sst s0  }
0x9: {  	[smem:$0x3FA6] =	sst s1  }
0xa: {  	[smem:$0x3FA7] =	sst s2  }
0xb: {  	[smem:$0x3FA8] =	sst s3  }
0xc: {  	[smem:$0x3FA9] =	sst s4  }
0xd: {  	[smem:$0x3FAA] =	sst s5  }
0xe: {  	[smem:$0x3FAB] =	sst s6  }
0xf: {  	[smem:$0x3FAC] =	sst s7  }
0x10: {  	[smem:$0x3FAD] =	sst s8  }
0x11: {  	[smem:$0x3FAE] =	sst s9;
	s0 =	simm.s32 @!p0 $0x0  }
0x12: {  	s1 =	sld [smem:$0x3F94];
	s0 =	simm.s32 @p0 $0x1  }
0x13: {  	[smem:$0x3FAF] =	sst s0;
	s0 =	simm.s32 @!p1 $0x0  }
0x14: {  	s2 =	sld [smem:$0x3F93];
	s0 =	simm.s32 @p1 $0x1  }
0x15: {  	[smem:$0x3FB0] =	sst s0;
	s0 =	simm.s32 @!p2 $0x0  }
0x16: {  	s3 =	sld [smem:$0x3FDB];
	s0 =	simm.s32 @p2 $0x1  }
0x17: {  	s4 =	simm.s32 $0x1BF5;
	[smem:$0x3FB2] =	sst s0  }
0x18: {  	s0 =	sld [smem:$0x3F95];
	_ =	swait.ge [sflag:s4], $0x0  }
0x19: {  	s7 =	sld [smem:$0x3F96]  }
0x1a: {  	s8 =	sadd.s32 $0xFFFFE003, lr  }
0x1b: {  	s9 =	sadd.s32 $0xFFFFFEF7, lr;
	s5 =	simm.s32 $0xFFFFFFFF;
	p2 =	slt.u32 s8, $0xFFFFF086  }
0x1c: {  	p1 =	slt.u32 s9, $0xF7A;
	s5 =	simm.s32 @!p2 $0x0  }
0x1d: {  	s5 =	simm.s32 @p1 $0x1;
	p0 =	seq.s32 s7, s2  }
0x1e: {  	s7 =	smul.u32 @!p0 $0xF7A, s2;
	p2 =	seq.s32 @!p0 s5, $0x0  }
0x1f: {  	s9 =	smul.u32 $0xF7A, s1;
	s8 =	simm.s32 @!p0 $0x1BF5;
	p2 =	por !p2, p0  }
0x20: {  	[sflag:s8] =	ssyncset.s32 @!p0 $0xFFFFF086;
	s6 =	sadd.s32 @!p0 s3, s7;
	s7 =	simm.s32 @!p0 $0x108  }
0x21: {  	s3 =	sadd.s32 s3, s9;
	s6 =	sadd.s32 @!p0 $0x88, s6;
	s7 =	simm.s32 @p2 $0x1082  }
0x22: {  	[simem:s7], [sflag:s8] =	dma.local @!p0 [hbm:s6], $0xF7A  }
0x23: {  	s9 =	sor.u32 $0xD0000000, s2;
	s6 =	simm.s32 $0x108;
	_ =	swait.ge @!p0 [sflag:s8], $0x0  }
0x24: {  	s3 =	sadd.s32 $0x88, s3;
	s6 =	simm.s32 @!p1 $0x1082;
	[sflag:s4] =	ssyncset.s32 $0xFFFFF086  }
0x25: {  	[simem:s6], [sflag:s4] =	dma.local [hbm:s3], $0xF7A  }
0x26: {  	[smem:$0x3F96] =	sst s1;
	(tag) =	ssettag s2;
	_ =	strace s9  }
0x27: {  	s1 =	sld [smem:$0x3FA6]  }
0x28: {  	s2 =	sld [smem:$0x3FA7]  }
0x29: {  	s4 =	sld [smem:$0x3FA9]  }
0x2a: {  	p0 =	seq.s32 s5, $0x0;
	s5 =	sld [smem:$0x3FAA]  }
0x2b: {  	s6 =	sld [smem:$0x3FAB]  }
0x2c: {  	s7 =	sld [smem:$0x3FAC]  }
0x2d: {  	s3 =	simm.s32 $0x108;
	s8 =	sld [smem:$0x3FAD]  }
0x2e: {  	s3 =	simm.s32 @!p0 $0x1082;
	s9 =	sld [smem:$0x3FAE]  }
0x2f: {  	lr =	sadd.s32 s0, s3;
	s0 =	sld [smem:$0x3FA5]  }
0x30: {  	s3 =	sld [smem:$0x3FA8]  }
0x31: {  	[smem:$0x3FB1] =	sst s10  }
0x32: {  	s10 =	sld [smem:$0x3FAF];
	_ =	sdelay $0x3  }
0x33: {  	p0 =	seq.s32 s10, $0x1;
	s10 =	sld [smem:$0x3FB1];
	_ =	sdelay $0x3  }
0x34: {  	[smem:$0x3FB1] =	sst s10  }
0x35: {  	s10 =	sld [smem:$0x3FB0];
	_ =	sdelay $0x3  }
0x36: {  	p1 =	seq.s32 s10, $0x1;
	s10 =	sld [smem:$0x3FB1];
	_ =	sdelay $0x3  }
0x37: {  	[smem:$0x3FB1] =	sst s10  }
0x38: {  	s10 =	sld [smem:$0x3FB2]  }
0x39: {  	_ = 	snop;
	(pc) =	sbr.ind lr, $3  }
0x3a: {  	_ = 	snop  }
0x3b: {  	_ = 	snop  }
0x3c: {  	p2 =	seq.s32 s10, $0x1;
	s10 =	sld [smem:$0x3FB1]  }
0x3d: {  	_ =	shalt  }
0x3e: {  	_ =	shalt  }
0x3f: {  	_ =	shalt  }
0x40: {  	_ =	shalt  }
0x41: {  	_ =	shalt  }
0x42: {  	_ =	shalt  }
0x43: {  	_ =	shalt  }
0x44: {  	_ =	shalt  }
0x45: {  	_ =	shalt  }
0x46: {  	_ =	shalt  }
0x47: {  	_ =	shalt  }
0x48: {  	_ =	shalt  }
0x49: {  	_ =	shalt  }
0x4a: {  	_ =	shalt  }
0x4b: {  	_ =	shalt  }
0x4c: {  	_ =	shalt  }
0x4d: {  	_ =	shalt  }
0x4e: {  	_ =	shalt  }
0x4f: {  	_ =	shalt  }
0x50: {  	_ =	shalt  }
0x51: {  	_ =	shalt  }
0x52: {  	_ =	shalt  }
0x53: {  	_ =	shalt  }
0x54: {  	_ =	shalt  }
0x55: {  	_ =	shalt  }
0x56: {  	_ =	shalt  }
0x57: {  	_ =	shalt  }
0x58: {  	_ =	shalt  }
0x59: {  	_ =	shalt  }
0x5a: {  	_ =	shalt  }
0x5b: {  	_ =	shalt  }
0x5c: {  	_ =	shalt  }
0x5d: {  	_ =	shalt  }
0x5e: {  	_ =	shalt  }
0x5f: {  	_ =	shalt  }
0x60: {  	_ =	shalt  }
0x61: {  	_ =	shalt  }
0x62: {  	_ =	shalt  }
0x63: {  	_ =	shalt  }
0x64: {  	_ =	shalt  }
0x65: {  	_ =	shalt  }
0x66: {  	_ =	shalt  }
0x67: {  	_ =	shalt  }
0x68: {  	_ =	shalt  }
0x69: {  	_ =	shalt  }
0x6a: {  	_ =	shalt  }
0x6b: {  	_ =	shalt  }
0x6c: {  	_ =	shalt  }
0x6d: {  	_ =	shalt  }
0x6e: {  	_ =	shalt  }
0x6f: {  	_ =	shalt  }
0x70: {  	_ =	shalt  }
0x71: {  	_ =	shalt  }
0x72: {  	_ =	shalt  }
0x73: {  	_ =	shalt  }
0x74: {  	_ =	shalt  }
0x75: {  	_ =	shalt  }
0x76: {  	_ =	shalt  }
0x77: {  	_ =	shalt  }
0x78: {  	_ =	shalt  }
0x79: {  	_ =	shalt  }
0x7a: {  	_ =	shalt  }
0x7b: {  	_ =	shalt  }
0x7c: {  	_ =	shalt  }
0x7d: {  	_ =	shalt  }
0x7e: {  	_ =	shalt  }
0x7f: {  	_ =	shalt  }
0x80: {  	_ =	shalt  }
0x81: {  	_ =	shalt  }
0x82: {  	_ =	shalt  }
0x83: {  	_ =	shalt  }
0x84: {  	_ =	shalt  }
0x85: {  	_ =	shalt  }
0x86: {  	_ =	shalt  }
0x87: {  	_ =	shalt  }
.Lfunc_end0:
.L_simem_size_0:
called_computation.2_lowered:
.L_overlay_start_0:
0x88: {  	s2 =	sld [smem:$0x3FD9]  }
0x89: {  	s3 =	sld [smem:$0x3FFE];
	_ =	sdelay $0x1  }
0x8a: {  	s1 =	srdreg.scid  }
0x8b: {  	s0 =	sand.u32 $0x1, s1  }
0x8c: {  	s16 =	sshll.u32 s0, $0xA;
	s2 =	sadd.s32 s3, s2  }
0x8d: {  	s2 =	sadd.s32 s2, s16  }
0x8e: {  	[smem:$0x3FBD] =	sst s2  }
0x8f: {  	_ = 	snop  }
0x90: {  	(tm) =	ssettm $0x1  }
0x91: {  	s17 =	sld [smem:$0x3FFB];
	_ =	sdelay $0x3  }
0x92: {  	_ =	strace s17  }
0x93: {  	s2 =	sld [smem:$0x3FFC];
	_ =	sdelay $0x3  }
0x94: {  	_ =	strace s2  }
0x95: {  	s2 =	sld [smem:$0x3FFD];
	_ =	sdelay $0x3  }
0x96: {  	_ =	strace s2  }
0x97: {  	_ =	strace $0x8FFFFFFF  }
0x98: {  	s18 =	sld [smem:$0x3FDB];
	_ =	sdelay $0x1  }
0x99: {  	s19 =	simm.s32 $_scs_section_size  }
0x9a: {  	s4 =	simm.s32 $_size__tile_overlayer_lowered;
	s5 =	simm.s32 $_tile_overlayer_lowered  }
0x9b: {  	s22 =	simm.s32 $0x1BFF;
	s21 =	sshll.u32 s5, $0x1;
	s2 =	sadd.s32 s19, s18  }
0x9c: {  	s6 =	simm.s32 $0x0;
	s20 =	sshll.u32 s4, $0x1;
	s4 =	sadd.s32 s21, s2  }
0x9d: {  	[timem:s6], [sflag:s22] =	dma.local [hbm:s4], s20  }
0x9e: {  	_ =	swait.ge [sflag:s22], s20  }
0x9f: {  	s3 =	ssub.s32 $0x0, s20;
	[sflag:s22] =	ssyncset.done $0x0  }
0xa0: {  	[sflag:s22] =	ssyncadd.s32 s3;
	_ =	sdelay $0x1  }
0xa1: {  	s23 =	simm.s32 $0x1B8B  }
0xa2: {  	_ =	swait.ge [sflag:s23], $0x1  }
0xa3: {  	[sflag:s23] =	ssyncset.done $0x0  }
0xa4: {  	s25 =	simm.s32 $0x1B8E;
	s24 =	sld [smem:$0x3FFE];
	[sflag:s23] =	ssyncadd.s32 $0xFFFFFFFF  }
0xa5: {  	s26 =	simm.s32 $execute0_lowered;
	[smem:$0x3FD2] =	sst s25  }
0xa6: {  	s4 =	sshll.u32 s26, $0x1;
	_ =	strace $0x8000004C;
	[dreg:$0x1] =	wrdreg $0xFFFFFFFF  }
0xa7: {  	s28 =	simm.s32 $_size_execute0_lowered;
	s2 =	sadd.s32 s2, s4;
	[dreg:$0x0] =	wrdreg $0x0  }
0xa8: {  	s4 =	sshll.u32 s28, $0x1;
	[dreg:$0x2] =	wrdreg s2  }
0xa9: {  	[dreg:$0x3] =	wrdreg s4  }
0xaa: {  	[dreg:$0x4] =	wrdreg $0xC0  }
0xab: {  	_ =	task [dreg:s6], $0x5FFFF  }
0xac: {  	[dreg:$0x1] =	wrdreg $0xFFFFFFFF  }
0xad: {  	[dreg:$0x0] =	wrdreg $0x60  }
0xae: {  	[dreg:$0x2] =	wrdreg s24  }
0xaf: {  	[dreg:$0x3] =	wrdreg $0x58000  }
0xb0: {  	[dreg:$0x4] =	wrdreg $0x9  }
0xb1: {  	_ =	task.clear_ibuf [dreg:s6], $0x5FFFF;
	_ =	strace $0x9000004C  }
0xb2: {  	s29 =	simm.s32 $0x9;
	_ =	strace $0x8000004E  }
0xb3: {  	_ =	swait.ge [sflag:s29], $0x1  }
0xb4: {  	[sflag:s29] =	ssyncadd.s32 $0xFFFFFFFF  }
0xb5: {  	_ =	strace $0x9000004E  }
0xb6: {  	_ =	sfence  }
0xb7: {  	s30 =	sld [smem:$0x0];
	_ =	sdelay $0x2  }
0xb8: {  	s31 =	sshll.u32 s1, $0xD;
	s1 =	sshrl.u32 s1, $0x2  }
0xb9: {  	s3 =	sand.u32 $0x4000, s31;
	s1 =	sadd.s32 s1, s30  }
0xba: {  	s0 =	sor.u32 s3, s0;
	s1 =	sshll.u32 s1, $0x11  }
0xbb: {  	s0 =	sor.u32 s1, s0  }
0xbc: {  	s0 =	sadd.s32 $0x8F2B, s0  }
0xbd: {  	[sflag:s0] =	ssyncadd.remote.s32 $0x1  }
0xbe: {  	_ =	sfence.sel $0xFFFF  }
0xbf: {  	[dreg:$0x0] =	wrdreg $0xFFFFFFFF;
	(pc) =	sbr.abs _section_cstart, $3  }
0xc0: {  	[dreg:$0x1] =	wrdreg $0xFFFFFFFF  }
0xc1: {  	_ =	task.clear_ibuf [dreg:s6], $0x2FFFF;
	_ =	strace $0x9FFFFFFF  }
0xc2: {  	(tm) =	ssettm $0x7FFFFFFF  }
0xc3: {  	_ =	shalt  }
tec
execute0_lowered:
.L_overlay_start_1:
0x0: {  	(tag) =	ssettag $0x1  }
0x1: {  	s0 =	rddreg [dreg:$0x0]  }
0x2: {  	s2 =	rddreg [dreg:$0x1];
	s3 =	simm.s32 $0x0  }
0x3: {  	s18 =	stileid.u32;
	s8 =	srdreg.scid;
	s22 =	simm.s32 $0x1  }
0x4: {  	s28 =	simm.s32 $0x80;
	s29 =	simm.s32 $0x480;
	s30 =	simm.s32 $0x100  }
0x5: {  	s31 =	simm.s32 $0x500;
	[smem:$0x7FF] =	sst s3;
	s4 =	sadd.s32 $0x37800, s0  }
0x6: {  	s1 =	smul.u32 $0x2700, s18;
	s5 =	sadd.s32 $0xACCC00, s0;
	s6 =	sadd.s32 $0x5800, s0  }
0x7: {  	s7 =	sadd.s32 $0x1E800, s0;
	s10 =	sadd.s32 $0x54E600, s0;
	s13 =	smul.u32 $0x4E000, s18  }
0x8: {  	s8 =	sand.u32 $0x1, s8;
	s17 =	sadd.s32 $0x124800, s2;
	s24 =	smul.u32 $0x13800, s18  }
0x9: {  	p0 =	seq.s32 s18, $0xF;
	_ =	strace $0x8000004D;
	s9 =	ssub.s32 $0x2, s8  }
0xa: {  	s11 =	sshll.u32 s8, $0x4;
	s8 =	smul.u32 $0x138800, s8;
	s19 =	sshrl.u32 @p0 s17, $0x3  }
0xb: {  	s1 =	sadd.s32 s1, s0;
	s12 =	sshrl.u32 s9, $0x1;
	s11 =	sor.u32 s18, s11  }
0xc: {  	s23 =	sshrl.u32 s13, $0x2;
	s0 =	sadd.s32 $0xA7C100, s0;
	s16 =	ssub.s32 s9, s12  }
0xd: {  	s1 =	sadd.s32 $0xA57800, s1;
	s9 =	smul.u32 $0x2710, s11;
	[dreg:$0x4] =	wrdreg s0  }
0xe: {  	s11 =	smul.u32 $0x6400, s11;
	s0 =	sadd.s32 s24, s8;
	s8 =	sshrl.u32 s8, $0x3  }
0xf: {  	s24 =	simm.s32 $0x50;
	[dreg:$0x3] =	wrdreg s1;
	s1 =	sadd.s32 s23, s2  }
0x10: {  	s0 =	sshrl.u32 s0, $0x3;
	s8 =	sadd.s32 s10, s8;
	s26 =	smax.u32 s16, $0x1  }
0x11: {  	s23 =	simm.s32 $0x400;
	s12 =	sadd.s32 $0x50, s9;
	s13 =	sadd.s32 $0xA0, s9  }
0x12: {  	s14 =	sadd.s32 $0xF0, s9;
	s15 =	sadd.s32 $0x140, s9;
	s0 =	sadd.s32 s10, s0  }
0x13: {  	s25 =	sadd.s32 $0x24900, s8;
	[dreg:$0x7] =	wrdreg s26;
	s20 =	sshrl.u32 @!p0 s1, $0x3  }
0x14: {  	s26 =	simm.s32 $0x3000;
	s1 =	simm.s32 $0x580;
	[dreg:$0x5] =	wrdreg s0  }
0x15: {  	s8 =	simm.s32 $0x200;
	[dreg:$0x6] =	wrdreg s25;
	s0 =	sshll.u32 @!p0 s18, $0x6  }
0x16: {  	s10 =	simm.s32 $0x600;
	[dreg:$0x9] =	wrdreg s20;
	s18 =	sor.u32 @!p0 $0x1C01, s0  }
0x17: {  	s25 =	simm.s32 $0x800;
	s0 =	simm.s32 $0x180;
	[dreg:$0x8] =	wrdreg s18  }
.LBB2_1:
0x18: {  	s16 =	simm.s32 @p0 $0x1FC1;
	s17 =	rddreg [dreg:$0x4]  }
0x19: {  	[spmem:s19], [sflag:s16] =	dma.local @p0 [hbm:s17], $0x2800  }
0x1a: {  	s16 =	simm.s32 @p0 $0x1  }
0x1b: {  	_ =	swait.ge @p0 [sflag:s16], $0x2800  }
0x1c: {  	[sflag:s16] =	ssyncset.done @p0 $0x0  }
0x1d: {  	[sflag:s16] =	ssyncadd.s32 @p0 $0xFFFFD800;
	s16 =	rddreg [dreg:$0x3]  }
0x1e: {  	[spmem:s20], [sflag:s18] =	dma.local @!p0 [hbm:s16], $0x2700  }
0x1f: {  	s16 =	simm.s32 @!p0 $0x1  }
0x20: {  	_ =	swait.ge @!p0 [sflag:s16], $0x2700  }
0x21: {  	[sflag:s16] =	ssyncset.done @!p0 $0x0  }
0x22: {  	[sflag:s16] =	ssyncadd.s32 @!p0 $0xFFFFD900  }
0x23: {  	s21 =	smov.u32 s19;
	s16 =	simm.s32 $0x0;
	[bflag:$0x0] =	sbarrier.arrive $0xFFFF  }
.LBB2_2:
0x24: {  	s17 =	sshll.u32 s16, $0xA  }
0x25: {  	s17 =	sadd.s32 s11, s17  }
0x26: {  	s17 =	sshrl.u32 s17, $0x3  }
0x27: {  	s19 =	simm.s32 $0x0;
	s18 =	sadd.s32 s6, s17  }
0x28: {  	[tilespmem:s19], [sflag:$0x1] =	stream.linear.gather [hbm4b:s18+s19], $0x280, $0x38;
	[tilespmem:$0x19080] =	vst v63  }
0x29: {  	_ =	swait.ge [sflag:s22], $0x280  }
0x2a: {  	[sflag:s22] =	ssyncset.done $0x0  }
0x2b: {  	s17 =	sadd.s32 s7, s17;
	[sflag:s22] =	ssyncadd.s32 $0xFFFFFD80  }
0x2c: {  	[tilespmem:s23], [sflag:$0x1] =	stream.linear.gather [hbm4b:s17+s19], $0x280, $0x38;
	[tilespmem:$0x19080] =	vst v63  }
0x2d: {  	_ =	swait.ge [sflag:s22], $0x280  }
0x2e: {  	[sflag:s22] =	ssyncset.done $0x0  }
0x2f: {  	s17 =	smul.u32 $0x190, s16;
	[sflag:s22] =	ssyncadd.s32 $0xFFFFFD80  }
0x30: {  	[tilespmem:s25], [sflag:$0x1] =	stream.indirect.gather [hbm4b:s4+s24], $0x80, s19, s24, $0xb8;
	[tilespmem:$0x19080] =	vst v63  }
0x31: {  	s20 =	sadd.s32 s9, s17;
	_ =	swait.ge [sflag:s22], $0x2800  }
0x32: {  	s18 =	sshll.u32 s20, $0x4;
	[sflag:s22] =	ssyncset.done $0x0  }
0x33: {  	s18 =	sadd.s32 s5, s18;
	[sflag:s22] =	ssyncadd.s32 $0xFFFFD800  }
0x34: {  	[tilespmem:s26], [sflag:$0x1] =	stream.linear.gather [hbm4b:s18+s19], $0x2800, $0x38;
	[tilespmem:$0x19080] =	vst v63  }
0x35: {  	_ =	swait.ge [sflag:s22], $0x2800  }
0x36: {  	[sflag:s22] =	ssyncset.done $0x0  }
0x37: {  	s18 =	simm.s32 $0x0;
	[sflag:s22] =	ssyncadd.s32 $0xFFFFD800  }
0x38: {  	v7 =	vld [tilespmem:s18+$0x3000]  }
0x39: {  	v11 =	vld [tilespmem:s18+$0x3010]  }
0x3a: {  	v5 =	vld [tilespmem:s18+$0x3020]  }
0x3b: {  	v4 =	vld [tilespmem:s18+$0x3030]  }
0x3c: {  	v3 =	vld [tilespmem:s18+$0x3040]  }
0x3d: {  	v2 =	vld [tilespmem:s18+$0x3050]  }
0x3e: {  	v1 =	vld [tilespmem:s18+$0x3060]  }
0x3f: {  	v0 =	vld [tilespmem:s18+$0x3070]  }
0x40: {  	v12 =	vld [tilespmem:s18+$0x800]  }
0x41: {  	v13 =	vld [tilespmem:s18+$0x810]  }
0x42: {  	v10 =	vld [tilespmem:s18+$0x820]  }
0x43: {  	v9 =	vld [tilespmem:s18+$0x830]  }
0x44: {  	v8 =	vld [tilespmem:s18+$0x840]  }
0x45: {  	v6 =	vld [tilespmem:s18+$0x850];
	v12 =	vmul.f32 v7, v12  }
0x46: {  	s19 =	simm.s32 $0x200;
	v11 =	vmul.f32 v11, v13;
	v7 =	vld [tilespmem:s18+$0x860]  }
.LBB2_3:
0x47: {  	s20 =	sshra.s32 s19, $0x2;
	p1 =	sne.s32 s19, $0x9E00;
	[tilespmem:s18+$0x800] =	vst v12;
	v5 =	vmul.f32 v5, v10;
	v10 =	vld [tilespmem:s18+$0x870]  }
0x48: {  	v12 =	vld [tilespmem:s20+$0x3000];
	[tilespmem:s18+$0x810] =	vst v11;
	v4 =	vmul.f32 v4, v9  }
0x49: {  	v11 =	vld [tilespmem:s20+$0x3010];
	[tilespmem:s18+$0x820] =	vst v5;
	v3 =	vmul.f32 v3, v8  }
0x4a: {  	v5 =	vld [tilespmem:s20+$0x3020];
	[tilespmem:s18+$0x830] =	vst v4;
	v2 =	vmul.f32 v2, v6  }
0x4b: {  	v4 =	vld [tilespmem:s20+$0x3030];
	[tilespmem:s18+$0x840] =	vst v3;
	v1 =	vmul.f32 v1, v7  }
0x4c: {  	v3 =	vld [tilespmem:s20+$0x3040];
	[tilespmem:s18+$0x850] =	vst v2;
	v0 =	vmul.f32 v0, v10  }
0x4d: {  	v2 =	vld [tilespmem:s20+$0x3050];
	[tilespmem:s18+$0x860] =	vst v1  }
0x4e: {  	v1 =	vld [tilespmem:s20+$0x3060];
	[tilespmem:s18+$0x870] =	vst v0;
	s18 =	smov.u32 s20  }
0x4f: {  	v0 =	vld [tilespmem:s18+$0x3070]  }
0x50: {  	v6 =	vld [tilespmem:s18+$0x800]  }
0x51: {  	v7 =	vld [tilespmem:s18+$0x810]  }
.Ltmp0:
0x52: {  	v10 =	vld [tilespmem:s18+$0x820];
	(pc) =	sbr.rel @p1 .LBB2_3-.Ltmp0, $4  }
0x53: {  	v9 =	vld [tilespmem:s18+$0x830]  }
0x54: {  	v8 =	vld [tilespmem:s18+$0x840]  }
0x55: {  	v12 =	vmul.f32 v12, v6;
	v6 =	vld [tilespmem:s18+$0x850]  }
0x56: {  	s19 =	sadd.s32 $0x200, s19;
	v11 =	vmul.f32 v11, v7;
	v7 =	vld [tilespmem:s18+$0x860]  }
0x57: {  	[tilespmem:s18+$0x800] =	vst v12;
	v5 =	vmul.f32 v5, v10;
	v10 =	vld [tilespmem:s18+$0x870]  }
0x58: {  	[tilespmem:s18+$0x810] =	vst v11;
	v4 =	vmul.f32 v4, v9  }
0x59: {  	[tilespmem:s18+$0x820] =	vst v5;
	v3 =	vmul.f32 v3, v8  }
0x5a: {  	[tilespmem:s18+$0x830] =	vst v4;
	v2 =	vmul.f32 v2, v6  }
0x5b: {  	[tilespmem:s18+$0x840] =	vst v3;
	v1 =	vmul.f32 v1, v7  }
0x5c: {  	[tilespmem:s18+$0x850] =	vst v2;
	v0 =	vmul.f32 v0, v10  }
0x5d: {  	[tilespmem:s18+$0x860] =	vst v1  }
0x5e: {  	[tilespmem:s18+$0x870] =	vst v0  }
0x5f: {  	[spmem:s2] =	stream.indirect.scatter.add.f32 [tilespmem:s25], [sflag:$0x1], $0x80, s23, s24, $0xb8;
	[tilespmem:$0x19080] =	vst v63  }
0x60: {  	_ =	swait.ge [sflag:s22], $0x2800  }
0x61: {  	[sflag:s22] =	ssyncset.done $0x0  }
0x62: {  	[sflag:s22] =	ssyncadd.s32 $0xFFFFD800  }
0x63: {  	[tilespmem:s25], [sflag:$0x1] =	stream.indirect.gather [hbm4b:s4+s24], $0x80, s28, s24, $0xb8;
	[tilespmem:$0x19080] =	vst v63  }
0x64: {  	s20 =	sadd.s32 s12, s17;
	_ =	swait.ge [sflag:s22], $0x2800  }
0x65: {  	s18 =	sshll.u32 s20, $0x4;
	[sflag:s22] =	ssyncset.done $0x0  }
0x66: {  	s19 =	simm.s32 $0x0;
	s18 =	sadd.s32 s5, s18;
	[sflag:s22] =	ssyncadd.s32 $0xFFFFD800  }
0x67: {  	[tilespmem:s26], [sflag:$0x1] =	stream.linear.gather [hbm4b:s18+s19], $0x2800, $0x38;
	[tilespmem:$0x19080] =	vst v63  }
0x68: {  	_ =	swait.ge [sflag:s22], $0x2800  }
0x69: {  	[sflag:s22] =	ssyncset.done $0x0  }
0x6a: {  	s18 =	simm.s32 $0x0;
	[sflag:s22] =	ssyncadd.s32 $0xFFFFD800  }
0x6b: {  	v7 =	vld [tilespmem:s18+$0x3000]  }
0x6c: {  	v11 =	vld [tilespmem:s18+$0x3010]  }
0x6d: {  	v5 =	vld [tilespmem:s18+$0x3020]  }
0x6e: {  	v4 =	vld [tilespmem:s18+$0x3030]  }
0x6f: {  	v3 =	vld [tilespmem:s18+$0x3040]  }
0x70: {  	v2 =	vld [tilespmem:s18+$0x3050]  }
0x71: {  	v1 =	vld [tilespmem:s18+$0x3060]  }
0x72: {  	v0 =	vld [tilespmem:s18+$0x3070]  }
0x73: {  	v12 =	vld [tilespmem:s18+$0x800]  }
0x74: {  	v13 =	vld [tilespmem:s18+$0x810]  }
0x75: {  	v10 =	vld [tilespmem:s18+$0x820]  }
0x76: {  	v9 =	vld [tilespmem:s18+$0x830]  }
0x77: {  	v8 =	vld [tilespmem:s18+$0x840]  }
0x78: {  	v6 =	vld [tilespmem:s18+$0x850];
	v12 =	vmul.f32 v7, v12  }
0x79: {  	s19 =	simm.s32 $0x200;
	v11 =	vmul.f32 v11, v13;
	v7 =	vld [tilespmem:s18+$0x860]  }
.LBB2_5:
0x7a: {  	s20 =	sshra.s32 s19, $0x2;
	p1 =	sne.s32 s19, $0x9E00;
	[tilespmem:s18+$0x800] =	vst v12;
	v5 =	vmul.f32 v5, v10;
	v10 =	vld [tilespmem:s18+$0x870]  }
0x7b: {  	v12 =	vld [tilespmem:s20+$0x3000];
	[tilespmem:s18+$0x810] =	vst v11;
	v4 =	vmul.f32 v4, v9  }
0x7c: {  	v11 =	vld [tilespmem:s20+$0x3010];
	[tilespmem:s18+$0x820] =	vst v5;
	v3 =	vmul.f32 v3, v8  }
0x7d: {  	v5 =	vld [tilespmem:s20+$0x3020];
	[tilespmem:s18+$0x830] =	vst v4;
	v2 =	vmul.f32 v2, v6  }
0x7e: {  	v4 =	vld [tilespmem:s20+$0x3030];
	[tilespmem:s18+$0x840] =	vst v3;
	v1 =	vmul.f32 v1, v7  }
0x7f: {  	v3 =	vld [tilespmem:s20+$0x3040];
	[tilespmem:s18+$0x850] =	vst v2;
	v0 =	vmul.f32 v0, v10  }
0x80: {  	v2 =	vld [tilespmem:s20+$0x3050];
	[tilespmem:s18+$0x860] =	vst v1  }
0x81: {  	v1 =	vld [tilespmem:s20+$0x3060];
	[tilespmem:s18+$0x870] =	vst v0;
	s18 =	smov.u32 s20  }
0x82: {  	v0 =	vld [tilespmem:s18+$0x3070]  }
0x83: {  	v6 =	vld [tilespmem:s18+$0x800]  }
0x84: {  	v7 =	vld [tilespmem:s18+$0x810]  }
.Ltmp1:
0x85: {  	v10 =	vld [tilespmem:s18+$0x820];
	(pc) =	sbr.rel @p1 .LBB2_5-.Ltmp1, $4  }
0x86: {  	v9 =	vld [tilespmem:s18+$0x830]  }
0x87: {  	v8 =	vld [tilespmem:s18+$0x840]  }
0x88: {  	v12 =	vmul.f32 v12, v6;
	v6 =	vld [tilespmem:s18+$0x850]  }
0x89: {  	s19 =	sadd.s32 $0x200, s19;
	v11 =	vmul.f32 v11, v7;
	v7 =	vld [tilespmem:s18+$0x860]  }
0x8a: {  	[tilespmem:s18+$0x800] =	vst v12;
	v5 =	vmul.f32 v5, v10;
	v10 =	vld [tilespmem:s18+$0x870]  }
0x8b: {  	[tilespmem:s18+$0x810] =	vst v11;
	v4 =	vmul.f32 v4, v9  }
0x8c: {  	[tilespmem:s18+$0x820] =	vst v5;
	v3 =	vmul.f32 v3, v8  }
0x8d: {  	[tilespmem:s18+$0x830] =	vst v4;
	v2 =	vmul.f32 v2, v6  }
0x8e: {  	[tilespmem:s18+$0x840] =	vst v3;
	v1 =	vmul.f32 v1, v7  }
0x8f: {  	[tilespmem:s18+$0x850] =	vst v2;
	v0 =	vmul.f32 v0, v10  }
0x90: {  	[tilespmem:s18+$0x860] =	vst v1  }
0x91: {  	[tilespmem:s18+$0x870] =	vst v0  }
0x92: {  	[spmem:s2] =	stream.indirect.scatter.add.f32 [tilespmem:s25], [sflag:$0x1], $0x80, s29, s24, $0xb8;
	[tilespmem:$0x19080] =	vst v63  }
0x93: {  	_ =	swait.ge [sflag:s22], $0x2800  }
0x94: {  	[sflag:s22] =	ssyncset.done $0x0  }
0x95: {  	[sflag:s22] =	ssyncadd.s32 $0xFFFFD800  }
0x96: {  	[tilespmem:s25], [sflag:$0x1] =	stream.indirect.gather [hbm4b:s4+s24], $0x80, s30, s24, $0xb8;
	[tilespmem:$0x19080] =	vst v63  }
0x97: {  	s20 =	sadd.s32 s13, s17;
	_ =	swait.ge [sflag:s22], $0x2800  }
0x98: {  	s18 =	sshll.u32 s20, $0x4;
	[sflag:s22] =	ssyncset.done $0x0  }
0x99: {  	s19 =	simm.s32 $0x0;
	s18 =	sadd.s32 s5, s18;
	[sflag:s22] =	ssyncadd.s32 $0xFFFFD800  }
0x9a: {  	[tilespmem:s26], [sflag:$0x1] =	stream.linear.gather [hbm4b:s18+s19], $0x2800, $0x38;
	[tilespmem:$0x19080] =	vst v63  }
0x9b: {  	_ =	swait.ge [sflag:s22], $0x2800  }
0x9c: {  	[sflag:s22] =	ssyncset.done $0x0  }
0x9d: {  	s18 =	simm.s32 $0x0;
	[sflag:s22] =	ssyncadd.s32 $0xFFFFD800  }
0x9e: {  	v7 =	vld [tilespmem:s18+$0x3000]  }
0x9f: {  	v11 =	vld [tilespmem:s18+$0x3010]  }
0xa0: {  	v5 =	vld [tilespmem:s18+$0x3020]  }
0xa1: {  	v4 =	vld [tilespmem:s18+$0x3030]  }
0xa2: {  	v3 =	vld [tilespmem:s18+$0x3040]  }
0xa3: {  	v2 =	vld [tilespmem:s18+$0x3050]  }
0xa4: {  	v1 =	vld [tilespmem:s18+$0x3060]  }
0xa5: {  	v0 =	vld [tilespmem:s18+$0x3070]  }
0xa6: {  	v12 =	vld [tilespmem:s18+$0x800]  }
0xa7: {  	v13 =	vld [tilespmem:s18+$0x810]  }
0xa8: {  	v10 =	vld [tilespmem:s18+$0x820]  }
0xa9: {  	v9 =	vld [tilespmem:s18+$0x830]  }
0xaa: {  	v8 =	vld [tilespmem:s18+$0x840]  }
0xab: {  	v6 =	vld [tilespmem:s18+$0x850];
	v12 =	vmul.f32 v7, v12  }
0xac: {  	s19 =	simm.s32 $0x200;
	v11 =	vmul.f32 v11, v13;
	v7 =	vld [tilespmem:s18+$0x860]  }
.LBB2_7:
0xad: {  	s20 =	sshra.s32 s19, $0x2;
	p1 =	sne.s32 s19, $0x9E00;
	[tilespmem:s18+$0x800] =	vst v12;
	v5 =	vmul.f32 v5, v10;
	v10 =	vld [tilespmem:s18+$0x870]  }
0xae: {  	v12 =	vld [tilespmem:s20+$0x3000];
	[tilespmem:s18+$0x810] =	vst v11;
	v4 =	vmul.f32 v4, v9  }
0xaf: {  	v11 =	vld [tilespmem:s20+$0x3010];
	[tilespmem:s18+$0x820] =	vst v5;
	v3 =	vmul.f32 v3, v8  }
0xb0: {  	v5 =	vld [tilespmem:s20+$0x3020];
	[tilespmem:s18+$0x830] =	vst v4;
	v2 =	vmul.f32 v2, v6  }
0xb1: {  	v4 =	vld [tilespmem:s20+$0x3030];
	[tilespmem:s18+$0x840] =	vst v3;
	v1 =	vmul.f32 v1, v7  }
0xb2: {  	v3 =	vld [tilespmem:s20+$0x3040];
	[tilespmem:s18+$0x850] =	vst v2;
	v0 =	vmul.f32 v0, v10  }
0xb3: {  	v2 =	vld [tilespmem:s20+$0x3050];
	[tilespmem:s18+$0x860] =	vst v1  }
0xb4: {  	v1 =	vld [tilespmem:s20+$0x3060];
	[tilespmem:s18+$0x870] =	vst v0;
	s18 =	smov.u32 s20  }
0xb5: {  	v0 =	vld [tilespmem:s18+$0x3070]  }
0xb6: {  	v6 =	vld [tilespmem:s18+$0x800]  }
0xb7: {  	v7 =	vld [tilespmem:s18+$0x810]  }
.Ltmp2:
0xb8: {  	v10 =	vld [tilespmem:s18+$0x820];
	(pc) =	sbr.rel @p1 .LBB2_7-.Ltmp2, $4  }
0xb9: {  	v9 =	vld [tilespmem:s18+$0x830]  }
0xba: {  	v8 =	vld [tilespmem:s18+$0x840]  }
0xbb: {  	v12 =	vmul.f32 v12, v6;
	v6 =	vld [tilespmem:s18+$0x850]  }
0xbc: {  	s19 =	sadd.s32 $0x200, s19;
	v11 =	vmul.f32 v11, v7;
	v7 =	vld [tilespmem:s18+$0x860]  }
0xbd: {  	[tilespmem:s18+$0x800] =	vst v12;
	v5 =	vmul.f32 v5, v10;
	v10 =	vld [tilespmem:s18+$0x870]  }
0xbe: {  	[tilespmem:s18+$0x810] =	vst v11;
	v4 =	vmul.f32 v4, v9  }
0xbf: {  	[tilespmem:s18+$0x820] =	vst v5;
	v3 =	vmul.f32 v3, v8  }
0xc0: {  	[tilespmem:s18+$0x830] =	vst v4;
	v2 =	vmul.f32 v2, v6  }
0xc1: {  	[tilespmem:s18+$0x840] =	vst v3;
	v1 =	vmul.f32 v1, v7  }
0xc2: {  	[tilespmem:s18+$0x850] =	vst v2;
	v0 =	vmul.f32 v0, v10  }
0xc3: {  	[tilespmem:s18+$0x860] =	vst v1  }
0xc4: {  	[tilespmem:s18+$0x870] =	vst v0  }
0xc5: {  	[spmem:s2] =	stream.indirect.scatter.add.f32 [tilespmem:s25], [sflag:$0x1], $0x80, s31, s24, $0xb8;
	[tilespmem:$0x19080] =	vst v63  }
0xc6: {  	_ =	swait.ge [sflag:s22], $0x2800  }
0xc7: {  	[sflag:s22] =	ssyncset.done $0x0  }
0xc8: {  	[sflag:s22] =	ssyncadd.s32 $0xFFFFD800  }
0xc9: {  	[tilespmem:s25], [sflag:$0x1] =	stream.indirect.gather [hbm4b:s4+s24], $0x80, s0, s24, $0xb8;
	[tilespmem:$0x19080] =	vst v63  }
0xca: {  	s20 =	sadd.s32 s14, s17;
	_ =	swait.ge [sflag:s22], $0x2800  }
0xcb: {  	s18 =	sshll.u32 s20, $0x4;
	[sflag:s22] =	ssyncset.done $0x0  }
0xcc: {  	s19 =	simm.s32 $0x0;
	s18 =	sadd.s32 s5, s18;
	[sflag:s22] =	ssyncadd.s32 $0xFFFFD800  }
0xcd: {  	[tilespmem:s26], [sflag:$0x1] =	stream.linear.gather [hbm4b:s18+s19], $0x2800, $0x38;
	[tilespmem:$0x19080] =	vst v63  }
0xce: {  	_ =	swait.ge [sflag:s22], $0x2800  }
0xcf: {  	[sflag:s22] =	ssyncset.done $0x0  }
0xd0: {  	s18 =	simm.s32 $0x0;
	[sflag:s22] =	ssyncadd.s32 $0xFFFFD800  }
0xd1: {  	v7 =	vld [tilespmem:s18+$0x3000]  }
0xd2: {  	v11 =	vld [tilespmem:s18+$0x3010]  }
0xd3: {  	v5 =	vld [tilespmem:s18+$0x3020]  }
0xd4: {  	v4 =	vld [tilespmem:s18+$0x3030]  }
0xd5: {  	v3 =	vld [tilespmem:s18+$0x3040]  }
0xd6: {  	v2 =	vld [tilespmem:s18+$0x3050]  }
0xd7: {  	v1 =	vld [tilespmem:s18+$0x3060]  }
0xd8: {  	v0 =	vld [tilespmem:s18+$0x3070]  }
0xd9: {  	v12 =	vld [tilespmem:s18+$0x800]  }
0xda: {  	v13 =	vld [tilespmem:s18+$0x810]  }
0xdb: {  	v10 =	vld [tilespmem:s18+$0x820]  }
0xdc: {  	v9 =	vld [tilespmem:s18+$0x830]  }
0xdd: {  	v8 =	vld [tilespmem:s18+$0x840]  }
0xde: {  	v6 =	vld [tilespmem:s18+$0x850];
	v12 =	vmul.f32 v7, v12  }
0xdf: {  	s19 =	simm.s32 $0x200;
	v11 =	vmul.f32 v11, v13;
	v7 =	vld [tilespmem:s18+$0x860]  }
.LBB2_9:
0xe0: {  	s20 =	sshra.s32 s19, $0x2;
	p1 =	sne.s32 s19, $0x9E00;
	[tilespmem:s18+$0x800] =	vst v12;
	v5 =	vmul.f32 v5, v10;
	v10 =	vld [tilespmem:s18+$0x870]  }
0xe1: {  	v12 =	vld [tilespmem:s20+$0x3000];
	[tilespmem:s18+$0x810] =	vst v11;
	v4 =	vmul.f32 v4, v9  }
0xe2: {  	v11 =	vld [tilespmem:s20+$0x3010];
	[tilespmem:s18+$0x820] =	vst v5;
	v3 =	vmul.f32 v3, v8  }
0xe3: {  	v5 =	vld [tilespmem:s20+$0x3020];
	[tilespmem:s18+$0x830] =	vst v4;
	v2 =	vmul.f32 v2, v6  }
0xe4: {  	v4 =	vld [tilespmem:s20+$0x3030];
	[tilespmem:s18+$0x840] =	vst v3;
	v1 =	vmul.f32 v1, v7  }
0xe5: {  	v3 =	vld [tilespmem:s20+$0x3040];
	[tilespmem:s18+$0x850] =	vst v2;
	v0 =	vmul.f32 v0, v10  }
0xe6: {  	v2 =	vld [tilespmem:s20+$0x3050];
	[tilespmem:s18+$0x860] =	vst v1  }
0xe7: {  	v1 =	vld [tilespmem:s20+$0x3060];
	[tilespmem:s18+$0x870] =	vst v0;
	s18 =	smov.u32 s20  }
0xe8: {  	v0 =	vld [tilespmem:s18+$0x3070]  }
0xe9: {  	v6 =	vld [tilespmem:s18+$0x800]  }
0xea: {  	v7 =	vld [tilespmem:s18+$0x810]  }
.Ltmp3:
0xeb: {  	v10 =	vld [tilespmem:s18+$0x820];
	(pc) =	sbr.rel @p1 .LBB2_9-.Ltmp3, $4  }
0xec: {  	v9 =	vld [tilespmem:s18+$0x830]  }
0xed: {  	v8 =	vld [tilespmem:s18+$0x840]  }
0xee: {  	v12 =	vmul.f32 v12, v6;
	v6 =	vld [tilespmem:s18+$0x850]  }
0xef: {  	s19 =	sadd.s32 $0x200, s19;
	v11 =	vmul.f32 v11, v7;
	v7 =	vld [tilespmem:s18+$0x860]  }
0xf0: {  	[tilespmem:s18+$0x800] =	vst v12;
	v5 =	vmul.f32 v5, v10;
	v10 =	vld [tilespmem:s18+$0x870]  }
0xf1: {  	[tilespmem:s18+$0x810] =	vst v11;
	v4 =	vmul.f32 v4, v9  }
0xf2: {  	[tilespmem:s18+$0x820] =	vst v5;
	v3 =	vmul.f32 v3, v8  }
0xf3: {  	[tilespmem:s18+$0x830] =	vst v4;
	v2 =	vmul.f32 v2, v6  }
0xf4: {  	[tilespmem:s18+$0x840] =	vst v3;
	v1 =	vmul.f32 v1, v7  }
0xf5: {  	[tilespmem:s18+$0x850] =	vst v2;
	v0 =	vmul.f32 v0, v10  }
0xf6: {  	[tilespmem:s18+$0x860] =	vst v1  }
0xf7: {  	[tilespmem:s18+$0x870] =	vst v0  }
0xf8: {  	[spmem:s2] =	stream.indirect.scatter.add.f32 [tilespmem:s25], [sflag:$0x1], $0x80, s1, s24, $0xb8;
	[tilespmem:$0x19080] =	vst v63  }
0xf9: {  	_ =	swait.ge [sflag:s22], $0x2800  }
0xfa: {  	[sflag:s22] =	ssyncset.done $0x0  }
0xfb: {  	[sflag:s22] =	ssyncadd.s32 $0xFFFFD800  }
0xfc: {  	[tilespmem:s25], [sflag:$0x1] =	stream.indirect.gather [hbm4b:s4+s24], $0x80, s8, s24, $0xb8;
	[tilespmem:$0x19080] =	vst v63  }
0xfd: {  	s17 =	sadd.s32 s15, s17;
	_ =	swait.ge [sflag:s22], $0x2800  }
0xfe: {  	s17 =	sshll.u32 s17, $0x4;
	[sflag:s22] =	ssyncset.done $0x0  }
0xff: {  	s20 =	simm.s32 $0x0;
	s17 =	sadd.s32 s5, s17;
	[sflag:s22] =	ssyncadd.s32 $0xFFFFD800  }
0x100: {  	[tilespmem:s26], [sflag:$0x1] =	stream.linear.gather [hbm4b:s17+s20], $0x2800, $0x38;
	[tilespmem:$0x19080] =	vst v63  }
0x101: {  	_ =	swait.ge [sflag:s22], $0x2800  }
0x102: {  	[sflag:s22] =	ssyncset.done $0x0  }
0x103: {  	s17 =	simm.s32 $0x0;
	[sflag:s22] =	ssyncadd.s32 $0xFFFFD800  }
0x104: {  	v7 =	vld [tilespmem:s17+$0x3000]  }
0x105: {  	v11 =	vld [tilespmem:s17+$0x3010]  }
0x106: {  	v5 =	vld [tilespmem:s17+$0x3020]  }
0x107: {  	v4 =	vld [tilespmem:s17+$0x3030]  }
0x108: {  	v3 =	vld [tilespmem:s17+$0x3040]  }
0x109: {  	v2 =	vld [tilespmem:s17+$0x3050]  }
0x10a: {  	v1 =	vld [tilespmem:s17+$0x3060]  }
0x10b: {  	v0 =	vld [tilespmem:s17+$0x3070]  }
0x10c: {  	v12 =	vld [tilespmem:s17+$0x800]  }
0x10d: {  	v13 =	vld [tilespmem:s17+$0x810]  }
0x10e: {  	v10 =	vld [tilespmem:s17+$0x820]  }
0x10f: {  	v9 =	vld [tilespmem:s17+$0x830]  }
0x110: {  	v8 =	vld [tilespmem:s17+$0x840]  }
0x111: {  	v6 =	vld [tilespmem:s17+$0x850];
	v12 =	vmul.f32 v7, v12  }
0x112: {  	s18 =	simm.s32 $0x200;
	v11 =	vmul.f32 v11, v13;
	v7 =	vld [tilespmem:s17+$0x860]  }
.LBB2_11:
0x113: {  	s19 =	sshra.s32 s18, $0x2;
	p1 =	sne.s32 s18, $0x9E00;
	[tilespmem:s17+$0x800] =	vst v12;
	v5 =	vmul.f32 v5, v10;
	v10 =	vld [tilespmem:s17+$0x870]  }
0x114: {  	v12 =	vld [tilespmem:s19+$0x3000];
	[tilespmem:s17+$0x810] =	vst v11;
	v4 =	vmul.f32 v4, v9  }
0x115: {  	v11 =	vld [tilespmem:s19+$0x3010];
	[tilespmem:s17+$0x820] =	vst v5;
	v3 =	vmul.f32 v3, v8  }
0x116: {  	v5 =	vld [tilespmem:s19+$0x3020];
	[tilespmem:s17+$0x830] =	vst v4;
	v2 =	vmul.f32 v2, v6  }
0x117: {  	v4 =	vld [tilespmem:s19+$0x3030];
	[tilespmem:s17+$0x840] =	vst v3;
	v1 =	vmul.f32 v1, v7  }
0x118: {  	v3 =	vld [tilespmem:s19+$0x3040];
	[tilespmem:s17+$0x850] =	vst v2;
	v0 =	vmul.f32 v0, v10  }
0x119: {  	v2 =	vld [tilespmem:s19+$0x3050];
	[tilespmem:s17+$0x860] =	vst v1  }
0x11a: {  	v1 =	vld [tilespmem:s19+$0x3060];
	[tilespmem:s17+$0x870] =	vst v0;
	s17 =	smov.u32 s19  }
0x11b: {  	v0 =	vld [tilespmem:s17+$0x3070]  }
0x11c: {  	v6 =	vld [tilespmem:s17+$0x800]  }
0x11d: {  	v7 =	vld [tilespmem:s17+$0x810]  }
.Ltmp4:
0x11e: {  	v10 =	vld [tilespmem:s17+$0x820];
	(pc) =	sbr.rel @p1 .LBB2_11-.Ltmp4, $4  }
0x11f: {  	v9 =	vld [tilespmem:s17+$0x830]  }
0x120: {  	v8 =	vld [tilespmem:s17+$0x840]  }
0x121: {  	v12 =	vmul.f32 v12, v6;
	v6 =	vld [tilespmem:s17+$0x850]  }
0x122: {  	s18 =	sadd.s32 $0x200, s18;
	v11 =	vmul.f32 v11, v7;
	v7 =	vld [tilespmem:s17+$0x860]  }
0x123: {  	[tilespmem:s17+$0x800] =	vst v12;
	v5 =	vmul.f32 v5, v10;
	v63 =	vld [tilespmem:s17+$0x870]  }
0x124: {  	[tilespmem:s17+$0x810] =	vst v11;
	v4 =	vmul.f32 v4, v9  }
0x125: {  	[tilespmem:s17+$0x820] =	vst v5;
	v3 =	vmul.f32 v3, v8  }
0x126: {  	[tilespmem:s17+$0x830] =	vst v4;
	v2 =	vmul.f32 v2, v6  }
0x127: {  	[tilespmem:s17+$0x840] =	vst v3;
	v1 =	vmul.f32 v1, v7  }
0x128: {  	s16 =	sadd.s32 $0x1, s16;
	[tilespmem:s17+$0x850] =	vst v2;
	v0 =	vmul.f32 v0, v63  }
0x129: {  	p1 =	sne.s32 s16, $0x19;
	[tilespmem:s17+$0x860] =	vst v1  }
.Ltmp5:
0x12a: {  	[tilespmem:s17+$0x870] =	vst v0;
	(pc) =	sbr.rel @p1 .LBB2_2-.Ltmp5, $4  }
0x12b: {  	[spmem:s2] =	stream.indirect.scatter.add.f32 [tilespmem:s25], [sflag:$0x1], $0x80, s10, s24, $0xb8;
	[tilespmem:$0x19080] =	vst v63  }
0x12c: {  	_ =	swait.ge [sflag:s22], $0x2800  }
0x12d: {  	[sflag:s22] =	ssyncset.done $0x0  }
0x12e: {  	[sflag:s22] =	ssyncadd.s32 $0xFFFFD800  }
0x12f: {  	[bflag:$0x0] =	sbarrier.arrive $0xFFFF  }
0x130: {  	s16 =	simm.s32 @p0 $0x1FC1;
	s17 =	rddreg [dreg:$0x6]  }
0x131: {  	[hbm:s17], [sflag:s16] =	dma.local @p0 [spmem:s21], $0x2800  }
0x132: {  	s16 =	simm.s32 @p0 $0x1  }
0x133: {  	_ =	swait.ge @p0 [sflag:s16], $0x2800  }
0x134: {  	s18 =	rddreg [dreg:$0x8]  }
0x135: {  	[sflag:s16] =	ssyncset.done @p0 $0x0;
	s20 =	rddreg [dreg:$0x9]  }
0x136: {  	[sflag:s16] =	ssyncadd.s32 @p0 $0xFFFFD800;
	s16 =	rddreg [dreg:$0x5]  }
0x137: {  	[hbm:s16], [sflag:s18] =	dma.local @!p0 [spmem:s20], $0x2700  }
0x138: {  	s16 =	simm.s32 @!p0 $0x1  }
0x139: {  	_ =	swait.ge @!p0 [sflag:s16], $0x2700  }
0x13a: {  	s19 =	smov.u32 s21;
	s3 =	sadd.s32 $0x1, s3;
	s21 =	rddreg [dreg:$0x7]  }
0x13b: {  	p1 =	sne.s32 s3, s21  }
.Ltmp6:
0x13c: {  	_ = 	snop;
	(pc) =	sbr.rel @p1 .LBB2_1-.Ltmp6, $3  }
0x13d: {  	_ =	sdelay $0x1  }
0x13e: {  	[sflag:s16] =	ssyncset.done @!p0 $0x0  }
0x13f: {  	[sflag:s16] =	ssyncadd.s32 @!p0 $0xFFFFD900  }
0x140: {  	_ =	sfence.sel $0x180000  }
0x141: {  	[bflag:$0x0] =	sbarrier.arrive $0xFFFF  }
0x142: {  	_ =	strace $0x9000004D  }
0x143: {  	s0 =	stileid.u32;
	[bflag:$0x2] =	sbarrier.arrive $0xFFFF  }
0x144: {  	p0 =	sne.s32 s0, $0x0;
	s0 =	rddreg [dreg:$0x2]  }
0x145: {  	s0 =	sadd.s32 @!p0 $0x100000, s0  }
0x146: {  	[sflag:s0] =	ssyncadd.tile.s32 @!p0 $0x1;
	_ =	shalt  }
.Lfunc_end2:
_tile_overlayer_lowered:
.L_overlay_start_2:
0x147: {  	(tag) =	ssettag $0x2  }
0x148: {  	s0 =	rddreg [dreg:$0x0];
	s2 =	stileid.u32  }
0x149: {  	s1 =	rddreg [dreg:$0x1];
	p0 =	sne.s32 s2, $0x0  }
0x14a: {  	s3 =	rddreg [dreg:$0x2];
	[bflag:$0x3] =	sbarrier.arrive $0xFFFF;
	s2 =	simm.s32 @!p0 $0x1C01  }
0x14b: {  	[timem:s3], [sflag:s2] =	dma.local @!p0 [hbm:s0], s1  }
0x14c: {  	s0 =	simm.s32 @!p0 $0x1  }
0x14d: {  	_ =	swait.ge @!p0 [sflag:s0], s1  }
0x14e: {  	s1 =	ssub.s32 @!p0 $0x0, s1;
	[sflag:s0] =	ssyncset.done @!p0 $0x0  }
0x14f: {  	[sflag:s0] =	ssyncadd.s32 @!p0 s1  }
0x150: {  	[bflag:$0x3] =	sbarrier.arrive $0xFFFF  }
0x151: {  	_ =	shalt  }

// kernel: kernel.24.cloned.1.call-start
scs
__scs_entry_jumppad:
0x0: {  	(pc) =	sbr.rel $0x88, $3  }
0x1: {  	(tag) =	ssettag $0x0;
	lr =	simm.s32 $0x1  }
0x2: {  	[smem:$0x3F96] =	sst lr;
	_ =	strace $0xD0000000  }
0x3: {  	_ = 	snop  }
0x4: {  	_ = 	snop  }
0x5: {  	_ = 	snop  }
0x6: {  	_ = 	snop  }
0x7: {  	_ = 	snop  }
__scs_overlays_trampoline_lowered:
0x8: {  	[smem:$0x3FA5] =	sst s0  }
0x9: {  	[smem:$0x3FA6] =	sst s1  }
0xa: {  	[smem:$0x3FA7] =	sst s2  }
0xb: {  	[smem:$0x3FA8] =	sst s3  }
0xc: {  	[smem:$0x3FA9] =	sst s4  }
0xd: {  	[smem:$0x3FAA] =	sst s5  }
0xe: {  	[smem:$0x3FAB] =	sst s6  }
0xf: {  	[smem:$0x3FAC] =	sst s7  }
0x10: {  	[smem:$0x3FAD] =	sst s8  }
0x11: {  	[smem:$0x3FAE] =	sst s9;
	s0 =	simm.s32 @!p0 $0x0  }
0x12: {  	s1 =	sld [smem:$0x3F94];
	s0 =	simm.s32 @p0 $0x1  }
0x13: {  	[smem:$0x3FAF] =	sst s0;
	s0 =	simm.s32 @!p1 $0x0  }
0x14: {  	s2 =	sld [smem:$0x3F93];
	s0 =	simm.s32 @p1 $0x1  }
0x15: {  	[smem:$0x3FB0] =	sst s0;
	s0 =	simm.s32 @!p2 $0x0  }
0x16: {  	s3 =	sld [smem:$0x3FDB];
	s0 =	simm.s32 @p2 $0x1  }
0x17: {  	s4 =	simm.s32 $0x1BF5;
	[smem:$0x3FB2] =	sst s0  }
0x18: {  	s0 =	sld [smem:$0x3F95];
	_ =	swait.ge [sflag:s4], $0x0  }
0x19: {  	s7 =	sld [smem:$0x3F96]  }
0x1a: {  	s8 =	sadd.s32 $0xFFFFE003, lr  }
0x1b: {  	s9 =	sadd.s32 $0xFFFFFEF7, lr;
	s5 =	simm.s32 $0xFFFFFFFF;
	p2 =	slt.u32 s8, $0xFFFFF086  }
0x1c: {  	p1 =	slt.u32 s9, $0xF7A;
	s5 =	simm.s32 @!p2 $0x0  }
0x1d: {  	s5 =	simm.s32 @p1 $0x1;
	p0 =	seq.s32 s7, s2  }
0x1e: {  	s7 =	smul.u32 @!p0 $0xF7A, s2;
	p2 =	seq.s32 @!p0 s5, $0x0  }
0x1f: {  	s9 =	smul.u32 $0xF7A, s1;
	s8 =	simm.s32 @!p0 $0x1BF5;
	p2 =	por !p2, p0  }
0x20: {  	[sflag:s8] =	ssyncset.s32 @!p0 $0xFFFFF086;
	s6 =	sadd.s32 @!p0 s3, s7;
	s7 =	simm.s32 @!p0 $0x108  }
0x21: {  	s3 =	sadd.s32 s3, s9;
	s6 =	sadd.s32 @!p0 $0x88, s6;
	s7 =	simm.s32 @p2 $0x1082  }
0x22: {  	[simem:s7], [sflag:s8] =	dma.local @!p0 [hbm:s6], $0xF7A  }
0x23: {  	s9 =	sor.u32 $0xD0000000, s2;
	s6 =	simm.s32 $0x108;
	_ =	swait.ge @!p0 [sflag:s8], $0x0  }
0x24: {  	s3 =	sadd.s32 $0x88, s3;
	s6 =	simm.s32 @!p1 $0x1082;
	[sflag:s4] =	ssyncset.s32 $0xFFFFF086  }
0x25: {  	[simem:s6], [sflag:s4] =	dma.local [hbm:s3], $0xF7A  }
0x26: {  	[smem:$0x3F96] =	sst s1;
	(tag) =	ssettag s2;
	_ =	strace s9  }
0x27: {  	s1 =	sld [smem:$0x3FA6]  }
0x28: {  	s2 =	sld [smem:$0x3FA7]  }
0x29: {  	s4 =	sld [smem:$0x3FA9]  }
0x2a: {  	p0 =	seq.s32 s5, $0x0;
	s5 =	sld [smem:$0x3FAA]  }
0x2b: {  	s6 =	sld [smem:$0x3FAB]  }
0x2c: {  	s7 =	sld [smem:$0x3FAC]  }
0x2d: {  	s3 =	simm.s32 $0x108;
	s8 =	sld [smem:$0x3FAD]  }
0x2e: {  	s3 =	simm.s32 @!p0 $0x1082;
	s9 =	sld [smem:$0x3FAE]  }
0x2f: {  	lr =	sadd.s32 s0, s3;
	s0 =	sld [smem:$0x3FA5]  }
0x30: {  	s3 =	sld [smem:$0x3FA8]  }
0x31: {  	[smem:$0x3FB1] =	sst s10  }
0x32: {  	s10 =	sld [smem:$0x3FAF];
	_ =	sdelay $0x3  }
0x33: {  	p0 =	seq.s32 s10, $0x1;
	s10 =	sld [smem:$0x3FB1];
	_ =	sdelay $0x3  }
0x34: {  	[smem:$0x3FB1] =	sst s10  }
0x35: {  	s10 =	sld [smem:$0x3FB0];
	_ =	sdelay $0x3  }
0x36: {  	p1 =	seq.s32 s10, $0x1;
	s10 =	sld [smem:$0x3FB1];
	_ =	sdelay $0x3  }
0x37: {  	[smem:$0x3FB1] =	sst s10  }
0x38: {  	s10 =	sld [smem:$0x3FB2]  }
0x39: {  	_ = 	snop;
	(pc) =	sbr.ind lr, $3  }
0x3a: {  	_ = 	snop  }
0x3b: {  	_ = 	snop  }
0x3c: {  	p2 =	seq.s32 s10, $0x1;
	s10 =	sld [smem:$0x3FB1]  }
0x3d: {  	_ =	shalt  }
0x3e: {  	_ =	shalt  }
0x3f: {  	_ =	shalt  }
0x40: {  	_ =	shalt  }
0x41: {  	_ =	shalt  }
0x42: {  	_ =	shalt  }
0x43: {  	_ =	shalt  }
0x44: {  	_ =	shalt  }
0x45: {  	_ =	shalt  }
0x46: {  	_ =	shalt  }
0x47: {  	_ =	shalt  }
0x48: {  	_ =	shalt  }
0x49: {  	_ =	shalt  }
0x4a: {  	_ =	shalt  }
0x4b: {  	_ =	shalt  }
0x4c: {  	_ =	shalt  }
0x4d: {  	_ =	shalt  }
0x4e: {  	_ =	shalt  }
0x4f: {  	_ =	shalt  }
0x50: {  	_ =	shalt  }
0x51: {  	_ =	shalt  }
0x52: {  	_ =	shalt  }
0x53: {  	_ =	shalt  }
0x54: {  	_ =	shalt  }
0x55: {  	_ =	shalt  }
0x56: {  	_ =	shalt  }
0x57: {  	_ =	shalt  }
0x58: {  	_ =	shalt  }
0x59: {  	_ =	shalt  }
0x5a: {  	_ =	shalt  }
0x5b: {  	_ =	shalt  }
0x5c: {  	_ =	shalt  }
0x5d: {  	_ =	shalt  }
0x5e: {  	_ =	shalt  }
0x5f: {  	_ =	shalt  }
0x60: {  	_ =	shalt  }
0x61: {  	_ =	shalt  }
0x62: {  	_ =	shalt  }
0x63: {  	_ =	shalt  }
0x64: {  	_ =	shalt  }
0x65: {  	_ =	shalt  }
0x66: {  	_ =	shalt  }
0x67: {  	_ =	shalt  }
0x68: {  	_ =	shalt  }
0x69: {  	_ =	shalt  }
0x6a: {  	_ =	shalt  }
0x6b: {  	_ =	shalt  }
0x6c: {  	_ =	shalt  }
0x6d: {  	_ =	shalt  }
0x6e: {  	_ =	shalt  }
0x6f: {  	_ =	shalt  }
0x70: {  	_ =	shalt  }
0x71: {  	_ =	shalt  }
0x72: {  	_ =	shalt  }
0x73: {  	_ =	shalt  }
0x74: {  	_ =	shalt  }
0x75: {  	_ =	shalt  }
0x76: {  	_ =	shalt  }
0x77: {  	_ =	shalt  }
0x78: {  	_ =	shalt  }
0x79: {  	_ =	shalt  }
0x7a: {  	_ =	shalt  }
0x7b: {  	_ =	shalt  }
0x7c: {  	_ =	shalt  }
0x7d: {  	_ =	shalt  }
0x7e: {  	_ =	shalt  }
0x7f: {  	_ =	shalt  }
0x80: {  	_ =	shalt  }
0x81: {  	_ =	shalt  }
0x82: {  	_ =	shalt  }
0x83: {  	_ =	shalt  }
0x84: {  	_ =	shalt  }
0x85: {  	_ =	shalt  }
0x86: {  	_ =	shalt  }
0x87: {  	_ =	shalt  }
.Lfunc_end0:
.L_simem_size_0:
called_computation.3_lowered:
.L_overlay_start_0:
0x88: {  	s2 =	sld [smem:$0x3FD9]  }
0x89: {  	s3 =	sld [smem:$0x3FFE];
	_ =	sdelay $0x1  }
0x8a: {  	s1 =	srdreg.scid  }
0x8b: {  	s0 =	sand.u32 $0x1, s1  }
0x8c: {  	s16 =	sshll.u32 s0, $0xA;
	s2 =	sadd.s32 s3, s2  }
0x8d: {  	s2 =	sadd.s32 s2, s16  }
0x8e: {  	[smem:$0x3FBD] =	sst s2  }
0x8f: {  	_ = 	snop  }
0x90: {  	(tm) =	ssettm $0x1  }
0x91: {  	s17 =	sld [smem:$0x3FFB];
	_ =	sdelay $0x3  }
0x92: {  	_ =	strace s17  }
0x93: {  	s2 =	sld [smem:$0x3FFC];
	_ =	sdelay $0x3  }
0x94: {  	_ =	strace s2  }
0x95: {  	s2 =	sld [smem:$0x3FFD];
	_ =	sdelay $0x3  }
0x96: {  	_ =	strace s2  }
0x97: {  	_ =	strace $0x8FFFFFFF  }
0x98: {  	s18 =	sld [smem:$0x3FDB];
	_ =	sdelay $0x1  }
0x99: {  	s19 =	simm.s32 $_scs_section_size  }
0x9a: {  	s4 =	simm.s32 $_size__tile_overlayer_lowered;
	s5 =	simm.s32 $_tile_overlayer_lowered  }
0x9b: {  	s22 =	simm.s32 $0x1BFF;
	s21 =	sshll.u32 s5, $0x1;
	s2 =	sadd.s32 s19, s18  }
0x9c: {  	s6 =	simm.s32 $0x0;
	s20 =	sshll.u32 s4, $0x1;
	s4 =	sadd.s32 s21, s2  }
0x9d: {  	[timem:s6], [sflag:s22] =	dma.local [hbm:s4], s20  }
0x9e: {  	_ =	swait.ge [sflag:s22], s20  }
0x9f: {  	s3 =	ssub.s32 $0x0, s20;
	[sflag:s22] =	ssyncset.done $0x0  }
0xa0: {  	[sflag:s22] =	ssyncadd.s32 s3;
	_ =	sdelay $0x1  }
0xa1: {  	s23 =	simm.s32 $0x1B8B  }
0xa2: {  	_ =	swait.ge [sflag:s23], $0x1  }
0xa3: {  	[sflag:s23] =	ssyncset.done $0x0  }
0xa4: {  	s25 =	simm.s32 $0x1B8E;
	s24 =	sld [smem:$0x3FFE];
	[sflag:s23] =	ssyncadd.s32 $0xFFFFFFFF  }
0xa5: {  	s26 =	simm.s32 $execute0_lowered;
	[smem:$0x3FD2] =	sst s25  }
0xa6: {  	s4 =	sshll.u32 s26, $0x1;
	_ =	strace $0x8000004F;
	[dreg:$0x1] =	wrdreg $0xFFFFFFFF  }
0xa7: {  	s28 =	simm.s32 $_size_execute0_lowered;
	s2 =	sadd.s32 s2, s4;
	[dreg:$0x0] =	wrdreg $0x0  }
0xa8: {  	s4 =	sshll.u32 s28, $0x1;
	[dreg:$0x2] =	wrdreg s2  }
0xa9: {  	[dreg:$0x3] =	wrdreg s4  }
0xaa: {  	[dreg:$0x4] =	wrdreg $0xC0  }
0xab: {  	_ =	task [dreg:s6], $0x5FFFF  }
0xac: {  	[dreg:$0x1] =	wrdreg $0xFFFFFFFF  }
0xad: {  	[dreg:$0x0] =	wrdreg $0x60  }
0xae: {  	[dreg:$0x2] =	wrdreg s24  }
0xaf: {  	[dreg:$0x3] =	wrdreg $0x58000  }
0xb0: {  	[dreg:$0x4] =	wrdreg $0x9  }
0xb1: {  	_ =	task.clear_ibuf [dreg:s6], $0x5FFFF;
	_ =	strace $0x9000004F  }
0xb2: {  	s29 =	simm.s32 $0x9;
	_ =	strace $0x80000051  }
0xb3: {  	_ =	swait.ge [sflag:s29], $0x1  }
0xb4: {  	[sflag:s29] =	ssyncadd.s32 $0xFFFFFFFF  }
0xb5: {  	_ =	strace $0x90000051  }
0xb6: {  	_ =	sfence  }
0xb7: {  	s30 =	sld [smem:$0x0];
	_ =	sdelay $0x2  }
0xb8: {  	s31 =	sshll.u32 s1, $0xD;
	s1 =	sshrl.u32 s1, $0x2  }
0xb9: {  	s3 =	sand.u32 $0x4000, s31;
	s1 =	sadd.s32 s1, s30  }
0xba: {  	s0 =	sor.u32 s3, s0;
	s1 =	sshll.u32 s1, $0x11  }
0xbb: {  	s0 =	sor.u32 s1, s0  }
0xbc: {  	s0 =	sadd.s32 $0x8F2B, s0  }
0xbd: {  	[sflag:s0] =	ssyncadd.remote.s32 $0x1  }
0xbe: {  	_ =	sfence.sel $0xFFFF  }
0xbf: {  	[dreg:$0x0] =	wrdreg $0xFFFFFFFF;
	(pc) =	sbr.abs _section_cstart, $3  }
0xc0: {  	[dreg:$0x1] =	wrdreg $0xFFFFFFFF  }
0xc1: {  	_ =	task.clear_ibuf [dreg:s6], $0x2FFFF;
	_ =	strace $0x9FFFFFFF  }
0xc2: {  	(tm) =	ssettm $0x7FFFFFFF  }
0xc3: {  	_ =	shalt  }
tec
execute0_lowered:
.L_overlay_start_1:
0x0: {  	(tag) =	ssettag $0x1  }
0x1: {  	s0 =	rddreg [dreg:$0x0]  }
0x2: {  	s2 =	rddreg [dreg:$0x1];
	s3 =	simm.s32 $0x0  }
0x3: {  	s18 =	stileid.u32;
	s8 =	srdreg.scid;
	s22 =	simm.s32 $0x1  }
0x4: {  	s28 =	simm.s32 $0x80;
	s29 =	simm.s32 $0x480;
	s30 =	simm.s32 $0x100  }
0x5: {  	s31 =	simm.s32 $0x500;
	[smem:$0x7FF] =	sst s3;
	s4 =	sadd.s32 $0x37800, s0  }
0x6: {  	s1 =	smul.u32 $0x2700, s18;
	s5 =	sadd.s32 $0xFAEC00, s0;
	s6 =	sadd.s32 $0x5800, s0  }
0x7: {  	s7 =	sadd.s32 $0x1E800, s0;
	s10 =	sadd.s32 $0xAA5C00, s0;
	s13 =	smul.u32 $0x4E000, s18  }
0x8: {  	s8 =	sand.u32 $0x1, s8;
	s17 =	sadd.s32 $0x124800, s2;
	s24 =	smul.u32 $0x13800, s18  }
0x9: {  	p0 =	seq.s32 s18, $0xF;
	_ =	strace $0x80000050;
	s9 =	ssub.s32 $0x2, s8  }
0xa: {  	s11 =	sshll.u32 s8, $0x4;
	s8 =	smul.u32 $0x138800, s8;
	s19 =	sshrl.u32 @p0 s17, $0x3  }
0xb: {  	s1 =	sadd.s32 s1, s0;
	s12 =	sshrl.u32 s9, $0x1;
	s11 =	sor.u32 s18, s11  }
0xc: {  	s23 =	sshrl.u32 s13, $0x2;
	s0 =	sadd.s32 $0xA7C100, s0;
	s16 =	ssub.s32 s9, s12  }
0xd: {  	s1 =	sadd.s32 $0xA57800, s1;
	s9 =	smul.u32 $0x2710, s11;
	[dreg:$0x4] =	wrdreg s0  }
0xe: {  	s11 =	smul.u32 $0x6400, s11;
	s0 =	sadd.s32 s24, s8;
	s8 =	sshrl.u32 s8, $0x3  }
0xf: {  	s24 =	simm.s32 $0x50;
	[dreg:$0x3] =	wrdreg s1;
	s1 =	sadd.s32 s23, s2  }
0x10: {  	s0 =	sshrl.u32 s0, $0x3;
	s8 =	sadd.s32 s10, s8;
	s26 =	smax.u32 s16, $0x1  }
0x11: {  	s23 =	simm.s32 $0x400;
	s12 =	sadd.s32 $0x50, s9;
	s13 =	sadd.s32 $0xA0, s9  }
0x12: {  	s14 =	sadd.s32 $0xF0, s9;
	s15 =	sadd.s32 $0x140, s9;
	s0 =	sadd.s32 s10, s0  }
0x13: {  	s25 =	sadd.s32 $0x24900, s8;
	[dreg:$0x7] =	wrdreg s26;
	s20 =	sshrl.u32 @!p0 s1, $0x3  }
0x14: {  	s26 =	simm.s32 $0x3000;
	s1 =	simm.s32 $0x580;
	[dreg:$0x5] =	wrdreg s0  }
0x15: {  	s8 =	simm.s32 $0x200;
	[dreg:$0x6] =	wrdreg s25;
	s0 =	sshll.u32 @!p0 s18, $0x6  }
0x16: {  	s10 =	simm.s32 $0x600;
	[dreg:$0x9] =	wrdreg s20;
	s18 =	sor.u32 @!p0 $0x1C01, s0  }
0x17: {  	s25 =	simm.s32 $0x800;
	s0 =	simm.s32 $0x180;
	[dreg:$0x8] =	wrdreg s18  }
.LBB2_1:
0x18: {  	s16 =	simm.s32 @p0 $0x1FC1;
	s17 =	rddreg [dreg:$0x4]  }
0x19: {  	[spmem:s19], [sflag:s16] =	dma.local @p0 [hbm:s17], $0x2800  }
0x1a: {  	s16 =	simm.s32 @p0 $0x1  }
0x1b: {  	_ =	swait.ge @p0 [sflag:s16], $0x2800  }
0x1c: {  	[sflag:s16] =	ssyncset.done @p0 $0x0  }
0x1d: {  	[sflag:s16] =	ssyncadd.s32 @p0 $0xFFFFD800;
	s16 =	rddreg [dreg:$0x3]  }
0x1e: {  	[spmem:s20], [sflag:s18] =	dma.local @!p0 [hbm:s16], $0x2700  }
0x1f: {  	s16 =	simm.s32 @!p0 $0x1  }
0x20: {  	_ =	swait.ge @!p0 [sflag:s16], $0x2700  }
0x21: {  	[sflag:s16] =	ssyncset.done @!p0 $0x0  }
0x22: {  	[sflag:s16] =	ssyncadd.s32 @!p0 $0xFFFFD900  }
0x23: {  	s21 =	smov.u32 s19;
	s16 =	simm.s32 $0x0;
	[bflag:$0x0] =	sbarrier.arrive $0xFFFF  }
.LBB2_2:
0x24: {  	s17 =	sshll.u32 s16, $0xA  }
0x25: {  	s17 =	sadd.s32 s11, s17  }
0x26: {  	s17 =	sshrl.u32 s17, $0x3  }
0x27: {  	s19 =	simm.s32 $0x0;
	s18 =	sadd.s32 s6, s17  }
0x28: {  	[tilespmem:s19], [sflag:$0x1] =	stream.linear.gather [hbm4b:s18+s19], $0x280, $0x38;
	[tilespmem:$0x19080] =	vst v63  }
0x29: {  	_ =	swait.ge [sflag:s22], $0x280  }
0x2a: {  	[sflag:s22] =	ssyncset.done $0x0  }
0x2b: {  	s17 =	sadd.s32 s7, s17;
	[sflag:s22] =	ssyncadd.s32 $0xFFFFFD80  }
0x2c: {  	[tilespmem:s23], [sflag:$0x1] =	stream.linear.gather [hbm4b:s17+s19], $0x280, $0x38;
	[tilespmem:$0x19080] =	vst v63  }
0x2d: {  	_ =	swait.ge [sflag:s22], $0x280  }
0x2e: {  	[sflag:s22] =	ssyncset.done $0x0  }
0x2f: {  	s17 =	smul.u32 $0x190, s16;
	[sflag:s22] =	ssyncadd.s32 $0xFFFFFD80  }
0x30: {  	[tilespmem:s25], [sflag:$0x1] =	stream.indirect.gather [hbm4b:s4+s24], $0x80, s19, s24, $0xb8;
	[tilespmem:$0x19080] =	vst v63  }
0x31: {  	s20 =	sadd.s32 s9, s17;
	_ =	swait.ge [sflag:s22], $0x2800  }
0x32: {  	s18 =	sshll.u32 s20, $0x4;
	[sflag:s22] =	ssyncset.done $0x0  }
0x33: {  	s18 =	sadd.s32 s5, s18;
	[sflag:s22] =	ssyncadd.s32 $0xFFFFD800  }
0x34: {  	[tilespmem:s26], [sflag:$0x1] =	stream.linear.gather [hbm4b:s18+s19], $0x2800, $0x38;
	[tilespmem:$0x19080] =	vst v63  }
0x35: {  	_ =	swait.ge [sflag:s22], $0x2800  }
0x36: {  	[sflag:s22] =	ssyncset.done $0x0  }
0x37: {  	s18 =	simm.s32 $0x0;
	[sflag:s22] =	ssyncadd.s32 $0xFFFFD800  }
0x38: {  	v7 =	vld [tilespmem:s18+$0x3000]  }
0x39: {  	v11 =	vld [tilespmem:s18+$0x3010]  }
0x3a: {  	v5 =	vld [tilespmem:s18+$0x3020]  }
0x3b: {  	v4 =	vld [tilespmem:s18+$0x3030]  }
0x3c: {  	v3 =	vld [tilespmem:s18+$0x3040]  }
0x3d: {  	v2 =	vld [tilespmem:s18+$0x3050]  }
0x3e: {  	v1 =	vld [tilespmem:s18+$0x3060]  }
0x3f: {  	v0 =	vld [tilespmem:s18+$0x3070]  }
0x40: {  	v12 =	vld [tilespmem:s18+$0x800]  }
0x41: {  	v13 =	vld [tilespmem:s18+$0x810]  }
0x42: {  	v10 =	vld [tilespmem:s18+$0x820]  }
0x43: {  	v9 =	vld [tilespmem:s18+$0x830]  }
0x44: {  	v8 =	vld [tilespmem:s18+$0x840]  }
0x45: {  	v6 =	vld [tilespmem:s18+$0x850];
	v12 =	vmul.f32 v7, v12  }
0x46: {  	s19 =	simm.s32 $0x200;
	v11 =	vmul.f32 v11, v13;
	v7 =	vld [tilespmem:s18+$0x860]  }
.LBB2_3:
0x47: {  	s20 =	sshra.s32 s19, $0x2;
	p1 =	sne.s32 s19, $0x9E00;
	[tilespmem:s18+$0x800] =	vst v12;
	v5 =	vmul.f32 v5, v10;
	v10 =	vld [tilespmem:s18+$0x870]  }
0x48: {  	v12 =	vld [tilespmem:s20+$0x3000];
	[tilespmem:s18+$0x810] =	vst v11;
	v4 =	vmul.f32 v4, v9  }
0x49: {  	v11 =	vld [tilespmem:s20+$0x3010];
	[tilespmem:s18+$0x820] =	vst v5;
	v3 =	vmul.f32 v3, v8  }
0x4a: {  	v5 =	vld [tilespmem:s20+$0x3020];
	[tilespmem:s18+$0x830] =	vst v4;
	v2 =	vmul.f32 v2, v6  }
0x4b: {  	v4 =	vld [tilespmem:s20+$0x3030];
	[tilespmem:s18+$0x840] =	vst v3;
	v1 =	vmul.f32 v1, v7  }
0x4c: {  	v3 =	vld [tilespmem:s20+$0x3040];
	[tilespmem:s18+$0x850] =	vst v2;
	v0 =	vmul.f32 v0, v10  }
0x4d: {  	v2 =	vld [tilespmem:s20+$0x3050];
	[tilespmem:s18+$0x860] =	vst v1  }
0x4e: {  	v1 =	vld [tilespmem:s20+$0x3060];
	[tilespmem:s18+$0x870] =	vst v0;
	s18 =	smov.u32 s20  }
0x4f: {  	v0 =	vld [tilespmem:s18+$0x3070]  }
0x50: {  	v6 =	vld [tilespmem:s18+$0x800]  }
0x51: {  	v7 =	vld [tilespmem:s18+$0x810]  }
.Ltmp0:
0x52: {  	v10 =	vld [tilespmem:s18+$0x820];
	(pc) =	sbr.rel @p1 .LBB2_3-.Ltmp0, $4  }
0x53: {  	v9 =	vld [tilespmem:s18+$0x830]  }
0x54: {  	v8 =	vld [tilespmem:s18+$0x840]  }
0x55: {  	v12 =	vmul.f32 v12, v6;
	v6 =	vld [tilespmem:s18+$0x850]  }
0x56: {  	s19 =	sadd.s32 $0x200, s19;
	v11 =	vmul.f32 v11, v7;
	v7 =	vld [tilespmem:s18+$0x860]  }
0x57: {  	[tilespmem:s18+$0x800] =	vst v12;
	v5 =	vmul.f32 v5, v10;
	v10 =	vld [tilespmem:s18+$0x870]  }
0x58: {  	[tilespmem:s18+$0x810] =	vst v11;
	v4 =	vmul.f32 v4, v9  }
0x59: {  	[tilespmem:s18+$0x820] =	vst v5;
	v3 =	vmul.f32 v3, v8  }
0x5a: {  	[tilespmem:s18+$0x830] =	vst v4;
	v2 =	vmul.f32 v2, v6  }
0x5b: {  	[tilespmem:s18+$0x840] =	vst v3;
	v1 =	vmul.f32 v1, v7  }
0x5c: {  	[tilespmem:s18+$0x850] =	vst v2;
	v0 =	vmul.f32 v0, v10  }
0x5d: {  	[tilespmem:s18+$0x860] =	vst v1  }
0x5e: {  	[tilespmem:s18+$0x870] =	vst v0  }
0x5f: {  	[spmem:s2] =	stream.indirect.scatter.add.f32 [tilespmem:s25], [sflag:$0x1], $0x80, s23, s24, $0xb8;
	[tilespmem:$0x19080] =	vst v63  }
0x60: {  	_ =	swait.ge [sflag:s22], $0x2800  }
0x61: {  	[sflag:s22] =	ssyncset.done $0x0  }
0x62: {  	[sflag:s22] =	ssyncadd.s32 $0xFFFFD800  }
0x63: {  	[tilespmem:s25], [sflag:$0x1] =	stream.indirect.gather [hbm4b:s4+s24], $0x80, s28, s24, $0xb8;
	[tilespmem:$0x19080] =	vst v63  }
0x64: {  	s20 =	sadd.s32 s12, s17;
	_ =	swait.ge [sflag:s22], $0x2800  }
0x65: {  	s18 =	sshll.u32 s20, $0x4;
	[sflag:s22] =	ssyncset.done $0x0  }
0x66: {  	s19 =	simm.s32 $0x0;
	s18 =	sadd.s32 s5, s18;
	[sflag:s22] =	ssyncadd.s32 $0xFFFFD800  }
0x67: {  	[tilespmem:s26], [sflag:$0x1] =	stream.linear.gather [hbm4b:s18+s19], $0x2800, $0x38;
	[tilespmem:$0x19080] =	vst v63  }
0x68: {  	_ =	swait.ge [sflag:s22], $0x2800  }
0x69: {  	[sflag:s22] =	ssyncset.done $0x0  }
0x6a: {  	s18 =	simm.s32 $0x0;
	[sflag:s22] =	ssyncadd.s32 $0xFFFFD800  }
0x6b: {  	v7 =	vld [tilespmem:s18+$0x3000]  }
0x6c: {  	v11 =	vld [tilespmem:s18+$0x3010]  }
0x6d: {  	v5 =	vld [tilespmem:s18+$0x3020]  }
0x6e: {  	v4 =	vld [tilespmem:s18+$0x3030]  }
0x6f: {  	v3 =	vld [tilespmem:s18+$0x3040]  }
0x70: {  	v2 =	vld [tilespmem:s18+$0x3050]  }
0x71: {  	v1 =	vld [tilespmem:s18+$0x3060]  }
0x72: {  	v0 =	vld [tilespmem:s18+$0x3070]  }
0x73: {  	v12 =	vld [tilespmem:s18+$0x800]  }
0x74: {  	v13 =	vld [tilespmem:s18+$0x810]  }
0x75: {  	v10 =	vld [tilespmem:s18+$0x820]  }
0x76: {  	v9 =	vld [tilespmem:s18+$0x830]  }
0x77: {  	v8 =	vld [tilespmem:s18+$0x840]  }
0x78: {  	v6 =	vld [tilespmem:s18+$0x850];
	v12 =	vmul.f32 v7, v12  }
0x79: {  	s19 =	simm.s32 $0x200;
	v11 =	vmul.f32 v11, v13;
	v7 =	vld [tilespmem:s18+$0x860]  }
.LBB2_5:
0x7a: {  	s20 =	sshra.s32 s19, $0x2;
	p1 =	sne.s32 s19, $0x9E00;
	[tilespmem:s18+$0x800] =	vst v12;
	v5 =	vmul.f32 v5, v10;
	v10 =	vld [tilespmem:s18+$0x870]  }
0x7b: {  	v12 =	vld [tilespmem:s20+$0x3000];
	[tilespmem:s18+$0x810] =	vst v11;
	v4 =	vmul.f32 v4, v9  }
0x7c: {  	v11 =	vld [tilespmem:s20+$0x3010];
	[tilespmem:s18+$0x820] =	vst v5;
	v3 =	vmul.f32 v3, v8  }
0x7d: {  	v5 =	vld [tilespmem:s20+$0x3020];
	[tilespmem:s18+$0x830] =	vst v4;
	v2 =	vmul.f32 v2, v6  }
0x7e: {  	v4 =	vld [tilespmem:s20+$0x3030];
	[tilespmem:s18+$0x840] =	vst v3;
	v1 =	vmul.f32 v1, v7  }
0x7f: {  	v3 =	vld [tilespmem:s20+$0x3040];
	[tilespmem:s18+$0x850] =	vst v2;
	v0 =	vmul.f32 v0, v10  }
0x80: {  	v2 =	vld [tilespmem:s20+$0x3050];
	[tilespmem:s18+$0x860] =	vst v1  }
0x81: {  	v1 =	vld [tilespmem:s20+$0x3060];
	[tilespmem:s18+$0x870] =	vst v0;
	s18 =	smov.u32 s20  }
0x82: {  	v0 =	vld [tilespmem:s18+$0x3070]  }
0x83: {  	v6 =	vld [tilespmem:s18+$0x800]  }
0x84: {  	v7 =	vld [tilespmem:s18+$0x810]  }
.Ltmp1:
0x85: {  	v10 =	vld [tilespmem:s18+$0x820];
	(pc) =	sbr.rel @p1 .LBB2_5-.Ltmp1, $4  }
0x86: {  	v9 =	vld [tilespmem:s18+$0x830]  }
0x87: {  	v8 =	vld [tilespmem:s18+$0x840]  }
0x88: {  	v12 =	vmul.f32 v12, v6;
	v6 =	vld [tilespmem:s18+$0x850]  }
0x89: {  	s19 =	sadd.s32 $0x200, s19;
	v11 =	vmul.f32 v11, v7;
	v7 =	vld [tilespmem:s18+$0x860]  }
0x8a: {  	[tilespmem:s18+$0x800] =	vst v12;
	v5 =	vmul.f32 v5, v10;
	v10 =	vld [tilespmem:s18+$0x870]  }
0x8b: {  	[tilespmem:s18+$0x810] =	vst v11;
	v4 =	vmul.f32 v4, v9  }
0x8c: {  	[tilespmem:s18+$0x820] =	vst v5;
	v3 =	vmul.f32 v3, v8  }
0x8d: {  	[tilespmem:s18+$0x830] =	vst v4;
	v2 =	vmul.f32 v2, v6  }
0x8e: {  	[tilespmem:s18+$0x840] =	vst v3;
	v1 =	vmul.f32 v1, v7  }
0x8f: {  	[tilespmem:s18+$0x850] =	vst v2;
	v0 =	vmul.f32 v0, v10  }
0x90: {  	[tilespmem:s18+$0x860] =	vst v1  }
0x91: {  	[tilespmem:s18+$0x870] =	vst v0  }
0x92: {  	[spmem:s2] =	stream.indirect.scatter.add.f32 [tilespmem:s25], [sflag:$0x1], $0x80, s29, s24, $0xb8;
	[tilespmem:$0x19080] =	vst v63  }
0x93: {  	_ =	swait.ge [sflag:s22], $0x2800  }
0x94: {  	[sflag:s22] =	ssyncset.done $0x0  }
0x95: {  	[sflag:s22] =	ssyncadd.s32 $0xFFFFD800  }
0x96: {  	[tilespmem:s25], [sflag:$0x1] =	stream.indirect.gather [hbm4b:s4+s24], $0x80, s30, s24, $0xb8;
	[tilespmem:$0x19080] =	vst v63  }
0x97: {  	s20 =	sadd.s32 s13, s17;
	_ =	swait.ge [sflag:s22], $0x2800  }
0x98: {  	s18 =	sshll.u32 s20, $0x4;
	[sflag:s22] =	ssyncset.done $0x0  }
0x99: {  	s19 =	simm.s32 $0x0;
	s18 =	sadd.s32 s5, s18;
	[sflag:s22] =	ssyncadd.s32 $0xFFFFD800  }
0x9a: {  	[tilespmem:s26], [sflag:$0x1] =	stream.linear.gather [hbm4b:s18+s19], $0x2800, $0x38;
	[tilespmem:$0x19080] =	vst v63  }
0x9b: {  	_ =	swait.ge [sflag:s22], $0x2800  }
0x9c: {  	[sflag:s22] =	ssyncset.done $0x0  }
0x9d: {  	s18 =	simm.s32 $0x0;
	[sflag:s22] =	ssyncadd.s32 $0xFFFFD800  }
0x9e: {  	v7 =	vld [tilespmem:s18+$0x3000]  }
0x9f: {  	v11 =	vld [tilespmem:s18+$0x3010]  }
0xa0: {  	v5 =	vld [tilespmem:s18+$0x3020]  }
0xa1: {  	v4 =	vld [tilespmem:s18+$0x3030]  }
0xa2: {  	v3 =	vld [tilespmem:s18+$0x3040]  }
0xa3: {  	v2 =	vld [tilespmem:s18+$0x3050]  }
0xa4: {  	v1 =	vld [tilespmem:s18+$0x3060]  }
0xa5: {  	v0 =	vld [tilespmem:s18+$0x3070]  }
0xa6: {  	v12 =	vld [tilespmem:s18+$0x800]  }
0xa7: {  	v13 =	vld [tilespmem:s18+$0x810]  }
0xa8: {  	v10 =	vld [tilespmem:s18+$0x820]  }
0xa9: {  	v9 =	vld [tilespmem:s18+$0x830]  }
0xaa: {  	v8 =	vld [tilespmem:s18+$0x840]  }
0xab: {  	v6 =	vld [tilespmem:s18+$0x850];
	v12 =	vmul.f32 v7, v12  }
0xac: {  	s19 =	simm.s32 $0x200;
	v11 =	vmul.f32 v11, v13;
	v7 =	vld [tilespmem:s18+$0x860]  }
.LBB2_7:
0xad: {  	s20 =	sshra.s32 s19, $0x2;
	p1 =	sne.s32 s19, $0x9E00;
	[tilespmem:s18+$0x800] =	vst v12;
	v5 =	vmul.f32 v5, v10;
	v10 =	vld [tilespmem:s18+$0x870]  }
0xae: {  	v12 =	vld [tilespmem:s20+$0x3000];
	[tilespmem:s18+$0x810] =	vst v11;
	v4 =	vmul.f32 v4, v9  }
0xaf: {  	v11 =	vld [tilespmem:s20+$0x3010];
	[tilespmem:s18+$0x820] =	vst v5;
	v3 =	vmul.f32 v3, v8  }
0xb0: {  	v5 =	vld [tilespmem:s20+$0x3020];
	[tilespmem:s18+$0x830] =	vst v4;
	v2 =	vmul.f32 v2, v6  }
0xb1: {  	v4 =	vld [tilespmem:s20+$0x3030];
	[tilespmem:s18+$0x840] =	vst v3;
	v1 =	vmul.f32 v1, v7  }
0xb2: {  	v3 =	vld [tilespmem:s20+$0x3040];
	[tilespmem:s18+$0x850] =	vst v2;
	v0 =	vmul.f32 v0, v10  }
0xb3: {  	v2 =	vld [tilespmem:s20+$0x3050];
	[tilespmem:s18+$0x860] =	vst v1  }
0xb4: {  	v1 =	vld [tilespmem:s20+$0x3060];
	[tilespmem:s18+$0x870] =	vst v0;
	s18 =	smov.u32 s20  }
0xb5: {  	v0 =	vld [tilespmem:s18+$0x3070]  }
0xb6: {  	v6 =	vld [tilespmem:s18+$0x800]  }
0xb7: {  	v7 =	vld [tilespmem:s18+$0x810]  }
.Ltmp2:
0xb8: {  	v10 =	vld [tilespmem:s18+$0x820];
	(pc) =	sbr.rel @p1 .LBB2_7-.Ltmp2, $4  }
0xb9: {  	v9 =	vld [tilespmem:s18+$0x830]  }
0xba: {  	v8 =	vld [tilespmem:s18+$0x840]  }
0xbb: {  	v12 =	vmul.f32 v12, v6;
	v6 =	vld [tilespmem:s18+$0x850]  }
0xbc: {  	s19 =	sadd.s32 $0x200, s19;
	v11 =	vmul.f32 v11, v7;
	v7 =	vld [tilespmem:s18+$0x860]  }
0xbd: {  	[tilespmem:s18+$0x800] =	vst v12;
	v5 =	vmul.f32 v5, v10;
	v10 =	vld [tilespmem:s18+$0x870]  }
0xbe: {  	[tilespmem:s18+$0x810] =	vst v11;
	v4 =	vmul.f32 v4, v9  }
0xbf: {  	[tilespmem:s18+$0x820] =	vst v5;
	v3 =	vmul.f32 v3, v8  }
0xc0: {  	[tilespmem:s18+$0x830] =	vst v4;
	v2 =	vmul.f32 v2, v6  }
0xc1: {  	[tilespmem:s18+$0x840] =	vst v3;
	v1 =	vmul.f32 v1, v7  }
0xc2: {  	[tilespmem:s18+$0x850] =	vst v2;
	v0 =	vmul.f32 v0, v10  }
0xc3: {  	[tilespmem:s18+$0x860] =	vst v1  }
0xc4: {  	[tilespmem:s18+$0x870] =	vst v0  }
0xc5: {  	[spmem:s2] =	stream.indirect.scatter.add.f32 [tilespmem:s25], [sflag:$0x1], $0x80, s31, s24, $0xb8;
	[tilespmem:$0x19080] =	vst v63  }
0xc6: {  	_ =	swait.ge [sflag:s22], $0x2800  }
0xc7: {  	[sflag:s22] =	ssyncset.done $0x0  }
0xc8: {  	[sflag:s22] =	ssyncadd.s32 $0xFFFFD800  }
0xc9: {  	[tilespmem:s25], [sflag:$0x1] =	stream.indirect.gather [hbm4b:s4+s24], $0x80, s0, s24, $0xb8;
	[tilespmem:$0x19080] =	vst v63  }
0xca: {  	s20 =	sadd.s32 s14, s17;
	_ =	swait.ge [sflag:s22], $0x2800  }
0xcb: {  	s18 =	sshll.u32 s20, $0x4;
	[sflag:s22] =	ssyncset.done $0x0  }
0xcc: {  	s19 =	simm.s32 $0x0;
	s18 =	sadd.s32 s5, s18;
	[sflag:s22] =	ssyncadd.s32 $0xFFFFD800  }
0xcd: {  	[tilespmem:s26], [sflag:$0x1] =	stream.linear.gather [hbm4b:s18+s19], $0x2800, $0x38;
	[tilespmem:$0x19080] =	vst v63  }
0xce: {  	_ =	swait.ge [sflag:s22], $0x2800  }
0xcf: {  	[sflag:s22] =	ssyncset.done $0x0  }
0xd0: {  	s18 =	simm.s32 $0x0;
	[sflag:s22] =	ssyncadd.s32 $0xFFFFD800  }
0xd1: {  	v7 =	vld [tilespmem:s18+$0x3000]  }
0xd2: {  	v11 =	vld [tilespmem:s18+$0x3010]  }
0xd3: {  	v5 =	vld [tilespmem:s18+$0x3020]  }
0xd4: {  	v4 =	vld [tilespmem:s18+$0x3030]  }
0xd5: {  	v3 =	vld [tilespmem:s18+$0x3040]  }
0xd6: {  	v2 =	vld [tilespmem:s18+$0x3050]  }
0xd7: {  	v1 =	vld [tilespmem:s18+$0x3060]  }
0xd8: {  	v0 =	vld [tilespmem:s18+$0x3070]  }
0xd9: {  	v12 =	vld [tilespmem:s18+$0x800]  }
0xda: {  	v13 =	vld [tilespmem:s18+$0x810]  }
0xdb: {  	v10 =	vld [tilespmem:s18+$0x820]  }
0xdc: {  	v9 =	vld [tilespmem:s18+$0x830]  }
0xdd: {  	v8 =	vld [tilespmem:s18+$0x840]  }
0xde: {  	v6 =	vld [tilespmem:s18+$0x850];
	v12 =	vmul.f32 v7, v12  }
0xdf: {  	s19 =	simm.s32 $0x200;
	v11 =	vmul.f32 v11, v13;
	v7 =	vld [tilespmem:s18+$0x860]  }
.LBB2_9:
0xe0: {  	s20 =	sshra.s32 s19, $0x2;
	p1 =	sne.s32 s19, $0x9E00;
	[tilespmem:s18+$0x800] =	vst v12;
	v5 =	vmul.f32 v5, v10;
	v10 =	vld [tilespmem:s18+$0x870]  }
0xe1: {  	v12 =	vld [tilespmem:s20+$0x3000];
	[tilespmem:s18+$0x810] =	vst v11;
	v4 =	vmul.f32 v4, v9  }
0xe2: {  	v11 =	vld [tilespmem:s20+$0x3010];
	[tilespmem:s18+$0x820] =	vst v5;
	v3 =	vmul.f32 v3, v8  }
0xe3: {  	v5 =	vld [tilespmem:s20+$0x3020];
	[tilespmem:s18+$0x830] =	vst v4;
	v2 =	vmul.f32 v2, v6  }
0xe4: {  	v4 =	vld [tilespmem:s20+$0x3030];
	[tilespmem:s18+$0x840] =	vst v3;
	v1 =	vmul.f32 v1, v7  }
0xe5: {  	v3 =	vld [tilespmem:s20+$0x3040];
	[tilespmem:s18+$0x850] =	vst v2;
	v0 =	vmul.f32 v0, v10  }
0xe6: {  	v2 =	vld [tilespmem:s20+$0x3050];
	[tilespmem:s18+$0x860] =	vst v1  }
0xe7: {  	v1 =	vld [tilespmem:s20+$0x3060];
	[tilespmem:s18+$0x870] =	vst v0;
	s18 =	smov.u32 s20  }
0xe8: {  	v0 =	vld [tilespmem:s18+$0x3070]  }
0xe9: {  	v6 =	vld [tilespmem:s18+$0x800]  }
0xea: {  	v7 =	vld [tilespmem:s18+$0x810]  }
.Ltmp3:
0xeb: {  	v10 =	vld [tilespmem:s18+$0x820];
	(pc) =	sbr.rel @p1 .LBB2_9-.Ltmp3, $4  }
0xec: {  	v9 =	vld [tilespmem:s18+$0x830]  }
0xed: {  	v8 =	vld [tilespmem:s18+$0x840]  }
0xee: {  	v12 =	vmul.f32 v12, v6;
	v6 =	vld [tilespmem:s18+$0x850]  }
0xef: {  	s19 =	sadd.s32 $0x200, s19;
	v11 =	vmul.f32 v11, v7;
	v7 =	vld [tilespmem:s18+$0x860]  }
0xf0: {  	[tilespmem:s18+$0x800] =	vst v12;
	v5 =	vmul.f32 v5, v10;
	v10 =	vld [tilespmem:s18+$0x870]  }
0xf1: {  	[tilespmem:s18+$0x810] =	vst v11;
	v4 =	vmul.f32 v4, v9  }
0xf2: {  	[tilespmem:s18+$0x820] =	vst v5;
	v3 =	vmul.f32 v3, v8  }
0xf3: {  	[tilespmem:s18+$0x830] =	vst v4;
	v2 =	vmul.f32 v2, v6  }
0xf4: {  	[tilespmem:s18+$0x840] =	vst v3;
	v1 =	vmul.f32 v1, v7  }
0xf5: {  	[tilespmem:s18+$0x850] =	vst v2;
	v0 =	vmul.f32 v0, v10  }
0xf6: {  	[tilespmem:s18+$0x860] =	vst v1  }
0xf7: {  	[tilespmem:s18+$0x870] =	vst v0  }
0xf8: {  	[spmem:s2] =	stream.indirect.scatter.add.f32 [tilespmem:s25], [sflag:$0x1], $0x80, s1, s24, $0xb8;
	[tilespmem:$0x19080] =	vst v63  }
0xf9: {  	_ =	swait.ge [sflag:s22], $0x2800  }
0xfa: {  	[sflag:s22] =	ssyncset.done $0x0  }
0xfb: {  	[sflag:s22] =	ssyncadd.s32 $0xFFFFD800  }
0xfc: {  	[tilespmem:s25], [sflag:$0x1] =	stream.indirect.gather [hbm4b:s4+s24], $0x80, s8, s24, $0xb8;
	[tilespmem:$0x19080] =	vst v63  }
0xfd: {  	s17 =	sadd.s32 s15, s17;
	_ =	swait.ge [sflag:s22], $0x2800  }
0xfe: {  	s17 =	sshll.u32 s17, $0x4;
	[sflag:s22] =	ssyncset.done $0x0  }
0xff: {  	s20 =	simm.s32 $0x0;
	s17 =	sadd.s32 s5, s17;
	[sflag:s22] =	ssyncadd.s32 $0xFFFFD800  }
0x100: {  	[tilespmem:s26], [sflag:$0x1] =	stream.linear.gather [hbm4b:s17+s20], $0x2800, $0x38;
	[tilespmem:$0x19080] =	vst v63  }
0x101: {  	_ =	swait.ge [sflag:s22], $0x2800  }
0x102: {  	[sflag:s22] =	ssyncset.done $0x0  }
0x103: {  	s17 =	simm.s32 $0x0;
	[sflag:s22] =	ssyncadd.s32 $0xFFFFD800  }
0x104: {  	v7 =	vld [tilespmem:s17+$0x3000]  }
0x105: {  	v11 =	vld [tilespmem:s17+$0x3010]  }
0x106: {  	v5 =	vld [tilespmem:s17+$0x3020]  }
0x107: {  	v4 =	vld [tilespmem:s17+$0x3030]  }
0x108: {  	v3 =	vld [tilespmem:s17+$0x3040]  }
0x109: {  	v2 =	vld [tilespmem:s17+$0x3050]  }
0x10a: {  	v1 =	vld [tilespmem:s17+$0x3060]  }
0x10b: {  	v0 =	vld [tilespmem:s17+$0x3070]  }
0x10c: {  	v12 =	vld [tilespmem:s17+$0x800]  }
0x10d: {  	v13 =	vld [tilespmem:s17+$0x810]  }
0x10e: {  	v10 =	vld [tilespmem:s17+$0x820]  }
0x10f: {  	v9 =	vld [tilespmem:s17+$0x830]  }
0x110: {  	v8 =	vld [tilespmem:s17+$0x840]  }
0x111: {  	v6 =	vld [tilespmem:s17+$0x850];
	v12 =	vmul.f32 v7, v12  }
0x112: {  	s18 =	simm.s32 $0x200;
	v11 =	vmul.f32 v11, v13;
	v7 =	vld [tilespmem:s17+$0x860]  }
.LBB2_11:
0x113: {  	s19 =	sshra.s32 s18, $0x2;
	p1 =	sne.s32 s18, $0x9E00;
	[tilespmem:s17+$0x800] =	vst v12;
	v5 =	vmul.f32 v5, v10;
	v10 =	vld [tilespmem:s17+$0x870]  }
0x114: {  	v12 =	vld [tilespmem:s19+$0x3000];
	[tilespmem:s17+$0x810] =	vst v11;
	v4 =	vmul.f32 v4, v9  }
0x115: {  	v11 =	vld [tilespmem:s19+$0x3010];
	[tilespmem:s17+$0x820] =	vst v5;
	v3 =	vmul.f32 v3, v8  }
0x116: {  	v5 =	vld [tilespmem:s19+$0x3020];
	[tilespmem:s17+$0x830] =	vst v4;
	v2 =	vmul.f32 v2, v6  }
0x117: {  	v4 =	vld [tilespmem:s19+$0x3030];
	[tilespmem:s17+$0x840] =	vst v3;
	v1 =	vmul.f32 v1, v7  }
0x118: {  	v3 =	vld [tilespmem:s19+$0x3040];
	[tilespmem:s17+$0x850] =	vst v2;
	v0 =	vmul.f32 v0, v10  }
0x119: {  	v2 =	vld [tilespmem:s19+$0x3050];
	[tilespmem:s17+$0x860] =	vst v1  }
0x11a: {  	v1 =	vld [tilespmem:s19+$0x3060];
	[tilespmem:s17+$0x870] =	vst v0;
	s17 =	smov.u32 s19  }
0x11b: {  	v0 =	vld [tilespmem:s17+$0x3070]  }
0x11c: {  	v6 =	vld [tilespmem:s17+$0x800]  }
0x11d: {  	v7 =	vld [tilespmem:s17+$0x810]  }
.Ltmp4:
0x11e: {  	v10 =	vld [tilespmem:s17+$0x820];
	(pc) =	sbr.rel @p1 .LBB2_11-.Ltmp4, $4  }
0x11f: {  	v9 =	vld [tilespmem:s17+$0x830]  }
0x120: {  	v8 =	vld [tilespmem:s17+$0x840]  }
0x121: {  	v12 =	vmul.f32 v12, v6;
	v6 =	vld [tilespmem:s17+$0x850]  }
0x122: {  	s18 =	sadd.s32 $0x200, s18;
	v11 =	vmul.f32 v11, v7;
	v7 =	vld [tilespmem:s17+$0x860]  }
0x123: {  	[tilespmem:s17+$0x800] =	vst v12;
	v5 =	vmul.f32 v5, v10;
	v63 =	vld [tilespmem:s17+$0x870]  }
0x124: {  	[tilespmem:s17+$0x810] =	vst v11;
	v4 =	vmul.f32 v4, v9  }
0x125: {  	[tilespmem:s17+$0x820] =	vst v5;
	v3 =	vmul.f32 v3, v8  }
0x126: {  	[tilespmem:s17+$0x830] =	vst v4;
	v2 =	vmul.f32 v2, v6  }
0x127: {  	[tilespmem:s17+$0x840] =	vst v3;
	v1 =	vmul.f32 v1, v7  }
0x128: {  	s16 =	sadd.s32 $0x1, s16;
	[tilespmem:s17+$0x850] =	vst v2;
	v0 =	vmul.f32 v0, v63  }
0x129: {  	p1 =	sne.s32 s16, $0x19;
	[tilespmem:s17+$0x860] =	vst v1  }
.Ltmp5:
0x12a: {  	[tilespmem:s17+$0x870] =	vst v0;
	(pc) =	sbr.rel @p1 .LBB2_2-.Ltmp5, $4  }
0x12b: {  	[spmem:s2] =	stream.indirect.scatter.add.f32 [tilespmem:s25], [sflag:$0x1], $0x80, s10, s24, $0xb8;
	[tilespmem:$0x19080] =	vst v63  }
0x12c: {  	_ =	swait.ge [sflag:s22], $0x2800  }
0x12d: {  	[sflag:s22] =	ssyncset.done $0x0  }
0x12e: {  	[sflag:s22] =	ssyncadd.s32 $0xFFFFD800  }
0x12f: {  	[bflag:$0x0] =	sbarrier.arrive $0xFFFF  }
0x130: {  	s16 =	simm.s32 @p0 $0x1FC1;
	s17 =	rddreg [dreg:$0x6]  }
0x131: {  	[hbm:s17], [sflag:s16] =	dma.local @p0 [spmem:s21], $0x2800  }
0x132: {  	s16 =	simm.s32 @p0 $0x1  }
0x133: {  	_ =	swait.ge @p0 [sflag:s16], $0x2800  }
0x134: {  	s18 =	rddreg [dreg:$0x8]  }
0x135: {  	[sflag:s16] =	ssyncset.done @p0 $0x0;
	s20 =	rddreg [dreg:$0x9]  }
0x136: {  	[sflag:s16] =	ssyncadd.s32 @p0 $0xFFFFD800;
	s16 =	rddreg [dreg:$0x5]  }
0x137: {  	[hbm:s16], [sflag:s18] =	dma.local @!p0 [spmem:s20], $0x2700  }
0x138: {  	s16 =	simm.s32 @!p0 $0x1  }
0x139: {  	_ =	swait.ge @!p0 [sflag:s16], $0x2700  }
0x13a: {  	s19 =	smov.u32 s21;
	s3 =	sadd.s32 $0x1, s3;
	s21 =	rddreg [dreg:$0x7]  }
0x13b: {  	p1 =	sne.s32 s3, s21  }
.Ltmp6:
0x13c: {  	_ = 	snop;
	(pc) =	sbr.rel @p1 .LBB2_1-.Ltmp6, $3  }
0x13d: {  	_ =	sdelay $0x1  }
0x13e: {  	[sflag:s16] =	ssyncset.done @!p0 $0x0  }
0x13f: {  	[sflag:s16] =	ssyncadd.s32 @!p0 $0xFFFFD900  }
0x140: {  	_ =	sfence.sel $0x180000  }
0x141: {  	[bflag:$0x0] =	sbarrier.arrive $0xFFFF  }
0x142: {  	_ =	strace $0x90000050  }
0x143: {  	s0 =	stileid.u32;
	[bflag:$0x2] =	sbarrier.arrive $0xFFFF  }
0x144: {  	p0 =	sne.s32 s0, $0x0;
	s0 =	rddreg [dreg:$0x2]  }
0x145: {  	s0 =	sadd.s32 @!p0 $0x100000, s0  }
0x146: {  	[sflag:s0] =	ssyncadd.tile.s32 @!p0 $0x1;
	_ =	shalt  }
.Lfunc_end2:
_tile_overlayer_lowered:
.L_overlay_start_2:
0x147: {  	(tag) =	ssettag $0x2  }
0x148: {  	s0 =	rddreg [dreg:$0x0];
	s2 =	stileid.u32  }
0x149: {  	s1 =	rddreg [dreg:$0x1];
	p0 =	sne.s32 s2, $0x0  }
0x14a: {  	s3 =	rddreg [dreg:$0x2];
	[bflag:$0x3] =	sbarrier.arrive $0xFFFF;
	s2 =	simm.s32 @!p0 $0x1C01  }
0x14b: {  	[timem:s3], [sflag:s2] =	dma.local @!p0 [hbm:s0], s1  }
0x14c: {  	s0 =	simm.s32 @!p0 $0x1  }
0x14d: {  	_ =	swait.ge @!p0 [sflag:s0], s1  }
0x14e: {  	s1 =	ssub.s32 @!p0 $0x0, s1;
	[sflag:s0] =	ssyncset.done @!p0 $0x0  }
0x14f: {  	[sflag:s0] =	ssyncadd.s32 @!p0 s1  }
0x150: {  	[bflag:$0x3] =	sbarrier.arrive $0xFFFF  }
0x151: {  	_ =	shalt  }

</sc_bundles>
